<compile_context>
chip_gen: v7x
topology: tpu7x:2x2x1
jax: 0.10.2.dev20260603
libtpu: 0.0.44.dev20260713+nightly
codegen_flags: <defaults>
</compile_context>

<pallas_src>
import functools

import jax
import jax.numpy as jnp
from jax import lax
from jax.experimental import pallas as pl
from jax.experimental.pallas import tpu as pltpu
from jax.experimental.pallas import tpu_sc as plsc

D = 128
H = 128
DE = 16

NC = 2
NS = 16
L = 16
NW = NC * NS


def _silu(x):
    return 0.5 * x * (1.0 + jnp.tanh(0.5 * x))



def _pre_body(h_ref, wa_ref, wb_ref, a_ref, b_ref):
    hb = h_ref[...]
    a_ref[...] = jnp.dot(hb, wa_ref[...], preferred_element_type=jnp.float32)
    b_ref[...] = jnp.dot(hb, wb_ref[...], preferred_element_type=jnp.float32)


def _precompute(h, wa, wb):
    n = h.shape[0]
    bn = 2000
    return pl.pallas_call(
        _pre_body,
        grid=(n // bn,),
        in_specs=[
            pl.BlockSpec((bn, D), lambda i: (i, 0)),
            pl.BlockSpec((D, H), lambda i: (0, 0)),
            pl.BlockSpec((D, H), lambda i: (0, 0)),
        ],
        out_specs=[
            pl.BlockSpec((bn, H), lambda i: (i, 0)),
            pl.BlockSpec((bn, H), lambda i: (i, 0)),
        ],
        out_shape=[
            jax.ShapeDtypeStruct((n, H), jnp.float32),
            jax.ShapeDtypeStruct((n, H), jnp.float32),
        ],
    )(h, wa, wb)



CHG = 128


def _sc_gather(A, B, ei, cx, cy, cz):
    e = ei.shape[1]
    n = A.shape[0]
    nchunk = e // CHG
    nit = (nchunk + NW - 1) // NW
    npair = (nit + 1) // 2
    mesh = plsc.VectorSubcoreMesh(core_axis_name="c", subcore_axis_name="s")

    @functools.partial(
        pl.kernel,
        out_type=[
            jax.ShapeDtypeStruct((e, H), jnp.float32),
            jax.ShapeDtypeStruct((4, e), jnp.float32),
        ],
        mesh=mesh,
        scratch_types=[
            pltpu.VMEM((2, CHG), jnp.int32),
            pltpu.VMEM((2, CHG), jnp.int32),
            pltpu.VMEM((CHG, H), jnp.float32),
            pltpu.VMEM((CHG, H), jnp.float32),
            pltpu.VMEM((CHG, H), jnp.float32),
            pltpu.VMEM((CHG, H), jnp.float32),
            pltpu.VMEM((n,), jnp.float32),
            pltpu.VMEM((n,), jnp.float32),
            pltpu.VMEM((n,), jnp.float32),
            pltpu.VMEM((4, CHG), jnp.float32),
            pltpu.SemaphoreType.DMA,
            pltpu.SemaphoreType.DMA,
        ],
        compiler_params=pltpu.CompilerParams(needs_layout_passes=False),
    )
    def k(a_h, b_h, ei_h, cx_h, cy_h, cz_h,
          p_h, cd_h,
          ibuf0, ibuf1, abuf0, abuf1, bbuf0, bbuf1,
          cxt, cyt, czt, buf4, sem0, sem1):
        w = lax.axis_index("s") * NC + lax.axis_index("c")
        pltpu.sync_copy(cx_h, cxt)
        pltpu.sync_copy(cy_h, cyt)
        pltpu.sync_copy(cz_h, czt)

        sets = ((ibuf0, abuf0, bbuf0, sem0), (ibuf1, abuf1, bbuf1, sem1))

        def fire(c, si):
            ibuf, abuf, bbuf, sem = sets[si]
            base = c * CHG
            pltpu.sync_copy(ei_h.at[:, pl.ds(base, CHG)], ibuf)
            pltpu.async_copy(a_h.at[ibuf.at[0]], abuf, sem)
            pltpu.async_copy(b_h.at[ibuf.at[1]], bbuf, sem)

        def consume(c, si):
            ibuf, abuf, bbuf, sem = sets[si]
            base = c * CHG
            pltpu.make_async_copy(a_h.at[ibuf.at[0]], abuf, sem).wait()
            pltpu.make_async_copy(b_h.at[ibuf.at[1]], bbuf, sem).wait()

            def addrow(r, _):
                for j in range(H // L):
                    sl = pl.ds(j * L, L)
                    abuf[r, sl] = abuf[r, sl] + bbuf[r, sl]
                return 0
            lax.fori_loop(0, CHG, addrow, 0)

            for g in range(CHG // L):
                sl = pl.ds(g * L, L)
                ri = ibuf[0, sl]
                ci = ibuf[1, sl]
                xv = plsc.load_gather(cxt, [ri]) - plsc.load_gather(cxt, [ci])
                yv = plsc.load_gather(cyt, [ri]) - plsc.load_gather(cyt, [ci])
                zv = plsc.load_gather(czt, [ri]) - plsc.load_gather(czt, [ci])
                buf4[0, sl] = xv
                buf4[1, sl] = yv
                buf4[2, sl] = zv
                buf4[3, sl] = xv * xv + yv * yv + zv * zv

            pltpu.sync_copy(abuf, p_h.at[pl.ds(base, CHG)])
            pltpu.sync_copy(buf4, cd_h.at[:, pl.ds(base, CHG)])

        def cidx(i):
            return lax.rem(w + NW * i, nchunk)

        fire(cidx(0), 0)

        def body(p, _):
            fire(cidx(2 * p + 1), 1)
            consume(cidx(2 * p), 0)
            fire(cidx(2 * p + 2), 0)
            consume(cidx(2 * p + 1), 1)
            return 0

        lax.fori_loop(0, npair, body, 0)
        ibuf, abuf, bbuf, sem = sets[0]
        pltpu.make_async_copy(a_h.at[ibuf.at[0]], abuf, sem).wait()
        pltpu.make_async_copy(b_h.at[ibuf.at[1]], bbuf, sem).wait()

    return k(A, B, ei, cx, cy, cz)



def _edge_body(p_ref, rad_ref, ea_ref, cds_ref, we_ref, wr_ref, b1_ref,
               w2_ref, b2_ref, wc1_ref, bc1_ref, wc2_ref, m_ref, tr_ref):
    rad = rad_ref[...]
    pre = (p_ref[...].astype(jnp.float32)
           + jnp.dot(ea_ref[...], we_ref[...], preferred_element_type=jnp.float32)
           + rad * wr_ref[...] + b1_ref[...])
    m1 = _silu(pre).astype(jnp.bfloat16)
    m = _silu(jnp.dot(m1, w2_ref[...].astype(jnp.bfloat16),
                      preferred_element_type=jnp.float32) + b2_ref[...])
    mb = m.astype(jnp.bfloat16)
    ch = _silu(jnp.dot(mb, wc1_ref[...].astype(jnp.bfloat16),
                       preferred_element_type=jnp.float32)
               + bc1_ref[...]).astype(jnp.bfloat16)
    s = jnp.dot(ch, wc2_ref[...].astype(jnp.bfloat16),
                preferred_element_type=jnp.float32)
    m_ref[...] = m
    tr_ref[...] = cds_ref[...] * (s * lax.rsqrt(rad + 1e-8))


def _edge_mlp(P, rad2, ea, cds, we, wr, b1, w2, b2, wc1, bc1, wc2):
    e = P.shape[0]
    be = 2000
    full = lambda shape: pl.BlockSpec(shape, lambda i: tuple(0 for _ in shape))
    return pl.pallas_call(
        _edge_body,
        grid=(e // be,),
        in_specs=[
            pl.BlockSpec((be, H), lambda i: (i, 0)),
            pl.BlockSpec((be, 1), lambda i: (i, 0)),
            pl.BlockSpec((be, DE), lambda i: (i, 0)),
            pl.BlockSpec((be, 4), lambda i: (i, 0)),
            full((DE, H)),
            full((1, H)),
            full((1, H)),
            full((H, H)),
            full((1, H)),
            full((H, H)),
            full((1, H)),
            full((H, 1)),
        ],
        out_specs=[
            pl.BlockSpec((be, H), lambda i: (i, 0)),
            pl.BlockSpec((be, 4), lambda i: (i, 0)),
        ],
        out_shape=[
            jax.ShapeDtypeStruct((e, H), jnp.float32),
            jax.ShapeDtypeStruct((e, 4), jnp.float32),
        ],
    )(P, rad2, ea, cds, we, wr, b1, w2, b2, wc1, bc1, wc2)



def _cdiv(a, b):
    return (a + b - 1) // b


ZB = 80


CHS = 128


def _sc_scatter(m, row, n):
    e = row.shape[0]
    nchunk = e // CHS
    nit = (nchunk + NW - 1) // NW
    npair = (nit + 1) // 2
    nzb = n // ZB
    mesh = plsc.VectorSubcoreMesh(core_axis_name="c", subcore_axis_name="s")

    @functools.partial(
        pl.kernel,
        out_type=[
            jax.ShapeDtypeStruct((NC, n, H), jnp.float32),
        ],
        mesh=mesh,
        scratch_types=[
            pltpu.VMEM((CHS, H), jnp.float32),
            pltpu.VMEM((CHS, H), jnp.float32),
            pltpu.VMEM((1, 128), jnp.int32),
            pltpu.VMEM((1, 128), jnp.int32),
            pltpu.VMEM_SHARED((n, H), jnp.float32),
            pltpu.SemaphoreType.DMA,
            pltpu.SemaphoreType.DMA,
            pltpu.SemaphoreType.DMA,
            pltpu.SemaphoreType.DMA,
        ],
        compiler_params=pltpu.CompilerParams(needs_layout_passes=False),
    )
    def k(m_h, row_h, aggp_h, mbuf0, mbuf1, ibuf0, ibuf1, agg_acc,
          sl0, sl1, sa0, sa1):
        cid = lax.axis_index("c")
        sid = lax.axis_index("s")
        w = sid * NC + cid

        zv = jnp.zeros((L,), jnp.float32)

        def zrow(r, _):
            for j in range(H // L):
                mbuf0[r, pl.ds(j * L, L)] = zv
            return 0
        lax.fori_loop(0, CHS, zrow, 0)

        nz_w = lax.div(nzb - 1 - sid, NS) + 1

        def zchunk(i, _):
            kk = sid + NS * i
            pltpu.sync_copy(mbuf0.at[pl.ds(0, ZB)],
                            agg_acc.at[pl.ds(kk * ZB, ZB)])
            return 0
        lax.fori_loop(0, nz_w, zchunk, 0)
        plsc.subcore_barrier()

        sets = ((mbuf0, ibuf0, sl0, sa0), (mbuf1, ibuf1, sl1, sa1))

        def cidx(i):
            return lax.rem(w + NW * i, nchunk)

        def fire(c, si):
            mbuf, ibuf, sl, sa = sets[si]
            base = c * CHS
            pltpu.sync_copy(row_h.at[pl.ds(base, CHS)], ibuf.at[0])
            pltpu.async_copy(m_h.at[pl.ds(base, CHS)], mbuf, sl)

        def consume(si):
            mbuf, ibuf, sl, sa = sets[si]
            pltpu.make_async_copy(m_h.at[pl.ds(0, CHS)], mbuf, sl).wait()
            pltpu.async_copy(mbuf, agg_acc.at[ibuf.at[0]], sa, add=True)

        def drain_add(si):
            mbuf, ibuf, sl, sa = sets[si]
            pltpu.make_async_copy(mbuf, agg_acc.at[ibuf.at[0]], sa).wait()

        npair = (nchunk // NW) // 2 - 1
        fire(cidx(0), 0)

        def body(p, _):
            fire(w + NW * (2 * p + 1), 1)
            consume(0)
            drain_add(0)
            fire(w + NW * (2 * p + 2), 0)
            consume(1)
            drain_add(1)
            return 0

        lax.fori_loop(0, npair, body, 0)
        consume(0)
        drain_add(0)

        nrem = lax.div(nchunk - 1 - w, NW) - 2 * npair

        def tail(i, _):
            fire(w + NW * (2 * npair + 1 + i), 0)
            consume(0)
            drain_add(0)
            return 0
        lax.fori_loop(0, nrem, tail, 0)
        plsc.subcore_barrier()

        def wchunk(i, _):
            kk = sid + NS * i
            pltpu.sync_copy(agg_acc.at[pl.ds(kk * ZB, ZB)],
                            mbuf0.at[pl.ds(0, ZB)])
            pltpu.sync_copy(mbuf0.at[pl.ds(0, ZB)],
                            aggp_h.at[cid, pl.ds(kk * ZB, ZB)])
            return 0
        lax.fori_loop(0, nz_w, wchunk, 0)

    (aggp,) = k(m, row)
    return aggp



CHQ = 512


def _sc_dx(row, trans4, n):
    e = row.shape[0]
    nchunk = e // CHQ
    mesh = plsc.VectorSubcoreMesh(core_axis_name="c", subcore_axis_name="s")

    @functools.partial(
        pl.kernel,
        out_type=[
            jax.ShapeDtypeStruct((NW * n * 4,), jnp.float32),
        ],
        mesh=mesh,
        scratch_types=[
            pltpu.VMEM((CHQ,), jnp.int32),
            pltpu.VMEM((CHQ, 4), jnp.float32),
            pltpu.VMEM((n * 4,), jnp.float32),
        ],
        compiler_params=pltpu.CompilerParams(needs_layout_passes=False),
    )
    def k(row_h, tr_h, dxp_h, ib, tbuf, acc):
        cid = lax.axis_index("c")
        sid = lax.axis_index("s")
        w = sid * NC + cid

        zv = jnp.zeros((L,), jnp.float32)

        def zflat(i, _):
            acc[pl.ds(i * L, L)] = zv
            return 0
        lax.fori_loop(0, n * 4 // L, zflat, 0)

        iota = lax.iota(jnp.int32, L)
        qoff = lax.div(iota, 4)
        cmod = lax.rem(iota, 4)

        nc_w = lax.div(nchunk - 1 - w, NW) + 1

        def chunk(i, _):
            base = (w + NW * i) * CHQ
            pltpu.sync_copy(row_h.at[pl.ds(base, CHQ)], ib)
            pltpu.sync_copy(tr_h.at[pl.ds(base, CHQ)], tbuf)

            def quad(q, _):
                qidx = qoff + q * 4
                rv = plsc.load_gather(ib, [qidx])
                val = plsc.load_gather(tbuf, [qidx, cmod])
                plsc.addupdate_scatter(acc, [rv * 4 + cmod], val)
                return 0
            lax.fori_loop(0, CHQ // 4, quad, 0)
            return 0

        lax.fori_loop(0, nc_w, chunk, 0)
        pltpu.sync_copy(acc, dxp_h.at[pl.ds(w * n * 4, n * 4)])

    (dxp,) = k(row, trans4)
    return dxp.reshape(NW, n * 4)


def _dxr_body(dxp_ref, out_ref):
    acc = dxp_ref[0]
    for i in range(1, NW):
        acc = acc + dxp_ref[i]
    out_ref[...] = acc


def _dx_reduce(dxp_flat, n):
    total = dxp_flat.shape[1]
    return pl.pallas_call(
        _dxr_body,
        grid=(1,),
        in_specs=[pl.BlockSpec((NW, total), lambda i: (0, 0))],
        out_specs=pl.BlockSpec((total,), lambda i: (0,)),
        out_shape=jax.ShapeDtypeStruct((total,), jnp.float32),
    )(dxp_flat)



def _node_body(h_ref, coord_ref, aggp_ref, dx_ref, wn1_ref, bn1_ref,
               wn2_ref, bn2_ref, ho_ref, co_ref):
    hb = h_ref[...]
    agg = aggp_ref[0] + aggp_ref[1]
    z = _silu(jnp.dot(hb, wn1_ref[0:D, :], preferred_element_type=jnp.float32)
              + jnp.dot(agg, wn1_ref[D:2 * D, :], preferred_element_type=jnp.float32)
              + bn1_ref[...])
    ho_ref[...] = hb + jnp.dot(z, wn2_ref[...], preferred_element_type=jnp.float32) \
        + bn2_ref[...]
    co_ref[...] = coord_ref[...] + dx_ref[:, 0:3]


def _node_mlp(h, coord, aggp, dxp, wn1, bn1, wn2, bn2):
    n = h.shape[0]
    bn = 2000
    full = lambda shape: pl.BlockSpec(shape, lambda i: tuple(0 for _ in shape))
    return pl.pallas_call(
        _node_body,
        grid=(n // bn,),
        in_specs=[
            pl.BlockSpec((bn, D), lambda i: (i, 0)),
            pl.BlockSpec((bn, 3), lambda i: (i, 0)),
            pl.BlockSpec((NC, bn, H), lambda i: (0, i, 0)),
            pl.BlockSpec((bn, 4), lambda i: (i, 0)),
            full((2 * D, H)),
            full((1, H)),
            full((H, D)),
            full((1, D)),
        ],
        out_specs=[
            pl.BlockSpec((bn, D), lambda i: (i, 0)),
            pl.BlockSpec((bn, 3), lambda i: (i, 0)),
        ],
        out_shape=[
            jax.ShapeDtypeStruct((n, D), jnp.float32),
            jax.ShapeDtypeStruct((n, 3), jnp.float32),
        ],
    )(h, coord, aggp, dxp, wn1, bn1, wn2, bn2)



def kernel(h, edge_index, coord, edge_attr,
           We_w1, We_b1, We_w2, We_b2,
           Wn_w1, Wn_b1, Wn_w2, Wn_b2,
           Wc_w1, Wc_b1, Wc_w2):
    n = h.shape[0]
    e = edge_index.shape[1]
    row = edge_index[0]
    col = edge_index[1]

    wa = We_w1[0:D, :]
    wb = We_w1[D:2 * D, :]
    wr = We_w1[2 * D:2 * D + 1, :]
    we = We_w1[2 * D + 1:, :]

    A, B = _precompute(h, wa, wb)
    cx = coord[:, 0]
    cy = coord[:, 1]
    cz = coord[:, 2]

    P, cd4 = _sc_gather(A, B, edge_index, cx, cy, cz)
    rad = cd4[3]
    cds = jnp.concatenate(
        [cd4[0:3], jnp.zeros((1, e), jnp.float32)], axis=0).T

    m, trans4 = _edge_mlp(P, rad.reshape(e, 1), edge_attr, cds, we, wr,
                          We_b1.reshape(1, H), We_w2, We_b2.reshape(1, H),
                          Wc_w1, Wc_b1.reshape(1, H), Wc_w2)

    aggp = _sc_scatter(m, row, n)
    dxp_flat = _sc_dx(row, trans4, n)
    dx2 = _dx_reduce(dxp_flat, n).reshape(n, 4)

    h_out, coord_out = _node_mlp(h, coord, aggp, dx2, Wn_w1,
                                 Wn_b1.reshape(1, H), Wn_w2,
                                 Wn_b2.reshape(1, D))
    return h_out, coord_out, m

# --- scband reference (transcript-rebuilt; emitter-appended) ---
"""Pipeline reference for scband-e-gcl-19567871000593 (READ-ONLY COPY).

The authoritative reference and input builder live on the scoring server;
editing this copy changes nothing except your own understanding.
"""

import jax, jax.numpy as jnp
import numpy as np

N = 10000
E = 320000
D = 128
DE = 16
H = 128


def setup_inputs(seed: int = 0) -> dict:
    key = jax.random.key(seed)
    ks = jax.random.split(key, 16)
    h = jax.random.normal(ks[0], (N, D), dtype=jnp.float32)
    edge_index = jax.random.randint(ks[1], (2, E), 0, N, dtype=jnp.int32)
    coord = jax.random.normal(ks[2], (N, 3), dtype=jnp.float32)
    edge_attr = jax.random.normal(ks[3], (E, DE), dtype=jnp.float32)
    ein = 2 * D + 1 + DE
    We_w1 = jax.random.normal(ks[4], (ein, H), dtype=jnp.float32) / np.sqrt(ein)
    We_b1 = jnp.zeros((H,), dtype=jnp.float32)
    We_w2 = jax.random.normal(ks[5], (H, H), dtype=jnp.float32) / np.sqrt(H)
    We_b2 = jnp.zeros((H,), dtype=jnp.float32)
    nin = H + D
    Wn_w1 = jax.random.normal(ks[6], (nin, H), dtype=jnp.float32) / np.sqrt(nin)
    Wn_b1 = jnp.zeros((H,), dtype=jnp.float32)
    Wn_w2 = jax.random.normal(ks[7], (H, D), dtype=jnp.float32) / np.sqrt(H)
    Wn_b2 = jnp.zeros((D,), dtype=jnp.float32)
    Wc_w1 = jax.random.normal(ks[8], (H, H), dtype=jnp.float32) / np.sqrt(H)
    Wc_b1 = jnp.zeros((H,), dtype=jnp.float32)
    # coord head: xavier_uniform with gain=0.001, no bias
    limit = 0.001 * np.sqrt(6.0 / (H + 1))
    Wc_w2 = jax.random.uniform(ks[9], (H, 1), dtype=jnp.float32, minval=-limit, maxval=limit)
    return {
        "h": h, "edge_index": edge_index, "coord": coord, "edge_attr": edge_attr,
        "We_w1": We_w1, "We_b1": We_b1, "We_w2": We_w2, "We_b2": We_b2,
        "Wn_w1": Wn_w1, "Wn_b1": Wn_b1, "Wn_w2": Wn_w2, "Wn_b2": Wn_b2,
        "Wc_w1": Wc_w1, "Wc_b1": Wc_b1, "Wc_w2": Wc_w2,
    }


def reference(h, edge_index, coord, edge_attr,
              We_w1, We_b1, We_w2, We_b2,
              Wn_w1, Wn_b1, Wn_w2, Wn_b2,
              Wc_w1, Wc_b1, Wc_w2):
    row = edge_index[0]
    col = edge_index[1]
    n = h.shape[0]
    # coord2radial (norm_diff=True, norm_constant=0.0)
    coord_diff = coord[row] - coord[col]
    radial = jnp.sum(coord_diff ** 2, axis=1, keepdims=True)
    norm = jnp.sqrt(radial + 1e-08)
    coord_diff = coord_diff / norm
    # edge_model (attention=False, edge_mask=None)
    m_in = jnp.concatenate([h[row], h[col], radial, edge_attr], axis=1)
    m = jax.nn.silu(m_in @ We_w1 + We_b1)
    m = jax.nn.silu(m @ We_w2 + We_b2)
    # coord_model (tanh=False, masks=None)
    c_hidden = jax.nn.silu(m @ Wc_w1 + Wc_b1)
    trans = coord_diff * (c_hidden @ Wc_w2)
    dx = jax.ops.segment_sum(trans, row, num_segments=n)
    coord_out = coord + dx
    # node_model (node_attr=None)
    agg = jax.ops.segment_sum(m, row, num_segments=n)
    agg = jnp.concatenate([h, agg], axis=1)
    h_out = h + (jax.nn.silu(agg @ Wn_w1 + Wn_b1) @ Wn_w2 + Wn_b2)
    return (h_out, coord_out, m)

if __name__ == "__main__":
    import jax
    _d = setup_inputs()
    print(jax.jit(kernel)(*tuple(_d.values())))

</pallas_src>

<mosaic_0001>
#map = affine_map<(d0, d1) -> (0)>
#map1 = affine_map<(d0, d1) -> (0, 0)>
module attributes {stable_mosaic.version = 14 : i64} {
  func.func @k(%arg0: i32, %arg1: i32, %arg2: memref<320000xi32, #tpu.memory_space<hbm>>, %arg3: memref<320000x4xf32, #tpu.memory_space<hbm>>, %arg4: memref<1280000xf32, #tpu.memory_space<hbm>>, %arg5: memref<512xi32, #tpu.memory_space<vmem>>, %arg6: memref<512x4xf32, #tpu.memory_space<vmem>>, %arg7: memref<40000xf32, #tpu.memory_space<vmem>>) attributes {dimension_semantics = [#tpu.dimension_semantics<core_parallel>, #tpu.dimension_semantics<subcore_parallel>], iteration_bounds = array<i64: 2, 16>, scalar_prefetch = 0 : i64, scratch_operands = 3 : i64, tpu.core_type = #tpu.core_type<sc_vector_subcore>, window_params = [{transform_indices = #map}, {transform_indices = #map1}, {transform_indices = #map}]} {
    %mul3A = arith.constant 2 : i32
    %mul3A_0 = arith.muli %arg1, %mul3A : i32
    %add3A = arith.addi %mul3A_0, %arg0 : i32
    %broadcast_in_dim3A = arith.constant 0.000000e+00 : f32
    %broadcast_in_dim3A_1 = vector.broadcast %broadcast_in_dim3A : f32 to vector<16xf32>
    %scan3A = arith.constant 0 : i32
    %scan3A_2 = arith.constant 0 : i32
    %scan3A_3 = arith.constant 2500 : i32
    %scan3A_4 = arith.addi %scan3A_2, %scan3A_3 : i32
    %scan3A_5 = arith.constant 1 : i32
    %scan3A_6 = scf.for %scan3A_32 = %scan3A_2 to %scan3A_4 step %scan3A_5 iter_args(%scan3A_33 = %scan3A) -> (i32)  : i32 {
      %mul3A_34 = arith.constant 16 : i32
      %mul3A_35 = arith.muli %scan3A_32, %mul3A_34 : i32
      %swap3A = arith.index_cast %mul3A_35 : i32 to index
      %swap3A_36 = tpu.vector_load %arg7[%swap3A] {strides = array<i32>} : memref<40000xf32, #tpu.memory_space<vmem>>, vector<16xf32>,
      tpu.vector_store %arg7[%swap3A], %broadcast_in_dim3A_1 {strides = array<i32>} : memref<40000xf32, #tpu.memory_space<vmem>>, vector<16xf32>,
      %scan3A_37 = arith.constant 0 : i32
      scf.yield %scan3A_37 : i32
    }
    %scan3A_7 = arith.constant 2500 : i32
    %iota3A = tpu.iota {dimensions = array<i32: 0>} : vector<16xi32>
    %div3A = arith.constant 4 : i32
    %div3A_8 = vector.broadcast %div3A : i32 to vector<16xi32>
    %div3A_9 = arith.divsi %iota3A, %div3A_8 : vector<16xi32>
    %rem3A = arith.constant 4 : i32
    %rem3A_10 = vector.broadcast %rem3A : i32 to vector<16xi32>
    %rem3A_11 = arith.remsi %iota3A, %rem3A_10 : vector<16xi32>
    %sub3A = arith.constant 624 : i32
    %sub3A_12 = arith.subi %sub3A, %add3A : i32
    %div3A_13 = arith.constant 32 : i32
    %div3A_14 = arith.divsi %sub3A_12, %div3A_13 : i32
    %add3A_15 = arith.constant 1 : i32
    %add3A_16 = arith.addi %div3A_14, %add3A_15 : i32
    %while3A = arith.constant 0 : i32
    %while3A_17 = arith.constant 0 : i32
    %while3A_18 = arith.subi %add3A_16, %while3A : i32
    %while3A_19 = arith.addi %while3A, %while3A_18 : i32
    %while3A_20 = arith.constant 1 : i32
    %while3A_21 = arith.divsi %while3A_18, %while3A_20 : i32
    %while3A_22 = arith.muli %while3A_21, %while3A_20 : i32
    %while3A_23 = arith.addi %while3A, %while3A_22 : i32
    %while3A_24 = arith.constant 1 : i32
    %while3A_25 = scf.for %while3A_32 = %while3A to %while3A_23 step %while3A_24 iter_args(%while3A_33 = %while3A_17) -> (i32)  : i32 {
      %mul3A_34 = arith.constant 32 : i32
      %mul3A_35 = arith.muli %mul3A_34, %while3A_32 : i32
      %add3A_36 = arith.addi %add3A, %mul3A_35 : i32
      %mul3A_37 = arith.constant 512 : i32
      %mul3A_38 = arith.muli %add3A_36, %mul3A_37 : i32
      "tpu.region"() ({
        %run_scoped3A = tpu.sem_alloc : memref<!tpu.dma_semaphore, #tpu.memory_space<semaphore_mem>>
        %dma_start3A = tpu.memref_slice %arg2[%mul3A_38] : memref<320000xi32, #tpu.memory_space<hbm>> -> memref<512xi32, #tpu.memory_space<hbm>>
        %dma_start3A_47 = tpu.memref_slice %arg2[%mul3A_38] : memref<320000xi32, #tpu.memory_space<hbm>> -> memref<512xi32, #tpu.memory_space<hbm>>
        tpu.enqueue_dma source(%dma_start3A_47 : memref<512xi32, #tpu.memory_space<hbm>>) target(%arg5 : memref<512xi32, #tpu.memory_space<vmem>>) target_semaphore(%run_scoped3A : memref<!tpu.dma_semaphore, #tpu.memory_space<semaphore_mem>>)
        %dma_wait3A = tpu.memref_slice %arg2[%mul3A_38] : memref<320000xi32, #tpu.memory_space<hbm>> -> memref<512xi32, #tpu.memory_space<hbm>>
        %dma_wait3A_48 = tpu.memref_slice %arg2[%mul3A_38] : memref<320000xi32, #tpu.memory_space<hbm>> -> memref<512xi32, #tpu.memory_space<hbm>>
        tpu.wait_dma2 semaphore(%run_scoped3A : memref<!tpu.dma_semaphore, #tpu.memory_space<semaphore_mem>>) src(%dma_wait3A_48 : memref<512xi32, #tpu.memory_space<hbm>>) dst(%arg5 : memref<512xi32, #tpu.memory_space<vmem>>)
        tpu.yield
      }) : () -> ()
      "tpu.region"() ({
        %run_scoped3A = tpu.sem_alloc : memref<!tpu.dma_semaphore, #tpu.memory_space<semaphore_mem>>
        %dma_start3A = arith.constant 0 : i32
        %dma_start3A_47 = tpu.memref_slice %arg3[%mul3A_38, %dma_start3A] : memref<320000x4xf32, #tpu.memory_space<hbm>> -> memref<512x4xf32, #tpu.memory_space<hbm>>
        %dma_start3A_48 = arith.constant 0 : i32
        %dma_start3A_49 = tpu.memref_slice %arg3[%mul3A_38, %dma_start3A_48] : memref<320000x4xf32, #tpu.memory_space<hbm>> -> memref<512x4xf32, #tpu.memory_space<hbm>>
        tpu.enqueue_dma source(%dma_start3A_49 : memref<512x4xf32, #tpu.memory_space<hbm>>) target(%arg6 : memref<512x4xf32, #tpu.memory_space<vmem>>) target_semaphore(%run_scoped3A : memref<!tpu.dma_semaphore, #tpu.memory_space<semaphore_mem>>)
        %dma_wait3A = arith.constant 0 : i32
        %dma_wait3A_50 = tpu.memref_slice %arg3[%mul3A_38, %dma_wait3A] : memref<320000x4xf32, #tpu.memory_space<hbm>> -> memref<512x4xf32, #tpu.memory_space<hbm>>
        %dma_wait3A_51 = arith.constant 0 : i32
        %dma_wait3A_52 = tpu.memref_slice %arg3[%mul3A_38, %dma_wait3A_51] : memref<320000x4xf32, #tpu.memory_space<hbm>> -> memref<512x4xf32, #tpu.memory_space<hbm>>
        tpu.wait_dma2 semaphore(%run_scoped3A : memref<!tpu.dma_semaphore, #tpu.memory_space<semaphore_mem>>) src(%dma_wait3A_52 : memref<512x4xf32, #tpu.memory_space<hbm>>) dst(%arg6 : memref<512x4xf32, #tpu.memory_space<vmem>>)
        tpu.yield
      }) : () -> ()
      %scan3A_39 = arith.constant 0 : i32
      %scan3A_40 = arith.constant 0 : i32
      %scan3A_41 = arith.constant 128 : i32
      %scan3A_42 = arith.addi %scan3A_40, %scan3A_41 : i32
      %scan3A_43 = arith.constant 1 : i32
      %scan3A_44 = scf.for %scan3A_47 = %scan3A_40 to %scan3A_42 step %scan3A_43 iter_args(%scan3A_48 = %scan3A_39) -> (i32)  : i32 {
        %mul3A_49 = arith.constant 4 : i32
        %mul3A_50 = arith.muli %scan3A_47, %mul3A_49 : i32
        %add3A_51 = vector.broadcast %mul3A_50 : i32 to vector<16xi32>
        %add3A_52 = arith.addi %div3A_9, %add3A_51 : vector<16xi32>
        %gather3A = tpu.vector_load_idx %arg5[%add3A_52] : memref<512xi32, #tpu.memory_space<vmem>>[vector<16xi32>], vector<16xi32>,
        %gather3A_53 = tpu.vector_load_idx %arg6[%add3A_52, %rem3A_11] : memref<512x4xf32, #tpu.memory_space<vmem>>[vector<16xi32>, vector<16xi32>], vector<16xf32>,
        %mul3A_54 = arith.constant 4 : i32
        %mul3A_55 = vector.broadcast %mul3A_54 : i32 to vector<16xi32>
        %mul3A_56 = arith.muli %gather3A, %mul3A_55 : vector<16xi32>
        %add3A_57 = arith.addi %mul3A_56, %rem3A_11 : vector<16xi32>
        tpu.vector_store_idx %arg7[%add3A_57], %gather3A_53 {add = true} : memref<40000xf32, #tpu.memory_space<vmem>>[vector<16xi32>], vector<16xf32>,
        %scan3A_58 = arith.constant 0 : i32
        scf.yield %scan3A_58 : i32
      }
      %scan3A_45 = arith.constant 128 : i32
      %while3A_46 = arith.constant 0 : i32
      scf.yield %while3A_46 : i32
    }
    %while3A_26 = arith.constant 1 : i32
    %while3A_27 = scf.for %while3A_32 = %while3A_23 to %while3A_19 step %while3A_26 iter_args(%while3A_33 = %while3A_25) -> (i32)  : i32 {
      %mul3A_34 = arith.constant 32 : i32
      %mul3A_35 = arith.muli %mul3A_34, %while3A_32 : i32
      %add3A_36 = arith.addi %add3A, %mul3A_35 : i32
      %mul3A_37 = arith.constant 512 : i32
      %mul3A_38 = arith.muli %add3A_36, %mul3A_37 : i32
      "tpu.region"() ({
        %run_scoped3A = tpu.sem_alloc : memref<!tpu.dma_semaphore, #tpu.memory_space<semaphore_mem>>
        %dma_start3A = tpu.memref_slice %arg2[%mul3A_38] : memref<320000xi32, #tpu.memory_space<hbm>> -> memref<512xi32, #tpu.memory_space<hbm>>
        %dma_start3A_47 = tpu.memref_slice %arg2[%mul3A_38] : memref<320000xi32, #tpu.memory_space<hbm>> -> memref<512xi32, #tpu.memory_space<hbm>>
        tpu.enqueue_dma source(%dma_start3A_47 : memref<512xi32, #tpu.memory_space<hbm>>) target(%arg5 : memref<512xi32, #tpu.memory_space<vmem>>) target_semaphore(%run_scoped3A : memref<!tpu.dma_semaphore, #tpu.memory_space<semaphore_mem>>)
        %dma_wait3A = tpu.memref_slice %arg2[%mul3A_38] : memref<320000xi32, #tpu.memory_space<hbm>> -> memref<512xi32, #tpu.memory_space<hbm>>
        %dma_wait3A_48 = tpu.memref_slice %arg2[%mul3A_38] : memref<320000xi32, #tpu.memory_space<hbm>> -> memref<512xi32, #tpu.memory_space<hbm>>
        tpu.wait_dma2 semaphore(%run_scoped3A : memref<!tpu.dma_semaphore, #tpu.memory_space<semaphore_mem>>) src(%dma_wait3A_48 : memref<512xi32, #tpu.memory_space<hbm>>) dst(%arg5 : memref<512xi32, #tpu.memory_space<vmem>>)
        tpu.yield
      }) : () -> ()
      "tpu.region"() ({
        %run_scoped3A = tpu.sem_alloc : memref<!tpu.dma_semaphore, #tpu.memory_space<semaphore_mem>>
        %dma_start3A = arith.constant 0 : i32
        %dma_start3A_47 = tpu.memref_slice %arg3[%mul3A_38, %dma_start3A] : memref<320000x4xf32, #tpu.memory_space<hbm>> -> memref<512x4xf32, #tpu.memory_space<hbm>>
        %dma_start3A_48 = arith.constant 0 : i32
        %dma_start3A_49 = tpu.memref_slice %arg3[%mul3A_38, %dma_start3A_48] : memref<320000x4xf32, #tpu.memory_space<hbm>> -> memref<512x4xf32, #tpu.memory_space<hbm>>
        tpu.enqueue_dma source(%dma_start3A_49 : memref<512x4xf32, #tpu.memory_space<hbm>>) target(%arg6 : memref<512x4xf32, #tpu.memory_space<vmem>>) target_semaphore(%run_scoped3A : memref<!tpu.dma_semaphore, #tpu.memory_space<semaphore_mem>>)
        %dma_wait3A = arith.constant 0 : i32
        %dma_wait3A_50 = tpu.memref_slice %arg3[%mul3A_38, %dma_wait3A] : memref<320000x4xf32, #tpu.memory_space<hbm>> -> memref<512x4xf32, #tpu.memory_space<hbm>>
        %dma_wait3A_51 = arith.constant 0 : i32
        %dma_wait3A_52 = tpu.memref_slice %arg3[%mul3A_38, %dma_wait3A_51] : memref<320000x4xf32, #tpu.memory_space<hbm>> -> memref<512x4xf32, #tpu.memory_space<hbm>>
        tpu.wait_dma2 semaphore(%run_scoped3A : memref<!tpu.dma_semaphore, #tpu.memory_space<semaphore_mem>>) src(%dma_wait3A_52 : memref<512x4xf32, #tpu.memory_space<hbm>>) dst(%arg6 : memref<512x4xf32, #tpu.memory_space<vmem>>)
        tpu.yield
      }) : () -> ()
      %scan3A_39 = arith.constant 0 : i32
      %scan3A_40 = arith.constant 0 : i32
      %scan3A_41 = arith.constant 128 : i32
      %scan3A_42 = arith.addi %scan3A_40, %scan3A_41 : i32
      %scan3A_43 = arith.constant 1 : i32
      %scan3A_44 = scf.for %scan3A_47 = %scan3A_40 to %scan3A_42 step %scan3A_43 iter_args(%scan3A_48 = %scan3A_39) -> (i32)  : i32 {
        %mul3A_49 = arith.constant 4 : i32
        %mul3A_50 = arith.muli %scan3A_47, %mul3A_49 : i32
        %add3A_51 = vector.broadcast %mul3A_50 : i32 to vector<16xi32>
        %add3A_52 = arith.addi %div3A_9, %add3A_51 : vector<16xi32>
        %gather3A = tpu.vector_load_idx %arg5[%add3A_52] : memref<512xi32, #tpu.memory_space<vmem>>[vector<16xi32>], vector<16xi32>,
        %gather3A_53 = tpu.vector_load_idx %arg6[%add3A_52, %rem3A_11] : memref<512x4xf32, #tpu.memory_space<vmem>>[vector<16xi32>, vector<16xi32>], vector<16xf32>,
        %mul3A_54 = arith.constant 4 : i32
        %mul3A_55 = vector.broadcast %mul3A_54 : i32 to vector<16xi32>
        %mul3A_56 = arith.muli %gather3A, %mul3A_55 : vector<16xi32>
        %add3A_57 = arith.addi %mul3A_56, %rem3A_11 : vector<16xi32>
        tpu.vector_store_idx %arg7[%add3A_57], %gather3A_53 {add = true} : memref<40000xf32, #tpu.memory_space<vmem>>[vector<16xi32>], vector<16xf32>,
        %scan3A_58 = arith.constant 0 : i32
        scf.yield %scan3A_58 : i32
      }
      %scan3A_45 = arith.constant 128 : i32
      %while3A_46 = arith.constant 0 : i32
      scf.yield %while3A_46 : i32
    }
    %mul3A_28 = arith.constant 10000 : i32
    %mul3A_29 = arith.muli %add3A, %mul3A_28 : i32
    %mul3A_30 = arith.constant 4 : i32
    %mul3A_31 = arith.muli %mul3A_29, %mul3A_30 : i32
    "tpu.region"() ({
      %run_scoped3A = tpu.sem_alloc : memref<!tpu.dma_semaphore, #tpu.memory_space<semaphore_mem>>
      %dma_start3A = tpu.memref_slice %arg4[%mul3A_31] : memref<1280000xf32, #tpu.memory_space<hbm>> -> memref<40000xf32, #tpu.memory_space<hbm>>
      %dma_start3A_32 = tpu.memref_slice %arg4[%mul3A_31] : memref<1280000xf32, #tpu.memory_space<hbm>> -> memref<40000xf32, #tpu.memory_space<hbm>>
      tpu.enqueue_dma source(%arg7 : memref<40000xf32, #tpu.memory_space<vmem>>) target(%dma_start3A_32 : memref<40000xf32, #tpu.memory_space<hbm>>) target_semaphore(%run_scoped3A : memref<!tpu.dma_semaphore, #tpu.memory_space<semaphore_mem>>)
      %dma_wait3A = tpu.memref_slice %arg4[%mul3A_31] : memref<1280000xf32, #tpu.memory_space<hbm>> -> memref<40000xf32, #tpu.memory_space<hbm>>
      %dma_wait3A_33 = tpu.memref_slice %arg4[%mul3A_31] : memref<1280000xf32, #tpu.memory_space<hbm>> -> memref<40000xf32, #tpu.memory_space<hbm>>
      tpu.wait_dma2 semaphore(%run_scoped3A : memref<!tpu.dma_semaphore, #tpu.memory_space<semaphore_mem>>) src(%arg7 : memref<40000xf32, #tpu.memory_space<vmem>>) dst(%dma_wait3A_33 : memref<40000xf32, #tpu.memory_space<hbm>>)
      tpu.yield
    }) : () -> ()
    return
  }
}

#map = affine_map<(d0, d1) -> (0, 0)>
#map1 = affine_map<(d0, d1) -> (0)>
module attributes {stable_mosaic.version = 14 : i64} {
  func.func @k(%arg0: i32, %arg1: i32, %arg2: memref<10000x128xf32, #tpu.memory_space<hbm>>, %arg3: memref<10000x128xf32, #tpu.memory_space<hbm>>, %arg4: memref<2x320000xi32, #tpu.memory_space<hbm>>, %arg5: memref<10000xf32, #tpu.memory_space<hbm>>, %arg6: memref<10000xf32, #tpu.memory_space<hbm>>, %arg7: memref<10000xf32, #tpu.memory_space<hbm>>, %arg8: memref<320000x128xf32, #tpu.memory_space<hbm>>, %arg9: memref<4x320000xf32, #tpu.memory_space<hbm>>, %arg10: memref<2x128xi32, #tpu.memory_space<vmem>>, %arg11: memref<2x128xi32, #tpu.memory_space<vmem>>, %arg12: memref<128x128xf32, #tpu.memory_space<vmem>>, %arg13: memref<128x128xf32, #tpu.memory_space<vmem>>, %arg14: memref<128x128xf32, #tpu.memory_space<vmem>>, %arg15: memref<128x128xf32, #tpu.memory_space<vmem>>, %arg16: memref<10000xf32, #tpu.memory_space<vmem>>, %arg17: memref<10000xf32, #tpu.memory_space<vmem>>, %arg18: memref<10000xf32, #tpu.memory_space<vmem>>, %arg19: memref<4x128xf32, #tpu.memory_space<vmem>>, %arg20: memref<!tpu.dma_semaphore, #tpu.memory_space<semaphore_mem>>, %arg21: memref<!tpu.dma_semaphore, #tpu.memory_space<semaphore_mem>>) attributes {dimension_semantics = [#tpu.dimension_semantics<core_parallel>, #tpu.dimension_semantics<subcore_parallel>], iteration_bounds = array<i64: 2, 16>, scalar_prefetch = 0 : i64, scratch_operands = 12 : i64, tpu.core_type = #tpu.core_type<sc_vector_subcore>, window_params = [{transform_indices = #map}, {transform_indices = #map}, {transform_indices = #map}, {transform_indices = #map1}, {transform_indices = #map1}, {transform_indices = #map1}, {transform_indices = #map}, {transform_indices = #map}]} {
    %mul3A = arith.constant 2 : i32
    %mul3A_0 = arith.muli %arg1, %mul3A : i32
    %add3A = arith.addi %mul3A_0, %arg0 : i32
    "tpu.region"() ({
      %run_scoped3A = tpu.sem_alloc : memref<!tpu.dma_semaphore, #tpu.memory_space<semaphore_mem>>
      tpu.enqueue_dma source(%arg5 : memref<10000xf32, #tpu.memory_space<hbm>>) target(%arg16 : memref<10000xf32, #tpu.memory_space<vmem>>) target_semaphore(%run_scoped3A : memref<!tpu.dma_semaphore, #tpu.memory_space<semaphore_mem>>)
      tpu.wait_dma2 semaphore(%run_scoped3A : memref<!tpu.dma_semaphore, #tpu.memory_space<semaphore_mem>>) src(%arg5 : memref<10000xf32, #tpu.memory_space<hbm>>) dst(%arg16 : memref<10000xf32, #tpu.memory_space<vmem>>)
      tpu.yield
    }) : () -> ()
    "tpu.region"() ({
      %run_scoped3A = tpu.sem_alloc : memref<!tpu.dma_semaphore, #tpu.memory_space<semaphore_mem>>
      tpu.enqueue_dma source(%arg6 : memref<10000xf32, #tpu.memory_space<hbm>>) target(%arg17 : memref<10000xf32, #tpu.memory_space<vmem>>) target_semaphore(%run_scoped3A : memref<!tpu.dma_semaphore, #tpu.memory_space<semaphore_mem>>)
      tpu.wait_dma2 semaphore(%run_scoped3A : memref<!tpu.dma_semaphore, #tpu.memory_space<semaphore_mem>>) src(%arg6 : memref<10000xf32, #tpu.memory_space<hbm>>) dst(%arg17 : memref<10000xf32, #tpu.memory_space<vmem>>)
      tpu.yield
    }) : () -> ()
    "tpu.region"() ({
      %run_scoped3A = tpu.sem_alloc : memref<!tpu.dma_semaphore, #tpu.memory_space<semaphore_mem>>
      tpu.enqueue_dma source(%arg7 : memref<10000xf32, #tpu.memory_space<hbm>>) target(%arg18 : memref<10000xf32, #tpu.memory_space<vmem>>) target_semaphore(%run_scoped3A : memref<!tpu.dma_semaphore, #tpu.memory_space<semaphore_mem>>)
      tpu.wait_dma2 semaphore(%run_scoped3A : memref<!tpu.dma_semaphore, #tpu.memory_space<semaphore_mem>>) src(%arg7 : memref<10000xf32, #tpu.memory_space<hbm>>) dst(%arg18 : memref<10000xf32, #tpu.memory_space<vmem>>)
      tpu.yield
    }) : () -> ()
    %add3A_1 = arith.constant 0 : i32
    %add3A_2 = arith.addi %add3A, %add3A_1 : i32
    %rem3A = arith.constant 2500 : i32
    %rem3A_3 = arith.remsi %add3A_2, %rem3A : i32
    %mul3A_4 = arith.constant 128 : i32
    %mul3A_5 = arith.muli %rem3A_3, %mul3A_4 : i32
    "tpu.region"() ({
      %run_scoped3A = tpu.sem_alloc : memref<!tpu.dma_semaphore, #tpu.memory_space<semaphore_mem>>
      %dma_start3A_38 = arith.constant 0 : i32
      %dma_start3A_39 = tpu.memref_slice %arg4[%dma_start3A_38, %mul3A_5] : memref<2x320000xi32, #tpu.memory_space<hbm>> -> memref<2x128xi32, #tpu.memory_space<hbm>>
      %dma_start3A_40 = arith.constant 0 : i32
      %dma_start3A_41 = tpu.memref_slice %arg4[%dma_start3A_40, %mul3A_5] : memref<2x320000xi32, #tpu.memory_space<hbm>> -> memref<2x128xi32, #tpu.memory_space<hbm>>
      tpu.enqueue_dma source(%dma_start3A_41 : memref<2x128xi32, #tpu.memory_space<hbm>>) target(%arg10 : memref<2x128xi32, #tpu.memory_space<vmem>>) target_semaphore(%run_scoped3A : memref<!tpu.dma_semaphore, #tpu.memory_space<semaphore_mem>>)
      %dma_wait3A_42 = arith.constant 0 : i32
      %dma_wait3A_43 = tpu.memref_slice %arg4[%dma_wait3A_42, %mul3A_5] : memref<2x320000xi32, #tpu.memory_space<hbm>> -> memref<2x128xi32, #tpu.memory_space<hbm>>
      %dma_wait3A_44 = arith.constant 0 : i32
      %dma_wait3A_45 = tpu.memref_slice %arg4[%dma_wait3A_44, %mul3A_5] : memref<2x320000xi32, #tpu.memory_space<hbm>> -> memref<2x128xi32, #tpu.memory_space<hbm>>
      tpu.wait_dma2 semaphore(%run_scoped3A : memref<!tpu.dma_semaphore, #tpu.memory_space<semaphore_mem>>) src(%dma_wait3A_45 : memref<2x128xi32, #tpu.memory_space<hbm>>) dst(%arg10 : memref<2x128xi32, #tpu.memory_space<vmem>>)
      tpu.yield
    }) : () -> ()
    %dma_start3A = arith.constant 0 : i32
    %dma_start3A_6 = arith.constant 0 : i32
    %dma_start3A_7 = tpu.memref_slice %arg10[%dma_start3A, %dma_start3A_6] : memref<2x128xi32, #tpu.memory_space<vmem>> -> memref<1x128xi32, #tpu.memory_space<vmem>>
    %dma_start3A_8 = tpu.memref_squeeze %dma_start3A_7 : memref<1x128xi32, #tpu.memory_space<vmem>> -> memref<128xi32, #tpu.memory_space<vmem>>
    %dma_start3A_9 = arith.constant 0 : i32
    %dma_start3A_10 = arith.constant 0 : i32
    %dma_start3A_11 = tpu.memref_slice %arg2[%dma_start3A_9, %dma_start3A_10] : memref<10000x128xf32, #tpu.memory_space<hbm>> -> memref<10000x128xf32, #tpu.memory_space<hbm>>
    tpu.enqueue_indirect_dma source(%dma_start3A_11 : memref<10000x128xf32, #tpu.memory_space<hbm>>) target(%arg12 : memref<128x128xf32, #tpu.memory_space<vmem>>) offsets(%dma_start3A_8 : memref<128xi32, #tpu.memory_space<vmem>>) semaphore(%arg20 : memref<!tpu.dma_semaphore, #tpu.memory_space<semaphore_mem>>)
    %dma_start3A_12 = arith.constant 1 : i32
    %dma_start3A_13 = arith.constant 0 : i32
    %dma_start3A_14 = tpu.memref_slice %arg10[%dma_start3A_12, %dma_start3A_13] : memref<2x128xi32, #tpu.memory_space<vmem>> -> memref<1x128xi32, #tpu.memory_space<vmem>>
    %dma_start3A_15 = tpu.memref_squeeze %dma_start3A_14 : memref<1x128xi32, #tpu.memory_space<vmem>> -> memref<128xi32, #tpu.memory_space<vmem>>
    %dma_start3A_16 = arith.constant 0 : i32
    %dma_start3A_17 = arith.constant 0 : i32
    %dma_start3A_18 = tpu.memref_slice %arg3[%dma_start3A_16, %dma_start3A_17] : memref<10000x128xf32, #tpu.memory_space<hbm>> -> memref<10000x128xf32, #tpu.memory_space<hbm>>
    tpu.enqueue_indirect_dma source(%dma_start3A_18 : memref<10000x128xf32, #tpu.memory_space<hbm>>) target(%arg14 : memref<128x128xf32, #tpu.memory_space<vmem>>) offsets(%dma_start3A_15 : memref<128xi32, #tpu.memory_space<vmem>>) semaphore(%arg20 : memref<!tpu.dma_semaphore, #tpu.memory_space<semaphore_mem>>)
    %scan3A = arith.constant 0 : i32
    %scan3A_19 = arith.constant 0 : i32
    %scan3A_20 = arith.constant 40 : i32
    %scan3A_21 = arith.addi %scan3A_19, %scan3A_20 : i32
    %scan3A_22 = arith.constant 1 : i32
    %scan3A_23 = scf.for %scan3A_38 = %scan3A_19 to %scan3A_21 step %scan3A_22 iter_args(%scan3A_39 = %scan3A) -> (i32)  : i32 {
      %mul3A_40 = arith.constant 2 : i32
      %mul3A_41 = arith.muli %mul3A_40, %scan3A_38 : i32
      %add3A_42 = arith.constant 1 : i32
      %add3A_43 = arith.addi %mul3A_41, %add3A_42 : i32
      %mul3A_44 = arith.constant 32 : i32
      %mul3A_45 = arith.muli %mul3A_44, %add3A_43 : i32
      %add3A_46 = arith.addi %add3A, %mul3A_45 : i32
      %rem3A_47 = arith.constant 2500 : i32
      %rem3A_48 = arith.remsi %add3A_46, %rem3A_47 : i32
      %mul3A_49 = arith.constant 128 : i32
      %mul3A_50 = arith.muli %rem3A_48, %mul3A_49 : i32
      "tpu.region"() ({
        %run_scoped3A = tpu.sem_alloc : memref<!tpu.dma_semaphore, #tpu.memory_space<semaphore_mem>>
        %dma_start3A_757 = arith.constant 0 : i32
        %dma_start3A_758 = tpu.memref_slice %arg4[%dma_start3A_757, %mul3A_50] : memref<2x320000xi32, #tpu.memory_space<hbm>> -> memref<2x128xi32, #tpu.memory_space<hbm>>
        %dma_start3A_759 = arith.constant 0 : i32
        %dma_start3A_760 = tpu.memref_slice %arg4[%dma_start3A_759, %mul3A_50] : memref<2x320000xi32, #tpu.memory_space<hbm>> -> memref<2x128xi32, #tpu.memory_space<hbm>>
        tpu.enqueue_dma source(%dma_start3A_760 : memref<2x128xi32, #tpu.memory_space<hbm>>) target(%arg11 : memref<2x128xi32, #tpu.memory_space<vmem>>) target_semaphore(%run_scoped3A : memref<!tpu.dma_semaphore, #tpu.memory_space<semaphore_mem>>)
        %dma_wait3A_761 = arith.constant 0 : i32
        %dma_wait3A_762 = tpu.memref_slice %arg4[%dma_wait3A_761, %mul3A_50] : memref<2x320000xi32, #tpu.memory_space<hbm>> -> memref<2x128xi32, #tpu.memory_space<hbm>>
        %dma_wait3A_763 = arith.constant 0 : i32
        %dma_wait3A_764 = tpu.memref_slice %arg4[%dma_wait3A_763, %mul3A_50] : memref<2x320000xi32, #tpu.memory_space<hbm>> -> memref<2x128xi32, #tpu.memory_space<hbm>>
        tpu.wait_dma2 semaphore(%run_scoped3A : memref<!tpu.dma_semaphore, #tpu.memory_space<semaphore_mem>>) src(%dma_wait3A_764 : memref<2x128xi32, #tpu.memory_space<hbm>>) dst(%arg11 : memref<2x128xi32, #tpu.memory_space<vmem>>)
        tpu.yield
      }) : () -> ()
      %dma_start3A_51 = arith.constant 0 : i32
      %dma_start3A_52 = arith.constant 0 : i32
      %dma_start3A_53 = tpu.memref_slice %arg11[%dma_start3A_51, %dma_start3A_52] : memref<2x128xi32, #tpu.memory_space<vmem>> -> memref<1x128xi32, #tpu.memory_space<vmem>>
      %dma_start3A_54 = tpu.memref_squeeze %dma_start3A_53 : memref<1x128xi32, #tpu.memory_space<vmem>> -> memref<128xi32, #tpu.memory_space<vmem>>
      %dma_start3A_55 = arith.constant 0 : i32
      %dma_start3A_56 = arith.constant 0 : i32
      %dma_start3A_57 = tpu.memref_slice %arg2[%dma_start3A_55, %dma_start3A_56] : memref<10000x128xf32, #tpu.memory_space<hbm>> -> memref<10000x128xf32, #tpu.memory_space<hbm>>
      tpu.enqueue_indirect_dma source(%dma_start3A_57 : memref<10000x128xf32, #tpu.memory_space<hbm>>) target(%arg13 : memref<128x128xf32, #tpu.memory_space<vmem>>) offsets(%dma_start3A_54 : memref<128xi32, #tpu.memory_space<vmem>>) semaphore(%arg21 : memref<!tpu.dma_semaphore, #tpu.memory_space<semaphore_mem>>)
      %dma_start3A_58 = arith.constant 1 : i32
      %dma_start3A_59 = arith.constant 0 : i32
      %dma_start3A_60 = tpu.memref_slice %arg11[%dma_start3A_58, %dma_start3A_59] : memref<2x128xi32, #tpu.memory_space<vmem>> -> memref<1x128xi32, #tpu.memory_space<vmem>>
      %dma_start3A_61 = tpu.memref_squeeze %dma_start3A_60 : memref<1x128xi32, #tpu.memory_space<vmem>> -> memref<128xi32, #tpu.memory_space<vmem>>
      %dma_start3A_62 = arith.constant 0 : i32
      %dma_start3A_63 = arith.constant 0 : i32
      %dma_start3A_64 = tpu.memref_slice %arg3[%dma_start3A_62, %dma_start3A_63] : memref<10000x128xf32, #tpu.memory_space<hbm>> -> memref<10000x128xf32, #tpu.memory_space<hbm>>
      tpu.enqueue_indirect_dma source(%dma_start3A_64 : memref<10000x128xf32, #tpu.memory_space<hbm>>) target(%arg15 : memref<128x128xf32, #tpu.memory_space<vmem>>) offsets(%dma_start3A_61 : memref<128xi32, #tpu.memory_space<vmem>>) semaphore(%arg21 : memref<!tpu.dma_semaphore, #tpu.memory_space<semaphore_mem>>)
      %mul3A_65 = arith.constant 2 : i32
      %mul3A_66 = arith.muli %mul3A_65, %scan3A_38 : i32
      %mul3A_67 = arith.constant 32 : i32
      %mul3A_68 = arith.muli %mul3A_67, %mul3A_66 : i32
      %add3A_69 = arith.addi %add3A, %mul3A_68 : i32
      %rem3A_70 = arith.constant 2500 : i32
      %rem3A_71 = arith.remsi %add3A_69, %rem3A_70 : i32
      %mul3A_72 = arith.constant 128 : i32
      %mul3A_73 = arith.muli %rem3A_71, %mul3A_72 : i32
      %dma_wait3A_74 = arith.constant 0 : i32
      %dma_wait3A_75 = arith.constant 0 : i32
      %dma_wait3A_76 = tpu.memref_slice %arg10[%dma_wait3A_74, %dma_wait3A_75] : memref<2x128xi32, #tpu.memory_space<vmem>> -> memref<1x128xi32, #tpu.memory_space<vmem>>
      %dma_wait3A_77 = tpu.memref_squeeze %dma_wait3A_76 : memref<1x128xi32, #tpu.memory_space<vmem>> -> memref<128xi32, #tpu.memory_space<vmem>>
      %dma_wait3A_78 = arith.constant 0 : i32
      %dma_wait3A_79 = arith.constant 0 : i32
      %dma_wait3A_80 = tpu.memref_slice %arg2[%dma_wait3A_78, %dma_wait3A_79] : memref<10000x128xf32, #tpu.memory_space<hbm>> -> memref<10000x128xf32, #tpu.memory_space<hbm>>
      tpu.wait_indirect_dma semaphore(%arg20 : memref<!tpu.dma_semaphore, #tpu.memory_space<semaphore_mem>>) src(%dma_wait3A_80 : memref<10000x128xf32, #tpu.memory_space<hbm>>) dst(%arg12 : memref<128x128xf32, #tpu.memory_space<vmem>>)
      %dma_wait3A_81 = arith.constant 1 : i32
      %dma_wait3A_82 = arith.constant 0 : i32
      %dma_wait3A_83 = tpu.memref_slice %arg10[%dma_wait3A_81, %dma_wait3A_82] : memref<2x128xi32, #tpu.memory_space<vmem>> -> memref<1x128xi32, #tpu.memory_space<vmem>>
      %dma_wait3A_84 = tpu.memref_squeeze %dma_wait3A_83 : memref<1x128xi32, #tpu.memory_space<vmem>> -> memref<128xi32, #tpu.memory_space<vmem>>
      %dma_wait3A_85 = arith.constant 0 : i32
      %dma_wait3A_86 = arith.constant 0 : i32
      %dma_wait3A_87 = tpu.memref_slice %arg3[%dma_wait3A_85, %dma_wait3A_86] : memref<10000x128xf32, #tpu.memory_space<hbm>> -> memref<10000x128xf32, #tpu.memory_space<hbm>>
      tpu.wait_indirect_dma semaphore(%arg20 : memref<!tpu.dma_semaphore, #tpu.memory_space<semaphore_mem>>) src(%dma_wait3A_87 : memref<10000x128xf32, #tpu.memory_space<hbm>>) dst(%arg14 : memref<128x128xf32, #tpu.memory_space<vmem>>)
      %scan3A_88 = arith.constant 0 : i32
      %scan3A_89 = arith.constant 0 : i32
      %scan3A_90 = arith.constant 128 : i32
      %scan3A_91 = arith.addi %scan3A_89, %scan3A_90 : i32
      %scan3A_92 = arith.constant 1 : i32
      %scan3A_93 = scf.for %scan3A_757 = %scan3A_89 to %scan3A_91 step %scan3A_92 iter_args(%scan3A_758 = %scan3A_88) -> (i32)  : i32 {
        %get3A_759 = arith.index_cast %scan3A_757 : i32 to index
        %get3A_760 = arith.constant 0 : index
        %get3A_761 = tpu.vector_load %arg12[%get3A_759, %get3A_760] {strides = array<i32>} : memref<128x128xf32, #tpu.memory_space<vmem>>, vector<16xf32>,
        %get3A_762 = arith.index_cast %scan3A_757 : i32 to index
        %get3A_763 = arith.constant 0 : index
        %get3A_764 = tpu.vector_load %arg14[%get3A_762, %get3A_763] {strides = array<i32>} : memref<128x128xf32, #tpu.memory_space<vmem>>, vector<16xf32>,
        %add3A_765 = arith.addf %get3A_761, %get3A_764 : vector<16xf32>
        %swap3A_766 = arith.index_cast %scan3A_757 : i32 to index
        %swap3A_767 = arith.constant 0 : index
        %swap3A_768 = tpu.vector_load %arg12[%swap3A_766, %swap3A_767] {strides = array<i32>} : memref<128x128xf32, #tpu.memory_space<vmem>>, vector<16xf32>,
        tpu.vector_store %arg12[%swap3A_766, %swap3A_767], %add3A_765 {strides = array<i32>} : memref<128x128xf32, #tpu.memory_space<vmem>>, vector<16xf32>,
        %get3A_769 = arith.index_cast %scan3A_757 : i32 to index
        %get3A_770 = arith.constant 16 : index
        %get3A_771 = tpu.vector_load %arg12[%get3A_769, %get3A_770] {strides = array<i32>} : memref<128x128xf32, #tpu.memory_space<vmem>>, vector<16xf32>,
        %get3A_772 = arith.index_cast %scan3A_757 : i32 to index
        %get3A_773 = arith.constant 16 : index
        %get3A_774 = tpu.vector_load %arg14[%get3A_772, %get3A_773] {strides = array<i32>} : memref<128x128xf32, #tpu.memory_space<vmem>>, vector<16xf32>,
        %add3A_775 = arith.addf %get3A_771, %get3A_774 : vector<16xf32>
        %swap3A_776 = arith.index_cast %scan3A_757 : i32 to index
        %swap3A_777 = arith.constant 16 : index
        %swap3A_778 = tpu.vector_load %arg12[%swap3A_776, %swap3A_777] {strides = array<i32>} : memref<128x128xf32, #tpu.memory_space<vmem>>, vector<16xf32>,
        tpu.vector_store %arg12[%swap3A_776, %swap3A_777], %add3A_775 {strides = array<i32>} : memref<128x128xf32, #tpu.memory_space<vmem>>, vector<16xf32>,
        %get3A_779 = arith.index_cast %scan3A_757 : i32 to index
        %get3A_780 = arith.constant 32 : index
        %get3A_781 = tpu.vector_load %arg12[%get3A_779, %get3A_780] {strides = array<i32>} : memref<128x128xf32, #tpu.memory_space<vmem>>, vector<16xf32>,
        %get3A_782 = arith.index_cast %scan3A_757 : i32 to index
        %get3A_783 = arith.constant 32 : index
        %get3A_784 = tpu.vector_load %arg14[%get3A_782, %get3A_783] {strides = array<i32>} : memref<128x128xf32, #tpu.memory_space<vmem>>, vector<16xf32>,
        %add3A_785 = arith.addf %get3A_781, %get3A_784 : vector<16xf32>
        %swap3A_786 = arith.index_cast %scan3A_757 : i32 to index
        %swap3A_787 = arith.constant 32 : index
        %swap3A_788 = tpu.vector_load %arg12[%swap3A_786, %swap3A_787] {strides = array<i32>} : memref<128x128xf32, #tpu.memory_space<vmem>>, vector<16xf32>,
        tpu.vector_store %arg12[%swap3A_786, %swap3A_787], %add3A_785 {strides = array<i32>} : memref<128x128xf32, #tpu.memory_space<vmem>>, vector<16xf32>,
        %get3A_789 = arith.index_cast %scan3A_757 : i32 to index
        %get3A_790 = arith.constant 48 : index
        %get3A_791 = tpu.vector_load %arg12[%get3A_789, %get3A_790] {strides = array<i32>} : memref<128x128xf32, #tpu.memory_space<vmem>>, vector<16xf32>,
        %get3A_792 = arith.index_cast %scan3A_757 : i32 to index
        %get3A_793 = arith.constant 48 : index
        %get3A_794 = tpu.vector_load %arg14[%get3A_792, %get3A_793] {strides = array<i32>} : memref<128x128xf32, #tpu.memory_space<vmem>>, vector<16xf32>,
        %add3A_795 = arith.addf %get3A_791, %get3A_794 : vector<16xf32>
        %swap3A_796 = arith.index_cast %scan3A_757 : i32 to index
        %swap3A_797 = arith.constant 48 : index
        %swap3A_798 = tpu.vector_load %arg12[%swap3A_796, %swap3A_797] {strides = array<i32>} : memref<128x128xf32, #tpu.memory_space<vmem>>, vector<16xf32>,
        tpu.vector_store %arg12[%swap3A_796, %swap3A_797], %add3A_795 {strides = array<i32>} : memref<128x128xf32, #tpu.memory_space<vmem>>, vector<16xf32>,
        %get3A_799 = arith.index_cast %scan3A_757 : i32 to index
        %get3A_800 = arith.constant 64 : index
        %get3A_801 = tpu.vector_load %arg12[%get3A_799, %get3A_800] {strides = array<i32>} : memref<128x128xf32, #tpu.memory_space<vmem>>, vector<16xf32>,
        %get3A_802 = arith.index_cast %scan3A_757 : i32 to index
        %get3A_803 = arith.constant 64 : index
        %get3A_804 = tpu.vector_load %arg14[%get3A_802, %get3A_803] {strides = array<i32>} : memref<128x128xf32, #tpu.memory_space<vmem>>, vector<16xf32>,
        %add3A_805 = arith.addf %get3A_801, %get3A_804 : vector<16xf32>
        %swap3A_806 = arith.index_cast %scan3A_757 : i32 to index
        %swap3A_807 = arith.constant 64 : index
        %swap3A_808 = tpu.vector_load %arg12[%swap3A_806, %swap3A_807] {strides = array<i32>} : memref<128x128xf32, #tpu.memory_space<vmem>>, vector<16xf32>,
        tpu.vector_store %arg12[%swap3A_806, %swap3A_807], %add3A_805 {strides = array<i32>} : memref<128x128xf32, #tpu.memory_space<vmem>>, vector<16xf32>,
        %get3A_809 = arith.index_cast %scan3A_757 : i32 to index
        %get3A_810 = arith.constant 80 : index
        %get3A_811 = tpu.vector_load %arg12[%get3A_809, %get3A_810] {strides = array<i32>} : memref<128x128xf32, #tpu.memory_space<vmem>>, vector<16xf32>,
        %get3A_812 = arith.index_cast %scan3A_757 : i32 to index
        %get3A_813 = arith.constant 80 : index
        %get3A_814 = tpu.vector_load %arg14[%get3A_812, %get3A_813] {strides = array<i32>} : memref<128x128xf32, #tpu.memory_space<vmem>>, vector<16xf32>,
        %add3A_815 = arith.addf %get3A_811, %get3A_814 : vector<16xf32>
        %swap3A_816 = arith.index_cast %scan3A_757 : i32 to index
        %swap3A_817 = arith.constant 80 : index
        %swap3A_818 = tpu.vector_load %arg12[%swap3A_816, %swap3A_817] {strides = array<i32>} : memref<128x128xf32, #tpu.memory_space<vmem>>, vector<16xf32>,
        tpu.vector_store %arg12[%swap3A_816, %swap3A_817], %add3A_815 {strides = array<i32>} : memref<128x128xf32, #tpu.memory_space<vmem>>, vector<16xf32>,
        %get3A_819 = arith.index_cast %scan3A_757 : i32 to index
        %get3A_820 = arith.constant 96 : index
        %get3A_821 = tpu.vector_load %arg12[%get3A_819, %get3A_820] {strides = array<i32>} : memref<128x128xf32, #tpu.memory_space<vmem>>, vector<16xf32>,
        %get3A_822 = arith.index_cast %scan3A_757 : i32 to index
        %get3A_823 = arith.constant 96 : index
        %get3A_824 = tpu.vector_load %arg14[%get3A_822, %get3A_823] {strides = array<i32>} : memref<128x128xf32, #tpu.memory_space<vmem>>, vector<16xf32>,
        %add3A_825 = arith.addf %get3A_821, %get3A_824 : vector<16xf32>
        %swap3A_826 = arith.index_cast %scan3A_757 : i32 to index
        %swap3A_827 = arith.constant 96 : index
        %swap3A_828 = tpu.vector_load %arg12[%swap3A_826, %swap3A_827] {strides = array<i32>} : memref<128x128xf32, #tpu.memory_space<vmem>>, vector<16xf32>,
        tpu.vector_store %arg12[%swap3A_826, %swap3A_827], %add3A_825 {strides = array<i32>} : memref<128x128xf32, #tpu.memory_space<vmem>>, vector<16xf32>,
        %get3A_829 = arith.index_cast %scan3A_757 : i32 to index
        %get3A_830 = arith.constant 112 : index
        %get3A_831 = tpu.vector_load %arg12[%get3A_829, %get3A_830] {strides = array<i32>} : memref<128x128xf32, #tpu.memory_space<vmem>>, vector<16xf32>,
        %get3A_832 = arith.index_cast %scan3A_757 : i32 to index
        %get3A_833 = arith.constant 112 : index
        %get3A_834 = tpu.vector_load %arg14[%get3A_832, %get3A_833] {strides = array<i32>} : memref<128x128xf32, #tpu.memory_space<vmem>>, vector<16xf32>,
        %add3A_835 = arith.addf %get3A_831, %get3A_834 : vector<16xf32>
        %swap3A_836 = arith.index_cast %scan3A_757 : i32 to index
        %swap3A_837 = arith.constant 112 : index
        %swap3A_838 = tpu.vector_load %arg12[%swap3A_836, %swap3A_837] {strides = array<i32>} : memref<128x128xf32, #tpu.memory_space<vmem>>, vector<16xf32>,
        tpu.vector_store %arg12[%swap3A_836, %swap3A_837], %add3A_835 {strides = array<i32>} : memref<128x128xf32, #tpu.memory_space<vmem>>, vector<16xf32>,
        %scan3A_839 = arith.constant 0 : i32
        scf.yield %scan3A_839 : i32
      }
      %scan3A_94 = arith.constant 128 : i32
      %get3A = arith.constant 0 : i32
      %get3A_95 = arith.index_cast %get3A : i32 to index
      %get3A_96 = arith.constant 0 : index
      %get3A_97 = tpu.vector_load %arg10[%get3A_95, %get3A_96] {strides = array<i32>} : memref<2x128xi32, #tpu.memory_space<vmem>>, vector<16xi32>,
      %get3A_98 = arith.constant 1 : i32
      %get3A_99 = arith.index_cast %get3A_98 : i32 to index
      %get3A_100 = arith.constant 0 : index
      %get3A_101 = tpu.vector_load %arg10[%get3A_99, %get3A_100] {strides = array<i32>} : memref<2x128xi32, #tpu.memory_space<vmem>>, vector<16xi32>,
      %gather3A = tpu.vector_load_idx %arg16[%get3A_97] : memref<10000xf32, #tpu.memory_space<vmem>>[vector<16xi32>], vector<16xf32>,
      %gather3A_102 = tpu.vector_load_idx %arg16[%get3A_101] : memref<10000xf32, #tpu.memory_space<vmem>>[vector<16xi32>], vector<16xf32>,
      %sub3A = arith.subf %gather3A, %gather3A_102 : vector<16xf32>
      %gather3A_103 = tpu.vector_load_idx %arg17[%get3A_97] : memref<10000xf32, #tpu.memory_space<vmem>>[vector<16xi32>], vector<16xf32>,
      %gather3A_104 = tpu.vector_load_idx %arg17[%get3A_101] : memref<10000xf32, #tpu.memory_space<vmem>>[vector<16xi32>], vector<16xf32>,
      %sub3A_105 = arith.subf %gather3A_103, %gather3A_104 : vector<16xf32>
      %gather3A_106 = tpu.vector_load_idx %arg18[%get3A_97] : memref<10000xf32, #tpu.memory_space<vmem>>[vector<16xi32>], vector<16xf32>,
      %gather3A_107 = tpu.vector_load_idx %arg18[%get3A_101] : memref<10000xf32, #tpu.memory_space<vmem>>[vector<16xi32>], vector<16xf32>,
      %sub3A_108 = arith.subf %gather3A_106, %gather3A_107 : vector<16xf32>
      %swap3A = arith.constant 0 : i32
      %swap3A_109 = arith.index_cast %swap3A : i32 to index
      %swap3A_110 = arith.constant 0 : index
      %swap3A_111 = tpu.vector_load %arg19[%swap3A_109, %swap3A_110] {strides = array<i32>} : memref<4x128xf32, #tpu.memory_space<vmem>>, vector<16xf32>,
      tpu.vector_store %arg19[%swap3A_109, %swap3A_110], %sub3A {strides = array<i32>} : memref<4x128xf32, #tpu.memory_space<vmem>>, vector<16xf32>,
      %swap3A_112 = arith.constant 1 : i32
      %swap3A_113 = arith.index_cast %swap3A_112 : i32 to index
      %swap3A_114 = arith.constant 0 : index
      %swap3A_115 = tpu.vector_load %arg19[%swap3A_113, %swap3A_114] {strides = array<i32>} : memref<4x128xf32, #tpu.memory_space<vmem>>, vector<16xf32>,
      tpu.vector_store %arg19[%swap3A_113, %swap3A_114], %sub3A_105 {strides = array<i32>} : memref<4x128xf32, #tpu.memory_space<vmem>>, vector<16xf32>,
      %swap3A_116 = arith.constant 2 : i32
      %swap3A_117 = arith.index_cast %swap3A_116 : i32 to index
      %swap3A_118 = arith.constant 0 : index
      %swap3A_119 = tpu.vector_load %arg19[%swap3A_117, %swap3A_118] {strides = array<i32>} : memref<4x128xf32, #tpu.memory_space<vmem>>, vector<16xf32>,
      tpu.vector_store %arg19[%swap3A_117, %swap3A_118], %sub3A_108 {strides = array<i32>} : memref<4x128xf32, #tpu.memory_space<vmem>>, vector<16xf32>,
      %mul3A_120 = arith.mulf %sub3A, %sub3A : vector<16xf32>
      %mul3A_121 = arith.mulf %sub3A_105, %sub3A_105 : vector<16xf32>
      %add3A_122 = arith.addf %mul3A_120, %mul3A_121 : vector<16xf32>
      %mul3A_123 = arith.mulf %sub3A_108, %sub3A_108 : vector<16xf32>
      %add3A_124 = arith.addf %add3A_122, %mul3A_123 : vector<16xf32>
      %swap3A_125 = arith.constant 3 : i32
      %swap3A_126 = arith.index_cast %swap3A_125 : i32 to index
      %swap3A_127 = arith.constant 0 : index
      %swap3A_128 = tpu.vector_load %arg19[%swap3A_126, %swap3A_127] {strides = array<i32>} : memref<4x128xf32, #tpu.memory_space<vmem>>, vector<16xf32>,
      tpu.vector_store %arg19[%swap3A_126, %swap3A_127], %add3A_124 {strides = array<i32>} : memref<4x128xf32, #tpu.memory_space<vmem>>, vector<16xf32>,
      %get3A_129 = arith.constant 0 : i32
      %get3A_130 = arith.index_cast %get3A_129 : i32 to index
      %get3A_131 = arith.constant 16 : index
      %get3A_132 = tpu.vector_load %arg10[%get3A_130, %get3A_131] {strides = array<i32>} : memref<2x128xi32, #tpu.memory_space<vmem>>, vector<16xi32>,
      %get3A_133 = arith.constant 1 : i32
      %get3A_134 = arith.index_cast %get3A_133 : i32 to index
      %get3A_135 = arith.constant 16 : index
      %get3A_136 = tpu.vector_load %arg10[%get3A_134, %get3A_135] {strides = array<i32>} : memref<2x128xi32, #tpu.memory_space<vmem>>, vector<16xi32>,
      %gather3A_137 = tpu.vector_load_idx %arg16[%get3A_132] : memref<10000xf32, #tpu.memory_space<vmem>>[vector<16xi32>], vector<16xf32>,
      %gather3A_138 = tpu.vector_load_idx %arg16[%get3A_136] : memref<10000xf32, #tpu.memory_space<vmem>>[vector<16xi32>], vector<16xf32>,
      %sub3A_139 = arith.subf %gather3A_137, %gather3A_138 : vector<16xf32>
      %gather3A_140 = tpu.vector_load_idx %arg17[%get3A_132] : memref<10000xf32, #tpu.memory_space<vmem>>[vector<16xi32>], vector<16xf32>,
      %gather3A_141 = tpu.vector_load_idx %arg17[%get3A_136] : memref<10000xf32, #tpu.memory_space<vmem>>[vector<16xi32>], vector<16xf32>,
      %sub3A_142 = arith.subf %gather3A_140, %gather3A_141 : vector<16xf32>
      %gather3A_143 = tpu.vector_load_idx %arg18[%get3A_132] : memref<10000xf32, #tpu.memory_space<vmem>>[vector<16xi32>], vector<16xf32>,
      %gather3A_144 = tpu.vector_load_idx %arg18[%get3A_136] : memref<10000xf32, #tpu.memory_space<vmem>>[vector<16xi32>], vector<16xf32>,
      %sub3A_145 = arith.subf %gather3A_143, %gather3A_144 : vector<16xf32>
      %swap3A_146 = arith.constant 0 : i32
      %swap3A_147 = arith.index_cast %swap3A_146 : i32 to index
      %swap3A_148 = arith.constant 16 : index
      %swap3A_149 = tpu.vector_load %arg19[%swap3A_147, %swap3A_148] {strides = array<i32>} : memref<4x128xf32, #tpu.memory_space<vmem>>, vector<16xf32>,
      tpu.vector_store %arg19[%swap3A_147, %swap3A_148], %sub3A_139 {strides = array<i32>} : memref<4x128xf32, #tpu.memory_space<vmem>>, vector<16xf32>,
      %swap3A_150 = arith.constant 1 : i32
      %swap3A_151 = arith.index_cast %swap3A_150 : i32 to index
      %swap3A_152 = arith.constant 16 : index
      %swap3A_153 = tpu.vector_load %arg19[%swap3A_151, %swap3A_152] {strides = array<i32>} : memref<4x128xf32, #tpu.memory_space<vmem>>, vector<16xf32>,
      tpu.vector_store %arg19[%swap3A_151, %swap3A_152], %sub3A_142 {strides = array<i32>} : memref<4x128xf32, #tpu.memory_space<vmem>>, vector<16xf32>,
      %swap3A_154 = arith.constant 2 : i32
      %swap3A_155 = arith.index_cast %swap3A_154 : i32 to index
      %swap3A_156 = arith.constant 16 : index
      %swap3A_157 = tpu.vector_load %arg19[%swap3A_155, %swap3A_156] {strides = array<i32>} : memref<4x128xf32, #tpu.memory_space<vmem>>, vector<16xf32>,
      tpu.vector_store %arg19[%swap3A_155, %swap3A_156], %sub3A_145 {strides = array<i32>} : memref<4x128xf32, #tpu.memory_space<vmem>>, vector<16xf32>,
      %mul3A_158 = arith.mulf %sub3A_139, %sub3A_139 : vector<16xf32>
      %mul3A_159 = arith.mulf %sub3A_142, %sub3A_142 : vector<16xf32>
      %add3A_160 = arith.addf %mul3A_158, %mul3A_159 : vector<16xf32>
      %mul3A_161 = arith.mulf %sub3A_145, %sub3A_145 : vector<16xf32>
      %add3A_162 = arith.addf %add3A_160, %mul3A_161 : vector<16xf32>
      %swap3A_163 = arith.constant 3 : i32
      %swap3A_164 = arith.index_cast %swap3A_163 : i32 to index
      %swap3A_165 = arith.constant 16 : index
      %swap3A_166 = tpu.vector_load %arg19[%swap3A_164, %swap3A_165] {strides = array<i32>} : memref<4x128xf32, #tpu.memory_space<vmem>>, vector<16xf32>,
      tpu.vector_store %arg19[%swap3A_164, %swap3A_165], %add3A_162 {strides = array<i32>} : memref<4x128xf32, #tpu.memory_space<vmem>>, vector<16xf32>,
      %get3A_167 = arith.constant 0 : i32
      %get3A_168 = arith.index_cast %get3A_167 : i32 to index
      %get3A_169 = arith.constant 32 : index
      %get3A_170 = tpu.vector_load %arg10[%get3A_168, %get3A_169] {strides = array<i32>} : memref<2x128xi32, #tpu.memory_space<vmem>>, vector<16xi32>,
      %get3A_171 = arith.constant 1 : i32
      %get3A_172 = arith.index_cast %get3A_171 : i32 to index
      %get3A_173 = arith.constant 32 : index
      %get3A_174 = tpu.vector_load %arg10[%get3A_172, %get3A_173] {strides = array<i32>} : memref<2x128xi32, #tpu.memory_space<vmem>>, vector<16xi32>,
      %gather3A_175 = tpu.vector_load_idx %arg16[%get3A_170] : memref<10000xf32, #tpu.memory_space<vmem>>[vector<16xi32>], vector<16xf32>,
      %gather3A_176 = tpu.vector_load_idx %arg16[%get3A_174] : memref<10000xf32, #tpu.memory_space<vmem>>[vector<16xi32>], vector<16xf32>,
      %sub3A_177 = arith.subf %gather3A_175, %gather3A_176 : vector<16xf32>
      %gather3A_178 = tpu.vector_load_idx %arg17[%get3A_170] : memref<10000xf32, #tpu.memory_space<vmem>>[vector<16xi32>], vector<16xf32>,
      %gather3A_179 = tpu.vector_load_idx %arg17[%get3A_174] : memref<10000xf32, #tpu.memory_space<vmem>>[vector<16xi32>], vector<16xf32>,
      %sub3A_180 = arith.subf %gather3A_178, %gather3A_179 : vector<16xf32>
      %gather3A_181 = tpu.vector_load_idx %arg18[%get3A_170] : memref<10000xf32, #tpu.memory_space<vmem>>[vector<16xi32>], vector<16xf32>,
      %gather3A_182 = tpu.vector_load_idx %arg18[%get3A_174] : memref<10000xf32, #tpu.memory_space<vmem>>[vector<16xi32>], vector<16xf32>,
      %sub3A_183 = arith.subf %gather3A_181, %gather3A_182 : vector<16xf32>
      %swap3A_184 = arith.constant 0 : i32
      %swap3A_185 = arith.index_cast %swap3A_184 : i32 to index
      %swap3A_186 = arith.constant 32 : index
      %swap3A_187 = tpu.vector_load %arg19[%swap3A_185, %swap3A_186] {strides = array<i32>} : memref<4x128xf32, #tpu.memory_space<vmem>>, vector<16xf32>,
      tpu.vector_store %arg19[%swap3A_185, %swap3A_186], %sub3A_177 {strides = array<i32>} : memref<4x128xf32, #tpu.memory_space<vmem>>, vector<16xf32>,
      %swap3A_188 = arith.constant 1 : i32
      %swap3A_189 = arith.index_cast %swap3A_188 : i32 to index
      %swap3A_190 = arith.constant 32 : index
      %swap3A_191 = tpu.vector_load %arg19[%swap3A_189, %swap3A_190] {strides = array<i32>} : memref<4x128xf32, #tpu.memory_space<vmem>>, vector<16xf32>,
      tpu.vector_store %arg19[%swap3A_189, %swap3A_190], %sub3A_180 {strides = array<i32>} : memref<4x128xf32, #tpu.memory_space<vmem>>, vector<16xf32>,
      %swap3A_192 = arith.constant 2 : i32
      %swap3A_193 = arith.index_cast %swap3A_192 : i32 to index
      %swap3A_194 = arith.constant 32 : index
      %swap3A_195 = tpu.vector_load %arg19[%swap3A_193, %swap3A_194] {strides = array<i32>} : memref<4x128xf32, #tpu.memory_space<vmem>>, vector<16xf32>,
      tpu.vector_store %arg19[%swap3A_193, %swap3A_194], %sub3A_183 {strides = array<i32>} : memref<4x128xf32, #tpu.memory_space<vmem>>, vector<16xf32>,
      %mul3A_196 = arith.mulf %sub3A_177, %sub3A_177 : vector<16xf32>
      %mul3A_197 = arith.mulf %sub3A_180, %sub3A_180 : vector<16xf32>
      %add3A_198 = arith.addf %mul3A_196, %mul3A_197 : vector<16xf32>
      %mul3A_199 = arith.mulf %sub3A_183, %sub3A_183 : vector<16xf32>
      %add3A_200 = arith.addf %add3A_198, %mul3A_199 : vector<16xf32>
      %swap3A_201 = arith.constant 3 : i32
      %swap3A_202 = arith.index_cast %swap3A_201 : i32 to index
      %swap3A_203 = arith.constant 32 : index
      %swap3A_204 = tpu.vector_load %arg19[%swap3A_202, %swap3A_203] {strides = array<i32>} : memref<4x128xf32, #tpu.memory_space<vmem>>, vector<16xf32>,
      tpu.vector_store %arg19[%swap3A_202, %swap3A_203], %add3A_200 {strides = array<i32>} : memref<4x128xf32, #tpu.memory_space<vmem>>, vector<16xf32>,
      %get3A_205 = arith.constant 0 : i32
      %get3A_206 = arith.index_cast %get3A_205 : i32 to index
      %get3A_207 = arith.constant 48 : index
      %get3A_208 = tpu.vector_load %arg10[%get3A_206, %get3A_207] {strides = array<i32>} : memref<2x128xi32, #tpu.memory_space<vmem>>, vector<16xi32>,
      %get3A_209 = arith.constant 1 : i32
      %get3A_210 = arith.index_cast %get3A_209 : i32 to index
      %get3A_211 = arith.constant 48 : index
      %get3A_212 = tpu.vector_load %arg10[%get3A_210, %get3A_211] {strides = array<i32>} : memref<2x128xi32, #tpu.memory_space<vmem>>, vector<16xi32>,
      %gather3A_213 = tpu.vector_load_idx %arg16[%get3A_208] : memref<10000xf32, #tpu.memory_space<vmem>>[vector<16xi32>], vector<16xf32>,
      %gather3A_214 = tpu.vector_load_idx %arg16[%get3A_212] : memref<10000xf32, #tpu.memory_space<vmem>>[vector<16xi32>], vector<16xf32>,
      %sub3A_215 = arith.subf %gather3A_213, %gather3A_214 : vector<16xf32>
      %gather3A_216 = tpu.vector_load_idx %arg17[%get3A_208] : memref<10000xf32, #tpu.memory_space<vmem>>[vector<16xi32>], vector<16xf32>,
      %gather3A_217 = tpu.vector_load_idx %arg17[%get3A_212] : memref<10000xf32, #tpu.memory_space<vmem>>[vector<16xi32>], vector<16xf32>,
      %sub3A_218 = arith.subf %gather3A_216, %gather3A_217 : vector<16xf32>
      %gather3A_219 = tpu.vector_load_idx %arg18[%get3A_208] : memref<10000xf32, #tpu.memory_space<vmem>>[vector<16xi32>], vector<16xf32>,
      %gather3A_220 = tpu.vector_load_idx %arg18[%get3A_212] : memref<10000xf32, #tpu.memory_space<vmem>>[vector<16xi32>], vector<16xf32>,
      %sub3A_221 = arith.subf %gather3A_219, %gather3A_220 : vector<16xf32>
      %swap3A_222 = arith.constant 0 : i32
      %swap3A_223 = arith.index_cast %swap3A_222 : i32 to index
      %swap3A_224 = arith.constant 48 : index
      %swap3A_225 = tpu.vector_load %arg19[%swap3A_223, %swap3A_224] {strides = array<i32>} : memref<4x128xf32, #tpu.memory_space<vmem>>, vector<16xf32>,
      tpu.vector_store %arg19[%swap3A_223, %swap3A_224], %sub3A_215 {strides = array<i32>} : memref<4x128xf32, #tpu.memory_space<vmem>>, vector<16xf32>,
      %swap3A_226 = arith.constant 1 : i32
      %swap3A_227 = arith.index_cast %swap3A_226 : i32 to index
      %swap3A_228 = arith.constant 48 : index
      %swap3A_229 = tpu.vector_load %arg19[%swap3A_227, %swap3A_228] {strides = array<i32>} : memref<4x128xf32, #tpu.memory_space<vmem>>, vector<16xf32>,
      tpu.vector_store %arg19[%swap3A_227, %swap3A_228], %sub3A_218 {strides = array<i32>} : memref<4x128xf32, #tpu.memory_space<vmem>>, vector<16xf32>,
      %swap3A_230 = arith.constant 2 : i32
      %swap3A_231 = arith.index_cast %swap3A_230 : i32 to index
      %swap3A_232 = arith.constant 48 : index
      %swap3A_233 = tpu.vector_load %arg19[%swap3A_231, %swap3A_232] {strides = array<i32>} : memref<4x128xf32, #tpu.memory_space<vmem>>, vector<16xf32>,
      tpu.vector_store %arg19[%swap3A_231, %swap3A_232], %sub3A_221 {strides = array<i32>} : memref<4x128xf32, #tpu.memory_space<vmem>>, vector<16xf32>,
      %mul3A_234 = arith.mulf %sub3A_215, %sub3A_215 : vector<16xf32>
      %mul3A_235 = arith.mulf %sub3A_218, %sub3A_218 : vector<16xf32>
      %add3A_236 = arith.addf %mul3A_234, %mul3A_235 : vector<16xf32>
      %mul3A_237 = arith.mulf %sub3A_221, %sub3A_221 : vector<16xf32>
      %add3A_238 = arith.addf %add3A_236, %mul3A_237 : vector<16xf32>
      %swap3A_239 = arith.constant 3 : i32
      %swap3A_240 = arith.index_cast %swap3A_239 : i32 to index
      %swap3A_241 = arith.constant 48 : index
      %swap3A_242 = tpu.vector_load %arg19[%swap3A_240, %swap3A_241] {strides = array<i32>} : memref<4x128xf32, #tpu.memory_space<vmem>>, vector<16xf32>,
      tpu.vector_store %arg19[%swap3A_240, %swap3A_241], %add3A_238 {strides = array<i32>} : memref<4x128xf32, #tpu.memory_space<vmem>>, vector<16xf32>,
      %get3A_243 = arith.constant 0 : i32
      %get3A_244 = arith.index_cast %get3A_243 : i32 to index
      %get3A_245 = arith.constant 64 : index
      %get3A_246 = tpu.vector_load %arg10[%get3A_244, %get3A_245] {strides = array<i32>} : memref<2x128xi32, #tpu.memory_space<vmem>>, vector<16xi32>,
      %get3A_247 = arith.constant 1 : i32
      %get3A_248 = arith.index_cast %get3A_247 : i32 to index
      %get3A_249 = arith.constant 64 : index
      %get3A_250 = tpu.vector_load %arg10[%get3A_248, %get3A_249] {strides = array<i32>} : memref<2x128xi32, #tpu.memory_space<vmem>>, vector<16xi32>,
      %gather3A_251 = tpu.vector_load_idx %arg16[%get3A_246] : memref<10000xf32, #tpu.memory_space<vmem>>[vector<16xi32>], vector<16xf32>,
      %gather3A_252 = tpu.vector_load_idx %arg16[%get3A_250] : memref<10000xf32, #tpu.memory_space<vmem>>[vector<16xi32>], vector<16xf32>,
      %sub3A_253 = arith.subf %gather3A_251, %gather3A_252 : vector<16xf32>
      %gather3A_254 = tpu.vector_load_idx %arg17[%get3A_246] : memref<10000xf32, #tpu.memory_space<vmem>>[vector<16xi32>], vector<16xf32>,
      %gather3A_255 = tpu.vector_load_idx %arg17[%get3A_250] : memref<10000xf32, #tpu.memory_space<vmem>>[vector<16xi32>], vector<16xf32>,
      %sub3A_256 = arith.subf %gather3A_254, %gather3A_255 : vector<16xf32>
      %gather3A_257 = tpu.vector_load_idx %arg18[%get3A_246] : memref<10000xf32, #tpu.memory_space<vmem>>[vector<16xi32>], vector<16xf32>,
      %gather3A_258 = tpu.vector_load_idx %arg18[%get3A_250] : memref<10000xf32, #tpu.memory_space<vmem>>[vector<16xi32>], vector<16xf32>,
      %sub3A_259 = arith.subf %gather3A_257, %gather3A_258 : vector<16xf32>
      %swap3A_260 = arith.constant 0 : i32
      %swap3A_261 = arith.index_cast %swap3A_260 : i32 to index
      %swap3A_262 = arith.constant 64 : index
      %swap3A_263 = tpu.vector_load %arg19[%swap3A_261, %swap3A_262] {strides = array<i32>} : memref<4x128xf32, #tpu.memory_space<vmem>>, vector<16xf32>,
      tpu.vector_store %arg19[%swap3A_261, %swap3A_262], %sub3A_253 {strides = array<i32>} : memref<4x128xf32, #tpu.memory_space<vmem>>, vector<16xf32>,
      %swap3A_264 = arith.constant 1 : i32
      %swap3A_265 = arith.index_cast %swap3A_264 : i32 to index
      %swap3A_266 = arith.constant 64 : index
      %swap3A_267 = tpu.vector_load %arg19[%swap3A_265, %swap3A_266] {strides = array<i32>} : memref<4x128xf32, #tpu.memory_space<vmem>>, vector<16xf32>,
      tpu.vector_store %arg19[%swap3A_265, %swap3A_266], %sub3A_256 {strides = array<i32>} : memref<4x128xf32, #tpu.memory_space<vmem>>, vector<16xf32>,
      %swap3A_268 = arith.constant 2 : i32
      %swap3A_269 = arith.index_cast %swap3A_268 : i32 to index
      %swap3A_270 = arith.constant 64 : index
      %swap3A_271 = tpu.vector_load %arg19[%swap3A_269, %swap3A_270] {strides = array<i32>} : memref<4x128xf32, #tpu.memory_space<vmem>>, vector<16xf32>,
      tpu.vector_store %arg19[%swap3A_269, %swap3A_270], %sub3A_259 {strides = array<i32>} : memref<4x128xf32, #tpu.memory_space<vmem>>, vector<16xf32>,
      %mul3A_272 = arith.mulf %sub3A_253, %sub3A_253 : vector<16xf32>
      %mul3A_273 = arith.mulf %sub3A_256, %sub3A_256 : vector<16xf32>
      %add3A_274 = arith.addf %mul3A_272, %mul3A_273 : vector<16xf32>
      %mul3A_275 = arith.mulf %sub3A_259, %sub3A_259 : vector<16xf32>
      %add3A_276 = arith.addf %add3A_274, %mul3A_275 : vector<16xf32>
      %swap3A_277 = arith.constant 3 : i32
      %swap3A_278 = arith.index_cast %swap3A_277 : i32 to index
      %swap3A_279 = arith.constant 64 : index
      %swap3A_280 = tpu.vector_load %arg19[%swap3A_278, %swap3A_279] {strides = array<i32>} : memref<4x128xf32, #tpu.memory_space<vmem>>, vector<16xf32>,
      tpu.vector_store %arg19[%swap3A_278, %swap3A_279], %add3A_276 {strides = array<i32>} : memref<4x128xf32, #tpu.memory_space<vmem>>, vector<16xf32>,
      %get3A_281 = arith.constant 0 : i32
      %get3A_282 = arith.index_cast %get3A_281 : i32 to index
      %get3A_283 = arith.constant 80 : index
      %get3A_284 = tpu.vector_load %arg10[%get3A_282, %get3A_283] {strides = array<i32>} : memref<2x128xi32, #tpu.memory_space<vmem>>, vector<16xi32>,
      %get3A_285 = arith.constant 1 : i32
      %get3A_286 = arith.index_cast %get3A_285 : i32 to index
      %get3A_287 = arith.constant 80 : index
      %get3A_288 = tpu.vector_load %arg10[%get3A_286, %get3A_287] {strides = array<i32>} : memref<2x128xi32, #tpu.memory_space<vmem>>, vector<16xi32>,
      %gather3A_289 = tpu.vector_load_idx %arg16[%get3A_284] : memref<10000xf32, #tpu.memory_space<vmem>>[vector<16xi32>], vector<16xf32>,
      %gather3A_290 = tpu.vector_load_idx %arg16[%get3A_288] : memref<10000xf32, #tpu.memory_space<vmem>>[vector<16xi32>], vector<16xf32>,
      %sub3A_291 = arith.subf %gather3A_289, %gather3A_290 : vector<16xf32>
      %gather3A_292 = tpu.vector_load_idx %arg17[%get3A_284] : memref<10000xf32, #tpu.memory_space<vmem>>[vector<16xi32>], vector<16xf32>,
      %gather3A_293 = tpu.vector_load_idx %arg17[%get3A_288] : memref<10000xf32, #tpu.memory_space<vmem>>[vector<16xi32>], vector<16xf32>,
      %sub3A_294 = arith.subf %gather3A_292, %gather3A_293 : vector<16xf32>
      %gather3A_295 = tpu.vector_load_idx %arg18[%get3A_284] : memref<10000xf32, #tpu.memory_space<vmem>>[vector<16xi32>], vector<16xf32>,
      %gather3A_296 = tpu.vector_load_idx %arg18[%get3A_288] : memref<10000xf32, #tpu.memory_space<vmem>>[vector<16xi32>], vector<16xf32>,
      %sub3A_297 = arith.subf %gather3A_295, %gather3A_296 : vector<16xf32>
      %swap3A_298 = arith.constant 0 : i32
      %swap3A_299 = arith.index_cast %swap3A_298 : i32 to index
      %swap3A_300 = arith.constant 80 : index
      %swap3A_301 = tpu.vector_load %arg19[%swap3A_299, %swap3A_300] {strides = array<i32>} : memref<4x128xf32, #tpu.memory_space<vmem>>, vector<16xf32>,
      tpu.vector_store %arg19[%swap3A_299, %swap3A_300], %sub3A_291 {strides = array<i32>} : memref<4x128xf32, #tpu.memory_space<vmem>>, vector<16xf32>,
      %swap3A_302 = arith.constant 1 : i32
      %swap3A_303 = arith.index_cast %swap3A_302 : i32 to index
      %swap3A_304 = arith.constant 80 : index
      %swap3A_305 = tpu.vector_load %arg19[%swap3A_303, %swap3A_304] {strides = array<i32>} : memref<4x128xf32, #tpu.memory_space<vmem>>, vector<16xf32>,
      tpu.vector_store %arg19[%swap3A_303, %swap3A_304], %sub3A_294 {strides = array<i32>} : memref<4x128xf32, #tpu.memory_space<vmem>>, vector<16xf32>,
      %swap3A_306 = arith.constant 2 : i32
      %swap3A_307 = arith.index_cast %swap3A_306 : i32 to index
      %swap3A_308 = arith.constant 80 : index
      %swap3A_309 = tpu.vector_load %arg19[%swap3A_307, %swap3A_308] {strides = array<i32>} : memref<4x128xf32, #tpu.memory_space<vmem>>, vector<16xf32>,
      tpu.vector_store %arg19[%swap3A_307, %swap3A_308], %sub3A_297 {strides = array<i32>} : memref<4x128xf32, #tpu.memory_space<vmem>>, vector<16xf32>,
      %mul3A_310 = arith.mulf %sub3A_291, %sub3A_291 : vector<16xf32>
      %mul3A_311 = arith.mulf %sub3A_294, %sub3A_294 : vector<16xf32>
      %add3A_312 = arith.addf %mul3A_310, %mul3A_311 : vector<16xf32>
      %mul3A_313 = arith.mulf %sub3A_297, %sub3A_297 : vector<16xf32>
      %add3A_314 = arith.addf %add3A_312, %mul3A_313 : vector<16xf32>
      %swap3A_315 = arith.constant 3 : i32
      %swap3A_316 = arith.index_cast %swap3A_315 : i32 to index
      %swap3A_317 = arith.constant 80 : index
      %swap3A_318 = tpu.vector_load %arg19[%swap3A_316, %swap3A_317] {strides = array<i32>} : memref<4x128xf32, #tpu.memory_space<vmem>>, vector<16xf32>,
      tpu.vector_store %arg19[%swap3A_316, %swap3A_317], %add3A_314 {strides = array<i32>} : memref<4x128xf32, #tpu.memory_space<vmem>>, vector<16xf32>,
      %get3A_319 = arith.constant 0 : i32
      %get3A_320 = arith.index_cast %get3A_319 : i32 to index
      %get3A_321 = arith.constant 96 : index
      %get3A_322 = tpu.vector_load %arg10[%get3A_320, %get3A_321] {strides = array<i32>} : memref<2x128xi32, #tpu.memory_space<vmem>>, vector<16xi32>,
      %get3A_323 = arith.constant 1 : i32
      %get3A_324 = arith.index_cast %get3A_323 : i32 to index
      %get3A_325 = arith.constant 96 : index
      %get3A_326 = tpu.vector_load %arg10[%get3A_324, %get3A_325] {strides = array<i32>} : memref<2x128xi32, #tpu.memory_space<vmem>>, vector<16xi32>,
      %gather3A_327 = tpu.vector_load_idx %arg16[%get3A_322] : memref<10000xf32, #tpu.memory_space<vmem>>[vector<16xi32>], vector<16xf32>,
      %gather3A_328 = tpu.vector_load_idx %arg16[%get3A_326] : memref<10000xf32, #tpu.memory_space<vmem>>[vector<16xi32>], vector<16xf32>,
      %sub3A_329 = arith.subf %gather3A_327, %gather3A_328 : vector<16xf32>
      %gather3A_330 = tpu.vector_load_idx %arg17[%get3A_322] : memref<10000xf32, #tpu.memory_space<vmem>>[vector<16xi32>], vector<16xf32>,
      %gather3A_331 = tpu.vector_load_idx %arg17[%get3A_326] : memref<10000xf32, #tpu.memory_space<vmem>>[vector<16xi32>], vector<16xf32>,
      %sub3A_332 = arith.subf %gather3A_330, %gather3A_331 : vector<16xf32>
      %gather3A_333 = tpu.vector_load_idx %arg18[%get3A_322] : memref<10000xf32, #tpu.memory_space<vmem>>[vector<16xi32>], vector<16xf32>,
      %gather3A_334 = tpu.vector_load_idx %arg18[%get3A_326] : memref<10000xf32, #tpu.memory_space<vmem>>[vector<16xi32>], vector<16xf32>,
      %sub3A_335 = arith.subf %gather3A_333, %gather3A_334 : vector<16xf32>
      %swap3A_336 = arith.constant 0 : i32
      %swap3A_337 = arith.index_cast %swap3A_336 : i32 to index
      %swap3A_338 = arith.constant 96 : index
      %swap3A_339 = tpu.vector_load %arg19[%swap3A_337, %swap3A_338] {strides = array<i32>} : memref<4x128xf32, #tpu.memory_space<vmem>>, vector<16xf32>,
      tpu.vector_store %arg19[%swap3A_337, %swap3A_338], %sub3A_329 {strides = array<i32>} : memref<4x128xf32, #tpu.memory_space<vmem>>, vector<16xf32>,
      %swap3A_340 = arith.constant 1 : i32
      %swap3A_341 = arith.index_cast %swap3A_340 : i32 to index
      %swap3A_342 = arith.constant 96 : index
      %swap3A_343 = tpu.vector_load %arg19[%swap3A_341, %swap3A_342] {strides = array<i32>} : memref<4x128xf32, #tpu.memory_space<vmem>>, vector<16xf32>,
      tpu.vector_store %arg19[%swap3A_341, %swap3A_342], %sub3A_332 {strides = array<i32>} : memref<4x128xf32, #tpu.memory_space<vmem>>, vector<16xf32>,
      %swap3A_344 = arith.constant 2 : i32
      %swap3A_345 = arith.index_cast %swap3A_344 : i32 to index
      %swap3A_346 = arith.constant 96 : index
      %swap3A_347 = tpu.vector_load %arg19[%swap3A_345, %swap3A_346] {strides = array<i32>} : memref<4x128xf32, #tpu.memory_space<vmem>>, vector<16xf32>,
      tpu.vector_store %arg19[%swap3A_345, %swap3A_346], %sub3A_335 {strides = array<i32>} : memref<4x128xf32, #tpu.memory_space<vmem>>, vector<16xf32>,
      %mul3A_348 = arith.mulf %sub3A_329, %sub3A_329 : vector<16xf32>
      %mul3A_349 = arith.mulf %sub3A_332, %sub3A_332 : vector<16xf32>
      %add3A_350 = arith.addf %mul3A_348, %mul3A_349 : vector<16xf32>
      %mul3A_351 = arith.mulf %sub3A_335, %sub3A_335 : vector<16xf32>
      %add3A_352 = arith.addf %add3A_350, %mul3A_351 : vector<16xf32>
      %swap3A_353 = arith.constant 3 : i32
      %swap3A_354 = arith.index_cast %swap3A_353 : i32 to index
      %swap3A_355 = arith.constant 96 : index
      %swap3A_356 = tpu.vector_load %arg19[%swap3A_354, %swap3A_355] {strides = array<i32>} : memref<4x128xf32, #tpu.memory_space<vmem>>, vector<16xf32>,
      tpu.vector_store %arg19[%swap3A_354, %swap3A_355], %add3A_352 {strides = array<i32>} : memref<4x128xf32, #tpu.memory_space<vmem>>, vector<16xf32>,
      %get3A_357 = arith.constant 0 : i32
      %get3A_358 = arith.index_cast %get3A_357 : i32 to index
      %get3A_359 = arith.constant 112 : index
      %get3A_360 = tpu.vector_load %arg10[%get3A_358, %get3A_359] {strides = array<i32>} : memref<2x128xi32, #tpu.memory_space<vmem>>, vector<16xi32>,
      %get3A_361 = arith.constant 1 : i32
      %get3A_362 = arith.index_cast %get3A_361 : i32 to index
      %get3A_363 = arith.constant 112 : index
      %get3A_364 = tpu.vector_load %arg10[%get3A_362, %get3A_363] {strides = array<i32>} : memref<2x128xi32, #tpu.memory_space<vmem>>, vector<16xi32>,
      %gather3A_365 = tpu.vector_load_idx %arg16[%get3A_360] : memref<10000xf32, #tpu.memory_space<vmem>>[vector<16xi32>], vector<16xf32>,
      %gather3A_366 = tpu.vector_load_idx %arg16[%get3A_364] : memref<10000xf32, #tpu.memory_space<vmem>>[vector<16xi32>], vector<16xf32>,
      %sub3A_367 = arith.subf %gather3A_365, %gather3A_366 : vector<16xf32>
      %gather3A_368 = tpu.vector_load_idx %arg17[%get3A_360] : memref<10000xf32, #tpu.memory_space<vmem>>[vector<16xi32>], vector<16xf32>,
      %gather3A_369 = tpu.vector_load_idx %arg17[%get3A_364] : memref<10000xf32, #tpu.memory_space<vmem>>[vector<16xi32>], vector<16xf32>,
      %sub3A_370 = arith.subf %gather3A_368, %gather3A_369 : vector<16xf32>
      %gather3A_371 = tpu.vector_load_idx %arg18[%get3A_360] : memref<10000xf32, #tpu.memory_space<vmem>>[vector<16xi32>], vector<16xf32>,
      %gather3A_372 = tpu.vector_load_idx %arg18[%get3A_364] : memref<10000xf32, #tpu.memory_space<vmem>>[vector<16xi32>], vector<16xf32>,
      %sub3A_373 = arith.subf %gather3A_371, %gather3A_372 : vector<16xf32>
      %swap3A_374 = arith.constant 0 : i32
      %swap3A_375 = arith.index_cast %swap3A_374 : i32 to index
      %swap3A_376 = arith.constant 112 : index
      %swap3A_377 = tpu.vector_load %arg19[%swap3A_375, %swap3A_376] {strides = array<i32>} : memref<4x128xf32, #tpu.memory_space<vmem>>, vector<16xf32>,
      tpu.vector_store %arg19[%swap3A_375, %swap3A_376], %sub3A_367 {strides = array<i32>} : memref<4x128xf32, #tpu.memory_space<vmem>>, vector<16xf32>,
      %swap3A_378 = arith.constant 1 : i32
      %swap3A_379 = arith.index_cast %swap3A_378 : i32 to index
      %swap3A_380 = arith.constant 112 : index
      %swap3A_381 = tpu.vector_load %arg19[%swap3A_379, %swap3A_380] {strides = array<i32>} : memref<4x128xf32, #tpu.memory_space<vmem>>, vector<16xf32>,
      tpu.vector_store %arg19[%swap3A_379, %swap3A_380], %sub3A_370 {strides = array<i32>} : memref<4x128xf32, #tpu.memory_space<vmem>>, vector<16xf32>,
      %swap3A_382 = arith.constant 2 : i32
      %swap3A_383 = arith.index_cast %swap3A_382 : i32 to index
      %swap3A_384 = arith.constant 112 : index
      %swap3A_385 = tpu.vector_load %arg19[%swap3A_383, %swap3A_384] {strides = array<i32>} : memref<4x128xf32, #tpu.memory_space<vmem>>, vector<16xf32>,
      tpu.vector_store %arg19[%swap3A_383, %swap3A_384], %sub3A_373 {strides = array<i32>} : memref<4x128xf32, #tpu.memory_space<vmem>>, vector<16xf32>,
      %mul3A_386 = arith.mulf %sub3A_367, %sub3A_367 : vector<16xf32>
      %mul3A_387 = arith.mulf %sub3A_370, %sub3A_370 : vector<16xf32>
      %add3A_388 = arith.addf %mul3A_386, %mul3A_387 : vector<16xf32>
      %mul3A_389 = arith.mulf %sub3A_373, %sub3A_373 : vector<16xf32>
      %add3A_390 = arith.addf %add3A_388, %mul3A_389 : vector<16xf32>
      %swap3A_391 = arith.constant 3 : i32
      %swap3A_392 = arith.index_cast %swap3A_391 : i32 to index
      %swap3A_393 = arith.constant 112 : index
      %swap3A_394 = tpu.vector_load %arg19[%swap3A_392, %swap3A_393] {strides = array<i32>} : memref<4x128xf32, #tpu.memory_space<vmem>>, vector<16xf32>,
      tpu.vector_store %arg19[%swap3A_392, %swap3A_393], %add3A_390 {strides = array<i32>} : memref<4x128xf32, #tpu.memory_space<vmem>>, vector<16xf32>,
      "tpu.region"() ({
        %run_scoped3A = tpu.sem_alloc : memref<!tpu.dma_semaphore, #tpu.memory_space<semaphore_mem>>
        %dma_start3A_757 = arith.constant 0 : i32
        %dma_start3A_758 = tpu.memref_slice %arg8[%mul3A_73, %dma_start3A_757] : memref<320000x128xf32, #tpu.memory_space<hbm>> -> memref<128x128xf32, #tpu.memory_space<hbm>>
        %dma_start3A_759 = arith.constant 0 : i32
        %dma_start3A_760 = tpu.memref_slice %arg8[%mul3A_73, %dma_start3A_759] : memref<320000x128xf32, #tpu.memory_space<hbm>> -> memref<128x128xf32, #tpu.memory_space<hbm>>
        tpu.enqueue_dma source(%arg12 : memref<128x128xf32, #tpu.memory_space<vmem>>) target(%dma_start3A_760 : memref<128x128xf32, #tpu.memory_space<hbm>>) target_semaphore(%run_scoped3A : memref<!tpu.dma_semaphore, #tpu.memory_space<semaphore_mem>>)
        %dma_wait3A_761 = arith.constant 0 : i32
        %dma_wait3A_762 = tpu.memref_slice %arg8[%mul3A_73, %dma_wait3A_761] : memref<320000x128xf32, #tpu.memory_space<hbm>> -> memref<128x128xf32, #tpu.memory_space<hbm>>
        %dma_wait3A_763 = arith.constant 0 : i32
        %dma_wait3A_764 = tpu.memref_slice %arg8[%mul3A_73, %dma_wait3A_763] : memref<320000x128xf32, #tpu.memory_space<hbm>> -> memref<128x128xf32, #tpu.memory_space<hbm>>
        tpu.wait_dma2 semaphore(%run_scoped3A : memref<!tpu.dma_semaphore, #tpu.memory_space<semaphore_mem>>) src(%arg12 : memref<128x128xf32, #tpu.memory_space<vmem>>) dst(%dma_wait3A_764 : memref<128x128xf32, #tpu.memory_space<hbm>>)
        tpu.yield
      }) : () -> ()
      "tpu.region"() ({
        %run_scoped3A = tpu.sem_alloc : memref<!tpu.dma_semaphore, #tpu.memory_space<semaphore_mem>>
        %dma_start3A_757 = arith.constant 0 : i32
        %dma_start3A_758 = tpu.memref_slice %arg9[%dma_start3A_757, %mul3A_73] : memref<4x320000xf32, #tpu.memory_space<hbm>> -> memref<4x128xf32, #tpu.memory_space<hbm>>
        %dma_start3A_759 = arith.constant 0 : i32
        %dma_start3A_760 = tpu.memref_slice %arg9[%dma_start3A_759, %mul3A_73] : memref<4x320000xf32, #tpu.memory_space<hbm>> -> memref<4x128xf32, #tpu.memory_space<hbm>>
        tpu.enqueue_dma source(%arg19 : memref<4x128xf32, #tpu.memory_space<vmem>>) target(%dma_start3A_760 : memref<4x128xf32, #tpu.memory_space<hbm>>) target_semaphore(%run_scoped3A : memref<!tpu.dma_semaphore, #tpu.memory_space<semaphore_mem>>)
        %dma_wait3A_761 = arith.constant 0 : i32
        %dma_wait3A_762 = tpu.memref_slice %arg9[%dma_wait3A_761, %mul3A_73] : memref<4x320000xf32, #tpu.memory_space<hbm>> -> memref<4x128xf32, #tpu.memory_space<hbm>>
        %dma_wait3A_763 = arith.constant 0 : i32
        %dma_wait3A_764 = tpu.memref_slice %arg9[%dma_wait3A_763, %mul3A_73] : memref<4x320000xf32, #tpu.memory_space<hbm>> -> memref<4x128xf32, #tpu.memory_space<hbm>>
        tpu.wait_dma2 semaphore(%run_scoped3A : memref<!tpu.dma_semaphore, #tpu.memory_space<semaphore_mem>>) src(%arg19 : memref<4x128xf32, #tpu.memory_space<vmem>>) dst(%dma_wait3A_764 : memref<4x128xf32, #tpu.memory_space<hbm>>)
        tpu.yield
      }) : () -> ()
      %mul3A_395 = arith.constant 2 : i32
      %mul3A_396 = arith.muli %mul3A_395, %scan3A_38 : i32
      %add3A_397 = arith.constant 2 : i32
      %add3A_398 = arith.addi %mul3A_396, %add3A_397 : i32
      %mul3A_399 = arith.constant 32 : i32
      %mul3A_400 = arith.muli %mul3A_399, %add3A_398 : i32
      %add3A_401 = arith.addi %add3A, %mul3A_400 : i32
      %rem3A_402 = arith.constant 2500 : i32
      %rem3A_403 = arith.remsi %add3A_401, %rem3A_402 : i32
      %mul3A_404 = arith.constant 128 : i32
      %mul3A_405 = arith.muli %rem3A_403, %mul3A_404 : i32
      "tpu.region"() ({
        %run_scoped3A = tpu.sem_alloc : memref<!tpu.dma_semaphore, #tpu.memory_space<semaphore_mem>>
        %dma_start3A_757 = arith.constant 0 : i32
        %dma_start3A_758 = tpu.memref_slice %arg4[%dma_start3A_757, %mul3A_405] : memref<2x320000xi32, #tpu.memory_space<hbm>> -> memref<2x128xi32, #tpu.memory_space<hbm>>
        %dma_start3A_759 = arith.constant 0 : i32
        %dma_start3A_760 = tpu.memref_slice %arg4[%dma_start3A_759, %mul3A_405] : memref<2x320000xi32, #tpu.memory_space<hbm>> -> memref<2x128xi32, #tpu.memory_space<hbm>>
        tpu.enqueue_dma source(%dma_start3A_760 : memref<2x128xi32, #tpu.memory_space<hbm>>) target(%arg10 : memref<2x128xi32, #tpu.memory_space<vmem>>) target_semaphore(%run_scoped3A : memref<!tpu.dma_semaphore, #tpu.memory_space<semaphore_mem>>)
        %dma_wait3A_761 = arith.constant 0 : i32
        %dma_wait3A_762 = tpu.memref_slice %arg4[%dma_wait3A_761, %mul3A_405] : memref<2x320000xi32, #tpu.memory_space<hbm>> -> memref<2x128xi32, #tpu.memory_space<hbm>>
        %dma_wait3A_763 = arith.constant 0 : i32
        %dma_wait3A_764 = tpu.memref_slice %arg4[%dma_wait3A_763, %mul3A_405] : memref<2x320000xi32, #tpu.memory_space<hbm>> -> memref<2x128xi32, #tpu.memory_space<hbm>>
        tpu.wait_dma2 semaphore(%run_scoped3A : memref<!tpu.dma_semaphore, #tpu.memory_space<semaphore_mem>>) src(%dma_wait3A_764 : memref<2x128xi32, #tpu.memory_space<hbm>>) dst(%arg10 : memref<2x128xi32, #tpu.memory_space<vmem>>)
        tpu.yield
      }) : () -> ()
      %dma_start3A_406 = arith.constant 0 : i32
      %dma_start3A_407 = arith.constant 0 : i32
      %dma_start3A_408 = tpu.memref_slice %arg10[%dma_start3A_406, %dma_start3A_407] : memref<2x128xi32, #tpu.memory_space<vmem>> -> memref<1x128xi32, #tpu.memory_space<vmem>>
      %dma_start3A_409 = tpu.memref_squeeze %dma_start3A_408 : memref<1x128xi32, #tpu.memory_space<vmem>> -> memref<128xi32, #tpu.memory_space<vmem>>
      %dma_start3A_410 = arith.constant 0 : i32
      %dma_start3A_411 = arith.constant 0 : i32
      %dma_start3A_412 = tpu.memref_slice %arg2[%dma_start3A_410, %dma_start3A_411] : memref<10000x128xf32, #tpu.memory_space<hbm>> -> memref<10000x128xf32, #tpu.memory_space<hbm>>
      tpu.enqueue_indirect_dma source(%dma_start3A_412 : memref<10000x128xf32, #tpu.memory_space<hbm>>) target(%arg12 : memref<128x128xf32, #tpu.memory_space<vmem>>) offsets(%dma_start3A_409 : memref<128xi32, #tpu.memory_space<vmem>>) semaphore(%arg20 : memref<!tpu.dma_semaphore, #tpu.memory_space<semaphore_mem>>)
      %dma_start3A_413 = arith.constant 1 : i32
      %dma_start3A_414 = arith.constant 0 : i32
      %dma_start3A_415 = tpu.memref_slice %arg10[%dma_start3A_413, %dma_start3A_414] : memref<2x128xi32, #tpu.memory_space<vmem>> -> memref<1x128xi32, #tpu.memory_space<vmem>>
      %dma_start3A_416 = tpu.memref_squeeze %dma_start3A_415 : memref<1x128xi32, #tpu.memory_space<vmem>> -> memref<128xi32, #tpu.memory_space<vmem>>
      %dma_start3A_417 = arith.constant 0 : i32
      %dma_start3A_418 = arith.constant 0 : i32
      %dma_start3A_419 = tpu.memref_slice %arg3[%dma_start3A_417, %dma_start3A_418] : memref<10000x128xf32, #tpu.memory_space<hbm>> -> memref<10000x128xf32, #tpu.memory_space<hbm>>
      tpu.enqueue_indirect_dma source(%dma_start3A_419 : memref<10000x128xf32, #tpu.memory_space<hbm>>) target(%arg14 : memref<128x128xf32, #tpu.memory_space<vmem>>) offsets(%dma_start3A_416 : memref<128xi32, #tpu.memory_space<vmem>>) semaphore(%arg20 : memref<!tpu.dma_semaphore, #tpu.memory_space<semaphore_mem>>)
      %mul3A_420 = arith.constant 2 : i32
      %mul3A_421 = arith.muli %mul3A_420, %scan3A_38 : i32
      %add3A_422 = arith.constant 1 : i32
      %add3A_423 = arith.addi %mul3A_421, %add3A_422 : i32
      %mul3A_424 = arith.constant 32 : i32
      %mul3A_425 = arith.muli %mul3A_424, %add3A_423 : i32
      %add3A_426 = arith.addi %add3A, %mul3A_425 : i32
      %rem3A_427 = arith.constant 2500 : i32
      %rem3A_428 = arith.remsi %add3A_426, %rem3A_427 : i32
      %mul3A_429 = arith.constant 128 : i32
      %mul3A_430 = arith.muli %rem3A_428, %mul3A_429 : i32
      %dma_wait3A_431 = arith.constant 0 : i32
      %dma_wait3A_432 = arith.constant 0 : i32
      %dma_wait3A_433 = tpu.memref_slice %arg11[%dma_wait3A_431, %dma_wait3A_432] : memref<2x128xi32, #tpu.memory_space<vmem>> -> memref<1x128xi32, #tpu.memory_space<vmem>>
      %dma_wait3A_434 = tpu.memref_squeeze %dma_wait3A_433 : memref<1x128xi32, #tpu.memory_space<vmem>> -> memref<128xi32, #tpu.memory_space<vmem>>
      %dma_wait3A_435 = arith.constant 0 : i32
      %dma_wait3A_436 = arith.constant 0 : i32
      %dma_wait3A_437 = tpu.memref_slice %arg2[%dma_wait3A_435, %dma_wait3A_436] : memref<10000x128xf32, #tpu.memory_space<hbm>> -> memref<10000x128xf32, #tpu.memory_space<hbm>>
      tpu.wait_indirect_dma semaphore(%arg21 : memref<!tpu.dma_semaphore, #tpu.memory_space<semaphore_mem>>) src(%dma_wait3A_437 : memref<10000x128xf32, #tpu.memory_space<hbm>>) dst(%arg13 : memref<128x128xf32, #tpu.memory_space<vmem>>)
      %dma_wait3A_438 = arith.constant 1 : i32
      %dma_wait3A_439 = arith.constant 0 : i32
      %dma_wait3A_440 = tpu.memref_slice %arg11[%dma_wait3A_438, %dma_wait3A_439] : memref<2x128xi32, #tpu.memory_space<vmem>> -> memref<1x128xi32, #tpu.memory_space<vmem>>
      %dma_wait3A_441 = tpu.memref_squeeze %dma_wait3A_440 : memref<1x128xi32, #tpu.memory_space<vmem>> -> memref<128xi32, #tpu.memory_space<vmem>>
      %dma_wait3A_442 = arith.constant 0 : i32
      %dma_wait3A_443 = arith.constant 0 : i32
      %dma_wait3A_444 = tpu.memref_slice %arg3[%dma_wait3A_442, %dma_wait3A_443] : memref<10000x128xf32, #tpu.memory_space<hbm>> -> memref<10000x128xf32, #tpu.memory_space<hbm>>
      tpu.wait_indirect_dma semaphore(%arg21 : memref<!tpu.dma_semaphore, #tpu.memory_space<semaphore_mem>>) src(%dma_wait3A_444 : memref<10000x128xf32, #tpu.memory_space<hbm>>) dst(%arg15 : memref<128x128xf32, #tpu.memory_space<vmem>>)
      %scan3A_445 = arith.constant 0 : i32
      %scan3A_446 = arith.constant 0 : i32
      %scan3A_447 = arith.constant 128 : i32
      %scan3A_448 = arith.addi %scan3A_446, %scan3A_447 : i32
      %scan3A_449 = arith.constant 1 : i32
      %scan3A_450 = scf.for %scan3A_757 = %scan3A_446 to %scan3A_448 step %scan3A_449 iter_args(%scan3A_758 = %scan3A_445) -> (i32)  : i32 {
        %get3A_759 = arith.index_cast %scan3A_757 : i32 to index
        %get3A_760 = arith.constant 0 : index
        %get3A_761 = tpu.vector_load %arg13[%get3A_759, %get3A_760] {strides = array<i32>} : memref<128x128xf32, #tpu.memory_space<vmem>>, vector<16xf32>,
        %get3A_762 = arith.index_cast %scan3A_757 : i32 to index
        %get3A_763 = arith.constant 0 : index
        %get3A_764 = tpu.vector_load %arg15[%get3A_762, %get3A_763] {strides = array<i32>} : memref<128x128xf32, #tpu.memory_space<vmem>>, vector<16xf32>,
        %add3A_765 = arith.addf %get3A_761, %get3A_764 : vector<16xf32>
        %swap3A_766 = arith.index_cast %scan3A_757 : i32 to index
        %swap3A_767 = arith.constant 0 : index
        %swap3A_768 = tpu.vector_load %arg13[%swap3A_766, %swap3A_767] {strides = array<i32>} : memref<128x128xf32, #tpu.memory_space<vmem>>, vector<16xf32>,
        tpu.vector_store %arg13[%swap3A_766, %swap3A_767], %add3A_765 {strides = array<i32>} : memref<128x128xf32, #tpu.memory_space<vmem>>, vector<16xf32>,
        %get3A_769 = arith.index_cast %scan3A_757 : i32 to index
        %get3A_770 = arith.constant 16 : index
        %get3A_771 = tpu.vector_load %arg13[%get3A_769, %get3A_770] {strides = array<i32>} : memref<128x128xf32, #tpu.memory_space<vmem>>, vector<16xf32>,
        %get3A_772 = arith.index_cast %scan3A_757 : i32 to index
        %get3A_773 = arith.constant 16 : index
        %get3A_774 = tpu.vector_load %arg15[%get3A_772, %get3A_773] {strides = array<i32>} : memref<128x128xf32, #tpu.memory_space<vmem>>, vector<16xf32>,
        %add3A_775 = arith.addf %get3A_771, %get3A_774 : vector<16xf32>
        %swap3A_776 = arith.index_cast %scan3A_757 : i32 to index
        %swap3A_777 = arith.constant 16 : index
        %swap3A_778 = tpu.vector_load %arg13[%swap3A_776, %swap3A_777] {strides = array<i32>} : memref<128x128xf32, #tpu.memory_space<vmem>>, vector<16xf32>,
        tpu.vector_store %arg13[%swap3A_776, %swap3A_777], %add3A_775 {strides = array<i32>} : memref<128x128xf32, #tpu.memory_space<vmem>>, vector<16xf32>,
        %get3A_779 = arith.index_cast %scan3A_757 : i32 to index
        %get3A_780 = arith.constant 32 : index
        %get3A_781 = tpu.vector_load %arg13[%get3A_779, %get3A_780] {strides = array<i32>} : memref<128x128xf32, #tpu.memory_space<vmem>>, vector<16xf32>,
        %get3A_782 = arith.index_cast %scan3A_757 : i32 to index
        %get3A_783 = arith.constant 32 : index
        %get3A_784 = tpu.vector_load %arg15[%get3A_782, %get3A_783] {strides = array<i32>} : memref<128x128xf32, #tpu.memory_space<vmem>>, vector<16xf32>,
        %add3A_785 = arith.addf %get3A_781, %get3A_784 : vector<16xf32>
        %swap3A_786 = arith.index_cast %scan3A_757 : i32 to index
        %swap3A_787 = arith.constant 32 : index
        %swap3A_788 = tpu.vector_load %arg13[%swap3A_786, %swap3A_787] {strides = array<i32>} : memref<128x128xf32, #tpu.memory_space<vmem>>, vector<16xf32>,
        tpu.vector_store %arg13[%swap3A_786, %swap3A_787], %add3A_785 {strides = array<i32>} : memref<128x128xf32, #tpu.memory_space<vmem>>, vector<16xf32>,
        %get3A_789 = arith.index_cast %scan3A_757 : i32 to index
        %get3A_790 = arith.constant 48 : index
        %get3A_791 = tpu.vector_load %arg13[%get3A_789, %get3A_790] {strides = array<i32>} : memref<128x128xf32, #tpu.memory_space<vmem>>, vector<16xf32>,
        %get3A_792 = arith.index_cast %scan3A_757 : i32 to index
        %get3A_793 = arith.constant 48 : index
        %get3A_794 = tpu.vector_load %arg15[%get3A_792, %get3A_793] {strides = array<i32>} : memref<128x128xf32, #tpu.memory_space<vmem>>, vector<16xf32>,
        %add3A_795 = arith.addf %get3A_791, %get3A_794 : vector<16xf32>
        %swap3A_796 = arith.index_cast %scan3A_757 : i32 to index
        %swap3A_797 = arith.constant 48 : index
        %swap3A_798 = tpu.vector_load %arg13[%swap3A_796, %swap3A_797] {strides = array<i32>} : memref<128x128xf32, #tpu.memory_space<vmem>>, vector<16xf32>,
        tpu.vector_store %arg13[%swap3A_796, %swap3A_797], %add3A_795 {strides = array<i32>} : memref<128x128xf32, #tpu.memory_space<vmem>>, vector<16xf32>,
        %get3A_799 = arith.index_cast %scan3A_757 : i32 to index
        %get3A_800 = arith.constant 64 : index
        %get3A_801 = tpu.vector_load %arg13[%get3A_799, %get3A_800] {strides = array<i32>} : memref<128x128xf32, #tpu.memory_space<vmem>>, vector<16xf32>,
        %get3A_802 = arith.index_cast %scan3A_757 : i32 to index
        %get3A_803 = arith.constant 64 : index
        %get3A_804 = tpu.vector_load %arg15[%get3A_802, %get3A_803] {strides = array<i32>} : memref<128x128xf32, #tpu.memory_space<vmem>>, vector<16xf32>,
        %add3A_805 = arith.addf %get3A_801, %get3A_804 : vector<16xf32>
        %swap3A_806 = arith.index_cast %scan3A_757 : i32 to index
        %swap3A_807 = arith.constant 64 : index
        %swap3A_808 = tpu.vector_load %arg13[%swap3A_806, %swap3A_807] {strides = array<i32>} : memref<128x128xf32, #tpu.memory_space<vmem>>, vector<16xf32>,
        tpu.vector_store %arg13[%swap3A_806, %swap3A_807], %add3A_805 {strides = array<i32>} : memref<128x128xf32, #tpu.memory_space<vmem>>, vector<16xf32>,
        %get3A_809 = arith.index_cast %scan3A_757 : i32 to index
        %get3A_810 = arith.constant 80 : index
        %get3A_811 = tpu.vector_load %arg13[%get3A_809, %get3A_810] {strides = array<i32>} : memref<128x128xf32, #tpu.memory_space<vmem>>, vector<16xf32>,
        %get3A_812 = arith.index_cast %scan3A_757 : i32 to index
        %get3A_813 = arith.constant 80 : index
        %get3A_814 = tpu.vector_load %arg15[%get3A_812, %get3A_813] {strides = array<i32>} : memref<128x128xf32, #tpu.memory_space<vmem>>, vector<16xf32>,
        %add3A_815 = arith.addf %get3A_811, %get3A_814 : vector<16xf32>
        %swap3A_816 = arith.index_cast %scan3A_757 : i32 to index
        %swap3A_817 = arith.constant 80 : index
        %swap3A_818 = tpu.vector_load %arg13[%swap3A_816, %swap3A_817] {strides = array<i32>} : memref<128x128xf32, #tpu.memory_space<vmem>>, vector<16xf32>,
        tpu.vector_store %arg13[%swap3A_816, %swap3A_817], %add3A_815 {strides = array<i32>} : memref<128x128xf32, #tpu.memory_space<vmem>>, vector<16xf32>,
        %get3A_819 = arith.index_cast %scan3A_757 : i32 to index
        %get3A_820 = arith.constant 96 : index
        %get3A_821 = tpu.vector_load %arg13[%get3A_819, %get3A_820] {strides = array<i32>} : memref<128x128xf32, #tpu.memory_space<vmem>>, vector<16xf32>,
        %get3A_822 = arith.index_cast %scan3A_757 : i32 to index
        %get3A_823 = arith.constant 96 : index
        %get3A_824 = tpu.vector_load %arg15[%get3A_822, %get3A_823] {strides = array<i32>} : memref<128x128xf32, #tpu.memory_space<vmem>>, vector<16xf32>,
        %add3A_825 = arith.addf %get3A_821, %get3A_824 : vector<16xf32>
        %swap3A_826 = arith.index_cast %scan3A_757 : i32 to index
        %swap3A_827 = arith.constant 96 : index
        %swap3A_828 = tpu.vector_load %arg13[%swap3A_826, %swap3A_827] {strides = array<i32>} : memref<128x128xf32, #tpu.memory_space<vmem>>, vector<16xf32>,
        tpu.vector_store %arg13[%swap3A_826, %swap3A_827], %add3A_825 {strides = array<i32>} : memref<128x128xf32, #tpu.memory_space<vmem>>, vector<16xf32>,
        %get3A_829 = arith.index_cast %scan3A_757 : i32 to index
        %get3A_830 = arith.constant 112 : index
        %get3A_831 = tpu.vector_load %arg13[%get3A_829, %get3A_830] {strides = array<i32>} : memref<128x128xf32, #tpu.memory_space<vmem>>, vector<16xf32>,
        %get3A_832 = arith.index_cast %scan3A_757 : i32 to index
        %get3A_833 = arith.constant 112 : index
        %get3A_834 = tpu.vector_load %arg15[%get3A_832, %get3A_833] {strides = array<i32>} : memref<128x128xf32, #tpu.memory_space<vmem>>, vector<16xf32>,
        %add3A_835 = arith.addf %get3A_831, %get3A_834 : vector<16xf32>
        %swap3A_836 = arith.index_cast %scan3A_757 : i32 to index
        %swap3A_837 = arith.constant 112 : index
        %swap3A_838 = tpu.vector_load %arg13[%swap3A_836, %swap3A_837] {strides = array<i32>} : memref<128x128xf32, #tpu.memory_space<vmem>>, vector<16xf32>,
        tpu.vector_store %arg13[%swap3A_836, %swap3A_837], %add3A_835 {strides = array<i32>} : memref<128x128xf32, #tpu.memory_space<vmem>>, vector<16xf32>,
        %scan3A_839 = arith.constant 0 : i32
        scf.yield %scan3A_839 : i32
      }
      %scan3A_451 = arith.constant 128 : i32
      %get3A_452 = arith.constant 0 : i32
      %get3A_453 = arith.index_cast %get3A_452 : i32 to index
      %get3A_454 = arith.constant 0 : index
      %get3A_455 = tpu.vector_load %arg11[%get3A_453, %get3A_454] {strides = array<i32>} : memref<2x128xi32, #tpu.memory_space<vmem>>, vector<16xi32>,
      %get3A_456 = arith.constant 1 : i32
      %get3A_457 = arith.index_cast %get3A_456 : i32 to index
      %get3A_458 = arith.constant 0 : index
      %get3A_459 = tpu.vector_load %arg11[%get3A_457, %get3A_458] {strides = array<i32>} : memref<2x128xi32, #tpu.memory_space<vmem>>, vector<16xi32>,
      %gather3A_460 = tpu.vector_load_idx %arg16[%get3A_455] : memref<10000xf32, #tpu.memory_space<vmem>>[vector<16xi32>], vector<16xf32>,
      %gather3A_461 = tpu.vector_load_idx %arg16[%get3A_459] : memref<10000xf32, #tpu.memory_space<vmem>>[vector<16xi32>], vector<16xf32>,
      %sub3A_462 = arith.subf %gather3A_460, %gather3A_461 : vector<16xf32>
      %gather3A_463 = tpu.vector_load_idx %arg17[%get3A_455] : memref<10000xf32, #tpu.memory_space<vmem>>[vector<16xi32>], vector<16xf32>,
      %gather3A_464 = tpu.vector_load_idx %arg17[%get3A_459] : memref<10000xf32, #tpu.memory_space<vmem>>[vector<16xi32>], vector<16xf32>,
      %sub3A_465 = arith.subf %gather3A_463, %gather3A_464 : vector<16xf32>
      %gather3A_466 = tpu.vector_load_idx %arg18[%get3A_455] : memref<10000xf32, #tpu.memory_space<vmem>>[vector<16xi32>], vector<16xf32>,
      %gather3A_467 = tpu.vector_load_idx %arg18[%get3A_459] : memref<10000xf32, #tpu.memory_space<vmem>>[vector<16xi32>], vector<16xf32>,
      %sub3A_468 = arith.subf %gather3A_466, %gather3A_467 : vector<16xf32>
      %swap3A_469 = arith.constant 0 : i32
      %swap3A_470 = arith.index_cast %swap3A_469 : i32 to index
      %swap3A_471 = arith.constant 0 : index
      %swap3A_472 = tpu.vector_load %arg19[%swap3A_470, %swap3A_471] {strides = array<i32>} : memref<4x128xf32, #tpu.memory_space<vmem>>, vector<16xf32>,
      tpu.vector_store %arg19[%swap3A_470, %swap3A_471], %sub3A_462 {strides = array<i32>} : memref<4x128xf32, #tpu.memory_space<vmem>>, vector<16xf32>,
      %swap3A_473 = arith.constant 1 : i32
      %swap3A_474 = arith.index_cast %swap3A_473 : i32 to index
      %swap3A_475 = arith.constant 0 : index
      %swap3A_476 = tpu.vector_load %arg19[%swap3A_474, %swap3A_475] {strides = array<i32>} : memref<4x128xf32, #tpu.memory_space<vmem>>, vector<16xf32>,
      tpu.vector_store %arg19[%swap3A_474, %swap3A_475], %sub3A_465 {strides = array<i32>} : memref<4x128xf32, #tpu.memory_space<vmem>>, vector<16xf32>,
      %swap3A_477 = arith.constant 2 : i32
      %swap3A_478 = arith.index_cast %swap3A_477 : i32 to index
      %swap3A_479 = arith.constant 0 : index
      %swap3A_480 = tpu.vector_load %arg19[%swap3A_478, %swap3A_479] {strides = array<i32>} : memref<4x128xf32, #tpu.memory_space<vmem>>, vector<16xf32>,
      tpu.vector_store %arg19[%swap3A_478, %swap3A_479], %sub3A_468 {strides = array<i32>} : memref<4x128xf32, #tpu.memory_space<vmem>>, vector<16xf32>,
      %mul3A_481 = arith.mulf %sub3A_462, %sub3A_462 : vector<16xf32>
      %mul3A_482 = arith.mulf %sub3A_465, %sub3A_465 : vector<16xf32>
      %add3A_483 = arith.addf %mul3A_481, %mul3A_482 : vector<16xf32>
      %mul3A_484 = arith.mulf %sub3A_468, %sub3A_468 : vector<16xf32>
      %add3A_485 = arith.addf %add3A_483, %mul3A_484 : vector<16xf32>
      %swap3A_486 = arith.constant 3 : i32
      %swap3A_487 = arith.index_cast %swap3A_486 : i32 to index
      %swap3A_488 = arith.constant 0 : index
      %swap3A_489 = tpu.vector_load %arg19[%swap3A_487, %swap3A_488] {strides = array<i32>} : memref<4x128xf32, #tpu.memory_space<vmem>>, vector<16xf32>,
      tpu.vector_store %arg19[%swap3A_487, %swap3A_488], %add3A_485 {strides = array<i32>} : memref<4x128xf32, #tpu.memory_space<vmem>>, vector<16xf32>,
      %get3A_490 = arith.constant 0 : i32
      %get3A_491 = arith.index_cast %get3A_490 : i32 to index
      %get3A_492 = arith.constant 16 : index
      %get3A_493 = tpu.vector_load %arg11[%get3A_491, %get3A_492] {strides = array<i32>} : memref<2x128xi32, #tpu.memory_space<vmem>>, vector<16xi32>,
      %get3A_494 = arith.constant 1 : i32
      %get3A_495 = arith.index_cast %get3A_494 : i32 to index
      %get3A_496 = arith.constant 16 : index
      %get3A_497 = tpu.vector_load %arg11[%get3A_495, %get3A_496] {strides = array<i32>} : memref<2x128xi32, #tpu.memory_space<vmem>>, vector<16xi32>,
      %gather3A_498 = tpu.vector_load_idx %arg16[%get3A_493] : memref<10000xf32, #tpu.memory_space<vmem>>[vector<16xi32>], vector<16xf32>,
      %gather3A_499 = tpu.vector_load_idx %arg16[%get3A_497] : memref<10000xf32, #tpu.memory_space<vmem>>[vector<16xi32>], vector<16xf32>,
      %sub3A_500 = arith.subf %gather3A_498, %gather3A_499 : vector<16xf32>
      %gather3A_501 = tpu.vector_load_idx %arg17[%get3A_493] : memref<10000xf32, #tpu.memory_space<vmem>>[vector<16xi32>], vector<16xf32>,
      %gather3A_502 = tpu.vector_load_idx %arg17[%get3A_497] : memref<10000xf32, #tpu.memory_space<vmem>>[vector<16xi32>], vector<16xf32>,
      %sub3A_503 = arith.subf %gather3A_501, %gather3A_502 : vector<16xf32>
      %gather3A_504 = tpu.vector_load_idx %arg18[%get3A_493] : memref<10000xf32, #tpu.memory_space<vmem>>[vector<16xi32>], vector<16xf32>,
      %gather3A_505 = tpu.vector_load_idx %arg18[%get3A_497] : memref<10000xf32, #tpu.memory_space<vmem>>[vector<16xi32>], vector<16xf32>,
      %sub3A_506 = arith.subf %gather3A_504, %gather3A_505 : vector<16xf32>
      %swap3A_507 = arith.constant 0 : i32
      %swap3A_508 = arith.index_cast %swap3A_507 : i32 to index
      %swap3A_509 = arith.constant 16 : index
      %swap3A_510 = tpu.vector_load %arg19[%swap3A_508, %swap3A_509] {strides = array<i32>} : memref<4x128xf32, #tpu.memory_space<vmem>>, vector<16xf32>,
      tpu.vector_store %arg19[%swap3A_508, %swap3A_509], %sub3A_500 {strides = array<i32>} : memref<4x128xf32, #tpu.memory_space<vmem>>, vector<16xf32>,
      %swap3A_511 = arith.constant 1 : i32
      %swap3A_512 = arith.index_cast %swap3A_511 : i32 to index
      %swap3A_513 = arith.constant 16 : index
      %swap3A_514 = tpu.vector_load %arg19[%swap3A_512, %swap3A_513] {strides = array<i32>} : memref<4x128xf32, #tpu.memory_space<vmem>>, vector<16xf32>,
      tpu.vector_store %arg19[%swap3A_512, %swap3A_513], %sub3A_503 {strides = array<i32>} : memref<4x128xf32, #tpu.memory_space<vmem>>, vector<16xf32>,
      %swap3A_515 = arith.constant 2 : i32
      %swap3A_516 = arith.index_cast %swap3A_515 : i32 to index
      %swap3A_517 = arith.constant 16 : index
      %swap3A_518 = tpu.vector_load %arg19[%swap3A_516, %swap3A_517] {strides = array<i32>} : memref<4x128xf32, #tpu.memory_space<vmem>>, vector<16xf32>,
      tpu.vector_store %arg19[%swap3A_516, %swap3A_517], %sub3A_506 {strides = array<i32>} : memref<4x128xf32, #tpu.memory_space<vmem>>, vector<16xf32>,
      %mul3A_519 = arith.mulf %sub3A_500, %sub3A_500 : vector<16xf32>
      %mul3A_520 = arith.mulf %sub3A_503, %sub3A_503 : vector<16xf32>
      %add3A_521 = arith.addf %mul3A_519, %mul3A_520 : vector<16xf32>
      %mul3A_522 = arith.mulf %sub3A_506, %sub3A_506 : vector<16xf32>
      %add3A_523 = arith.addf %add3A_521, %mul3A_522 : vector<16xf32>
      %swap3A_524 = arith.constant 3 : i32
      %swap3A_525 = arith.index_cast %swap3A_524 : i32 to index
      %swap3A_526 = arith.constant 16 : index
      %swap3A_527 = tpu.vector_load %arg19[%swap3A_525, %swap3A_526] {strides = array<i32>} : memref<4x128xf32, #tpu.memory_space<vmem>>, vector<16xf32>,
      tpu.vector_store %arg19[%swap3A_525, %swap3A_526], %add3A_523 {strides = array<i32>} : memref<4x128xf32, #tpu.memory_space<vmem>>, vector<16xf32>,
      %get3A_528 = arith.constant 0 : i32
      %get3A_529 = arith.index_cast %get3A_528 : i32 to index
      %get3A_530 = arith.constant 32 : index
      %get3A_531 = tpu.vector_load %arg11[%get3A_529, %get3A_530] {strides = array<i32>} : memref<2x128xi32, #tpu.memory_space<vmem>>, vector<16xi32>,
      %get3A_532 = arith.constant 1 : i32
      %get3A_533 = arith.index_cast %get3A_532 : i32 to index
      %get3A_534 = arith.constant 32 : index
      %get3A_535 = tpu.vector_load %arg11[%get3A_533, %get3A_534] {strides = array<i32>} : memref<2x128xi32, #tpu.memory_space<vmem>>, vector<16xi32>,
      %gather3A_536 = tpu.vector_load_idx %arg16[%get3A_531] : memref<10000xf32, #tpu.memory_space<vmem>>[vector<16xi32>], vector<16xf32>,
      %gather3A_537 = tpu.vector_load_idx %arg16[%get3A_535] : memref<10000xf32, #tpu.memory_space<vmem>>[vector<16xi32>], vector<16xf32>,
      %sub3A_538 = arith.subf %gather3A_536, %gather3A_537 : vector<16xf32>
      %gather3A_539 = tpu.vector_load_idx %arg17[%get3A_531] : memref<10000xf32, #tpu.memory_space<vmem>>[vector<16xi32>], vector<16xf32>,
      %gather3A_540 = tpu.vector_load_idx %arg17[%get3A_535] : memref<10000xf32, #tpu.memory_space<vmem>>[vector<16xi32>], vector<16xf32>,
      %sub3A_541 = arith.subf %gather3A_539, %gather3A_540 : vector<16xf32>
      %gather3A_542 = tpu.vector_load_idx %arg18[%get3A_531] : memref<10000xf32, #tpu.memory_space<vmem>>[vector<16xi32>], vector<16xf32>,
      %gather3A_543 = tpu.vector_load_idx %arg18[%get3A_535] : memref<10000xf32, #tpu.memory_space<vmem>>[vector<16xi32>], vector<16xf32>,
      %sub3A_544 = arith.subf %gather3A_542, %gather3A_543 : vector<16xf32>
      %swap3A_545 = arith.constant 0 : i32
      %swap3A_546 = arith.index_cast %swap3A_545 : i32 to index
      %swap3A_547 = arith.constant 32 : index
      %swap3A_548 = tpu.vector_load %arg19[%swap3A_546, %swap3A_547] {strides = array<i32>} : memref<4x128xf32, #tpu.memory_space<vmem>>, vector<16xf32>,
      tpu.vector_store %arg19[%swap3A_546, %swap3A_547], %sub3A_538 {strides = array<i32>} : memref<4x128xf32, #tpu.memory_space<vmem>>, vector<16xf32>,
      %swap3A_549 = arith.constant 1 : i32
      %swap3A_550 = arith.index_cast %swap3A_549 : i32 to index
      %swap3A_551 = arith.constant 32 : index
      %swap3A_552 = tpu.vector_load %arg19[%swap3A_550, %swap3A_551] {strides = array<i32>} : memref<4x128xf32, #tpu.memory_space<vmem>>, vector<16xf32>,
      tpu.vector_store %arg19[%swap3A_550, %swap3A_551], %sub3A_541 {strides = array<i32>} : memref<4x128xf32, #tpu.memory_space<vmem>>, vector<16xf32>,
      %swap3A_553 = arith.constant 2 : i32
      %swap3A_554 = arith.index_cast %swap3A_553 : i32 to index
      %swap3A_555 = arith.constant 32 : index
      %swap3A_556 = tpu.vector_load %arg19[%swap3A_554, %swap3A_555] {strides = array<i32>} : memref<4x128xf32, #tpu.memory_space<vmem>>, vector<16xf32>,
      tpu.vector_store %arg19[%swap3A_554, %swap3A_555], %sub3A_544 {strides = array<i32>} : memref<4x128xf32, #tpu.memory_space<vmem>>, vector<16xf32>,
      %mul3A_557 = arith.mulf %sub3A_538, %sub3A_538 : vector<16xf32>
      %mul3A_558 = arith.mulf %sub3A_541, %sub3A_541 : vector<16xf32>
      %add3A_559 = arith.addf %mul3A_557, %mul3A_558 : vector<16xf32>
      %mul3A_560 = arith.mulf %sub3A_544, %sub3A_544 : vector<16xf32>
      %add3A_561 = arith.addf %add3A_559, %mul3A_560 : vector<16xf32>
      %swap3A_562 = arith.constant 3 : i32
      %swap3A_563 = arith.index_cast %swap3A_562 : i32 to index
      %swap3A_564 = arith.constant 32 : index
      %swap3A_565 = tpu.vector_load %arg19[%swap3A_563, %swap3A_564] {strides = array<i32>} : memref<4x128xf32, #tpu.memory_space<vmem>>, vector<16xf32>,
      tpu.vector_store %arg19[%swap3A_563, %swap3A_564], %add3A_561 {strides = array<i32>} : memref<4x128xf32, #tpu.memory_space<vmem>>, vector<16xf32>,
      %get3A_566 = arith.constant 0 : i32
      %get3A_567 = arith.index_cast %get3A_566 : i32 to index
      %get3A_568 = arith.constant 48 : index
      %get3A_569 = tpu.vector_load %arg11[%get3A_567, %get3A_568] {strides = array<i32>} : memref<2x128xi32, #tpu.memory_space<vmem>>, vector<16xi32>,
      %get3A_570 = arith.constant 1 : i32
      %get3A_571 = arith.index_cast %get3A_570 : i32 to index
      %get3A_572 = arith.constant 48 : index
      %get3A_573 = tpu.vector_load %arg11[%get3A_571, %get3A_572] {strides = array<i32>} : memref<2x128xi32, #tpu.memory_space<vmem>>, vector<16xi32>,
      %gather3A_574 = tpu.vector_load_idx %arg16[%get3A_569] : memref<10000xf32, #tpu.memory_space<vmem>>[vector<16xi32>], vector<16xf32>,
      %gather3A_575 = tpu.vector_load_idx %arg16[%get3A_573] : memref<10000xf32, #tpu.memory_space<vmem>>[vector<16xi32>], vector<16xf32>,
      %sub3A_576 = arith.subf %gather3A_574, %gather3A_575 : vector<16xf32>
      %gather3A_577 = tpu.vector_load_idx %arg17[%get3A_569] : memref<10000xf32, #tpu.memory_space<vmem>>[vector<16xi32>], vector<16xf32>,
      %gather3A_578 = tpu.vector_load_idx %arg17[%get3A_573] : memref<10000xf32, #tpu.memory_space<vmem>>[vector<16xi32>], vector<16xf32>,
      %sub3A_579 = arith.subf %gather3A_577, %gather3A_578 : vector<16xf32>
      %gather3A_580 = tpu.vector_load_idx %arg18[%get3A_569] : memref<10000xf32, #tpu.memory_space<vmem>>[vector<16xi32>], vector<16xf32>,
      %gather3A_581 = tpu.vector_load_idx %arg18[%get3A_573] : memref<10000xf32, #tpu.memory_space<vmem>>[vector<16xi32>], vector<16xf32>,
      %sub3A_582 = arith.subf %gather3A_580, %gather3A_581 : vector<16xf32>
      %swap3A_583 = arith.constant 0 : i32
      %swap3A_584 = arith.index_cast %swap3A_583 : i32 to index
      %swap3A_585 = arith.constant 48 : index
      %swap3A_586 = tpu.vector_load %arg19[%swap3A_584, %swap3A_585] {strides = array<i32>} : memref<4x128xf32, #tpu.memory_space<vmem>>, vector<16xf32>,
      tpu.vector_store %arg19[%swap3A_584, %swap3A_585], %sub3A_576 {strides = array<i32>} : memref<4x128xf32, #tpu.memory_space<vmem>>, vector<16xf32>,
      %swap3A_587 = arith.constant 1 : i32
      %swap3A_588 = arith.index_cast %swap3A_587 : i32 to index
      %swap3A_589 = arith.constant 48 : index
      %swap3A_590 = tpu.vector_load %arg19[%swap3A_588, %swap3A_589] {strides = array<i32>} : memref<4x128xf32, #tpu.memory_space<vmem>>, vector<16xf32>,
      tpu.vector_store %arg19[%swap3A_588, %swap3A_589], %sub3A_579 {strides = array<i32>} : memref<4x128xf32, #tpu.memory_space<vmem>>, vector<16xf32>,
      %swap3A_591 = arith.constant 2 : i32
      %swap3A_592 = arith.index_cast %swap3A_591 : i32 to index
      %swap3A_593 = arith.constant 48 : index
      %swap3A_594 = tpu.vector_load %arg19[%swap3A_592, %swap3A_593] {strides = array<i32>} : memref<4x128xf32, #tpu.memory_space<vmem>>, vector<16xf32>,
      tpu.vector_store %arg19[%swap3A_592, %swap3A_593], %sub3A_582 {strides = array<i32>} : memref<4x128xf32, #tpu.memory_space<vmem>>, vector<16xf32>,
      %mul3A_595 = arith.mulf %sub3A_576, %sub3A_576 : vector<16xf32>
      %mul3A_596 = arith.mulf %sub3A_579, %sub3A_579 : vector<16xf32>
      %add3A_597 = arith.addf %mul3A_595, %mul3A_596 : vector<16xf32>
      %mul3A_598 = arith.mulf %sub3A_582, %sub3A_582 : vector<16xf32>
      %add3A_599 = arith.addf %add3A_597, %mul3A_598 : vector<16xf32>
      %swap3A_600 = arith.constant 3 : i32
      %swap3A_601 = arith.index_cast %swap3A_600 : i32 to index
      %swap3A_602 = arith.constant 48 : index
      %swap3A_603 = tpu.vector_load %arg19[%swap3A_601, %swap3A_602] {strides = array<i32>} : memref<4x128xf32, #tpu.memory_space<vmem>>, vector<16xf32>,
      tpu.vector_store %arg19[%swap3A_601, %swap3A_602], %add3A_599 {strides = array<i32>} : memref<4x128xf32, #tpu.memory_space<vmem>>, vector<16xf32>,
      %get3A_604 = arith.constant 0 : i32
      %get3A_605 = arith.index_cast %get3A_604 : i32 to index
      %get3A_606 = arith.constant 64 : index
      %get3A_607 = tpu.vector_load %arg11[%get3A_605, %get3A_606] {strides = array<i32>} : memref<2x128xi32, #tpu.memory_space<vmem>>, vector<16xi32>,
      %get3A_608 = arith.constant 1 : i32
      %get3A_609 = arith.index_cast %get3A_608 : i32 to index
      %get3A_610 = arith.constant 64 : index
      %get3A_611 = tpu.vector_load %arg11[%get3A_609, %get3A_610] {strides = array<i32>} : memref<2x128xi32, #tpu.memory_space<vmem>>, vector<16xi32>,
      %gather3A_612 = tpu.vector_load_idx %arg16[%get3A_607] : memref<10000xf32, #tpu.memory_space<vmem>>[vector<16xi32>], vector<16xf32>,
      %gather3A_613 = tpu.vector_load_idx %arg16[%get3A_611] : memref<10000xf32, #tpu.memory_space<vmem>>[vector<16xi32>], vector<16xf32>,
      %sub3A_614 = arith.subf %gather3A_612, %gather3A_613 : vector<16xf32>
      %gather3A_615 = tpu.vector_load_idx %arg17[%get3A_607] : memref<10000xf32, #tpu.memory_space<vmem>>[vector<16xi32>], vector<16xf32>,
      %gather3A_616 = tpu.vector_load_idx %arg17[%get3A_611] : memref<10000xf32, #tpu.memory_space<vmem>>[vector<16xi32>], vector<16xf32>,
      %sub3A_617 = arith.subf %gather3A_615, %gather3A_616 : vector<16xf32>
      %gather3A_618 = tpu.vector_load_idx %arg18[%get3A_607] : memref<10000xf32, #tpu.memory_space<vmem>>[vector<16xi32>], vector<16xf32>,
      %gather3A_619 = tpu.vector_load_idx %arg18[%get3A_611] : memref<10000xf32, #tpu.memory_space<vmem>>[vector<16xi32>], vector<16xf32>,
      %sub3A_620 = arith.subf %gather3A_618, %gather3A_619 : vector<16xf32>
      %swap3A_621 = arith.constant 0 : i32
      %swap3A_622 = arith.index_cast %swap3A_621 : i32 to index
      %swap3A_623 = arith.constant 64 : index
      %swap3A_624 = tpu.vector_load %arg19[%swap3A_622, %swap3A_623] {strides = array<i32>} : memref<4x128xf32, #tpu.memory_space<vmem>>, vector<16xf32>,
      tpu.vector_store %arg19[%swap3A_622, %swap3A_623], %sub3A_614 {strides = array<i32>} : memref<4x128xf32, #tpu.memory_space<vmem>>, vector<16xf32>,
      %swap3A_625 = arith.constant 1 : i32
      %swap3A_626 = arith.index_cast %swap3A_625 : i32 to index
      %swap3A_627 = arith.constant 64 : index
      %swap3A_628 = tpu.vector_load %arg19[%swap3A_626, %swap3A_627] {strides = array<i32>} : memref<4x128xf32, #tpu.memory_space<vmem>>, vector<16xf32>,
      tpu.vector_store %arg19[%swap3A_626, %swap3A_627], %sub3A_617 {strides = array<i32>} : memref<4x128xf32, #tpu.memory_space<vmem>>, vector<16xf32>,
      %swap3A_629 = arith.constant 2 : i32
      %swap3A_630 = arith.index_cast %swap3A_629 : i32 to index
      %swap3A_631 = arith.constant 64 : index
      %swap3A_632 = tpu.vector_load %arg19[%swap3A_630, %swap3A_631] {strides = array<i32>} : memref<4x128xf32, #tpu.memory_space<vmem>>, vector<16xf32>,
      tpu.vector_store %arg19[%swap3A_630, %swap3A_631], %sub3A_620 {strides = array<i32>} : memref<4x128xf32, #tpu.memory_space<vmem>>, vector<16xf32>,
      %mul3A_633 = arith.mulf %sub3A_614, %sub3A_614 : vector<16xf32>
      %mul3A_634 = arith.mulf %sub3A_617, %sub3A_617 : vector<16xf32>
      %add3A_635 = arith.addf %mul3A_633, %mul3A_634 : vector<16xf32>
      %mul3A_636 = arith.mulf %sub3A_620, %sub3A_620 : vector<16xf32>
      %add3A_637 = arith.addf %add3A_635, %mul3A_636 : vector<16xf32>
      %swap3A_638 = arith.constant 3 : i32
      %swap3A_639 = arith.index_cast %swap3A_638 : i32 to index
      %swap3A_640 = arith.constant 64 : index
      %swap3A_641 = tpu.vector_load %arg19[%swap3A_639, %swap3A_640] {strides = array<i32>} : memref<4x128xf32, #tpu.memory_space<vmem>>, vector<16xf32>,
      tpu.vector_store %arg19[%swap3A_639, %swap3A_640], %add3A_637 {strides = array<i32>} : memref<4x128xf32, #tpu.memory_space<vmem>>, vector<16xf32>,
      %get3A_642 = arith.constant 0 : i32
      %get3A_643 = arith.index_cast %get3A_642 : i32 to index
      %get3A_644 = arith.constant 80 : index
      %get3A_645 = tpu.vector_load %arg11[%get3A_643, %get3A_644] {strides = array<i32>} : memref<2x128xi32, #tpu.memory_space<vmem>>, vector<16xi32>,
      %get3A_646 = arith.constant 1 : i32
      %get3A_647 = arith.index_cast %get3A_646 : i32 to index
      %get3A_648 = arith.constant 80 : index
      %get3A_649 = tpu.vector_load %arg11[%get3A_647, %get3A_648] {strides = array<i32>} : memref<2x128xi32, #tpu.memory_space<vmem>>, vector<16xi32>,
      %gather3A_650 = tpu.vector_load_idx %arg16[%get3A_645] : memref<10000xf32, #tpu.memory_space<vmem>>[vector<16xi32>], vector<16xf32>,
      %gather3A_651 = tpu.vector_load_idx %arg16[%get3A_649] : memref<10000xf32, #tpu.memory_space<vmem>>[vector<16xi32>], vector<16xf32>,
      %sub3A_652 = arith.subf %gather3A_650, %gather3A_651 : vector<16xf32>
      %gather3A_653 = tpu.vector_load_idx %arg17[%get3A_645] : memref<10000xf32, #tpu.memory_space<vmem>>[vector<16xi32>], vector<16xf32>,
      %gather3A_654 = tpu.vector_load_idx %arg17[%get3A_649] : memref<10000xf32, #tpu.memory_space<vmem>>[vector<16xi32>], vector<16xf32>,
      %sub3A_655 = arith.subf %gather3A_653, %gather3A_654 : vector<16xf32>
      %gather3A_656 = tpu.vector_load_idx %arg18[%get3A_645] : memref<10000xf32, #tpu.memory_space<vmem>>[vector<16xi32>], vector<16xf32>,
      %gather3A_657 = tpu.vector_load_idx %arg18[%get3A_649] : memref<10000xf32, #tpu.memory_space<vmem>>[vector<16xi32>], vector<16xf32>,
      %sub3A_658 = arith.subf %gather3A_656, %gather3A_657 : vector<16xf32>
      %swap3A_659 = arith.constant 0 : i32
      %swap3A_660 = arith.index_cast %swap3A_659 : i32 to index
      %swap3A_661 = arith.constant 80 : index
      %swap3A_662 = tpu.vector_load %arg19[%swap3A_660, %swap3A_661] {strides = array<i32>} : memref<4x128xf32, #tpu.memory_space<vmem>>, vector<16xf32>,
      tpu.vector_store %arg19[%swap3A_660, %swap3A_661], %sub3A_652 {strides = array<i32>} : memref<4x128xf32, #tpu.memory_space<vmem>>, vector<16xf32>,
      %swap3A_663 = arith.constant 1 : i32
      %swap3A_664 = arith.index_cast %swap3A_663 : i32 to index
      %swap3A_665 = arith.constant 80 : index
      %swap3A_666 = tpu.vector_load %arg19[%swap3A_664, %swap3A_665] {strides = array<i32>} : memref<4x128xf32, #tpu.memory_space<vmem>>, vector<16xf32>,
      tpu.vector_store %arg19[%swap3A_664, %swap3A_665], %sub3A_655 {strides = array<i32>} : memref<4x128xf32, #tpu.memory_space<vmem>>, vector<16xf32>,
      %swap3A_667 = arith.constant 2 : i32
      %swap3A_668 = arith.index_cast %swap3A_667 : i32 to index
      %swap3A_669 = arith.constant 80 : index
      %swap3A_670 = tpu.vector_load %arg19[%swap3A_668, %swap3A_669] {strides = array<i32>} : memref<4x128xf32, #tpu.memory_space<vmem>>, vector<16xf32>,
      tpu.vector_store %arg19[%swap3A_668, %swap3A_669], %sub3A_658 {strides = array<i32>} : memref<4x128xf32, #tpu.memory_space<vmem>>, vector<16xf32>,
      %mul3A_671 = arith.mulf %sub3A_652, %sub3A_652 : vector<16xf32>
      %mul3A_672 = arith.mulf %sub3A_655, %sub3A_655 : vector<16xf32>
      %add3A_673 = arith.addf %mul3A_671, %mul3A_672 : vector<16xf32>
      %mul3A_674 = arith.mulf %sub3A_658, %sub3A_658 : vector<16xf32>
      %add3A_675 = arith.addf %add3A_673, %mul3A_674 : vector<16xf32>
      %swap3A_676 = arith.constant 3 : i32
      %swap3A_677 = arith.index_cast %swap3A_676 : i32 to index
      %swap3A_678 = arith.constant 80 : index
      %swap3A_679 = tpu.vector_load %arg19[%swap3A_677, %swap3A_678] {strides = array<i32>} : memref<4x128xf32, #tpu.memory_space<vmem>>, vector<16xf32>,
      tpu.vector_store %arg19[%swap3A_677, %swap3A_678], %add3A_675 {strides = array<i32>} : memref<4x128xf32, #tpu.memory_space<vmem>>, vector<16xf32>,
      %get3A_680 = arith.constant 0 : i32
      %get3A_681 = arith.index_cast %get3A_680 : i32 to index
      %get3A_682 = arith.constant 96 : index
      %get3A_683 = tpu.vector_load %arg11[%get3A_681, %get3A_682] {strides = array<i32>} : memref<2x128xi32, #tpu.memory_space<vmem>>, vector<16xi32>,
      %get3A_684 = arith.constant 1 : i32
      %get3A_685 = arith.index_cast %get3A_684 : i32 to index
      %get3A_686 = arith.constant 96 : index
      %get3A_687 = tpu.vector_load %arg11[%get3A_685, %get3A_686] {strides = array<i32>} : memref<2x128xi32, #tpu.memory_space<vmem>>, vector<16xi32>,
      %gather3A_688 = tpu.vector_load_idx %arg16[%get3A_683] : memref<10000xf32, #tpu.memory_space<vmem>>[vector<16xi32>], vector<16xf32>,
      %gather3A_689 = tpu.vector_load_idx %arg16[%get3A_687] : memref<10000xf32, #tpu.memory_space<vmem>>[vector<16xi32>], vector<16xf32>,
      %sub3A_690 = arith.subf %gather3A_688, %gather3A_689 : vector<16xf32>
      %gather3A_691 = tpu.vector_load_idx %arg17[%get3A_683] : memref<10000xf32, #tpu.memory_space<vmem>>[vector<16xi32>], vector<16xf32>,
      %gather3A_692 = tpu.vector_load_idx %arg17[%get3A_687] : memref<10000xf32, #tpu.memory_space<vmem>>[vector<16xi32>], vector<16xf32>,
      %sub3A_693 = arith.subf %gather3A_691, %gather3A_692 : vector<16xf32>
      %gather3A_694 = tpu.vector_load_idx %arg18[%get3A_683] : memref<10000xf32, #tpu.memory_space<vmem>>[vector<16xi32>], vector<16xf32>,
      %gather3A_695 = tpu.vector_load_idx %arg18[%get3A_687] : memref<10000xf32, #tpu.memory_space<vmem>>[vector<16xi32>], vector<16xf32>,
      %sub3A_696 = arith.subf %gather3A_694, %gather3A_695 : vector<16xf32>
      %swap3A_697 = arith.constant 0 : i32
      %swap3A_698 = arith.index_cast %swap3A_697 : i32 to index
      %swap3A_699 = arith.constant 96 : index
      %swap3A_700 = tpu.vector_load %arg19[%swap3A_698, %swap3A_699] {strides = array<i32>} : memref<4x128xf32, #tpu.memory_space<vmem>>, vector<16xf32>,
      tpu.vector_store %arg19[%swap3A_698, %swap3A_699], %sub3A_690 {strides = array<i32>} : memref<4x128xf32, #tpu.memory_space<vmem>>, vector<16xf32>,
      %swap3A_701 = arith.constant 1 : i32
      %swap3A_702 = arith.index_cast %swap3A_701 : i32 to index
      %swap3A_703 = arith.constant 96 : index
      %swap3A_704 = tpu.vector_load %arg19[%swap3A_702, %swap3A_703] {strides = array<i32>} : memref<4x128xf32, #tpu.memory_space<vmem>>, vector<16xf32>,
      tpu.vector_store %arg19[%swap3A_702, %swap3A_703], %sub3A_693 {strides = array<i32>} : memref<4x128xf32, #tpu.memory_space<vmem>>, vector<16xf32>,
      %swap3A_705 = arith.constant 2 : i32
      %swap3A_706 = arith.index_cast %swap3A_705 : i32 to index
      %swap3A_707 = arith.constant 96 : index
      %swap3A_708 = tpu.vector_load %arg19[%swap3A_706, %swap3A_707] {strides = array<i32>} : memref<4x128xf32, #tpu.memory_space<vmem>>, vector<16xf32>,
      tpu.vector_store %arg19[%swap3A_706, %swap3A_707], %sub3A_696 {strides = array<i32>} : memref<4x128xf32, #tpu.memory_space<vmem>>, vector<16xf32>,
      %mul3A_709 = arith.mulf %sub3A_690, %sub3A_690 : vector<16xf32>
      %mul3A_710 = arith.mulf %sub3A_693, %sub3A_693 : vector<16xf32>
      %add3A_711 = arith.addf %mul3A_709, %mul3A_710 : vector<16xf32>
      %mul3A_712 = arith.mulf %sub3A_696, %sub3A_696 : vector<16xf32>
      %add3A_713 = arith.addf %add3A_711, %mul3A_712 : vector<16xf32>
      %swap3A_714 = arith.constant 3 : i32
      %swap3A_715 = arith.index_cast %swap3A_714 : i32 to index
      %swap3A_716 = arith.constant 96 : index
      %swap3A_717 = tpu.vector_load %arg19[%swap3A_715, %swap3A_716] {strides = array<i32>} : memref<4x128xf32, #tpu.memory_space<vmem>>, vector<16xf32>,
      tpu.vector_store %arg19[%swap3A_715, %swap3A_716], %add3A_713 {strides = array<i32>} : memref<4x128xf32, #tpu.memory_space<vmem>>, vector<16xf32>,
      %get3A_718 = arith.constant 0 : i32
      %get3A_719 = arith.index_cast %get3A_718 : i32 to index
      %get3A_720 = arith.constant 112 : index
      %get3A_721 = tpu.vector_load %arg11[%get3A_719, %get3A_720] {strides = array<i32>} : memref<2x128xi32, #tpu.memory_space<vmem>>, vector<16xi32>,
      %get3A_722 = arith.constant 1 : i32
      %get3A_723 = arith.index_cast %get3A_722 : i32 to index
      %get3A_724 = arith.constant 112 : index
      %get3A_725 = tpu.vector_load %arg11[%get3A_723, %get3A_724] {strides = array<i32>} : memref<2x128xi32, #tpu.memory_space<vmem>>, vector<16xi32>,
      %gather3A_726 = tpu.vector_load_idx %arg16[%get3A_721] : memref<10000xf32, #tpu.memory_space<vmem>>[vector<16xi32>], vector<16xf32>,
      %gather3A_727 = tpu.vector_load_idx %arg16[%get3A_725] : memref<10000xf32, #tpu.memory_space<vmem>>[vector<16xi32>], vector<16xf32>,
      %sub3A_728 = arith.subf %gather3A_726, %gather3A_727 : vector<16xf32>
      %gather3A_729 = tpu.vector_load_idx %arg17[%get3A_721] : memref<10000xf32, #tpu.memory_space<vmem>>[vector<16xi32>], vector<16xf32>,
      %gather3A_730 = tpu.vector_load_idx %arg17[%get3A_725] : memref<10000xf32, #tpu.memory_space<vmem>>[vector<16xi32>], vector<16xf32>,
      %sub3A_731 = arith.subf %gather3A_729, %gather3A_730 : vector<16xf32>
      %gather3A_732 = tpu.vector_load_idx %arg18[%get3A_721] : memref<10000xf32, #tpu.memory_space<vmem>>[vector<16xi32>], vector<16xf32>,
      %gather3A_733 = tpu.vector_load_idx %arg18[%get3A_725] : memref<10000xf32, #tpu.memory_space<vmem>>[vector<16xi32>], vector<16xf32>,
      %sub3A_734 = arith.subf %gather3A_732, %gather3A_733 : vector<16xf32>
      %swap3A_735 = arith.constant 0 : i32
      %swap3A_736 = arith.index_cast %swap3A_735 : i32 to index
      %swap3A_737 = arith.constant 112 : index
      %swap3A_738 = tpu.vector_load %arg19[%swap3A_736, %swap3A_737] {strides = array<i32>} : memref<4x128xf32, #tpu.memory_space<vmem>>, vector<16xf32>,
      tpu.vector_store %arg19[%swap3A_736, %swap3A_737], %sub3A_728 {strides = array<i32>} : memref<4x128xf32, #tpu.memory_space<vmem>>, vector<16xf32>,
      %swap3A_739 = arith.constant 1 : i32
      %swap3A_740 = arith.index_cast %swap3A_739 : i32 to index
      %swap3A_741 = arith.constant 112 : index
      %swap3A_742 = tpu.vector_load %arg19[%swap3A_740, %swap3A_741] {strides = array<i32>} : memref<4x128xf32, #tpu.memory_space<vmem>>, vector<16xf32>,
      tpu.vector_store %arg19[%swap3A_740, %swap3A_741], %sub3A_731 {strides = array<i32>} : memref<4x128xf32, #tpu.memory_space<vmem>>, vector<16xf32>,
      %swap3A_743 = arith.constant 2 : i32
      %swap3A_744 = arith.index_cast %swap3A_743 : i32 to index
      %swap3A_745 = arith.constant 112 : index
      %swap3A_746 = tpu.vector_load %arg19[%swap3A_744, %swap3A_745] {strides = array<i32>} : memref<4x128xf32, #tpu.memory_space<vmem>>, vector<16xf32>,
      tpu.vector_store %arg19[%swap3A_744, %swap3A_745], %sub3A_734 {strides = array<i32>} : memref<4x128xf32, #tpu.memory_space<vmem>>, vector<16xf32>,
      %mul3A_747 = arith.mulf %sub3A_728, %sub3A_728 : vector<16xf32>
      %mul3A_748 = arith.mulf %sub3A_731, %sub3A_731 : vector<16xf32>
      %add3A_749 = arith.addf %mul3A_747, %mul3A_748 : vector<16xf32>
      %mul3A_750 = arith.mulf %sub3A_734, %sub3A_734 : vector<16xf32>
      %add3A_751 = arith.addf %add3A_749, %mul3A_750 : vector<16xf32>
      %swap3A_752 = arith.constant 3 : i32
      %swap3A_753 = arith.index_cast %swap3A_752 : i32 to index
      %swap3A_754 = arith.constant 112 : index
      %swap3A_755 = tpu.vector_load %arg19[%swap3A_753, %swap3A_754] {strides = array<i32>} : memref<4x128xf32, #tpu.memory_space<vmem>>, vector<16xf32>,
      tpu.vector_store %arg19[%swap3A_753, %swap3A_754], %add3A_751 {strides = array<i32>} : memref<4x128xf32, #tpu.memory_space<vmem>>, vector<16xf32>,
      "tpu.region"() ({
        %run_scoped3A = tpu.sem_alloc : memref<!tpu.dma_semaphore, #tpu.memory_space<semaphore_mem>>
        %dma_start3A_757 = arith.constant 0 : i32
        %dma_start3A_758 = tpu.memref_slice %arg8[%mul3A_430, %dma_start3A_757] : memref<320000x128xf32, #tpu.memory_space<hbm>> -> memref<128x128xf32, #tpu.memory_space<hbm>>
        %dma_start3A_759 = arith.constant 0 : i32
        %dma_start3A_760 = tpu.memref_slice %arg8[%mul3A_430, %dma_start3A_759] : memref<320000x128xf32, #tpu.memory_space<hbm>> -> memref<128x128xf32, #tpu.memory_space<hbm>>
        tpu.enqueue_dma source(%arg13 : memref<128x128xf32, #tpu.memory_space<vmem>>) target(%dma_start3A_760 : memref<128x128xf32, #tpu.memory_space<hbm>>) target_semaphore(%run_scoped3A : memref<!tpu.dma_semaphore, #tpu.memory_space<semaphore_mem>>)
        %dma_wait3A_761 = arith.constant 0 : i32
        %dma_wait3A_762 = tpu.memref_slice %arg8[%mul3A_430, %dma_wait3A_761] : memref<320000x128xf32, #tpu.memory_space<hbm>> -> memref<128x128xf32, #tpu.memory_space<hbm>>
        %dma_wait3A_763 = arith.constant 0 : i32
        %dma_wait3A_764 = tpu.memref_slice %arg8[%mul3A_430, %dma_wait3A_763] : memref<320000x128xf32, #tpu.memory_space<hbm>> -> memref<128x128xf32, #tpu.memory_space<hbm>>
        tpu.wait_dma2 semaphore(%run_scoped3A : memref<!tpu.dma_semaphore, #tpu.memory_space<semaphore_mem>>) src(%arg13 : memref<128x128xf32, #tpu.memory_space<vmem>>) dst(%dma_wait3A_764 : memref<128x128xf32, #tpu.memory_space<hbm>>)
        tpu.yield
      }) : () -> ()
      "tpu.region"() ({
        %run_scoped3A = tpu.sem_alloc : memref<!tpu.dma_semaphore, #tpu.memory_space<semaphore_mem>>
        %dma_start3A_757 = arith.constant 0 : i32
        %dma_start3A_758 = tpu.memref_slice %arg9[%dma_start3A_757, %mul3A_430] : memref<4x320000xf32, #tpu.memory_space<hbm>> -> memref<4x128xf32, #tpu.memory_space<hbm>>
        %dma_start3A_759 = arith.constant 0 : i32
        %dma_start3A_760 = tpu.memref_slice %arg9[%dma_start3A_759, %mul3A_430] : memref<4x320000xf32, #tpu.memory_space<hbm>> -> memref<4x128xf32, #tpu.memory_space<hbm>>
        tpu.enqueue_dma source(%arg19 : memref<4x128xf32, #tpu.memory_space<vmem>>) target(%dma_start3A_760 : memref<4x128xf32, #tpu.memory_space<hbm>>) target_semaphore(%run_scoped3A : memref<!tpu.dma_semaphore, #tpu.memory_space<semaphore_mem>>)
        %dma_wait3A_761 = arith.constant 0 : i32
        %dma_wait3A_762 = tpu.memref_slice %arg9[%dma_wait3A_761, %mul3A_430] : memref<4x320000xf32, #tpu.memory_space<hbm>> -> memref<4x128xf32, #tpu.memory_space<hbm>>
        %dma_wait3A_763 = arith.constant 0 : i32
        %dma_wait3A_764 = tpu.memref_slice %arg9[%dma_wait3A_763, %mul3A_430] : memref<4x320000xf32, #tpu.memory_space<hbm>> -> memref<4x128xf32, #tpu.memory_space<hbm>>
        tpu.wait_dma2 semaphore(%run_scoped3A : memref<!tpu.dma_semaphore, #tpu.memory_space<semaphore_mem>>) src(%arg19 : memref<4x128xf32, #tpu.memory_space<vmem>>) dst(%dma_wait3A_764 : memref<4x128xf32, #tpu.memory_space<hbm>>)
        tpu.yield
      }) : () -> ()
      %scan3A_756 = arith.constant 0 : i32
      scf.yield %scan3A_756 : i32
    }
    %scan3A_24 = arith.constant 40 : i32
    %dma_wait3A = arith.constant 0 : i32
    %dma_wait3A_25 = arith.constant 0 : i32
    %dma_wait3A_26 = tpu.memref_slice %arg10[%dma_wait3A, %dma_wait3A_25] : memref<2x128xi32, #tpu.memory_space<vmem>> -> memref<1x128xi32, #tpu.memory_space<vmem>>
    %dma_wait3A_27 = tpu.memref_squeeze %dma_wait3A_26 : memref<1x128xi32, #tpu.memory_space<vmem>> -> memref<128xi32, #tpu.memory_space<vmem>>
    %dma_wait3A_28 = arith.constant 0 : i32
    %dma_wait3A_29 = arith.constant 0 : i32
    %dma_wait3A_30 = tpu.memref_slice %arg2[%dma_wait3A_28, %dma_wait3A_29] : memref<10000x128xf32, #tpu.memory_space<hbm>> -> memref<10000x128xf32, #tpu.memory_space<hbm>>
    tpu.wait_indirect_dma semaphore(%arg20 : memref<!tpu.dma_semaphore, #tpu.memory_space<semaphore_mem>>) src(%dma_wait3A_30 : memref<10000x128xf32, #tpu.memory_space<hbm>>) dst(%arg12 : memref<128x128xf32, #tpu.memory_space<vmem>>)
    %dma_wait3A_31 = arith.constant 1 : i32
    %dma_wait3A_32 = arith.constant 0 : i32
    %dma_wait3A_33 = tpu.memref_slice %arg10[%dma_wait3A_31, %dma_wait3A_32] : memref<2x128xi32, #tpu.memory_space<vmem>> -> memref<1x128xi32, #tpu.memory_space<vmem>>
    %dma_wait3A_34 = tpu.memref_squeeze %dma_wait3A_33 : memref<1x128xi32, #tpu.memory_space<vmem>> -> memref<128xi32, #tpu.memory_space<vmem>>
    %dma_wait3A_35 = arith.constant 0 : i32
    %dma_wait3A_36 = arith.constant 0 : i32
    %dma_wait3A_37 = tpu.memref_slice %arg3[%dma_wait3A_35, %dma_wait3A_36] : memref<10000x128xf32, #tpu.memory_space<hbm>> -> memref<10000x128xf32, #tpu.memory_space<hbm>>
    tpu.wait_indirect_dma semaphore(%arg20 : memref<!tpu.dma_semaphore, #tpu.memory_space<semaphore_mem>>) src(%dma_wait3A_37 : memref<10000x128xf32, #tpu.memory_space<hbm>>) dst(%arg14 : memref<128x128xf32, #tpu.memory_space<vmem>>)
    return
  }
}

#map = affine_map<(d0, d1) -> (0, 0)>
#map1 = affine_map<(d0, d1) -> (0)>
#map2 = affine_map<(d0, d1) -> (0, 0, 0)>
module attributes {stable_mosaic.version = 14 : i64} {
  func.func @k(%arg0: i32, %arg1: i32, %arg2: memref<320000x128xf32, #tpu.memory_space<hbm>>, %arg3: memref<320000xi32, #tpu.memory_space<hbm>>, %arg4: memref<2x10000x128xf32, #tpu.memory_space<hbm>>, %arg5: memref<128x128xf32, #tpu.memory_space<vmem>>, %arg6: memref<128x128xf32, #tpu.memory_space<vmem>>, %arg7: memref<1x128xi32, #tpu.memory_space<vmem>>, %arg8: memref<1x128xi32, #tpu.memory_space<vmem>>, %arg9: memref<10000x128xf32, #tpu.memory_space<vmem_shared>>, %arg10: memref<!tpu.dma_semaphore, #tpu.memory_space<semaphore_mem>>, %arg11: memref<!tpu.dma_semaphore, #tpu.memory_space<semaphore_mem>>, %arg12: memref<!tpu.dma_semaphore, #tpu.memory_space<semaphore_mem>>, %arg13: memref<!tpu.dma_semaphore, #tpu.memory_space<semaphore_mem>>) attributes {dimension_semantics = [#tpu.dimension_semantics<core_parallel>, #tpu.dimension_semantics<subcore_parallel>], iteration_bounds = array<i64: 2, 16>, scalar_prefetch = 0 : i64, scratch_operands = 9 : i64, tpu.core_type = #tpu.core_type<sc_vector_subcore>, window_params = [{transform_indices = #map}, {transform_indices = #map1}, {transform_indices = #map2}]} {
    %mul3A = arith.constant 2 : i32
    %mul3A_0 = arith.muli %arg1, %mul3A : i32
    %add3A = arith.addi %mul3A_0, %arg0 : i32
    %broadcast_in_dim3A = arith.constant 0.000000e+00 : f32
    %broadcast_in_dim3A_1 = vector.broadcast %broadcast_in_dim3A : f32 to vector<16xf32>
    %scan3A = arith.constant 0 : i32
    %scan3A_2 = arith.constant 0 : i32
    %scan3A_3 = arith.constant 128 : i32
    %scan3A_4 = arith.addi %scan3A_2, %scan3A_3 : i32
    %scan3A_5 = arith.constant 1 : i32
    %scan3A_6 = scf.for %scan3A_88 = %scan3A_2 to %scan3A_4 step %scan3A_5 iter_args(%scan3A_89 = %scan3A) -> (i32)  : i32 {
      %swap3A = arith.index_cast %scan3A_88 : i32 to index
      %swap3A_90 = arith.constant 0 : index
      %swap3A_91 = tpu.vector_load %arg5[%swap3A, %swap3A_90] {strides = array<i32>} : memref<128x128xf32, #tpu.memory_space<vmem>>, vector<16xf32>,
      tpu.vector_store %arg5[%swap3A, %swap3A_90], %broadcast_in_dim3A_1 {strides = array<i32>} : memref<128x128xf32, #tpu.memory_space<vmem>>, vector<16xf32>,
      %swap3A_92 = arith.index_cast %scan3A_88 : i32 to index
      %swap3A_93 = arith.constant 16 : index
      %swap3A_94 = tpu.vector_load %arg5[%swap3A_92, %swap3A_93] {strides = array<i32>} : memref<128x128xf32, #tpu.memory_space<vmem>>, vector<16xf32>,
      tpu.vector_store %arg5[%swap3A_92, %swap3A_93], %broadcast_in_dim3A_1 {strides = array<i32>} : memref<128x128xf32, #tpu.memory_space<vmem>>, vector<16xf32>,
      %swap3A_95 = arith.index_cast %scan3A_88 : i32 to index
      %swap3A_96 = arith.constant 32 : index
      %swap3A_97 = tpu.vector_load %arg5[%swap3A_95, %swap3A_96] {strides = array<i32>} : memref<128x128xf32, #tpu.memory_space<vmem>>, vector<16xf32>,
      tpu.vector_store %arg5[%swap3A_95, %swap3A_96], %broadcast_in_dim3A_1 {strides = array<i32>} : memref<128x128xf32, #tpu.memory_space<vmem>>, vector<16xf32>,
      %swap3A_98 = arith.index_cast %scan3A_88 : i32 to index
      %swap3A_99 = arith.constant 48 : index
      %swap3A_100 = tpu.vector_load %arg5[%swap3A_98, %swap3A_99] {strides = array<i32>} : memref<128x128xf32, #tpu.memory_space<vmem>>, vector<16xf32>,
      tpu.vector_store %arg5[%swap3A_98, %swap3A_99], %broadcast_in_dim3A_1 {strides = array<i32>} : memref<128x128xf32, #tpu.memory_space<vmem>>, vector<16xf32>,
      %swap3A_101 = arith.index_cast %scan3A_88 : i32 to index
      %swap3A_102 = arith.constant 64 : index
      %swap3A_103 = tpu.vector_load %arg5[%swap3A_101, %swap3A_102] {strides = array<i32>} : memref<128x128xf32, #tpu.memory_space<vmem>>, vector<16xf32>,
      tpu.vector_store %arg5[%swap3A_101, %swap3A_102], %broadcast_in_dim3A_1 {strides = array<i32>} : memref<128x128xf32, #tpu.memory_space<vmem>>, vector<16xf32>,
      %swap3A_104 = arith.index_cast %scan3A_88 : i32 to index
      %swap3A_105 = arith.constant 80 : index
      %swap3A_106 = tpu.vector_load %arg5[%swap3A_104, %swap3A_105] {strides = array<i32>} : memref<128x128xf32, #tpu.memory_space<vmem>>, vector<16xf32>,
      tpu.vector_store %arg5[%swap3A_104, %swap3A_105], %broadcast_in_dim3A_1 {strides = array<i32>} : memref<128x128xf32, #tpu.memory_space<vmem>>, vector<16xf32>,
      %swap3A_107 = arith.index_cast %scan3A_88 : i32 to index
      %swap3A_108 = arith.constant 96 : index
      %swap3A_109 = tpu.vector_load %arg5[%swap3A_107, %swap3A_108] {strides = array<i32>} : memref<128x128xf32, #tpu.memory_space<vmem>>, vector<16xf32>,
      tpu.vector_store %arg5[%swap3A_107, %swap3A_108], %broadcast_in_dim3A_1 {strides = array<i32>} : memref<128x128xf32, #tpu.memory_space<vmem>>, vector<16xf32>,
      %swap3A_110 = arith.index_cast %scan3A_88 : i32 to index
      %swap3A_111 = arith.constant 112 : index
      %swap3A_112 = tpu.vector_load %arg5[%swap3A_110, %swap3A_111] {strides = array<i32>} : memref<128x128xf32, #tpu.memory_space<vmem>>, vector<16xf32>,
      tpu.vector_store %arg5[%swap3A_110, %swap3A_111], %broadcast_in_dim3A_1 {strides = array<i32>} : memref<128x128xf32, #tpu.memory_space<vmem>>, vector<16xf32>,
      %scan3A_113 = arith.constant 0 : i32
      scf.yield %scan3A_113 : i32
    }
    %scan3A_7 = arith.constant 128 : i32
    %sub3A = arith.constant 124 : i32
    %sub3A_8 = arith.subi %sub3A, %arg1 : i32
    %div3A = arith.constant 16 : i32
    %div3A_9 = arith.divsi %sub3A_8, %div3A : i32
    %add3A_10 = arith.constant 1 : i32
    %add3A_11 = arith.addi %div3A_9, %add3A_10 : i32
    %while3A = arith.constant 0 : i32
    %while3A_12 = arith.constant 0 : i32
    %while3A_13 = arith.subi %add3A_11, %while3A : i32
    %while3A_14 = arith.addi %while3A, %while3A_13 : i32
    %while3A_15 = arith.constant 1 : i32
    %while3A_16 = arith.divsi %while3A_13, %while3A_15 : i32
    %while3A_17 = arith.muli %while3A_16, %while3A_15 : i32
    %while3A_18 = arith.addi %while3A, %while3A_17 : i32
    %while3A_19 = arith.constant 1 : i32
    %while3A_20 = scf.for %while3A_88 = %while3A to %while3A_18 step %while3A_19 iter_args(%while3A_89 = %while3A_12) -> (i32)  : i32 {
      %mul3A_90 = arith.constant 16 : i32
      %mul3A_91 = arith.muli %mul3A_90, %while3A_88 : i32
      %add3A_92 = arith.addi %arg1, %mul3A_91 : i32
      %mul3A_93 = arith.constant 80 : i32
      %mul3A_94 = arith.muli %add3A_92, %mul3A_93 : i32
      "tpu.region"() ({
        %run_scoped3A_96 = tpu.sem_alloc : memref<!tpu.dma_semaphore, #tpu.memory_space<semaphore_mem>>
        %dma_start3A_97 = arith.constant 0 : i32
        %dma_start3A_98 = arith.constant 0 : i32
        %dma_start3A_99 = tpu.memref_slice %arg5[%dma_start3A_97, %dma_start3A_98] : memref<128x128xf32, #tpu.memory_space<vmem>> -> memref<80x128xf32, #tpu.memory_space<vmem>>
        %dma_start3A_100 = arith.constant 0 : i32
        %dma_start3A_101 = tpu.memref_slice %arg9[%mul3A_94, %dma_start3A_100] : memref<10000x128xf32, #tpu.memory_space<vmem_shared>> -> memref<80x128xf32, #tpu.memory_space<vmem_shared>>
        %dma_start3A_102 = arith.constant 0 : i32
        %dma_start3A_103 = tpu.memref_slice %arg9[%mul3A_94, %dma_start3A_102] : memref<10000x128xf32, #tpu.memory_space<vmem_shared>> -> memref<80x128xf32, #tpu.memory_space<vmem_shared>>
        %dma_start3A_104 = arith.constant 0 : i32
        %dma_start3A_105 = arith.constant 0 : i32
        %dma_start3A_106 = tpu.memref_slice %arg5[%dma_start3A_104, %dma_start3A_105] : memref<128x128xf32, #tpu.memory_space<vmem>> -> memref<80x128xf32, #tpu.memory_space<vmem>>
        tpu.enqueue_dma source(%dma_start3A_106 : memref<80x128xf32, #tpu.memory_space<vmem>>) target(%dma_start3A_103 : memref<80x128xf32, #tpu.memory_space<vmem_shared>>) target_semaphore(%run_scoped3A_96 : memref<!tpu.dma_semaphore, #tpu.memory_space<semaphore_mem>>)
        %dma_wait3A_107 = arith.constant 0 : i32
        %dma_wait3A_108 = arith.constant 0 : i32
        %dma_wait3A_109 = tpu.memref_slice %arg5[%dma_wait3A_107, %dma_wait3A_108] : memref<128x128xf32, #tpu.memory_space<vmem>> -> memref<80x128xf32, #tpu.memory_space<vmem>>
        %dma_wait3A_110 = arith.constant 0 : i32
        %dma_wait3A_111 = tpu.memref_slice %arg9[%mul3A_94, %dma_wait3A_110] : memref<10000x128xf32, #tpu.memory_space<vmem_shared>> -> memref<80x128xf32, #tpu.memory_space<vmem_shared>>
        %dma_wait3A_112 = arith.constant 0 : i32
        %dma_wait3A_113 = tpu.memref_slice %arg9[%mul3A_94, %dma_wait3A_112] : memref<10000x128xf32, #tpu.memory_space<vmem_shared>> -> memref<80x128xf32, #tpu.memory_space<vmem_shared>>
        %dma_wait3A_114 = arith.constant 0 : i32
        %dma_wait3A_115 = arith.constant 0 : i32
        %dma_wait3A_116 = tpu.memref_slice %arg5[%dma_wait3A_114, %dma_wait3A_115] : memref<128x128xf32, #tpu.memory_space<vmem>> -> memref<80x128xf32, #tpu.memory_space<vmem>>
        tpu.wait_dma2 semaphore(%run_scoped3A_96 : memref<!tpu.dma_semaphore, #tpu.memory_space<semaphore_mem>>) src(%dma_wait3A_116 : memref<80x128xf32, #tpu.memory_space<vmem>>) dst(%dma_wait3A_113 : memref<80x128xf32, #tpu.memory_space<vmem_shared>>)
        tpu.yield
      }) : () -> ()
      %while3A_95 = arith.constant 0 : i32
      scf.yield %while3A_95 : i32
    }
    %while3A_21 = arith.constant 1 : i32
    %while3A_22 = scf.for %while3A_88 = %while3A_18 to %while3A_14 step %while3A_21 iter_args(%while3A_89 = %while3A_20) -> (i32)  : i32 {
      %mul3A_90 = arith.constant 16 : i32
      %mul3A_91 = arith.muli %mul3A_90, %while3A_88 : i32
      %add3A_92 = arith.addi %arg1, %mul3A_91 : i32
      %mul3A_93 = arith.constant 80 : i32
      %mul3A_94 = arith.muli %add3A_92, %mul3A_93 : i32
      "tpu.region"() ({
        %run_scoped3A_96 = tpu.sem_alloc : memref<!tpu.dma_semaphore, #tpu.memory_space<semaphore_mem>>
        %dma_start3A_97 = arith.constant 0 : i32
        %dma_start3A_98 = arith.constant 0 : i32
        %dma_start3A_99 = tpu.memref_slice %arg5[%dma_start3A_97, %dma_start3A_98] : memref<128x128xf32, #tpu.memory_space<vmem>> -> memref<80x128xf32, #tpu.memory_space<vmem>>
        %dma_start3A_100 = arith.constant 0 : i32
        %dma_start3A_101 = tpu.memref_slice %arg9[%mul3A_94, %dma_start3A_100] : memref<10000x128xf32, #tpu.memory_space<vmem_shared>> -> memref<80x128xf32, #tpu.memory_space<vmem_shared>>
        %dma_start3A_102 = arith.constant 0 : i32
        %dma_start3A_103 = tpu.memref_slice %arg9[%mul3A_94, %dma_start3A_102] : memref<10000x128xf32, #tpu.memory_space<vmem_shared>> -> memref<80x128xf32, #tpu.memory_space<vmem_shared>>
        %dma_start3A_104 = arith.constant 0 : i32
        %dma_start3A_105 = arith.constant 0 : i32
        %dma_start3A_106 = tpu.memref_slice %arg5[%dma_start3A_104, %dma_start3A_105] : memref<128x128xf32, #tpu.memory_space<vmem>> -> memref<80x128xf32, #tpu.memory_space<vmem>>
        tpu.enqueue_dma source(%dma_start3A_106 : memref<80x128xf32, #tpu.memory_space<vmem>>) target(%dma_start3A_103 : memref<80x128xf32, #tpu.memory_space<vmem_shared>>) target_semaphore(%run_scoped3A_96 : memref<!tpu.dma_semaphore, #tpu.memory_space<semaphore_mem>>)
        %dma_wait3A_107 = arith.constant 0 : i32
        %dma_wait3A_108 = arith.constant 0 : i32
        %dma_wait3A_109 = tpu.memref_slice %arg5[%dma_wait3A_107, %dma_wait3A_108] : memref<128x128xf32, #tpu.memory_space<vmem>> -> memref<80x128xf32, #tpu.memory_space<vmem>>
        %dma_wait3A_110 = arith.constant 0 : i32
        %dma_wait3A_111 = tpu.memref_slice %arg9[%mul3A_94, %dma_wait3A_110] : memref<10000x128xf32, #tpu.memory_space<vmem_shared>> -> memref<80x128xf32, #tpu.memory_space<vmem_shared>>
        %dma_wait3A_112 = arith.constant 0 : i32
        %dma_wait3A_113 = tpu.memref_slice %arg9[%mul3A_94, %dma_wait3A_112] : memref<10000x128xf32, #tpu.memory_space<vmem_shared>> -> memref<80x128xf32, #tpu.memory_space<vmem_shared>>
        %dma_wait3A_114 = arith.constant 0 : i32
        %dma_wait3A_115 = arith.constant 0 : i32
        %dma_wait3A_116 = tpu.memref_slice %arg5[%dma_wait3A_114, %dma_wait3A_115] : memref<128x128xf32, #tpu.memory_space<vmem>> -> memref<80x128xf32, #tpu.memory_space<vmem>>
        tpu.wait_dma2 semaphore(%run_scoped3A_96 : memref<!tpu.dma_semaphore, #tpu.memory_space<semaphore_mem>>) src(%dma_wait3A_116 : memref<80x128xf32, #tpu.memory_space<vmem>>) dst(%dma_wait3A_113 : memref<80x128xf32, #tpu.memory_space<vmem_shared>>)
        tpu.yield
      }) : () -> ()
      %while3A_95 = arith.constant 0 : i32
      scf.yield %while3A_95 : i32
    }
    %barrier3A = arith.constant 0 : index
    tpu.barrier barrier_id(%barrier3A)
    %add3A_23 = arith.constant 0 : i32
    %add3A_24 = arith.addi %add3A, %add3A_23 : i32
    %rem3A = arith.constant 2500 : i32
    %rem3A_25 = arith.remsi %add3A_24, %rem3A : i32
    %mul3A_26 = arith.constant 128 : i32
    %mul3A_27 = arith.muli %rem3A_25, %mul3A_26 : i32
    %run_scoped3A = arith.constant 0 : i32
    "tpu.region"() ({
      %run_scoped3A_88 = tpu.sem_alloc : memref<!tpu.dma_semaphore, #tpu.memory_space<semaphore_mem>>
      %dma_start3A_89 = arith.constant 0 : i32
      %dma_start3A_90 = tpu.memref_slice %arg7[%run_scoped3A, %dma_start3A_89] : memref<1x128xi32, #tpu.memory_space<vmem>> -> memref<1x128xi32, #tpu.memory_space<vmem>>
      %dma_start3A_91 = tpu.memref_squeeze %dma_start3A_90 : memref<1x128xi32, #tpu.memory_space<vmem>> -> memref<128xi32, #tpu.memory_space<vmem>>
      %dma_start3A_92 = tpu.memref_slice %arg3[%mul3A_27] : memref<320000xi32, #tpu.memory_space<hbm>> -> memref<128xi32, #tpu.memory_space<hbm>>
      %dma_start3A_93 = arith.constant 0 : i32
      %dma_start3A_94 = tpu.memref_slice %arg7[%run_scoped3A, %dma_start3A_93] : memref<1x128xi32, #tpu.memory_space<vmem>> -> memref<1x128xi32, #tpu.memory_space<vmem>>
      %dma_start3A_95 = tpu.memref_squeeze %dma_start3A_94 : memref<1x128xi32, #tpu.memory_space<vmem>> -> memref<128xi32, #tpu.memory_space<vmem>>
      %dma_start3A_96 = tpu.memref_slice %arg3[%mul3A_27] : memref<320000xi32, #tpu.memory_space<hbm>> -> memref<128xi32, #tpu.memory_space<hbm>>
      tpu.enqueue_dma source(%dma_start3A_96 : memref<128xi32, #tpu.memory_space<hbm>>) target(%dma_start3A_95 : memref<128xi32, #tpu.memory_space<vmem>>) target_semaphore(%run_scoped3A_88 : memref<!tpu.dma_semaphore, #tpu.memory_space<semaphore_mem>>)
      %dma_wait3A_97 = arith.constant 0 : i32
      %dma_wait3A_98 = tpu.memref_slice %arg7[%run_scoped3A, %dma_wait3A_97] : memref<1x128xi32, #tpu.memory_space<vmem>> -> memref<1x128xi32, #tpu.memory_space<vmem>>
      %dma_wait3A_99 = tpu.memref_squeeze %dma_wait3A_98 : memref<1x128xi32, #tpu.memory_space<vmem>> -> memref<128xi32, #tpu.memory_space<vmem>>
      %dma_wait3A_100 = tpu.memref_slice %arg3[%mul3A_27] : memref<320000xi32, #tpu.memory_space<hbm>> -> memref<128xi32, #tpu.memory_space<hbm>>
      %dma_wait3A_101 = arith.constant 0 : i32
      %dma_wait3A_102 = tpu.memref_slice %arg7[%run_scoped3A, %dma_wait3A_101] : memref<1x128xi32, #tpu.memory_space<vmem>> -> memref<1x128xi32, #tpu.memory_space<vmem>>
      %dma_wait3A_103 = tpu.memref_squeeze %dma_wait3A_102 : memref<1x128xi32, #tpu.memory_space<vmem>> -> memref<128xi32, #tpu.memory_space<vmem>>
      %dma_wait3A_104 = tpu.memref_slice %arg3[%mul3A_27] : memref<320000xi32, #tpu.memory_space<hbm>> -> memref<128xi32, #tpu.memory_space<hbm>>
      tpu.wait_dma2 semaphore(%run_scoped3A_88 : memref<!tpu.dma_semaphore, #tpu.memory_space<semaphore_mem>>) src(%dma_wait3A_104 : memref<128xi32, #tpu.memory_space<hbm>>) dst(%dma_wait3A_103 : memref<128xi32, #tpu.memory_space<vmem>>)
      tpu.yield
    }) : () -> ()
    %dma_start3A = arith.constant 0 : i32
    %dma_start3A_28 = tpu.memref_slice %arg2[%mul3A_27, %dma_start3A] : memref<320000x128xf32, #tpu.memory_space<hbm>> -> memref<128x128xf32, #tpu.memory_space<hbm>>
    %dma_start3A_29 = arith.constant 0 : i32
    %dma_start3A_30 = tpu.memref_slice %arg2[%mul3A_27, %dma_start3A_29] : memref<320000x128xf32, #tpu.memory_space<hbm>> -> memref<128x128xf32, #tpu.memory_space<hbm>>
    tpu.enqueue_dma source(%dma_start3A_30 : memref<128x128xf32, #tpu.memory_space<hbm>>) target(%arg5 : memref<128x128xf32, #tpu.memory_space<vmem>>) target_semaphore(%arg10 : memref<!tpu.dma_semaphore, #tpu.memory_space<semaphore_mem>>)
    %scan3A_31 = arith.constant 0 : i32
    %scan3A_32 = arith.constant 0 : i32
    %scan3A_33 = arith.constant 38 : i32
    %scan3A_34 = arith.addi %scan3A_32, %scan3A_33 : i32
    %scan3A_35 = arith.constant 1 : i32
    %scan3A_36 = scf.for %scan3A_88 = %scan3A_32 to %scan3A_34 step %scan3A_35 iter_args(%scan3A_89 = %scan3A_31) -> (i32)  : i32 {
      %mul3A_90 = arith.constant 2 : i32
      %mul3A_91 = arith.muli %mul3A_90, %scan3A_88 : i32
      %add3A_92 = arith.constant 1 : i32
      %add3A_93 = arith.addi %mul3A_91, %add3A_92 : i32
      %mul3A_94 = arith.constant 32 : i32
      %mul3A_95 = arith.muli %mul3A_94, %add3A_93 : i32
      %add3A_96 = arith.addi %add3A, %mul3A_95 : i32
      %mul3A_97 = arith.constant 128 : i32
      %mul3A_98 = arith.muli %add3A_96, %mul3A_97 : i32
      %run_scoped3A_99 = arith.constant 0 : i32
      "tpu.region"() ({
        %run_scoped3A_159 = tpu.sem_alloc : memref<!tpu.dma_semaphore, #tpu.memory_space<semaphore_mem>>
        %dma_start3A_160 = arith.constant 0 : i32
        %dma_start3A_161 = tpu.memref_slice %arg8[%run_scoped3A_99, %dma_start3A_160] : memref<1x128xi32, #tpu.memory_space<vmem>> -> memref<1x128xi32, #tpu.memory_space<vmem>>
        %dma_start3A_162 = tpu.memref_squeeze %dma_start3A_161 : memref<1x128xi32, #tpu.memory_space<vmem>> -> memref<128xi32, #tpu.memory_space<vmem>>
        %dma_start3A_163 = tpu.memref_slice %arg3[%mul3A_98] : memref<320000xi32, #tpu.memory_space<hbm>> -> memref<128xi32, #tpu.memory_space<hbm>>
        %dma_start3A_164 = arith.constant 0 : i32
        %dma_start3A_165 = tpu.memref_slice %arg8[%run_scoped3A_99, %dma_start3A_164] : memref<1x128xi32, #tpu.memory_space<vmem>> -> memref<1x128xi32, #tpu.memory_space<vmem>>
        %dma_start3A_166 = tpu.memref_squeeze %dma_start3A_165 : memref<1x128xi32, #tpu.memory_space<vmem>> -> memref<128xi32, #tpu.memory_space<vmem>>
        %dma_start3A_167 = tpu.memref_slice %arg3[%mul3A_98] : memref<320000xi32, #tpu.memory_space<hbm>> -> memref<128xi32, #tpu.memory_space<hbm>>
        tpu.enqueue_dma source(%dma_start3A_167 : memref<128xi32, #tpu.memory_space<hbm>>) target(%dma_start3A_166 : memref<128xi32, #tpu.memory_space<vmem>>) target_semaphore(%run_scoped3A_159 : memref<!tpu.dma_semaphore, #tpu.memory_space<semaphore_mem>>)
        %dma_wait3A_168 = arith.constant 0 : i32
        %dma_wait3A_169 = tpu.memref_slice %arg8[%run_scoped3A_99, %dma_wait3A_168] : memref<1x128xi32, #tpu.memory_space<vmem>> -> memref<1x128xi32, #tpu.memory_space<vmem>>
        %dma_wait3A_170 = tpu.memref_squeeze %dma_wait3A_169 : memref<1x128xi32, #tpu.memory_space<vmem>> -> memref<128xi32, #tpu.memory_space<vmem>>
        %dma_wait3A_171 = tpu.memref_slice %arg3[%mul3A_98] : memref<320000xi32, #tpu.memory_space<hbm>> -> memref<128xi32, #tpu.memory_space<hbm>>
        %dma_wait3A_172 = arith.constant 0 : i32
        %dma_wait3A_173 = tpu.memref_slice %arg8[%run_scoped3A_99, %dma_wait3A_172] : memref<1x128xi32, #tpu.memory_space<vmem>> -> memref<1x128xi32, #tpu.memory_space<vmem>>
        %dma_wait3A_174 = tpu.memref_squeeze %dma_wait3A_173 : memref<1x128xi32, #tpu.memory_space<vmem>> -> memref<128xi32, #tpu.memory_space<vmem>>
        %dma_wait3A_175 = tpu.memref_slice %arg3[%mul3A_98] : memref<320000xi32, #tpu.memory_space<hbm>> -> memref<128xi32, #tpu.memory_space<hbm>>
        tpu.wait_dma2 semaphore(%run_scoped3A_159 : memref<!tpu.dma_semaphore, #tpu.memory_space<semaphore_mem>>) src(%dma_wait3A_175 : memref<128xi32, #tpu.memory_space<hbm>>) dst(%dma_wait3A_174 : memref<128xi32, #tpu.memory_space<vmem>>)
        tpu.yield
      }) : () -> ()
      %dma_start3A_100 = arith.constant 0 : i32
      %dma_start3A_101 = tpu.memref_slice %arg2[%mul3A_98, %dma_start3A_100] : memref<320000x128xf32, #tpu.memory_space<hbm>> -> memref<128x128xf32, #tpu.memory_space<hbm>>
      %dma_start3A_102 = arith.constant 0 : i32
      %dma_start3A_103 = tpu.memref_slice %arg2[%mul3A_98, %dma_start3A_102] : memref<320000x128xf32, #tpu.memory_space<hbm>> -> memref<128x128xf32, #tpu.memory_space<hbm>>
      tpu.enqueue_dma source(%dma_start3A_103 : memref<128x128xf32, #tpu.memory_space<hbm>>) target(%arg6 : memref<128x128xf32, #tpu.memory_space<vmem>>) target_semaphore(%arg11 : memref<!tpu.dma_semaphore, #tpu.memory_space<semaphore_mem>>)
      %dma_wait3A_104 = arith.constant 0 : i32
      %dma_wait3A_105 = arith.constant 0 : i32
      %dma_wait3A_106 = tpu.memref_slice %arg2[%dma_wait3A_104, %dma_wait3A_105] : memref<320000x128xf32, #tpu.memory_space<hbm>> -> memref<128x128xf32, #tpu.memory_space<hbm>>
      %dma_wait3A_107 = arith.constant 0 : i32
      %dma_wait3A_108 = arith.constant 0 : i32
      %dma_wait3A_109 = tpu.memref_slice %arg2[%dma_wait3A_107, %dma_wait3A_108] : memref<320000x128xf32, #tpu.memory_space<hbm>> -> memref<128x128xf32, #tpu.memory_space<hbm>>
      tpu.wait_dma2 semaphore(%arg10 : memref<!tpu.dma_semaphore, #tpu.memory_space<semaphore_mem>>) src(%dma_wait3A_109 : memref<128x128xf32, #tpu.memory_space<hbm>>) dst(%arg5 : memref<128x128xf32, #tpu.memory_space<vmem>>)
      %dma_start3A_110 = arith.constant 0 : i32
      %dma_start3A_111 = arith.constant 0 : i32
      %dma_start3A_112 = tpu.memref_slice %arg7[%dma_start3A_110, %dma_start3A_111] : memref<1x128xi32, #tpu.memory_space<vmem>> -> memref<1x128xi32, #tpu.memory_space<vmem>>
      %dma_start3A_113 = tpu.memref_squeeze %dma_start3A_112 : memref<1x128xi32, #tpu.memory_space<vmem>> -> memref<128xi32, #tpu.memory_space<vmem>>
      %dma_start3A_114 = arith.constant 0 : i32
      %dma_start3A_115 = arith.constant 0 : i32
      %dma_start3A_116 = tpu.memref_slice %arg9[%dma_start3A_114, %dma_start3A_115] : memref<10000x128xf32, #tpu.memory_space<vmem_shared>> -> memref<10000x128xf32, #tpu.memory_space<vmem_shared>>
      tpu.enqueue_indirect_dma source(%arg5 : memref<128x128xf32, #tpu.memory_space<vmem>>) target(%dma_start3A_116 : memref<10000x128xf32, #tpu.memory_space<vmem_shared>>) offsets(%dma_start3A_113 : memref<128xi32, #tpu.memory_space<vmem>>) semaphore(%arg12 : memref<!tpu.dma_semaphore, #tpu.memory_space<semaphore_mem>>) {add = true}
      %dma_wait3A_117 = arith.constant 0 : i32
      %dma_wait3A_118 = arith.constant 0 : i32
      %dma_wait3A_119 = tpu.memref_slice %arg7[%dma_wait3A_117, %dma_wait3A_118] : memref<1x128xi32, #tpu.memory_space<vmem>> -> memref<1x128xi32, #tpu.memory_space<vmem>>
      %dma_wait3A_120 = tpu.memref_squeeze %dma_wait3A_119 : memref<1x128xi32, #tpu.memory_space<vmem>> -> memref<128xi32, #tpu.memory_space<vmem>>
      %dma_wait3A_121 = arith.constant 0 : i32
      %dma_wait3A_122 = arith.constant 0 : i32
      %dma_wait3A_123 = tpu.memref_slice %arg9[%dma_wait3A_121, %dma_wait3A_122] : memref<10000x128xf32, #tpu.memory_space<vmem_shared>> -> memref<10000x128xf32, #tpu.memory_space<vmem_shared>>
      tpu.wait_indirect_dma semaphore(%arg12 : memref<!tpu.dma_semaphore, #tpu.memory_space<semaphore_mem>>) src(%arg5 : memref<128x128xf32, #tpu.memory_space<vmem>>) dst(%dma_wait3A_123 : memref<10000x128xf32, #tpu.memory_space<vmem_shared>>)
      %mul3A_124 = arith.constant 2 : i32
      %mul3A_125 = arith.muli %mul3A_124, %scan3A_88 : i32
      %add3A_126 = arith.constant 2 : i32
      %add3A_127 = arith.addi %mul3A_125, %add3A_126 : i32
      %mul3A_128 = arith.constant 32 : i32
      %mul3A_129 = arith.muli %mul3A_128, %add3A_127 : i32
      %add3A_130 = arith.addi %add3A, %mul3A_129 : i32
      %mul3A_131 = arith.constant 128 : i32
      %mul3A_132 = arith.muli %add3A_130, %mul3A_131 : i32
      %run_scoped3A_133 = arith.constant 0 : i32
      "tpu.region"() ({
        %run_scoped3A_159 = tpu.sem_alloc : memref<!tpu.dma_semaphore, #tpu.memory_space<semaphore_mem>>
        %dma_start3A_160 = arith.constant 0 : i32
        %dma_start3A_161 = tpu.memref_slice %arg7[%run_scoped3A_133, %dma_start3A_160] : memref<1x128xi32, #tpu.memory_space<vmem>> -> memref<1x128xi32, #tpu.memory_space<vmem>>
        %dma_start3A_162 = tpu.memref_squeeze %dma_start3A_161 : memref<1x128xi32, #tpu.memory_space<vmem>> -> memref<128xi32, #tpu.memory_space<vmem>>
        %dma_start3A_163 = tpu.memref_slice %arg3[%mul3A_132] : memref<320000xi32, #tpu.memory_space<hbm>> -> memref<128xi32, #tpu.memory_space<hbm>>
        %dma_start3A_164 = arith.constant 0 : i32
        %dma_start3A_165 = tpu.memref_slice %arg7[%run_scoped3A_133, %dma_start3A_164] : memref<1x128xi32, #tpu.memory_space<vmem>> -> memref<1x128xi32, #tpu.memory_space<vmem>>
        %dma_start3A_166 = tpu.memref_squeeze %dma_start3A_165 : memref<1x128xi32, #tpu.memory_space<vmem>> -> memref<128xi32, #tpu.memory_space<vmem>>
        %dma_start3A_167 = tpu.memref_slice %arg3[%mul3A_132] : memref<320000xi32, #tpu.memory_space<hbm>> -> memref<128xi32, #tpu.memory_space<hbm>>
        tpu.enqueue_dma source(%dma_start3A_167 : memref<128xi32, #tpu.memory_space<hbm>>) target(%dma_start3A_166 : memref<128xi32, #tpu.memory_space<vmem>>) target_semaphore(%run_scoped3A_159 : memref<!tpu.dma_semaphore, #tpu.memory_space<semaphore_mem>>)
        %dma_wait3A_168 = arith.constant 0 : i32
        %dma_wait3A_169 = tpu.memref_slice %arg7[%run_scoped3A_133, %dma_wait3A_168] : memref<1x128xi32, #tpu.memory_space<vmem>> -> memref<1x128xi32, #tpu.memory_space<vmem>>
        %dma_wait3A_170 = tpu.memref_squeeze %dma_wait3A_169 : memref<1x128xi32, #tpu.memory_space<vmem>> -> memref<128xi32, #tpu.memory_space<vmem>>
        %dma_wait3A_171 = tpu.memref_slice %arg3[%mul3A_132] : memref<320000xi32, #tpu.memory_space<hbm>> -> memref<128xi32, #tpu.memory_space<hbm>>
        %dma_wait3A_172 = arith.constant 0 : i32
        %dma_wait3A_173 = tpu.memref_slice %arg7[%run_scoped3A_133, %dma_wait3A_172] : memref<1x128xi32, #tpu.memory_space<vmem>> -> memref<1x128xi32, #tpu.memory_space<vmem>>
        %dma_wait3A_174 = tpu.memref_squeeze %dma_wait3A_173 : memref<1x128xi32, #tpu.memory_space<vmem>> -> memref<128xi32, #tpu.memory_space<vmem>>
        %dma_wait3A_175 = tpu.memref_slice %arg3[%mul3A_132] : memref<320000xi32, #tpu.memory_space<hbm>> -> memref<128xi32, #tpu.memory_space<hbm>>
        tpu.wait_dma2 semaphore(%run_scoped3A_159 : memref<!tpu.dma_semaphore, #tpu.memory_space<semaphore_mem>>) src(%dma_wait3A_175 : memref<128xi32, #tpu.memory_space<hbm>>) dst(%dma_wait3A_174 : memref<128xi32, #tpu.memory_space<vmem>>)
        tpu.yield
      }) : () -> ()
      %dma_start3A_134 = arith.constant 0 : i32
      %dma_start3A_135 = tpu.memref_slice %arg2[%mul3A_132, %dma_start3A_134] : memref<320000x128xf32, #tpu.memory_space<hbm>> -> memref<128x128xf32, #tpu.memory_space<hbm>>
      %dma_start3A_136 = arith.constant 0 : i32
      %dma_start3A_137 = tpu.memref_slice %arg2[%mul3A_132, %dma_start3A_136] : memref<320000x128xf32, #tpu.memory_space<hbm>> -> memref<128x128xf32, #tpu.memory_space<hbm>>
      tpu.enqueue_dma source(%dma_start3A_137 : memref<128x128xf32, #tpu.memory_space<hbm>>) target(%arg5 : memref<128x128xf32, #tpu.memory_space<vmem>>) target_semaphore(%arg10 : memref<!tpu.dma_semaphore, #tpu.memory_space<semaphore_mem>>)
      %dma_wait3A_138 = arith.constant 0 : i32
      %dma_wait3A_139 = arith.constant 0 : i32
      %dma_wait3A_140 = tpu.memref_slice %arg2[%dma_wait3A_138, %dma_wait3A_139] : memref<320000x128xf32, #tpu.memory_space<hbm>> -> memref<128x128xf32, #tpu.memory_space<hbm>>
      %dma_wait3A_141 = arith.constant 0 : i32
      %dma_wait3A_142 = arith.constant 0 : i32
      %dma_wait3A_143 = tpu.memref_slice %arg2[%dma_wait3A_141, %dma_wait3A_142] : memref<320000x128xf32, #tpu.memory_space<hbm>> -> memref<128x128xf32, #tpu.memory_space<hbm>>
      tpu.wait_dma2 semaphore(%arg11 : memref<!tpu.dma_semaphore, #tpu.memory_space<semaphore_mem>>) src(%dma_wait3A_143 : memref<128x128xf32, #tpu.memory_space<hbm>>) dst(%arg6 : memref<128x128xf32, #tpu.memory_space<vmem>>)
      %dma_start3A_144 = arith.constant 0 : i32
      %dma_start3A_145 = arith.constant 0 : i32
      %dma_start3A_146 = tpu.memref_slice %arg8[%dma_start3A_144, %dma_start3A_145] : memref<1x128xi32, #tpu.memory_space<vmem>> -> memref<1x128xi32, #tpu.memory_space<vmem>>
      %dma_start3A_147 = tpu.memref_squeeze %dma_start3A_146 : memref<1x128xi32, #tpu.memory_space<vmem>> -> memref<128xi32, #tpu.memory_space<vmem>>
      %dma_start3A_148 = arith.constant 0 : i32
      %dma_start3A_149 = arith.constant 0 : i32
      %dma_start3A_150 = tpu.memref_slice %arg9[%dma_start3A_148, %dma_start3A_149] : memref<10000x128xf32, #tpu.memory_space<vmem_shared>> -> memref<10000x128xf32, #tpu.memory_space<vmem_shared>>
      tpu.enqueue_indirect_dma source(%arg6 : memref<128x128xf32, #tpu.memory_space<vmem>>) target(%dma_start3A_150 : memref<10000x128xf32, #tpu.memory_space<vmem_shared>>) offsets(%dma_start3A_147 : memref<128xi32, #tpu.memory_space<vmem>>) semaphore(%arg13 : memref<!tpu.dma_semaphore, #tpu.memory_space<semaphore_mem>>) {add = true}
      %dma_wait3A_151 = arith.constant 0 : i32
      %dma_wait3A_152 = arith.constant 0 : i32
      %dma_wait3A_153 = tpu.memref_slice %arg8[%dma_wait3A_151, %dma_wait3A_152] : memref<1x128xi32, #tpu.memory_space<vmem>> -> memref<1x128xi32, #tpu.memory_space<vmem>>
      %dma_wait3A_154 = tpu.memref_squeeze %dma_wait3A_153 : memref<1x128xi32, #tpu.memory_space<vmem>> -> memref<128xi32, #tpu.memory_space<vmem>>
      %dma_wait3A_155 = arith.constant 0 : i32
      %dma_wait3A_156 = arith.constant 0 : i32
      %dma_wait3A_157 = tpu.memref_slice %arg9[%dma_wait3A_155, %dma_wait3A_156] : memref<10000x128xf32, #tpu.memory_space<vmem_shared>> -> memref<10000x128xf32, #tpu.memory_space<vmem_shared>>
      tpu.wait_indirect_dma semaphore(%arg13 : memref<!tpu.dma_semaphore, #tpu.memory_space<semaphore_mem>>) src(%arg6 : memref<128x128xf32, #tpu.memory_space<vmem>>) dst(%dma_wait3A_157 : memref<10000x128xf32, #tpu.memory_space<vmem_shared>>)
      %scan3A_158 = arith.constant 0 : i32
      scf.yield %scan3A_158 : i32
    }
    %scan3A_37 = arith.constant 38 : i32
    %dma_wait3A = arith.constant 0 : i32
    %dma_wait3A_38 = arith.constant 0 : i32
    %dma_wait3A_39 = tpu.memref_slice %arg2[%dma_wait3A, %dma_wait3A_38] : memref<320000x128xf32, #tpu.memory_space<hbm>> -> memref<128x128xf32, #tpu.memory_space<hbm>>
    %dma_wait3A_40 = arith.constant 0 : i32
    %dma_wait3A_41 = arith.constant 0 : i32
    %dma_wait3A_42 = tpu.memref_slice %arg2[%dma_wait3A_40, %dma_wait3A_41] : memref<320000x128xf32, #tpu.memory_space<hbm>> -> memref<128x128xf32, #tpu.memory_space<hbm>>
    tpu.wait_dma2 semaphore(%arg10 : memref<!tpu.dma_semaphore, #tpu.memory_space<semaphore_mem>>) src(%dma_wait3A_42 : memref<128x128xf32, #tpu.memory_space<hbm>>) dst(%arg5 : memref<128x128xf32, #tpu.memory_space<vmem>>)
    %dma_start3A_43 = arith.constant 0 : i32
    %dma_start3A_44 = arith.constant 0 : i32
    %dma_start3A_45 = tpu.memref_slice %arg7[%dma_start3A_43, %dma_start3A_44] : memref<1x128xi32, #tpu.memory_space<vmem>> -> memref<1x128xi32, #tpu.memory_space<vmem>>
    %dma_start3A_46 = tpu.memref_squeeze %dma_start3A_45 : memref<1x128xi32, #tpu.memory_space<vmem>> -> memref<128xi32, #tpu.memory_space<vmem>>
    %dma_start3A_47 = arith.constant 0 : i32
    %dma_start3A_48 = arith.constant 0 : i32
    %dma_start3A_49 = tpu.memref_slice %arg9[%dma_start3A_47, %dma_start3A_48] : memref<10000x128xf32, #tpu.memory_space<vmem_shared>> -> memref<10000x128xf32, #tpu.memory_space<vmem_shared>>
    tpu.enqueue_indirect_dma source(%arg5 : memref<128x128xf32, #tpu.memory_space<vmem>>) target(%dma_start3A_49 : memref<10000x128xf32, #tpu.memory_space<vmem_shared>>) offsets(%dma_start3A_46 : memref<128xi32, #tpu.memory_space<vmem>>) semaphore(%arg12 : memref<!tpu.dma_semaphore, #tpu.memory_space<semaphore_mem>>) {add = true}
    %dma_wait3A_50 = arith.constant 0 : i32
    %dma_wait3A_51 = arith.constant 0 : i32
    %dma_wait3A_52 = tpu.memref_slice %arg7[%dma_wait3A_50, %dma_wait3A_51] : memref<1x128xi32, #tpu.memory_space<vmem>> -> memref<1x128xi32, #tpu.memory_space<vmem>>
    %dma_wait3A_53 = tpu.memref_squeeze %dma_wait3A_52 : memref<1x128xi32, #tpu.memory_space<vmem>> -> memref<128xi32, #tpu.memory_space<vmem>>
    %dma_wait3A_54 = arith.constant 0 : i32
    %dma_wait3A_55 = arith.constant 0 : i32
    %dma_wait3A_56 = tpu.memref_slice %arg9[%dma_wait3A_54, %dma_wait3A_55] : memref<10000x128xf32, #tpu.memory_space<vmem_shared>> -> memref<10000x128xf32, #tpu.memory_space<vmem_shared>>
    tpu.wait_indirect_dma semaphore(%arg12 : memref<!tpu.dma_semaphore, #tpu.memory_space<semaphore_mem>>) src(%arg5 : memref<128x128xf32, #tpu.memory_space<vmem>>) dst(%dma_wait3A_56 : memref<10000x128xf32, #tpu.memory_space<vmem_shared>>)
    %sub3A_57 = arith.constant 2499 : i32
    %sub3A_58 = arith.subi %sub3A_57, %add3A : i32
    %div3A_59 = arith.constant 32 : i32
    %div3A_60 = arith.divsi %sub3A_58, %div3A_59 : i32
    %sub3A_61 = arith.constant 76 : i32
    %sub3A_62 = arith.subi %div3A_60, %sub3A_61 : i32
    %while3A_63 = arith.constant 0 : i32
    %while3A_64 = arith.constant 0 : i32
    %while3A_65 = arith.subi %sub3A_62, %while3A_63 : i32
    %while3A_66 = arith.addi %while3A_63, %while3A_65 : i32
    %while3A_67 = arith.constant 1 : i32
    %while3A_68 = arith.divsi %while3A_65, %while3A_67 : i32
    %while3A_69 = arith.muli %while3A_68, %while3A_67 : i32
    %while3A_70 = arith.addi %while3A_63, %while3A_69 : i32
    %while3A_71 = arith.constant 1 : i32
    %while3A_72 = scf.for %while3A_88 = %while3A_63 to %while3A_70 step %while3A_71 iter_args(%while3A_89 = %while3A_64) -> (i32)  : i32 {
      %add3A_90 = arith.constant 77 : i32
      %add3A_91 = arith.addi %add3A_90, %while3A_88 : i32
      %mul3A_92 = arith.constant 32 : i32
      %mul3A_93 = arith.muli %mul3A_92, %add3A_91 : i32
      %add3A_94 = arith.addi %add3A, %mul3A_93 : i32
      %mul3A_95 = arith.constant 128 : i32
      %mul3A_96 = arith.muli %add3A_94, %mul3A_95 : i32
      %run_scoped3A_97 = arith.constant 0 : i32
      "tpu.region"() ({
        %run_scoped3A_123 = tpu.sem_alloc : memref<!tpu.dma_semaphore, #tpu.memory_space<semaphore_mem>>
        %dma_start3A_124 = arith.constant 0 : i32
        %dma_start3A_125 = tpu.memref_slice %arg7[%run_scoped3A_97, %dma_start3A_124] : memref<1x128xi32, #tpu.memory_space<vmem>> -> memref<1x128xi32, #tpu.memory_space<vmem>>
        %dma_start3A_126 = tpu.memref_squeeze %dma_start3A_125 : memref<1x128xi32, #tpu.memory_space<vmem>> -> memref<128xi32, #tpu.memory_space<vmem>>
        %dma_start3A_127 = tpu.memref_slice %arg3[%mul3A_96] : memref<320000xi32, #tpu.memory_space<hbm>> -> memref<128xi32, #tpu.memory_space<hbm>>
        %dma_start3A_128 = arith.constant 0 : i32
        %dma_start3A_129 = tpu.memref_slice %arg7[%run_scoped3A_97, %dma_start3A_128] : memref<1x128xi32, #tpu.memory_space<vmem>> -> memref<1x128xi32, #tpu.memory_space<vmem>>
        %dma_start3A_130 = tpu.memref_squeeze %dma_start3A_129 : memref<1x128xi32, #tpu.memory_space<vmem>> -> memref<128xi32, #tpu.memory_space<vmem>>
        %dma_start3A_131 = tpu.memref_slice %arg3[%mul3A_96] : memref<320000xi32, #tpu.memory_space<hbm>> -> memref<128xi32, #tpu.memory_space<hbm>>
        tpu.enqueue_dma source(%dma_start3A_131 : memref<128xi32, #tpu.memory_space<hbm>>) target(%dma_start3A_130 : memref<128xi32, #tpu.memory_space<vmem>>) target_semaphore(%run_scoped3A_123 : memref<!tpu.dma_semaphore, #tpu.memory_space<semaphore_mem>>)
        %dma_wait3A_132 = arith.constant 0 : i32
        %dma_wait3A_133 = tpu.memref_slice %arg7[%run_scoped3A_97, %dma_wait3A_132] : memref<1x128xi32, #tpu.memory_space<vmem>> -> memref<1x128xi32, #tpu.memory_space<vmem>>
        %dma_wait3A_134 = tpu.memref_squeeze %dma_wait3A_133 : memref<1x128xi32, #tpu.memory_space<vmem>> -> memref<128xi32, #tpu.memory_space<vmem>>
        %dma_wait3A_135 = tpu.memref_slice %arg3[%mul3A_96] : memref<320000xi32, #tpu.memory_space<hbm>> -> memref<128xi32, #tpu.memory_space<hbm>>
        %dma_wait3A_136 = arith.constant 0 : i32
        %dma_wait3A_137 = tpu.memref_slice %arg7[%run_scoped3A_97, %dma_wait3A_136] : memref<1x128xi32, #tpu.memory_space<vmem>> -> memref<1x128xi32, #tpu.memory_space<vmem>>
        %dma_wait3A_138 = tpu.memref_squeeze %dma_wait3A_137 : memref<1x128xi32, #tpu.memory_space<vmem>> -> memref<128xi32, #tpu.memory_space<vmem>>
        %dma_wait3A_139 = tpu.memref_slice %arg3[%mul3A_96] : memref<320000xi32, #tpu.memory_space<hbm>> -> memref<128xi32, #tpu.memory_space<hbm>>
        tpu.wait_dma2 semaphore(%run_scoped3A_123 : memref<!tpu.dma_semaphore, #tpu.memory_space<semaphore_mem>>) src(%dma_wait3A_139 : memref<128xi32, #tpu.memory_space<hbm>>) dst(%dma_wait3A_138 : memref<128xi32, #tpu.memory_space<vmem>>)
        tpu.yield
      }) : () -> ()
      %dma_start3A_98 = arith.constant 0 : i32
      %dma_start3A_99 = tpu.memref_slice %arg2[%mul3A_96, %dma_start3A_98] : memref<320000x128xf32, #tpu.memory_space<hbm>> -> memref<128x128xf32, #tpu.memory_space<hbm>>
      %dma_start3A_100 = arith.constant 0 : i32
      %dma_start3A_101 = tpu.memref_slice %arg2[%mul3A_96, %dma_start3A_100] : memref<320000x128xf32, #tpu.memory_space<hbm>> -> memref<128x128xf32, #tpu.memory_space<hbm>>
      tpu.enqueue_dma source(%dma_start3A_101 : memref<128x128xf32, #tpu.memory_space<hbm>>) target(%arg5 : memref<128x128xf32, #tpu.memory_space<vmem>>) target_semaphore(%arg10 : memref<!tpu.dma_semaphore, #tpu.memory_space<semaphore_mem>>)
      %dma_wait3A_102 = arith.constant 0 : i32
      %dma_wait3A_103 = arith.constant 0 : i32
      %dma_wait3A_104 = tpu.memref_slice %arg2[%dma_wait3A_102, %dma_wait3A_103] : memref<320000x128xf32, #tpu.memory_space<hbm>> -> memref<128x128xf32, #tpu.memory_space<hbm>>
      %dma_wait3A_105 = arith.constant 0 : i32
      %dma_wait3A_106 = arith.constant 0 : i32
      %dma_wait3A_107 = tpu.memref_slice %arg2[%dma_wait3A_105, %dma_wait3A_106] : memref<320000x128xf32, #tpu.memory_space<hbm>> -> memref<128x128xf32, #tpu.memory_space<hbm>>
      tpu.wait_dma2 semaphore(%arg10 : memref<!tpu.dma_semaphore, #tpu.memory_space<semaphore_mem>>) src(%dma_wait3A_107 : memref<128x128xf32, #tpu.memory_space<hbm>>) dst(%arg5 : memref<128x128xf32, #tpu.memory_space<vmem>>)
      %dma_start3A_108 = arith.constant 0 : i32
      %dma_start3A_109 = arith.constant 0 : i32
      %dma_start3A_110 = tpu.memref_slice %arg7[%dma_start3A_108, %dma_start3A_109] : memref<1x128xi32, #tpu.memory_space<vmem>> -> memref<1x128xi32, #tpu.memory_space<vmem>>
      %dma_start3A_111 = tpu.memref_squeeze %dma_start3A_110 : memref<1x128xi32, #tpu.memory_space<vmem>> -> memref<128xi32, #tpu.memory_space<vmem>>
      %dma_start3A_112 = arith.constant 0 : i32
      %dma_start3A_113 = arith.constant 0 : i32
      %dma_start3A_114 = tpu.memref_slice %arg9[%dma_start3A_112, %dma_start3A_113] : memref<10000x128xf32, #tpu.memory_space<vmem_shared>> -> memref<10000x128xf32, #tpu.memory_space<vmem_shared>>
      tpu.enqueue_indirect_dma source(%arg5 : memref<128x128xf32, #tpu.memory_space<vmem>>) target(%dma_start3A_114 : memref<10000x128xf32, #tpu.memory_space<vmem_shared>>) offsets(%dma_start3A_111 : memref<128xi32, #tpu.memory_space<vmem>>) semaphore(%arg12 : memref<!tpu.dma_semaphore, #tpu.memory_space<semaphore_mem>>) {add = true}
      %dma_wait3A_115 = arith.constant 0 : i32
      %dma_wait3A_116 = arith.constant 0 : i32
      %dma_wait3A_117 = tpu.memref_slice %arg7[%dma_wait3A_115, %dma_wait3A_116] : memref<1x128xi32, #tpu.memory_space<vmem>> -> memref<1x128xi32, #tpu.memory_space<vmem>>
      %dma_wait3A_118 = tpu.memref_squeeze %dma_wait3A_117 : memref<1x128xi32, #tpu.memory_space<vmem>> -> memref<128xi32, #tpu.memory_space<vmem>>
      %dma_wait3A_119 = arith.constant 0 : i32
      %dma_wait3A_120 = arith.constant 0 : i32
      %dma_wait3A_121 = tpu.memref_slice %arg9[%dma_wait3A_119, %dma_wait3A_120] : memref<10000x128xf32, #tpu.memory_space<vmem_shared>> -> memref<10000x128xf32, #tpu.memory_space<vmem_shared>>
      tpu.wait_indirect_dma semaphore(%arg12 : memref<!tpu.dma_semaphore, #tpu.memory_space<semaphore_mem>>) src(%arg5 : memref<128x128xf32, #tpu.memory_space<vmem>>) dst(%dma_wait3A_121 : memref<10000x128xf32, #tpu.memory_space<vmem_shared>>)
      %while3A_122 = arith.constant 0 : i32
      scf.yield %while3A_122 : i32
    }
    %while3A_73 = arith.constant 1 : i32
    %while3A_74 = scf.for %while3A_88 = %while3A_70 to %while3A_66 step %while3A_73 iter_args(%while3A_89 = %while3A_72) -> (i32)  : i32 {
      %add3A_90 = arith.constant 77 : i32
      %add3A_91 = arith.addi %add3A_90, %while3A_88 : i32
      %mul3A_92 = arith.constant 32 : i32
      %mul3A_93 = arith.muli %mul3A_92, %add3A_91 : i32
      %add3A_94 = arith.addi %add3A, %mul3A_93 : i32
      %mul3A_95 = arith.constant 128 : i32
      %mul3A_96 = arith.muli %add3A_94, %mul3A_95 : i32
      %run_scoped3A_97 = arith.constant 0 : i32
      "tpu.region"() ({
        %run_scoped3A_123 = tpu.sem_alloc : memref<!tpu.dma_semaphore, #tpu.memory_space<semaphore_mem>>
        %dma_start3A_124 = arith.constant 0 : i32
        %dma_start3A_125 = tpu.memref_slice %arg7[%run_scoped3A_97, %dma_start3A_124] : memref<1x128xi32, #tpu.memory_space<vmem>> -> memref<1x128xi32, #tpu.memory_space<vmem>>
        %dma_start3A_126 = tpu.memref_squeeze %dma_start3A_125 : memref<1x128xi32, #tpu.memory_space<vmem>> -> memref<128xi32, #tpu.memory_space<vmem>>
        %dma_start3A_127 = tpu.memref_slice %arg3[%mul3A_96] : memref<320000xi32, #tpu.memory_space<hbm>> -> memref<128xi32, #tpu.memory_space<hbm>>
        %dma_start3A_128 = arith.constant 0 : i32
        %dma_start3A_129 = tpu.memref_slice %arg7[%run_scoped3A_97, %dma_start3A_128] : memref<1x128xi32, #tpu.memory_space<vmem>> -> memref<1x128xi32, #tpu.memory_space<vmem>>
        %dma_start3A_130 = tpu.memref_squeeze %dma_start3A_129 : memref<1x128xi32, #tpu.memory_space<vmem>> -> memref<128xi32, #tpu.memory_space<vmem>>
        %dma_start3A_131 = tpu.memref_slice %arg3[%mul3A_96] : memref<320000xi32, #tpu.memory_space<hbm>> -> memref<128xi32, #tpu.memory_space<hbm>>
        tpu.enqueue_dma source(%dma_start3A_131 : memref<128xi32, #tpu.memory_space<hbm>>) target(%dma_start3A_130 : memref<128xi32, #tpu.memory_space<vmem>>) target_semaphore(%run_scoped3A_123 : memref<!tpu.dma_semaphore, #tpu.memory_space<semaphore_mem>>)
        %dma_wait3A_132 = arith.constant 0 : i32
        %dma_wait3A_133 = tpu.memref_slice %arg7[%run_scoped3A_97, %dma_wait3A_132] : memref<1x128xi32, #tpu.memory_space<vmem>> -> memref<1x128xi32, #tpu.memory_space<vmem>>
        %dma_wait3A_134 = tpu.memref_squeeze %dma_wait3A_133 : memref<1x128xi32, #tpu.memory_space<vmem>> -> memref<128xi32, #tpu.memory_space<vmem>>
        %dma_wait3A_135 = tpu.memref_slice %arg3[%mul3A_96] : memref<320000xi32, #tpu.memory_space<hbm>> -> memref<128xi32, #tpu.memory_space<hbm>>
        %dma_wait3A_136 = arith.constant 0 : i32
        %dma_wait3A_137 = tpu.memref_slice %arg7[%run_scoped3A_97, %dma_wait3A_136] : memref<1x128xi32, #tpu.memory_space<vmem>> -> memref<1x128xi32, #tpu.memory_space<vmem>>
        %dma_wait3A_138 = tpu.memref_squeeze %dma_wait3A_137 : memref<1x128xi32, #tpu.memory_space<vmem>> -> memref<128xi32, #tpu.memory_space<vmem>>
        %dma_wait3A_139 = tpu.memref_slice %arg3[%mul3A_96] : memref<320000xi32, #tpu.memory_space<hbm>> -> memref<128xi32, #tpu.memory_space<hbm>>
        tpu.wait_dma2 semaphore(%run_scoped3A_123 : memref<!tpu.dma_semaphore, #tpu.memory_space<semaphore_mem>>) src(%dma_wait3A_139 : memref<128xi32, #tpu.memory_space<hbm>>) dst(%dma_wait3A_138 : memref<128xi32, #tpu.memory_space<vmem>>)
        tpu.yield
      }) : () -> ()
      %dma_start3A_98 = arith.constant 0 : i32
      %dma_start3A_99 = tpu.memref_slice %arg2[%mul3A_96, %dma_start3A_98] : memref<320000x128xf32, #tpu.memory_space<hbm>> -> memref<128x128xf32, #tpu.memory_space<hbm>>
      %dma_start3A_100 = arith.constant 0 : i32
      %dma_start3A_101 = tpu.memref_slice %arg2[%mul3A_96, %dma_start3A_100] : memref<320000x128xf32, #tpu.memory_space<hbm>> -> memref<128x128xf32, #tpu.memory_space<hbm>>
      tpu.enqueue_dma source(%dma_start3A_101 : memref<128x128xf32, #tpu.memory_space<hbm>>) target(%arg5 : memref<128x128xf32, #tpu.memory_space<vmem>>) target_semaphore(%arg10 : memref<!tpu.dma_semaphore, #tpu.memory_space<semaphore_mem>>)
      %dma_wait3A_102 = arith.constant 0 : i32
      %dma_wait3A_103 = arith.constant 0 : i32
      %dma_wait3A_104 = tpu.memref_slice %arg2[%dma_wait3A_102, %dma_wait3A_103] : memref<320000x128xf32, #tpu.memory_space<hbm>> -> memref<128x128xf32, #tpu.memory_space<hbm>>
      %dma_wait3A_105 = arith.constant 0 : i32
      %dma_wait3A_106 = arith.constant 0 : i32
      %dma_wait3A_107 = tpu.memref_slice %arg2[%dma_wait3A_105, %dma_wait3A_106] : memref<320000x128xf32, #tpu.memory_space<hbm>> -> memref<128x128xf32, #tpu.memory_space<hbm>>
      tpu.wait_dma2 semaphore(%arg10 : memref<!tpu.dma_semaphore, #tpu.memory_space<semaphore_mem>>) src(%dma_wait3A_107 : memref<128x128xf32, #tpu.memory_space<hbm>>) dst(%arg5 : memref<128x128xf32, #tpu.memory_space<vmem>>)
      %dma_start3A_108 = arith.constant 0 : i32
      %dma_start3A_109 = arith.constant 0 : i32
      %dma_start3A_110 = tpu.memref_slice %arg7[%dma_start3A_108, %dma_start3A_109] : memref<1x128xi32, #tpu.memory_space<vmem>> -> memref<1x128xi32, #tpu.memory_space<vmem>>
      %dma_start3A_111 = tpu.memref_squeeze %dma_start3A_110 : memref<1x128xi32, #tpu.memory_space<vmem>> -> memref<128xi32, #tpu.memory_space<vmem>>
      %dma_start3A_112 = arith.constant 0 : i32
      %dma_start3A_113 = arith.constant 0 : i32
      %dma_start3A_114 = tpu.memref_slice %arg9[%dma_start3A_112, %dma_start3A_113] : memref<10000x128xf32, #tpu.memory_space<vmem_shared>> -> memref<10000x128xf32, #tpu.memory_space<vmem_shared>>
      tpu.enqueue_indirect_dma source(%arg5 : memref<128x128xf32, #tpu.memory_space<vmem>>) target(%dma_start3A_114 : memref<10000x128xf32, #tpu.memory_space<vmem_shared>>) offsets(%dma_start3A_111 : memref<128xi32, #tpu.memory_space<vmem>>) semaphore(%arg12 : memref<!tpu.dma_semaphore, #tpu.memory_space<semaphore_mem>>) {add = true}
      %dma_wait3A_115 = arith.constant 0 : i32
      %dma_wait3A_116 = arith.constant 0 : i32
      %dma_wait3A_117 = tpu.memref_slice %arg7[%dma_wait3A_115, %dma_wait3A_116] : memref<1x128xi32, #tpu.memory_space<vmem>> -> memref<1x128xi32, #tpu.memory_space<vmem>>
      %dma_wait3A_118 = tpu.memref_squeeze %dma_wait3A_117 : memref<1x128xi32, #tpu.memory_space<vmem>> -> memref<128xi32, #tpu.memory_space<vmem>>
      %dma_wait3A_119 = arith.constant 0 : i32
      %dma_wait3A_120 = arith.constant 0 : i32
      %dma_wait3A_121 = tpu.memref_slice %arg9[%dma_wait3A_119, %dma_wait3A_120] : memref<10000x128xf32, #tpu.memory_space<vmem_shared>> -> memref<10000x128xf32, #tpu.memory_space<vmem_shared>>
      tpu.wait_indirect_dma semaphore(%arg12 : memref<!tpu.dma_semaphore, #tpu.memory_space<semaphore_mem>>) src(%arg5 : memref<128x128xf32, #tpu.memory_space<vmem>>) dst(%dma_wait3A_121 : memref<10000x128xf32, #tpu.memory_space<vmem_shared>>)
      %while3A_122 = arith.constant 0 : i32
      scf.yield %while3A_122 : i32
    }
    %barrier3A_75 = arith.constant 0 : index
    tpu.barrier barrier_id(%barrier3A_75)
    %while3A_76 = arith.constant 0 : i32
    %while3A_77 = arith.constant 0 : i32
    %while3A_78 = arith.subi %add3A_11, %while3A_76 : i32
    %while3A_79 = arith.addi %while3A_76, %while3A_78 : i32
    %while3A_80 = arith.constant 1 : i32
    %while3A_81 = arith.divsi %while3A_78, %while3A_80 : i32
    %while3A_82 = arith.muli %while3A_81, %while3A_80 : i32
    %while3A_83 = arith.addi %while3A_76, %while3A_82 : i32
    %while3A_84 = arith.constant 1 : i32
    %while3A_85 = scf.for %while3A_88 = %while3A_76 to %while3A_83 step %while3A_84 iter_args(%while3A_89 = %while3A_77) -> (i32)  : i32 {
      %mul3A_90 = arith.constant 16 : i32
      %mul3A_91 = arith.muli %mul3A_90, %while3A_88 : i32
      %add3A_92 = arith.addi %arg1, %mul3A_91 : i32
      %mul3A_93 = arith.constant 80 : i32
      %mul3A_94 = arith.muli %add3A_92, %mul3A_93 : i32
      "tpu.region"() ({
        %run_scoped3A_98 = tpu.sem_alloc : memref<!tpu.dma_semaphore, #tpu.memory_space<semaphore_mem>>
        %dma_start3A_99 = arith.constant 0 : i32
        %dma_start3A_100 = arith.constant 0 : i32
        %dma_start3A_101 = tpu.memref_slice %arg5[%dma_start3A_99, %dma_start3A_100] : memref<128x128xf32, #tpu.memory_space<vmem>> -> memref<80x128xf32, #tpu.memory_space<vmem>>
        %dma_start3A_102 = arith.constant 0 : i32
        %dma_start3A_103 = tpu.memref_slice %arg9[%mul3A_94, %dma_start3A_102] : memref<10000x128xf32, #tpu.memory_space<vmem_shared>> -> memref<80x128xf32, #tpu.memory_space<vmem_shared>>
        %dma_start3A_104 = arith.constant 0 : i32
        %dma_start3A_105 = arith.constant 0 : i32
        %dma_start3A_106 = tpu.memref_slice %arg5[%dma_start3A_104, %dma_start3A_105] : memref<128x128xf32, #tpu.memory_space<vmem>> -> memref<80x128xf32, #tpu.memory_space<vmem>>
        %dma_start3A_107 = arith.constant 0 : i32
        %dma_start3A_108 = tpu.memref_slice %arg9[%mul3A_94, %dma_start3A_107] : memref<10000x128xf32, #tpu.memory_space<vmem_shared>> -> memref<80x128xf32, #tpu.memory_space<vmem_shared>>
        tpu.enqueue_dma source(%dma_start3A_108 : memref<80x128xf32, #tpu.memory_space<vmem_shared>>) target(%dma_start3A_106 : memref<80x128xf32, #tpu.memory_space<vmem>>) target_semaphore(%run_scoped3A_98 : memref<!tpu.dma_semaphore, #tpu.memory_space<semaphore_mem>>)
        %dma_wait3A_109 = arith.constant 0 : i32
        %dma_wait3A_110 = arith.constant 0 : i32
        %dma_wait3A_111 = tpu.memref_slice %arg5[%dma_wait3A_109, %dma_wait3A_110] : memref<128x128xf32, #tpu.memory_space<vmem>> -> memref<80x128xf32, #tpu.memory_space<vmem>>
        %dma_wait3A_112 = arith.constant 0 : i32
        %dma_wait3A_113 = tpu.memref_slice %arg9[%mul3A_94, %dma_wait3A_112] : memref<10000x128xf32, #tpu.memory_space<vmem_shared>> -> memref<80x128xf32, #tpu.memory_space<vmem_shared>>
        %dma_wait3A_114 = arith.constant 0 : i32
        %dma_wait3A_115 = arith.constant 0 : i32
        %dma_wait3A_116 = tpu.memref_slice %arg5[%dma_wait3A_114, %dma_wait3A_115] : memref<128x128xf32, #tpu.memory_space<vmem>> -> memref<80x128xf32, #tpu.memory_space<vmem>>
        %dma_wait3A_117 = arith.constant 0 : i32
        %dma_wait3A_118 = tpu.memref_slice %arg9[%mul3A_94, %dma_wait3A_117] : memref<10000x128xf32, #tpu.memory_space<vmem_shared>> -> memref<80x128xf32, #tpu.memory_space<vmem_shared>>
        tpu.wait_dma2 semaphore(%run_scoped3A_98 : memref<!tpu.dma_semaphore, #tpu.memory_space<semaphore_mem>>) src(%dma_wait3A_118 : memref<80x128xf32, #tpu.memory_space<vmem_shared>>) dst(%dma_wait3A_116 : memref<80x128xf32, #tpu.memory_space<vmem>>)
        tpu.yield
      }) : () -> ()
      %mul3A_95 = arith.constant 80 : i32
      %mul3A_96 = arith.muli %add3A_92, %mul3A_95 : i32
      "tpu.region"() ({
        %run_scoped3A_98 = tpu.sem_alloc : memref<!tpu.dma_semaphore, #tpu.memory_space<semaphore_mem>>
        %dma_start3A_99 = arith.constant 0 : i32
        %dma_start3A_100 = arith.constant 0 : i32
        %dma_start3A_101 = tpu.memref_slice %arg5[%dma_start3A_99, %dma_start3A_100] : memref<128x128xf32, #tpu.memory_space<vmem>> -> memref<80x128xf32, #tpu.memory_space<vmem>>
        %dma_start3A_102 = arith.constant 0 : i32
        %dma_start3A_103 = tpu.memref_slice %arg4[%arg0, %mul3A_96, %dma_start3A_102] : memref<2x10000x128xf32, #tpu.memory_space<hbm>> -> memref<1x80x128xf32, #tpu.memory_space<hbm>>
        %dma_start3A_104 = tpu.memref_squeeze %dma_start3A_103 : memref<1x80x128xf32, #tpu.memory_space<hbm>> -> memref<80x128xf32, #tpu.memory_space<hbm>>
        %dma_start3A_105 = arith.constant 0 : i32
        %dma_start3A_106 = tpu.memref_slice %arg4[%arg0, %mul3A_96, %dma_start3A_105] : memref<2x10000x128xf32, #tpu.memory_space<hbm>> -> memref<1x80x128xf32, #tpu.memory_space<hbm>>
        %dma_start3A_107 = tpu.memref_squeeze %dma_start3A_106 : memref<1x80x128xf32, #tpu.memory_space<hbm>> -> memref<80x128xf32, #tpu.memory_space<hbm>>
        %dma_start3A_108 = arith.constant 0 : i32
        %dma_start3A_109 = arith.constant 0 : i32
        %dma_start3A_110 = tpu.memref_slice %arg5[%dma_start3A_108, %dma_start3A_109] : memref<128x128xf32, #tpu.memory_space<vmem>> -> memref<80x128xf32, #tpu.memory_space<vmem>>
        tpu.enqueue_dma source(%dma_start3A_110 : memref<80x128xf32, #tpu.memory_space<vmem>>) target(%dma_start3A_107 : memref<80x128xf32, #tpu.memory_space<hbm>>) target_semaphore(%run_scoped3A_98 : memref<!tpu.dma_semaphore, #tpu.memory_space<semaphore_mem>>)
        %dma_wait3A_111 = arith.constant 0 : i32
        %dma_wait3A_112 = arith.constant 0 : i32
        %dma_wait3A_113 = tpu.memref_slice %arg5[%dma_wait3A_111, %dma_wait3A_112] : memref<128x128xf32, #tpu.memory_space<vmem>> -> memref<80x128xf32, #tpu.memory_space<vmem>>
        %dma_wait3A_114 = arith.constant 0 : i32
        %dma_wait3A_115 = tpu.memref_slice %arg4[%arg0, %mul3A_96, %dma_wait3A_114] : memref<2x10000x128xf32, #tpu.memory_space<hbm>> -> memref<1x80x128xf32, #tpu.memory_space<hbm>>
        %dma_wait3A_116 = tpu.memref_squeeze %dma_wait3A_115 : memref<1x80x128xf32, #tpu.memory_space<hbm>> -> memref<80x128xf32, #tpu.memory_space<hbm>>
        %dma_wait3A_117 = arith.constant 0 : i32
        %dma_wait3A_118 = tpu.memref_slice %arg4[%arg0, %mul3A_96, %dma_wait3A_117] : memref<2x10000x128xf32, #tpu.memory_space<hbm>> -> memref<1x80x128xf32, #tpu.memory_space<hbm>>
        %dma_wait3A_119 = tpu.memref_squeeze %dma_wait3A_118 : memref<1x80x128xf32, #tpu.memory_space<hbm>> -> memref<80x128xf32, #tpu.memory_space<hbm>>
        %dma_wait3A_120 = arith.constant 0 : i32
        %dma_wait3A_121 = arith.constant 0 : i32
        %dma_wait3A_122 = tpu.memref_slice %arg5[%dma_wait3A_120, %dma_wait3A_121] : memref<128x128xf32, #tpu.memory_space<vmem>> -> memref<80x128xf32, #tpu.memory_space<vmem>>
        tpu.wait_dma2 semaphore(%run_scoped3A_98 : memref<!tpu.dma_semaphore, #tpu.memory_space<semaphore_mem>>) src(%dma_wait3A_122 : memref<80x128xf32, #tpu.memory_space<vmem>>) dst(%dma_wait3A_119 : memref<80x128xf32, #tpu.memory_space<hbm>>)
        tpu.yield
      }) : () -> ()
      %while3A_97 = arith.constant 0 : i32
      scf.yield %while3A_97 : i32
    }
    %while3A_86 = arith.constant 1 : i32
    %while3A_87 = scf.for %while3A_88 = %while3A_83 to %while3A_79 step %while3A_86 iter_args(%while3A_89 = %while3A_85) -> (i32)  : i32 {
      %mul3A_90 = arith.constant 16 : i32
      %mul3A_91 = arith.muli %mul3A_90, %while3A_88 : i32
      %add3A_92 = arith.addi %arg1, %mul3A_91 : i32
      %mul3A_93 = arith.constant 80 : i32
      %mul3A_94 = arith.muli %add3A_92, %mul3A_93 : i32
      "tpu.region"() ({
        %run_scoped3A_98 = tpu.sem_alloc : memref<!tpu.dma_semaphore, #tpu.memory_space<semaphore_mem>>
        %dma_start3A_99 = arith.constant 0 : i32
        %dma_start3A_100 = arith.constant 0 : i32
        %dma_start3A_101 = tpu.memref_slice %arg5[%dma_start3A_99, %dma_start3A_100] : memref<128x128xf32, #tpu.memory_space<vmem>> -> memref<80x128xf32, #tpu.memory_space<vmem>>
        %dma_start3A_102 = arith.constant 0 : i32
        %dma_start3A_103 = tpu.memref_slice %arg9[%mul3A_94, %dma_start3A_102] : memref<10000x128xf32, #tpu.memory_space<vmem_shared>> -> memref<80x128xf32, #tpu.memory_space<vmem_shared>>
        %dma_start3A_104 = arith.constant 0 : i32
        %dma_start3A_105 = arith.constant 0 : i32
        %dma_start3A_106 = tpu.memref_slice %arg5[%dma_start3A_104, %dma_start3A_105] : memref<128x128xf32, #tpu.memory_space<vmem>> -> memref<80x128xf32, #tpu.memory_space<vmem>>
        %dma_start3A_107 = arith.constant 0 : i32
        %dma_start3A_108 = tpu.memref_slice %arg9[%mul3A_94, %dma_start3A_107] : memref<10000x128xf32, #tpu.memory_space<vmem_shared>> -> memref<80x128xf32, #tpu.memory_space<vmem_shared>>
        tpu.enqueue_dma source(%dma_start3A_108 : memref<80x128xf32, #tpu.memory_space<vmem_shared>>) target(%dma_start3A_106 : memref<80x128xf32, #tpu.memory_space<vmem>>) target_semaphore(%run_scoped3A_98 : memref<!tpu.dma_semaphore, #tpu.memory_space<semaphore_mem>>)
        %dma_wait3A_109 = arith.constant 0 : i32
        %dma_wait3A_110 = arith.constant 0 : i32
        %dma_wait3A_111 = tpu.memref_slice %arg5[%dma_wait3A_109, %dma_wait3A_110] : memref<128x128xf32, #tpu.memory_space<vmem>> -> memref<80x128xf32, #tpu.memory_space<vmem>>
        %dma_wait3A_112 = arith.constant 0 : i32
        %dma_wait3A_113 = tpu.memref_slice %arg9[%mul3A_94, %dma_wait3A_112] : memref<10000x128xf32, #tpu.memory_space<vmem_shared>> -> memref<80x128xf32, #tpu.memory_space<vmem_shared>>
        %dma_wait3A_114 = arith.constant 0 : i32
        %dma_wait3A_115 = arith.constant 0 : i32
        %dma_wait3A_116 = tpu.memref_slice %arg5[%dma_wait3A_114, %dma_wait3A_115] : memref<128x128xf32, #tpu.memory_space<vmem>> -> memref<80x128xf32, #tpu.memory_space<vmem>>
        %dma_wait3A_117 = arith.constant 0 : i32
        %dma_wait3A_118 = tpu.memref_slice %arg9[%mul3A_94, %dma_wait3A_117] : memref<10000x128xf32, #tpu.memory_space<vmem_shared>> -> memref<80x128xf32, #tpu.memory_space<vmem_shared>>
        tpu.wait_dma2 semaphore(%run_scoped3A_98 : memref<!tpu.dma_semaphore, #tpu.memory_space<semaphore_mem>>) src(%dma_wait3A_118 : memref<80x128xf32, #tpu.memory_space<vmem_shared>>) dst(%dma_wait3A_116 : memref<80x128xf32, #tpu.memory_space<vmem>>)
        tpu.yield
      }) : () -> ()
      %mul3A_95 = arith.constant 80 : i32
      %mul3A_96 = arith.muli %add3A_92, %mul3A_95 : i32
      "tpu.region"() ({
        %run_scoped3A_98 = tpu.sem_alloc : memref<!tpu.dma_semaphore, #tpu.memory_space<semaphore_mem>>
        %dma_start3A_99 = arith.constant 0 : i32
        %dma_start3A_100 = arith.constant 0 : i32
        %dma_start3A_101 = tpu.memref_slice %arg5[%dma_start3A_99, %dma_start3A_100] : memref<128x128xf32, #tpu.memory_space<vmem>> -> memref<80x128xf32, #tpu.memory_space<vmem>>
        %dma_start3A_102 = arith.constant 0 : i32
        %dma_start3A_103 = tpu.memref_slice %arg4[%arg0, %mul3A_96, %dma_start3A_102] : memref<2x10000x128xf32, #tpu.memory_space<hbm>> -> memref<1x80x128xf32, #tpu.memory_space<hbm>>
        %dma_start3A_104 = tpu.memref_squeeze %dma_start3A_103 : memref<1x80x128xf32, #tpu.memory_space<hbm>> -> memref<80x128xf32, #tpu.memory_space<hbm>>
        %dma_start3A_105 = arith.constant 0 : i32
        %dma_start3A_106 = tpu.memref_slice %arg4[%arg0, %mul3A_96, %dma_start3A_105] : memref<2x10000x128xf32, #tpu.memory_space<hbm>> -> memref<1x80x128xf32, #tpu.memory_space<hbm>>
        %dma_start3A_107 = tpu.memref_squeeze %dma_start3A_106 : memref<1x80x128xf32, #tpu.memory_space<hbm>> -> memref<80x128xf32, #tpu.memory_space<hbm>>
        %dma_start3A_108 = arith.constant 0 : i32
        %dma_start3A_109 = arith.constant 0 : i32
        %dma_start3A_110 = tpu.memref_slice %arg5[%dma_start3A_108, %dma_start3A_109] : memref<128x128xf32, #tpu.memory_space<vmem>> -> memref<80x128xf32, #tpu.memory_space<vmem>>
        tpu.enqueue_dma source(%dma_start3A_110 : memref<80x128xf32, #tpu.memory_space<vmem>>) target(%dma_start3A_107 : memref<80x128xf32, #tpu.memory_space<hbm>>) target_semaphore(%run_scoped3A_98 : memref<!tpu.dma_semaphore, #tpu.memory_space<semaphore_mem>>)
        %dma_wait3A_111 = arith.constant 0 : i32
        %dma_wait3A_112 = arith.constant 0 : i32
        %dma_wait3A_113 = tpu.memref_slice %arg5[%dma_wait3A_111, %dma_wait3A_112] : memref<128x128xf32, #tpu.memory_space<vmem>> -> memref<80x128xf32, #tpu.memory_space<vmem>>
        %dma_wait3A_114 = arith.constant 0 : i32
        %dma_wait3A_115 = tpu.memref_slice %arg4[%arg0, %mul3A_96, %dma_wait3A_114] : memref<2x10000x128xf32, #tpu.memory_space<hbm>> -> memref<1x80x128xf32, #tpu.memory_space<hbm>>
        %dma_wait3A_116 = tpu.memref_squeeze %dma_wait3A_115 : memref<1x80x128xf32, #tpu.memory_space<hbm>> -> memref<80x128xf32, #tpu.memory_space<hbm>>
        %dma_wait3A_117 = arith.constant 0 : i32
        %dma_wait3A_118 = tpu.memref_slice %arg4[%arg0, %mul3A_96, %dma_wait3A_117] : memref<2x10000x128xf32, #tpu.memory_space<hbm>> -> memref<1x80x128xf32, #tpu.memory_space<hbm>>
        %dma_wait3A_119 = tpu.memref_squeeze %dma_wait3A_118 : memref<1x80x128xf32, #tpu.memory_space<hbm>> -> memref<80x128xf32, #tpu.memory_space<hbm>>
        %dma_wait3A_120 = arith.constant 0 : i32
        %dma_wait3A_121 = arith.constant 0 : i32
        %dma_wait3A_122 = tpu.memref_slice %arg5[%dma_wait3A_120, %dma_wait3A_121] : memref<128x128xf32, #tpu.memory_space<vmem>> -> memref<80x128xf32, #tpu.memory_space<vmem>>
        tpu.wait_dma2 semaphore(%run_scoped3A_98 : memref<!tpu.dma_semaphore, #tpu.memory_space<semaphore_mem>>) src(%dma_wait3A_122 : memref<80x128xf32, #tpu.memory_space<vmem>>) dst(%dma_wait3A_119 : memref<80x128xf32, #tpu.memory_space<hbm>>)
        tpu.yield
      }) : () -> ()
      %while3A_97 = arith.constant 0 : i32
      scf.yield %while3A_97 : i32
    }
    return
  }
}

module attributes {stable_mosaic.version = 14 : i64} {
  func.func @_pre_body(%arg0: i32, %arg1: memref<2000x128xf32, #tpu.memory_space<vmem>>, %arg2: memref<128x128xf32, #tpu.memory_space<vmem>>, %arg3: memref<128x128xf32, #tpu.memory_space<vmem>>, %arg4: memref<2000x128xf32, #tpu.memory_space<vmem>>, %arg5: memref<2000x128xf32, #tpu.memory_space<vmem>>) attributes {dimension_semantics = [#tpu.dimension_semantics<arbitrary>], iteration_bounds = array<i64: 5>, scalar_prefetch = 0 : i64, scratch_operands = 0 : i64, tpu.core_type = #tpu.core_type<tc>, window_params = [{transform_indices = @transform_0, window_bounds = array<i64: 2000, 128>}, {pipeline_mode = #tpu.pipeline_mode<synchronous>, transform_indices = @transform_1, window_bounds = array<i64: 128, 128>}, {pipeline_mode = #tpu.pipeline_mode<synchronous>, transform_indices = @transform_2, window_bounds = array<i64: 128, 128>}, {transform_indices = @transform_3, window_bounds = array<i64: 2000, 128>}, {transform_indices = @transform_4, window_bounds = array<i64: 2000, 128>}]} {
    %get3A = arith.constant 0 : index
    %get3A_0 = arith.constant 0 : index
    %get3A_1 = vector.load %arg1[%get3A, %get3A_0] : memref<2000x128xf32, #tpu.memory_space<vmem>>, vector<2000x128xf32>
    %get3A_2 = arith.constant 0 : index
    %get3A_3 = arith.constant 0 : index
    %get3A_4 = vector.load %arg2[%get3A_2, %get3A_3] : memref<128x128xf32, #tpu.memory_space<vmem>>, vector<128x128xf32>
    %dot_general3A = arith.constant dense<0.000000e+00> : vector<2000x128xf32>
    %dot_general3A_5 = tpu.matmul %get3A_1, %get3A_4, %dot_general3A {dimension_numbers = #tpu.dot_dimension_numbers<[1], [0], [0], [1], [0, 0, 1, 1], [], []>, transpose_lhs_hint = false} : vector<2000x128xf32>, vector<128x128xf32>, vector<2000x128xf32> -> vector<2000x128xf32>
    %swap3A = arith.constant 0 : index
    %swap3A_6 = arith.constant 0 : index
    %swap3A_7 = vector.load %arg4[%swap3A, %swap3A_6] : memref<2000x128xf32, #tpu.memory_space<vmem>>, vector<2000x128xf32>
    tpu.vector_store %arg4[%swap3A, %swap3A_6], %dot_general3A_5 {strides = array<i32>} : memref<2000x128xf32, #tpu.memory_space<vmem>>, vector<2000x128xf32>,
    %get3A_8 = arith.constant 0 : index
    %get3A_9 = arith.constant 0 : index
    %get3A_10 = vector.load %arg3[%get3A_8, %get3A_9] : memref<128x128xf32, #tpu.memory_space<vmem>>, vector<128x128xf32>
    %dot_general3A_11 = arith.constant dense<0.000000e+00> : vector<2000x128xf32>
    %dot_general3A_12 = tpu.matmul %get3A_1, %get3A_10, %dot_general3A_11 {dimension_numbers = #tpu.dot_dimension_numbers<[1], [0], [0], [1], [0, 0, 1, 1], [], []>, transpose_lhs_hint = false} : vector<2000x128xf32>, vector<128x128xf32>, vector<2000x128xf32> -> vector<2000x128xf32>
    %swap3A_13 = arith.constant 0 : index
    %swap3A_14 = arith.constant 0 : index
    %swap3A_15 = vector.load %arg5[%swap3A_13, %swap3A_14] : memref<2000x128xf32, #tpu.memory_space<vmem>>, vector<2000x128xf32>
    tpu.vector_store %arg5[%swap3A_13, %swap3A_14], %dot_general3A_12 {strides = array<i32>} : memref<2000x128xf32, #tpu.memory_space<vmem>>, vector<2000x128xf32>,
    return
  }
  func.func @transform_0(%arg0: i32) -> (i32, i32) {
    %c0_i32 = arith.constant 0 : i32
    %c0_i32_0 = arith.constant 0 : i32
    return %arg0, %c0_i32 : i32, i32
  }
  func.func @transform_1(%arg0: i32) -> (i32, i32) {
    %c0_i32 = arith.constant 0 : i32
    %c0_i32_0 = arith.constant 0 : i32
    %c0_i32_1 = arith.constant 0 : i32
    return %c0_i32, %c0_i32_0 : i32, i32
  }
  func.func @transform_2(%arg0: i32) -> (i32, i32) {
    %c0_i32 = arith.constant 0 : i32
    %c0_i32_0 = arith.constant 0 : i32
    %c0_i32_1 = arith.constant 0 : i32
    return %c0_i32, %c0_i32_0 : i32, i32
  }
  func.func @transform_3(%arg0: i32) -> (i32, i32) {
    %c0_i32 = arith.constant 0 : i32
    %c0_i32_0 = arith.constant 0 : i32
    return %arg0, %c0_i32 : i32, i32
  }
  func.func @transform_4(%arg0: i32) -> (i32, i32) {
    %c0_i32 = arith.constant 0 : i32
    %c0_i32_0 = arith.constant 0 : i32
    return %arg0, %c0_i32 : i32, i32
  }
}

module attributes {stable_mosaic.version = 14 : i64} {
  func.func @_edge_body(%arg0: i32, %arg1: memref<2000x128xf32, #tpu.memory_space<vmem>>, %arg2: memref<2000x1xf32, #tpu.memory_space<vmem>>, %arg3: memref<2000x16xf32, #tpu.memory_space<vmem>>, %arg4: memref<2000x4xf32, #tpu.memory_space<vmem>>, %arg5: memref<16x128xf32, #tpu.memory_space<vmem>>, %arg6: memref<1x128xf32, #tpu.memory_space<vmem>>, %arg7: memref<1x128xf32, #tpu.memory_space<vmem>>, %arg8: memref<128x128xf32, #tpu.memory_space<vmem>>, %arg9: memref<1x128xf32, #tpu.memory_space<vmem>>, %arg10: memref<128x128xf32, #tpu.memory_space<vmem>>, %arg11: memref<1x128xf32, #tpu.memory_space<vmem>>, %arg12: memref<128x1xf32, #tpu.memory_space<vmem>>, %arg13: memref<2000x128xf32, #tpu.memory_space<vmem>>, %arg14: memref<2000x4xf32, #tpu.memory_space<vmem>>) attributes {dimension_semantics = [#tpu.dimension_semantics<arbitrary>], iteration_bounds = array<i64: 160>, scalar_prefetch = 0 : i64, scratch_operands = 0 : i64, tpu.core_type = #tpu.core_type<tc>, window_params = [{transform_indices = @transform_0, window_bounds = array<i64: 2000, 128>}, {transform_indices = @transform_1, window_bounds = array<i64: 2000, 1>}, {transform_indices = @transform_2, window_bounds = array<i64: 2000, 16>}, {transform_indices = @transform_3, window_bounds = array<i64: 2000, 4>}, {pipeline_mode = #tpu.pipeline_mode<synchronous>, transform_indices = @transform_4, window_bounds = array<i64: 16, 128>}, {pipeline_mode = #tpu.pipeline_mode<synchronous>, transform_indices = @transform_5, window_bounds = array<i64: 1, 128>}, {pipeline_mode = #tpu.pipeline_mode<synchronous>, transform_indices = @transform_6, window_bounds = array<i64: 1, 128>}, {pipeline_mode = #tpu.pipeline_mode<synchronous>, transform_indices = @transform_7, window_bounds = array<i64: 128, 128>}, {pipeline_mode = #tpu.pipeline_mode<synchronous>, transform_indices = @transform_8, window_bounds = array<i64: 1, 128>}, {pipeline_mode = #tpu.pipeline_mode<synchronous>, transform_indices = @transform_9, window_bounds = array<i64: 128, 128>}, {pipeline_mode = #tpu.pipeline_mode<synchronous>, transform_indices = @transform_10, window_bounds = array<i64: 1, 128>}, {pipeline_mode = #tpu.pipeline_mode<synchronous>, transform_indices = @transform_11, window_bounds = array<i64: 128, 1>}, {transform_indices = @transform_12, window_bounds = array<i64: 2000, 128>}, {transform_indices = @transform_13, window_bounds = array<i64: 2000, 4>}]} {
    %get3A = arith.constant 0 : index
    %get3A_0 = arith.constant 0 : index
    %get3A_1 = vector.load %arg2[%get3A, %get3A_0] : memref<2000x1xf32, #tpu.memory_space<vmem>>, vector<2000x1xf32>
    %get3A_2 = arith.constant 0 : index
    %get3A_3 = arith.constant 0 : index
    %get3A_4 = vector.load %arg1[%get3A_2, %get3A_3] : memref<2000x128xf32, #tpu.memory_space<vmem>>, vector<2000x128xf32>
    %get3A_5 = arith.constant 0 : index
    %get3A_6 = arith.constant 0 : index
    %get3A_7 = vector.load %arg3[%get3A_5, %get3A_6] : memref<2000x16xf32, #tpu.memory_space<vmem>>, vector<2000x16xf32>
    %get3A_8 = arith.constant 0 : index
    %get3A_9 = arith.constant 0 : index
    %get3A_10 = vector.load %arg5[%get3A_8, %get3A_9] : memref<16x128xf32, #tpu.memory_space<vmem>>, vector<16x128xf32>
    %dot_general3A = arith.constant dense<0.000000e+00> : vector<2000x128xf32>
    %dot_general3A_11 = tpu.matmul %get3A_7, %get3A_10, %dot_general3A {dimension_numbers = #tpu.dot_dimension_numbers<[1], [0], [0], [1], [0, 0, 1, 1], [], []>, transpose_lhs_hint = false} : vector<2000x16xf32>, vector<16x128xf32>, vector<2000x128xf32> -> vector<2000x128xf32>
    %add3A = arith.addf %get3A_4, %dot_general3A_11 : vector<2000x128xf32>
    %get3A_12 = arith.constant 0 : index
    %get3A_13 = arith.constant 0 : index
    %get3A_14 = vector.load %arg6[%get3A_12, %get3A_13] : memref<1x128xf32, #tpu.memory_space<vmem>>, vector<1x128xf32>
    %mul3A = vector.broadcast %get3A_1 : vector<2000x1xf32> to vector<2000x128xf32>
    %mul3A_15 = vector.broadcast %get3A_14 : vector<1x128xf32> to vector<2000x128xf32>
    %mul3A_16 = arith.mulf %mul3A, %mul3A_15 : vector<2000x128xf32>
    %add3A_17 = arith.addf %add3A, %mul3A_16 : vector<2000x128xf32>
    %get3A_18 = arith.constant 0 : index
    %get3A_19 = arith.constant 0 : index
    %get3A_20 = vector.load %arg7[%get3A_18, %get3A_19] : memref<1x128xf32, #tpu.memory_space<vmem>>, vector<1x128xf32>
    %add3A_21 = vector.broadcast %get3A_20 : vector<1x128xf32> to vector<2000x128xf32>
    %add3A_22 = arith.addf %add3A_17, %add3A_21 : vector<2000x128xf32>
    %mul3A_23 = arith.constant 5.000000e-01 : f32
    %mul3A_24 = vector.broadcast %mul3A_23 : f32 to vector<2000x128xf32>
    %mul3A_25 = arith.mulf %mul3A_24, %add3A_22 : vector<2000x128xf32>
    %mul3A_26 = arith.constant 5.000000e-01 : f32
    %mul3A_27 = vector.broadcast %mul3A_26 : f32 to vector<2000x128xf32>
    %mul3A_28 = arith.mulf %mul3A_27, %add3A_22 : vector<2000x128xf32>
    %tanh3A = math.tanh %mul3A_28 : vector<2000x128xf32>
    %add3A_29 = arith.constant 1.000000e+00 : f32
    %add3A_30 = vector.broadcast %add3A_29 : f32 to vector<2000x128xf32>
    %add3A_31 = arith.addf %add3A_30, %tanh3A : vector<2000x128xf32>
    %mul3A_32 = arith.mulf %mul3A_25, %add3A_31 : vector<2000x128xf32>
    %convert_element_type3A = arith.truncf %mul3A_32 : vector<2000x128xf32> to vector<2000x128xbf16>
    %get3A_33 = arith.constant 0 : index
    %get3A_34 = arith.constant 0 : index
    %get3A_35 = vector.load %arg8[%get3A_33, %get3A_34] : memref<128x128xf32, #tpu.memory_space<vmem>>, vector<128x128xf32>
    %convert_element_type3A_36 = arith.truncf %get3A_35 : vector<128x128xf32> to vector<128x128xbf16>
    %dot_general3A_37 = arith.constant dense<0.000000e+00> : vector<2000x128xf32>
    %dot_general3A_38 = tpu.matmul %convert_element_type3A, %convert_element_type3A_36, %dot_general3A_37 {dimension_numbers = #tpu.dot_dimension_numbers<[1], [0], [0], [1], [0, 0, 1, 1], [], []>, transpose_lhs_hint = false} : vector<2000x128xbf16>, vector<128x128xbf16>, vector<2000x128xf32> -> vector<2000x128xf32>
    %get3A_39 = arith.constant 0 : index
    %get3A_40 = arith.constant 0 : index
    %get3A_41 = vector.load %arg9[%get3A_39, %get3A_40] : memref<1x128xf32, #tpu.memory_space<vmem>>, vector<1x128xf32>
    %add3A_42 = vector.broadcast %get3A_41 : vector<1x128xf32> to vector<2000x128xf32>
    %add3A_43 = arith.addf %dot_general3A_38, %add3A_42 : vector<2000x128xf32>
    %mul3A_44 = arith.constant 5.000000e-01 : f32
    %mul3A_45 = vector.broadcast %mul3A_44 : f32 to vector<2000x128xf32>
    %mul3A_46 = arith.mulf %mul3A_45, %add3A_43 : vector<2000x128xf32>
    %mul3A_47 = arith.constant 5.000000e-01 : f32
    %mul3A_48 = vector.broadcast %mul3A_47 : f32 to vector<2000x128xf32>
    %mul3A_49 = arith.mulf %mul3A_48, %add3A_43 : vector<2000x128xf32>
    %tanh3A_50 = math.tanh %mul3A_49 : vector<2000x128xf32>
    %add3A_51 = arith.constant 1.000000e+00 : f32
    %add3A_52 = vector.broadcast %add3A_51 : f32 to vector<2000x128xf32>
    %add3A_53 = arith.addf %add3A_52, %tanh3A_50 : vector<2000x128xf32>
    %mul3A_54 = arith.mulf %mul3A_46, %add3A_53 : vector<2000x128xf32>
    %convert_element_type3A_55 = arith.truncf %mul3A_54 : vector<2000x128xf32> to vector<2000x128xbf16>
    %get3A_56 = arith.constant 0 : index
    %get3A_57 = arith.constant 0 : index
    %get3A_58 = vector.load %arg10[%get3A_56, %get3A_57] : memref<128x128xf32, #tpu.memory_space<vmem>>, vector<128x128xf32>
    %convert_element_type3A_59 = arith.truncf %get3A_58 : vector<128x128xf32> to vector<128x128xbf16>
    %dot_general3A_60 = arith.constant dense<0.000000e+00> : vector<2000x128xf32>
    %dot_general3A_61 = tpu.matmul %convert_element_type3A_55, %convert_element_type3A_59, %dot_general3A_60 {dimension_numbers = #tpu.dot_dimension_numbers<[1], [0], [0], [1], [0, 0, 1, 1], [], []>, transpose_lhs_hint = false} : vector<2000x128xbf16>, vector<128x128xbf16>, vector<2000x128xf32> -> vector<2000x128xf32>
    %get3A_62 = arith.constant 0 : index
    %get3A_63 = arith.constant 0 : index
    %get3A_64 = vector.load %arg11[%get3A_62, %get3A_63] : memref<1x128xf32, #tpu.memory_space<vmem>>, vector<1x128xf32>
    %add3A_65 = vector.broadcast %get3A_64 : vector<1x128xf32> to vector<2000x128xf32>
    %add3A_66 = arith.addf %dot_general3A_61, %add3A_65 : vector<2000x128xf32>
    %mul3A_67 = arith.constant 5.000000e-01 : f32
    %mul3A_68 = vector.broadcast %mul3A_67 : f32 to vector<2000x128xf32>
    %mul3A_69 = arith.mulf %mul3A_68, %add3A_66 : vector<2000x128xf32>
    %mul3A_70 = arith.constant 5.000000e-01 : f32
    %mul3A_71 = vector.broadcast %mul3A_70 : f32 to vector<2000x128xf32>
    %mul3A_72 = arith.mulf %mul3A_71, %add3A_66 : vector<2000x128xf32>
    %tanh3A_73 = math.tanh %mul3A_72 : vector<2000x128xf32>
    %add3A_74 = arith.constant 1.000000e+00 : f32
    %add3A_75 = vector.broadcast %add3A_74 : f32 to vector<2000x128xf32>
    %add3A_76 = arith.addf %add3A_75, %tanh3A_73 : vector<2000x128xf32>
    %mul3A_77 = arith.mulf %mul3A_69, %add3A_76 : vector<2000x128xf32>
    %convert_element_type3A_78 = arith.truncf %mul3A_77 : vector<2000x128xf32> to vector<2000x128xbf16>
    %get3A_79 = arith.constant 0 : index
    %get3A_80 = arith.constant 0 : index
    %get3A_81 = vector.load %arg12[%get3A_79, %get3A_80] : memref<128x1xf32, #tpu.memory_space<vmem>>, vector<128x1xf32>
    %convert_element_type3A_82 = arith.truncf %get3A_81 : vector<128x1xf32> to vector<128x1xbf16>
    %dot_general3A_83 = arith.constant dense<0.000000e+00> : vector<2000x1xf32>
    %dot_general3A_84 = tpu.matmul %convert_element_type3A_78, %convert_element_type3A_82, %dot_general3A_83 {dimension_numbers = #tpu.dot_dimension_numbers<[1], [0], [0], [1], [0, 0, 1, 1], [], []>, transpose_lhs_hint = false} : vector<2000x128xbf16>, vector<128x1xbf16>, vector<2000x1xf32> -> vector<2000x1xf32>
    %swap3A = arith.constant 0 : index
    %swap3A_85 = arith.constant 0 : index
    %swap3A_86 = vector.load %arg13[%swap3A, %swap3A_85] : memref<2000x128xf32, #tpu.memory_space<vmem>>, vector<2000x128xf32>
    tpu.vector_store %arg13[%swap3A, %swap3A_85], %mul3A_54 {strides = array<i32>} : memref<2000x128xf32, #tpu.memory_space<vmem>>, vector<2000x128xf32>,
    %get3A_87 = arith.constant 0 : index
    %get3A_88 = arith.constant 0 : index
    %get3A_89 = vector.load %arg4[%get3A_87, %get3A_88] : memref<2000x4xf32, #tpu.memory_space<vmem>>, vector<2000x4xf32>
    %add3A_90 = arith.constant 9.99999993E-9 : f32
    %add3A_91 = vector.broadcast %add3A_90 : f32 to vector<2000x1xf32>
    %add3A_92 = arith.addf %get3A_1, %add3A_91 : vector<2000x1xf32>
    %rsqrt3A = math.rsqrt %add3A_92 : vector<2000x1xf32>
    %mul3A_93 = arith.mulf %dot_general3A_84, %rsqrt3A : vector<2000x1xf32>
    %mul3A_94 = vector.broadcast %mul3A_93 : vector<2000x1xf32> to vector<2000x4xf32>
    %mul3A_95 = arith.mulf %get3A_89, %mul3A_94 : vector<2000x4xf32>
    %swap3A_96 = arith.constant 0 : index
    %swap3A_97 = arith.constant 0 : index
    %swap3A_98 = vector.load %arg14[%swap3A_96, %swap3A_97] : memref<2000x4xf32, #tpu.memory_space<vmem>>, vector<2000x4xf32>
    tpu.vector_store %arg14[%swap3A_96, %swap3A_97], %mul3A_95 {strides = array<i32>} : memref<2000x4xf32, #tpu.memory_space<vmem>>, vector<2000x4xf32>,
    return
  }
  func.func @transform_0(%arg0: i32) -> (i32, i32) {
    %c0_i32 = arith.constant 0 : i32
    %c0_i32_0 = arith.constant 0 : i32
    return %arg0, %c0_i32 : i32, i32
  }
  func.func @transform_1(%arg0: i32) -> (i32, i32) {
    %c0_i32 = arith.constant 0 : i32
    %c0_i32_0 = arith.constant 0 : i32
    return %arg0, %c0_i32 : i32, i32
  }
  func.func @transform_2(%arg0: i32) -> (i32, i32) {
    %c0_i32 = arith.constant 0 : i32
    %c0_i32_0 = arith.constant 0 : i32
    return %arg0, %c0_i32 : i32, i32
  }
  func.func @transform_3(%arg0: i32) -> (i32, i32) {
    %c0_i32 = arith.constant 0 : i32
    %c0_i32_0 = arith.constant 0 : i32
    return %arg0, %c0_i32 : i32, i32
  }
  func.func @transform_4(%arg0: i32) -> (i32, i32) {
    %c0_i32 = arith.constant 0 : i32
    %c0_i32_0 = arith.constant 0 : i32
    %c0_i32_1 = arith.constant 0 : i32
    return %c0_i32, %c0_i32_0 : i32, i32
  }
  func.func @transform_5(%arg0: i32) -> (i32, i32) {
    %c0_i32 = arith.constant 0 : i32
    %c0_i32_0 = arith.constant 0 : i32
    %c0_i32_1 = arith.constant 0 : i32
    return %c0_i32, %c0_i32_0 : i32, i32
  }
  func.func @transform_6(%arg0: i32) -> (i32, i32) {
    %c0_i32 = arith.constant 0 : i32
    %c0_i32_0 = arith.constant 0 : i32
    %c0_i32_1 = arith.constant 0 : i32
    return %c0_i32, %c0_i32_0 : i32, i32
  }
  func.func @transform_7(%arg0: i32) -> (i32, i32) {
    %c0_i32 = arith.constant 0 : i32
    %c0_i32_0 = arith.constant 0 : i32
    %c0_i32_1 = arith.constant 0 : i32
    return %c0_i32, %c0_i32_0 : i32, i32
  }
  func.func @transform_8(%arg0: i32) -> (i32, i32) {
    %c0_i32 = arith.constant 0 : i32
    %c0_i32_0 = arith.constant 0 : i32
    %c0_i32_1 = arith.constant 0 : i32
    return %c0_i32, %c0_i32_0 : i32, i32
  }
  func.func @transform_9(%arg0: i32) -> (i32, i32) {
    %c0_i32 = arith.constant 0 : i32
    %c0_i32_0 = arith.constant 0 : i32
    %c0_i32_1 = arith.constant 0 : i32
    return %c0_i32, %c0_i32_0 : i32, i32
  }
  func.func @transform_10(%arg0: i32) -> (i32, i32) {
    %c0_i32 = arith.constant 0 : i32
    %c0_i32_0 = arith.constant 0 : i32
    %c0_i32_1 = arith.constant 0 : i32
    return %c0_i32, %c0_i32_0 : i32, i32
  }
  func.func @transform_11(%arg0: i32) -> (i32, i32) {
    %c0_i32 = arith.constant 0 : i32
    %c0_i32_0 = arith.constant 0 : i32
    %c0_i32_1 = arith.constant 0 : i32
    return %c0_i32, %c0_i32_0 : i32, i32
  }
  func.func @transform_12(%arg0: i32) -> (i32, i32) {
    %c0_i32 = arith.constant 0 : i32
    %c0_i32_0 = arith.constant 0 : i32
    return %arg0, %c0_i32 : i32, i32
  }
  func.func @transform_13(%arg0: i32) -> (i32, i32) {
    %c0_i32 = arith.constant 0 : i32
    %c0_i32_0 = arith.constant 0 : i32
    return %arg0, %c0_i32 : i32, i32
  }
}

module attributes {stable_mosaic.version = 14 : i64} {
  func.func @_dxr_body(%arg0: i32, %arg1: memref<32x40000xf32, #tpu.memory_space<vmem>>, %arg2: memref<40000xf32, #tpu.memory_space<vmem>>) attributes {dimension_semantics = [#tpu.dimension_semantics<arbitrary>], iteration_bounds = array<i64: 1>, scalar_prefetch = 0 : i64, scratch_operands = 0 : i64, tpu.core_type = #tpu.core_type<tc>, window_params = [{pipeline_mode = #tpu.pipeline_mode<synchronous>, transform_indices = @transform_0, window_bounds = array<i64: 32, 40000>}, {pipeline_mode = #tpu.pipeline_mode<synchronous>, transform_indices = @transform_1, window_bounds = array<i64: 40000>}]} {
    %get3A = arith.constant 0 : index
    %get3A_0 = arith.constant 0 : index
    %get3A_1 = vector.load %arg1[%get3A, %get3A_0] : memref<32x40000xf32, #tpu.memory_space<vmem>>, vector<1x40000xf32>
    %get3A_2 = vector.shape_cast %get3A_1 : vector<1x40000xf32> to vector<40000xf32>
    %get3A_3 = arith.constant 1 : index
    %get3A_4 = arith.constant 0 : index
    %get3A_5 = vector.load %arg1[%get3A_3, %get3A_4] : memref<32x40000xf32, #tpu.memory_space<vmem>>, vector<1x40000xf32>
    %get3A_6 = vector.shape_cast %get3A_5 : vector<1x40000xf32> to vector<40000xf32>
    %add3A = arith.addf %get3A_2, %get3A_6 : vector<40000xf32>
    %get3A_7 = arith.constant 2 : index
    %get3A_8 = arith.constant 0 : index
    %get3A_9 = vector.load %arg1[%get3A_7, %get3A_8] : memref<32x40000xf32, #tpu.memory_space<vmem>>, vector<1x40000xf32>
    %get3A_10 = vector.shape_cast %get3A_9 : vector<1x40000xf32> to vector<40000xf32>
    %add3A_11 = arith.addf %add3A, %get3A_10 : vector<40000xf32>
    %get3A_12 = arith.constant 3 : index
    %get3A_13 = arith.constant 0 : index
    %get3A_14 = vector.load %arg1[%get3A_12, %get3A_13] : memref<32x40000xf32, #tpu.memory_space<vmem>>, vector<1x40000xf32>
    %get3A_15 = vector.shape_cast %get3A_14 : vector<1x40000xf32> to vector<40000xf32>
    %add3A_16 = arith.addf %add3A_11, %get3A_15 : vector<40000xf32>
    %get3A_17 = arith.constant 4 : index
    %get3A_18 = arith.constant 0 : index
    %get3A_19 = vector.load %arg1[%get3A_17, %get3A_18] : memref<32x40000xf32, #tpu.memory_space<vmem>>, vector<1x40000xf32>
    %get3A_20 = vector.shape_cast %get3A_19 : vector<1x40000xf32> to vector<40000xf32>
    %add3A_21 = arith.addf %add3A_16, %get3A_20 : vector<40000xf32>
    %get3A_22 = arith.constant 5 : index
    %get3A_23 = arith.constant 0 : index
    %get3A_24 = vector.load %arg1[%get3A_22, %get3A_23] : memref<32x40000xf32, #tpu.memory_space<vmem>>, vector<1x40000xf32>
    %get3A_25 = vector.shape_cast %get3A_24 : vector<1x40000xf32> to vector<40000xf32>
    %add3A_26 = arith.addf %add3A_21, %get3A_25 : vector<40000xf32>
    %get3A_27 = arith.constant 6 : index
    %get3A_28 = arith.constant 0 : index
    %get3A_29 = vector.load %arg1[%get3A_27, %get3A_28] : memref<32x40000xf32, #tpu.memory_space<vmem>>, vector<1x40000xf32>
    %get3A_30 = vector.shape_cast %get3A_29 : vector<1x40000xf32> to vector<40000xf32>
    %add3A_31 = arith.addf %add3A_26, %get3A_30 : vector<40000xf32>
    %get3A_32 = arith.constant 7 : index
    %get3A_33 = arith.constant 0 : index
    %get3A_34 = vector.load %arg1[%get3A_32, %get3A_33] : memref<32x40000xf32, #tpu.memory_space<vmem>>, vector<1x40000xf32>
    %get3A_35 = vector.shape_cast %get3A_34 : vector<1x40000xf32> to vector<40000xf32>
    %add3A_36 = arith.addf %add3A_31, %get3A_35 : vector<40000xf32>
    %get3A_37 = arith.constant 8 : index
    %get3A_38 = arith.constant 0 : index
    %get3A_39 = vector.load %arg1[%get3A_37, %get3A_38] : memref<32x40000xf32, #tpu.memory_space<vmem>>, vector<1x40000xf32>
    %get3A_40 = vector.shape_cast %get3A_39 : vector<1x40000xf32> to vector<40000xf32>
    %add3A_41 = arith.addf %add3A_36, %get3A_40 : vector<40000xf32>
    %get3A_42 = arith.constant 9 : index
    %get3A_43 = arith.constant 0 : index
    %get3A_44 = vector.load %arg1[%get3A_42, %get3A_43] : memref<32x40000xf32, #tpu.memory_space<vmem>>, vector<1x40000xf32>
    %get3A_45 = vector.shape_cast %get3A_44 : vector<1x40000xf32> to vector<40000xf32>
    %add3A_46 = arith.addf %add3A_41, %get3A_45 : vector<40000xf32>
    %get3A_47 = arith.constant 10 : index
    %get3A_48 = arith.constant 0 : index
    %get3A_49 = vector.load %arg1[%get3A_47, %get3A_48] : memref<32x40000xf32, #tpu.memory_space<vmem>>, vector<1x40000xf32>
    %get3A_50 = vector.shape_cast %get3A_49 : vector<1x40000xf32> to vector<40000xf32>
    %add3A_51 = arith.addf %add3A_46, %get3A_50 : vector<40000xf32>
    %get3A_52 = arith.constant 11 : index
    %get3A_53 = arith.constant 0 : index
    %get3A_54 = vector.load %arg1[%get3A_52, %get3A_53] : memref<32x40000xf32, #tpu.memory_space<vmem>>, vector<1x40000xf32>
    %get3A_55 = vector.shape_cast %get3A_54 : vector<1x40000xf32> to vector<40000xf32>
    %add3A_56 = arith.addf %add3A_51, %get3A_55 : vector<40000xf32>
    %get3A_57 = arith.constant 12 : index
    %get3A_58 = arith.constant 0 : index
    %get3A_59 = vector.load %arg1[%get3A_57, %get3A_58] : memref<32x40000xf32, #tpu.memory_space<vmem>>, vector<1x40000xf32>
    %get3A_60 = vector.shape_cast %get3A_59 : vector<1x40000xf32> to vector<40000xf32>
    %add3A_61 = arith.addf %add3A_56, %get3A_60 : vector<40000xf32>
    %get3A_62 = arith.constant 13 : index
    %get3A_63 = arith.constant 0 : index
    %get3A_64 = vector.load %arg1[%get3A_62, %get3A_63] : memref<32x40000xf32, #tpu.memory_space<vmem>>, vector<1x40000xf32>
    %get3A_65 = vector.shape_cast %get3A_64 : vector<1x40000xf32> to vector<40000xf32>
    %add3A_66 = arith.addf %add3A_61, %get3A_65 : vector<40000xf32>
    %get3A_67 = arith.constant 14 : index
    %get3A_68 = arith.constant 0 : index
    %get3A_69 = vector.load %arg1[%get3A_67, %get3A_68] : memref<32x40000xf32, #tpu.memory_space<vmem>>, vector<1x40000xf32>
    %get3A_70 = vector.shape_cast %get3A_69 : vector<1x40000xf32> to vector<40000xf32>
    %add3A_71 = arith.addf %add3A_66, %get3A_70 : vector<40000xf32>
    %get3A_72 = arith.constant 15 : index
    %get3A_73 = arith.constant 0 : index
    %get3A_74 = vector.load %arg1[%get3A_72, %get3A_73] : memref<32x40000xf32, #tpu.memory_space<vmem>>, vector<1x40000xf32>
    %get3A_75 = vector.shape_cast %get3A_74 : vector<1x40000xf32> to vector<40000xf32>
    %add3A_76 = arith.addf %add3A_71, %get3A_75 : vector<40000xf32>
    %get3A_77 = arith.constant 16 : index
    %get3A_78 = arith.constant 0 : index
    %get3A_79 = vector.load %arg1[%get3A_77, %get3A_78] : memref<32x40000xf32, #tpu.memory_space<vmem>>, vector<1x40000xf32>
    %get3A_80 = vector.shape_cast %get3A_79 : vector<1x40000xf32> to vector<40000xf32>
    %add3A_81 = arith.addf %add3A_76, %get3A_80 : vector<40000xf32>
    %get3A_82 = arith.constant 17 : index
    %get3A_83 = arith.constant 0 : index
    %get3A_84 = vector.load %arg1[%get3A_82, %get3A_83] : memref<32x40000xf32, #tpu.memory_space<vmem>>, vector<1x40000xf32>
    %get3A_85 = vector.shape_cast %get3A_84 : vector<1x40000xf32> to vector<40000xf32>
    %add3A_86 = arith.addf %add3A_81, %get3A_85 : vector<40000xf32>
    %get3A_87 = arith.constant 18 : index
    %get3A_88 = arith.constant 0 : index
    %get3A_89 = vector.load %arg1[%get3A_87, %get3A_88] : memref<32x40000xf32, #tpu.memory_space<vmem>>, vector<1x40000xf32>
    %get3A_90 = vector.shape_cast %get3A_89 : vector<1x40000xf32> to vector<40000xf32>
    %add3A_91 = arith.addf %add3A_86, %get3A_90 : vector<40000xf32>
    %get3A_92 = arith.constant 19 : index
    %get3A_93 = arith.constant 0 : index
    %get3A_94 = vector.load %arg1[%get3A_92, %get3A_93] : memref<32x40000xf32, #tpu.memory_space<vmem>>, vector<1x40000xf32>
    %get3A_95 = vector.shape_cast %get3A_94 : vector<1x40000xf32> to vector<40000xf32>
    %add3A_96 = arith.addf %add3A_91, %get3A_95 : vector<40000xf32>
    %get3A_97 = arith.constant 20 : index
    %get3A_98 = arith.constant 0 : index
    %get3A_99 = vector.load %arg1[%get3A_97, %get3A_98] : memref<32x40000xf32, #tpu.memory_space<vmem>>, vector<1x40000xf32>
    %get3A_100 = vector.shape_cast %get3A_99 : vector<1x40000xf32> to vector<40000xf32>
    %add3A_101 = arith.addf %add3A_96, %get3A_100 : vector<40000xf32>
    %get3A_102 = arith.constant 21 : index
    %get3A_103 = arith.constant 0 : index
    %get3A_104 = vector.load %arg1[%get3A_102, %get3A_103] : memref<32x40000xf32, #tpu.memory_space<vmem>>, vector<1x40000xf32>
    %get3A_105 = vector.shape_cast %get3A_104 : vector<1x40000xf32> to vector<40000xf32>
    %add3A_106 = arith.addf %add3A_101, %get3A_105 : vector<40000xf32>
    %get3A_107 = arith.constant 22 : index
    %get3A_108 = arith.constant 0 : index
    %get3A_109 = vector.load %arg1[%get3A_107, %get3A_108] : memref<32x40000xf32, #tpu.memory_space<vmem>>, vector<1x40000xf32>
    %get3A_110 = vector.shape_cast %get3A_109 : vector<1x40000xf32> to vector<40000xf32>
    %add3A_111 = arith.addf %add3A_106, %get3A_110 : vector<40000xf32>
    %get3A_112 = arith.constant 23 : index
    %get3A_113 = arith.constant 0 : index
    %get3A_114 = vector.load %arg1[%get3A_112, %get3A_113] : memref<32x40000xf32, #tpu.memory_space<vmem>>, vector<1x40000xf32>
    %get3A_115 = vector.shape_cast %get3A_114 : vector<1x40000xf32> to vector<40000xf32>
    %add3A_116 = arith.addf %add3A_111, %get3A_115 : vector<40000xf32>
    %get3A_117 = arith.constant 24 : index
    %get3A_118 = arith.constant 0 : index
    %get3A_119 = vector.load %arg1[%get3A_117, %get3A_118] : memref<32x40000xf32, #tpu.memory_space<vmem>>, vector<1x40000xf32>
    %get3A_120 = vector.shape_cast %get3A_119 : vector<1x40000xf32> to vector<40000xf32>
    %add3A_121 = arith.addf %add3A_116, %get3A_120 : vector<40000xf32>
    %get3A_122 = arith.constant 25 : index
    %get3A_123 = arith.constant 0 : index
    %get3A_124 = vector.load %arg1[%get3A_122, %get3A_123] : memref<32x40000xf32, #tpu.memory_space<vmem>>, vector<1x40000xf32>
    %get3A_125 = vector.shape_cast %get3A_124 : vector<1x40000xf32> to vector<40000xf32>
    %add3A_126 = arith.addf %add3A_121, %get3A_125 : vector<40000xf32>
    %get3A_127 = arith.constant 26 : index
    %get3A_128 = arith.constant 0 : index
    %get3A_129 = vector.load %arg1[%get3A_127, %get3A_128] : memref<32x40000xf32, #tpu.memory_space<vmem>>, vector<1x40000xf32>
    %get3A_130 = vector.shape_cast %get3A_129 : vector<1x40000xf32> to vector<40000xf32>
    %add3A_131 = arith.addf %add3A_126, %get3A_130 : vector<40000xf32>
    %get3A_132 = arith.constant 27 : index
    %get3A_133 = arith.constant 0 : index
    %get3A_134 = vector.load %arg1[%get3A_132, %get3A_133] : memref<32x40000xf32, #tpu.memory_space<vmem>>, vector<1x40000xf32>
    %get3A_135 = vector.shape_cast %get3A_134 : vector<1x40000xf32> to vector<40000xf32>
    %add3A_136 = arith.addf %add3A_131, %get3A_135 : vector<40000xf32>
    %get3A_137 = arith.constant 28 : index
    %get3A_138 = arith.constant 0 : index
    %get3A_139 = vector.load %arg1[%get3A_137, %get3A_138] : memref<32x40000xf32, #tpu.memory_space<vmem>>, vector<1x40000xf32>
    %get3A_140 = vector.shape_cast %get3A_139 : vector<1x40000xf32> to vector<40000xf32>
    %add3A_141 = arith.addf %add3A_136, %get3A_140 : vector<40000xf32>
    %get3A_142 = arith.constant 29 : index
    %get3A_143 = arith.constant 0 : index
    %get3A_144 = vector.load %arg1[%get3A_142, %get3A_143] : memref<32x40000xf32, #tpu.memory_space<vmem>>, vector<1x40000xf32>
    %get3A_145 = vector.shape_cast %get3A_144 : vector<1x40000xf32> to vector<40000xf32>
    %add3A_146 = arith.addf %add3A_141, %get3A_145 : vector<40000xf32>
    %get3A_147 = arith.constant 30 : index
    %get3A_148 = arith.constant 0 : index
    %get3A_149 = vector.load %arg1[%get3A_147, %get3A_148] : memref<32x40000xf32, #tpu.memory_space<vmem>>, vector<1x40000xf32>
    %get3A_150 = vector.shape_cast %get3A_149 : vector<1x40000xf32> to vector<40000xf32>
    %add3A_151 = arith.addf %add3A_146, %get3A_150 : vector<40000xf32>
    %get3A_152 = arith.constant 31 : index
    %get3A_153 = arith.constant 0 : index
    %get3A_154 = vector.load %arg1[%get3A_152, %get3A_153] : memref<32x40000xf32, #tpu.memory_space<vmem>>, vector<1x40000xf32>
    %get3A_155 = vector.shape_cast %get3A_154 : vector<1x40000xf32> to vector<40000xf32>
    %add3A_156 = arith.addf %add3A_151, %get3A_155 : vector<40000xf32>
    %swap3A = arith.constant 0 : index
    %swap3A_157 = vector.load %arg2[%swap3A] : memref<40000xf32, #tpu.memory_space<vmem>>, vector<40000xf32>
    tpu.vector_store %arg2[%swap3A], %add3A_156 {strides = array<i32>} : memref<40000xf32, #tpu.memory_space<vmem>>, vector<40000xf32>,
    return
  }
  func.func @transform_0(%arg0: i32) -> (i32, i32) {
    %c0_i32 = arith.constant 0 : i32
    %c0_i32_0 = arith.constant 0 : i32
    %c0_i32_1 = arith.constant 0 : i32
    return %c0_i32, %c0_i32_0 : i32, i32
  }
  func.func @transform_1(%arg0: i32) -> i32 {
    %c0_i32 = arith.constant 0 : i32
    %c0_i32_0 = arith.constant 0 : i32
    return %c0_i32 : i32
  }
}

module attributes {stable_mosaic.version = 14 : i64} {
  func.func @_node_body(%arg0: i32, %arg1: memref<2000x128xf32, #tpu.memory_space<vmem>>, %arg2: memref<2000x3xf32, #tpu.memory_space<vmem>>, %arg3: memref<2x2000x128xf32, #tpu.memory_space<vmem>>, %arg4: memref<2000x4xf32, #tpu.memory_space<vmem>>, %arg5: memref<256x128xf32, #tpu.memory_space<vmem>>, %arg6: memref<1x128xf32, #tpu.memory_space<vmem>>, %arg7: memref<128x128xf32, #tpu.memory_space<vmem>>, %arg8: memref<1x128xf32, #tpu.memory_space<vmem>>, %arg9: memref<2000x128xf32, #tpu.memory_space<vmem>>, %arg10: memref<2000x3xf32, #tpu.memory_space<vmem>>) attributes {dimension_semantics = [#tpu.dimension_semantics<arbitrary>], iteration_bounds = array<i64: 5>, scalar_prefetch = 0 : i64, scratch_operands = 0 : i64, tpu.core_type = #tpu.core_type<tc>, window_params = [{transform_indices = @transform_0, window_bounds = array<i64: 2000, 128>}, {transform_indices = @transform_1, window_bounds = array<i64: 2000, 3>}, {transform_indices = @transform_2, window_bounds = array<i64: 2, 2000, 128>}, {transform_indices = @transform_3, window_bounds = array<i64: 2000, 4>}, {pipeline_mode = #tpu.pipeline_mode<synchronous>, transform_indices = @transform_4, window_bounds = array<i64: 256, 128>}, {pipeline_mode = #tpu.pipeline_mode<synchronous>, transform_indices = @transform_5, window_bounds = array<i64: 1, 128>}, {pipeline_mode = #tpu.pipeline_mode<synchronous>, transform_indices = @transform_6, window_bounds = array<i64: 128, 128>}, {pipeline_mode = #tpu.pipeline_mode<synchronous>, transform_indices = @transform_7, window_bounds = array<i64: 1, 128>}, {transform_indices = @transform_8, window_bounds = array<i64: 2000, 128>}, {transform_indices = @transform_9, window_bounds = array<i64: 2000, 3>}]} {
    %get3A = arith.constant 0 : index
    %get3A_0 = arith.constant 0 : index
    %get3A_1 = vector.load %arg1[%get3A, %get3A_0] : memref<2000x128xf32, #tpu.memory_space<vmem>>, vector<2000x128xf32>
    %get3A_2 = arith.constant 0 : index
    %get3A_3 = arith.constant 0 : index
    %get3A_4 = arith.constant 0 : index
    %get3A_5 = vector.load %arg3[%get3A_2, %get3A_3, %get3A_4] : memref<2x2000x128xf32, #tpu.memory_space<vmem>>, vector<1x2000x128xf32>
    %get3A_6 = vector.shape_cast %get3A_5 : vector<1x2000x128xf32> to vector<2000x128xf32>
    %get3A_7 = arith.constant 1 : index
    %get3A_8 = arith.constant 0 : index
    %get3A_9 = arith.constant 0 : index
    %get3A_10 = vector.load %arg3[%get3A_7, %get3A_8, %get3A_9] : memref<2x2000x128xf32, #tpu.memory_space<vmem>>, vector<1x2000x128xf32>
    %get3A_11 = vector.shape_cast %get3A_10 : vector<1x2000x128xf32> to vector<2000x128xf32>
    %add3A = arith.addf %get3A_6, %get3A_11 : vector<2000x128xf32>
    %get3A_12 = arith.constant 0 : index
    %get3A_13 = arith.constant 0 : index
    %get3A_14 = vector.load %arg5[%get3A_12, %get3A_13] : memref<256x128xf32, #tpu.memory_space<vmem>>, vector<128x128xf32>
    %dot_general3A = arith.constant dense<0.000000e+00> : vector<2000x128xf32>
    %dot_general3A_15 = tpu.matmul %get3A_1, %get3A_14, %dot_general3A {dimension_numbers = #tpu.dot_dimension_numbers<[1], [0], [0], [1], [0, 0, 1, 1], [], []>, transpose_lhs_hint = false} : vector<2000x128xf32>, vector<128x128xf32>, vector<2000x128xf32> -> vector<2000x128xf32>
    %get3A_16 = arith.constant 128 : index
    %get3A_17 = arith.constant 0 : index
    %get3A_18 = vector.load %arg5[%get3A_16, %get3A_17] : memref<256x128xf32, #tpu.memory_space<vmem>>, vector<128x128xf32>
    %dot_general3A_19 = arith.constant dense<0.000000e+00> : vector<2000x128xf32>
    %dot_general3A_20 = tpu.matmul %add3A, %get3A_18, %dot_general3A_19 {dimension_numbers = #tpu.dot_dimension_numbers<[1], [0], [0], [1], [0, 0, 1, 1], [], []>, transpose_lhs_hint = false} : vector<2000x128xf32>, vector<128x128xf32>, vector<2000x128xf32> -> vector<2000x128xf32>
    %add3A_21 = arith.addf %dot_general3A_15, %dot_general3A_20 : vector<2000x128xf32>
    %get3A_22 = arith.constant 0 : index
    %get3A_23 = arith.constant 0 : index
    %get3A_24 = vector.load %arg6[%get3A_22, %get3A_23] : memref<1x128xf32, #tpu.memory_space<vmem>>, vector<1x128xf32>
    %add3A_25 = vector.broadcast %get3A_24 : vector<1x128xf32> to vector<2000x128xf32>
    %add3A_26 = arith.addf %add3A_21, %add3A_25 : vector<2000x128xf32>
    %mul3A = arith.constant 5.000000e-01 : f32
    %mul3A_27 = vector.broadcast %mul3A : f32 to vector<2000x128xf32>
    %mul3A_28 = arith.mulf %mul3A_27, %add3A_26 : vector<2000x128xf32>
    %mul3A_29 = arith.constant 5.000000e-01 : f32
    %mul3A_30 = vector.broadcast %mul3A_29 : f32 to vector<2000x128xf32>
    %mul3A_31 = arith.mulf %mul3A_30, %add3A_26 : vector<2000x128xf32>
    %tanh3A = math.tanh %mul3A_31 : vector<2000x128xf32>
    %add3A_32 = arith.constant 1.000000e+00 : f32
    %add3A_33 = vector.broadcast %add3A_32 : f32 to vector<2000x128xf32>
    %add3A_34 = arith.addf %add3A_33, %tanh3A : vector<2000x128xf32>
    %mul3A_35 = arith.mulf %mul3A_28, %add3A_34 : vector<2000x128xf32>
    %get3A_36 = arith.constant 0 : index
    %get3A_37 = arith.constant 0 : index
    %get3A_38 = vector.load %arg7[%get3A_36, %get3A_37] : memref<128x128xf32, #tpu.memory_space<vmem>>, vector<128x128xf32>
    %dot_general3A_39 = arith.constant dense<0.000000e+00> : vector<2000x128xf32>
    %dot_general3A_40 = tpu.matmul %mul3A_35, %get3A_38, %dot_general3A_39 {dimension_numbers = #tpu.dot_dimension_numbers<[1], [0], [0], [1], [0, 0, 1, 1], [], []>, transpose_lhs_hint = false} : vector<2000x128xf32>, vector<128x128xf32>, vector<2000x128xf32> -> vector<2000x128xf32>
    %add3A_41 = arith.addf %get3A_1, %dot_general3A_40 : vector<2000x128xf32>
    %get3A_42 = arith.constant 0 : index
    %get3A_43 = arith.constant 0 : index
    %get3A_44 = vector.load %arg8[%get3A_42, %get3A_43] : memref<1x128xf32, #tpu.memory_space<vmem>>, vector<1x128xf32>
    %add3A_45 = vector.broadcast %get3A_44 : vector<1x128xf32> to vector<2000x128xf32>
    %add3A_46 = arith.addf %add3A_41, %add3A_45 : vector<2000x128xf32>
    %swap3A = arith.constant 0 : index
    %swap3A_47 = arith.constant 0 : index
    %swap3A_48 = vector.load %arg9[%swap3A, %swap3A_47] : memref<2000x128xf32, #tpu.memory_space<vmem>>, vector<2000x128xf32>
    tpu.vector_store %arg9[%swap3A, %swap3A_47], %add3A_46 {strides = array<i32>} : memref<2000x128xf32, #tpu.memory_space<vmem>>, vector<2000x128xf32>,
    %get3A_49 = arith.constant 0 : index
    %get3A_50 = arith.constant 0 : index
    %get3A_51 = vector.load %arg2[%get3A_49, %get3A_50] : memref<2000x3xf32, #tpu.memory_space<vmem>>, vector<2000x3xf32>
    %get3A_52 = arith.constant 0 : index
    %get3A_53 = arith.constant 0 : index
    %get3A_54 = vector.load %arg4[%get3A_52, %get3A_53] : memref<2000x4xf32, #tpu.memory_space<vmem>>, vector<2000x3xf32>
    %add3A_55 = arith.addf %get3A_51, %get3A_54 : vector<2000x3xf32>
    %swap3A_56 = arith.constant 0 : index
    %swap3A_57 = arith.constant 0 : index
    %swap3A_58 = vector.load %arg10[%swap3A_56, %swap3A_57] : memref<2000x3xf32, #tpu.memory_space<vmem>>, vector<2000x3xf32>
    tpu.vector_store %arg10[%swap3A_56, %swap3A_57], %add3A_55 {strides = array<i32>} : memref<2000x3xf32, #tpu.memory_space<vmem>>, vector<2000x3xf32>,
    return
  }
  func.func @transform_0(%arg0: i32) -> (i32, i32) {
    %c0_i32 = arith.constant 0 : i32
    %c0_i32_0 = arith.constant 0 : i32
    return %arg0, %c0_i32 : i32, i32
  }
  func.func @transform_1(%arg0: i32) -> (i32, i32) {
    %c0_i32 = arith.constant 0 : i32
    %c0_i32_0 = arith.constant 0 : i32
    return %arg0, %c0_i32 : i32, i32
  }
  func.func @transform_2(%arg0: i32) -> (i32, i32, i32) {
    %c0_i32 = arith.constant 0 : i32
    %c0_i32_0 = arith.constant 0 : i32
    %c0_i32_1 = arith.constant 0 : i32
    return %c0_i32, %arg0, %c0_i32_0 : i32, i32, i32
  }
  func.func @transform_3(%arg0: i32) -> (i32, i32) {
    %c0_i32 = arith.constant 0 : i32
    %c0_i32_0 = arith.constant 0 : i32
    return %arg0, %c0_i32 : i32, i32
  }
  func.func @transform_4(%arg0: i32) -> (i32, i32) {
    %c0_i32 = arith.constant 0 : i32
    %c0_i32_0 = arith.constant 0 : i32
    %c0_i32_1 = arith.constant 0 : i32
    return %c0_i32, %c0_i32_0 : i32, i32
  }
  func.func @transform_5(%arg0: i32) -> (i32, i32) {
    %c0_i32 = arith.constant 0 : i32
    %c0_i32_0 = arith.constant 0 : i32
    %c0_i32_1 = arith.constant 0 : i32
    return %c0_i32, %c0_i32_0 : i32, i32
  }
  func.func @transform_6(%arg0: i32) -> (i32, i32) {
    %c0_i32 = arith.constant 0 : i32
    %c0_i32_0 = arith.constant 0 : i32
    %c0_i32_1 = arith.constant 0 : i32
    return %c0_i32, %c0_i32_0 : i32, i32
  }
  func.func @transform_7(%arg0: i32) -> (i32, i32) {
    %c0_i32 = arith.constant 0 : i32
    %c0_i32_0 = arith.constant 0 : i32
    %c0_i32_1 = arith.constant 0 : i32
    return %c0_i32, %c0_i32_0 : i32, i32
  }
  func.func @transform_8(%arg0: i32) -> (i32, i32) {
    %c0_i32 = arith.constant 0 : i32
    %c0_i32_0 = arith.constant 0 : i32
    return %arg0, %c0_i32 : i32, i32
  }
  func.func @transform_9(%arg0: i32) -> (i32, i32) {
    %c0_i32 = arith.constant 0 : i32
    %c0_i32_0 = arith.constant 0 : i32
    return %arg0, %c0_i32 : i32, i32
  }
}

</mosaic_0001>

<sc_bundles>
// kernel: kernel.12.cloned.1.call-start
scs
__scs_entry_jumppad:
0x0: {  	(pc) =	sbr.rel $0x88, $3  }
0x1: {  	(tag) =	ssettag $0x0;
	lr =	simm.s32 $0x1  }
0x2: {  	[smem:$0x3F92] =	sst lr;
	_ =	strace $0xD0000000  }
0x3: {  	_ = 	snop  }
0x4: {  	_ = 	snop  }
0x5: {  	_ = 	snop  }
0x6: {  	_ = 	snop  }
0x7: {  	_ = 	snop  }
__scs_overlays_trampoline_lowered:
0x8: {  	[smem:$0x3FA1] =	sst s0  }
0x9: {  	[smem:$0x3FA2] =	sst s1  }
0xa: {  	[smem:$0x3FA3] =	sst s2  }
0xb: {  	[smem:$0x3FA4] =	sst s3  }
0xc: {  	[smem:$0x3FA5] =	sst s4  }
0xd: {  	[smem:$0x3FA6] =	sst s5  }
0xe: {  	[smem:$0x3FA7] =	sst s6  }
0xf: {  	[smem:$0x3FA8] =	sst s7  }
0x10: {  	[smem:$0x3FA9] =	sst s8  }
0x11: {  	[smem:$0x3FAA] =	sst s9;
	s0 =	simm.s32 @!p0 $0x0  }
0x12: {  	s1 =	sld [smem:$0x3F90];
	s0 =	simm.s32 @p0 $0x1  }
0x13: {  	[smem:$0x3FAB] =	sst s0;
	s0 =	simm.s32 @!p1 $0x0  }
0x14: {  	s2 =	sld [smem:$0x3F8F];
	s0 =	simm.s32 @p1 $0x1  }
0x15: {  	[smem:$0x3FAC] =	sst s0;
	s0 =	simm.s32 @!p2 $0x0  }
0x16: {  	s3 =	sld [smem:$0x3FDB];
	s0 =	simm.s32 @p2 $0x1  }
0x17: {  	s4 =	simm.s32 $0x1BF5;
	[smem:$0x3FAE] =	sst s0  }
0x18: {  	s0 =	sld [smem:$0x3F91];
	_ =	swait.ge [sflag:s4], $0x0  }
0x19: {  	s7 =	sld [smem:$0x3F92]  }
0x1a: {  	s8 =	sadd.s32 $0xFFFFE003, lr  }
0x1b: {  	s9 =	sadd.s32 $0xFFFFFEF7, lr;
	s5 =	simm.s32 $0xFFFFFFFF;
	p2 =	slt.u32 s8, $0xFFFFF086  }
0x1c: {  	p1 =	slt.u32 s9, $0xF7A;
	s5 =	simm.s32 @!p2 $0x0  }
0x1d: {  	s5 =	simm.s32 @p1 $0x1;
	p0 =	seq.s32 s7, s2  }
0x1e: {  	s7 =	smul.u32 @!p0 $0xF7A, s2;
	p2 =	seq.s32 @!p0 s5, $0x0  }
0x1f: {  	s9 =	smul.u32 $0xF7A, s1;
	s8 =	simm.s32 @!p0 $0x1BF5;
	p2 =	por !p2, p0  }
0x20: {  	[sflag:s8] =	ssyncset.s32 @!p0 $0xFFFFF086;
	s6 =	sadd.s32 @!p0 s3, s7;
	s7 =	simm.s32 @!p0 $0x108  }
0x21: {  	s3 =	sadd.s32 s3, s9;
	s6 =	sadd.s32 @!p0 $0x88, s6;
	s7 =	simm.s32 @p2 $0x1082  }
0x22: {  	[simem:s7], [sflag:s8] =	dma.local @!p0 [hbm:s6], $0xF7A  }
0x23: {  	s9 =	sor.u32 $0xD0000000, s2;
	s6 =	simm.s32 $0x108;
	_ =	swait.ge @!p0 [sflag:s8], $0x0  }
0x24: {  	s3 =	sadd.s32 $0x88, s3;
	s6 =	simm.s32 @!p1 $0x1082;
	[sflag:s4] =	ssyncset.s32 $0xFFFFF086  }
0x25: {  	[simem:s6], [sflag:s4] =	dma.local [hbm:s3], $0xF7A  }
0x26: {  	[smem:$0x3F92] =	sst s1;
	(tag) =	ssettag s2;
	_ =	strace s9  }
0x27: {  	s1 =	sld [smem:$0x3FA2]  }
0x28: {  	s2 =	sld [smem:$0x3FA3]  }
0x29: {  	s4 =	sld [smem:$0x3FA5]  }
0x2a: {  	p0 =	seq.s32 s5, $0x0;
	s5 =	sld [smem:$0x3FA6]  }
0x2b: {  	s6 =	sld [smem:$0x3FA7]  }
0x2c: {  	s7 =	sld [smem:$0x3FA8]  }
0x2d: {  	s3 =	simm.s32 $0x108;
	s8 =	sld [smem:$0x3FA9]  }
0x2e: {  	s3 =	simm.s32 @!p0 $0x1082;
	s9 =	sld [smem:$0x3FAA]  }
0x2f: {  	lr =	sadd.s32 s0, s3;
	s0 =	sld [smem:$0x3FA1]  }
0x30: {  	s3 =	sld [smem:$0x3FA4]  }
0x31: {  	[smem:$0x3FAD] =	sst s10  }
0x32: {  	s10 =	sld [smem:$0x3FAB];
	_ =	sdelay $0x3  }
0x33: {  	p0 =	seq.s32 s10, $0x1;
	s10 =	sld [smem:$0x3FAD];
	_ =	sdelay $0x3  }
0x34: {  	[smem:$0x3FAD] =	sst s10  }
0x35: {  	s10 =	sld [smem:$0x3FAC];
	_ =	sdelay $0x3  }
0x36: {  	p1 =	seq.s32 s10, $0x1;
	s10 =	sld [smem:$0x3FAD];
	_ =	sdelay $0x3  }
0x37: {  	[smem:$0x3FAD] =	sst s10  }
0x38: {  	s10 =	sld [smem:$0x3FAE]  }
0x39: {  	_ = 	snop;
	(pc) =	sbr.ind lr, $3  }
0x3a: {  	_ = 	snop  }
0x3b: {  	_ = 	snop  }
0x3c: {  	p2 =	seq.s32 s10, $0x1;
	s10 =	sld [smem:$0x3FAD]  }
0x3d: {  	_ =	shalt  }
0x3e: {  	_ =	shalt  }
0x3f: {  	_ =	shalt  }
0x40: {  	_ =	shalt  }
0x41: {  	_ =	shalt  }
0x42: {  	_ =	shalt  }
0x43: {  	_ =	shalt  }
0x44: {  	_ =	shalt  }
0x45: {  	_ =	shalt  }
0x46: {  	_ =	shalt  }
0x47: {  	_ =	shalt  }
0x48: {  	_ =	shalt  }
0x49: {  	_ =	shalt  }
0x4a: {  	_ =	shalt  }
0x4b: {  	_ =	shalt  }
0x4c: {  	_ =	shalt  }
0x4d: {  	_ =	shalt  }
0x4e: {  	_ =	shalt  }
0x4f: {  	_ =	shalt  }
0x50: {  	_ =	shalt  }
0x51: {  	_ =	shalt  }
0x52: {  	_ =	shalt  }
0x53: {  	_ =	shalt  }
0x54: {  	_ =	shalt  }
0x55: {  	_ =	shalt  }
0x56: {  	_ =	shalt  }
0x57: {  	_ =	shalt  }
0x58: {  	_ =	shalt  }
0x59: {  	_ =	shalt  }
0x5a: {  	_ =	shalt  }
0x5b: {  	_ =	shalt  }
0x5c: {  	_ =	shalt  }
0x5d: {  	_ =	shalt  }
0x5e: {  	_ =	shalt  }
0x5f: {  	_ =	shalt  }
0x60: {  	_ =	shalt  }
0x61: {  	_ =	shalt  }
0x62: {  	_ =	shalt  }
0x63: {  	_ =	shalt  }
0x64: {  	_ =	shalt  }
0x65: {  	_ =	shalt  }
0x66: {  	_ =	shalt  }
0x67: {  	_ =	shalt  }
0x68: {  	_ =	shalt  }
0x69: {  	_ =	shalt  }
0x6a: {  	_ =	shalt  }
0x6b: {  	_ =	shalt  }
0x6c: {  	_ =	shalt  }
0x6d: {  	_ =	shalt  }
0x6e: {  	_ =	shalt  }
0x6f: {  	_ =	shalt  }
0x70: {  	_ =	shalt  }
0x71: {  	_ =	shalt  }
0x72: {  	_ =	shalt  }
0x73: {  	_ =	shalt  }
0x74: {  	_ =	shalt  }
0x75: {  	_ =	shalt  }
0x76: {  	_ =	shalt  }
0x77: {  	_ =	shalt  }
0x78: {  	_ =	shalt  }
0x79: {  	_ =	shalt  }
0x7a: {  	_ =	shalt  }
0x7b: {  	_ =	shalt  }
0x7c: {  	_ =	shalt  }
0x7d: {  	_ =	shalt  }
0x7e: {  	_ =	shalt  }
0x7f: {  	_ =	shalt  }
0x80: {  	_ =	shalt  }
0x81: {  	_ =	shalt  }
0x82: {  	_ =	shalt  }
0x83: {  	_ =	shalt  }
0x84: {  	_ =	shalt  }
0x85: {  	_ =	shalt  }
0x86: {  	_ =	shalt  }
0x87: {  	_ =	shalt  }
.Lfunc_end0:
.L_simem_size_0:
called_computation.1_lowered:
.L_overlay_start_0:
0x88: {  	s2 =	sld [smem:$0x3FD9]  }
0x89: {  	s3 =	sld [smem:$0x3FFE];
	_ =	sdelay $0x1  }
0x8a: {  	s1 =	srdreg.scid  }
0x8b: {  	s0 =	sand.u32 $0x1, s1  }
0x8c: {  	s15 =	sshll.u32 s0, $0xA;
	s2 =	sadd.s32 s3, s2  }
0x8d: {  	s2 =	sadd.s32 s2, s15  }
0x8e: {  	[smem:$0x3FB9] =	sst s2  }
0x8f: {  	_ = 	snop  }
0x90: {  	s2 =	sld [smem:$0x3FD0];
	_ =	sdelay $0x2  }
0x91: {  	s16 =	simm.s32 $0xB;
	s4 =	simm.s32 $0x10  }
0x92: {  	[smem:s4], [sflag:s16] =	dma.local [hbm:s2], $0x1  }
0x93: {  	_ =	swait.eq [sflag:s16], $0x1  }
0x94: {  	[sflag:s16] =	ssyncset.done $0x0  }
0x95: {  	[sflag:s16] =	ssyncadd.s32 $0xFFFFFFFF  }
0x96: {  	s17 =	sld [smem:$0x12];
	(tm) =	ssettm $0x1  }
0x97: {  	s18 =	sld [smem:$0x3FFB];
	_ =	sdelay $0x3  }
0x98: {  	_ =	strace s18  }
0x99: {  	s2 =	sld [smem:$0x3FFC];
	_ =	sdelay $0x3  }
0x9a: {  	_ =	strace s2  }
0x9b: {  	s2 =	sld [smem:$0x3FFD];
	_ =	sdelay $0x3  }
0x9c: {  	_ =	strace s2  }
0x9d: {  	_ =	strace $0x8FFFFFFF  }
0x9e: {  	s19 =	sld [smem:$0x3FDB];
	_ =	sdelay $0x1  }
0x9f: {  	s20 =	simm.s32 $_scs_section_size  }
0xa0: {  	s5 =	simm.s32 $_size__tile_overlayer_lowered;
	s6 =	simm.s32 $_tile_overlayer_lowered  }
0xa1: {  	s7 =	simm.s32 $0x1BFF;
	s21 =	sshll.u32 s6, $0x1;
	s4 =	sadd.s32 s20, s19  }
0xa2: {  	s22 =	simm.s32 $0x0;
	s5 =	sshll.u32 s5, $0x1;
	s6 =	sadd.s32 s21, s4  }
0xa3: {  	[timem:s22], [sflag:s7] =	dma.local [hbm:s6], s5  }
0xa4: {  	_ =	swait.ge [sflag:s7], s5  }
0xa5: {  	s5 =	ssub.s32 $0x0, s5;
	[sflag:s7] =	ssyncset.done $0x0  }
0xa6: {  	[sflag:s7] =	ssyncadd.s32 s5;
	_ =	sdelay $0x1  }
0xa7: {  	s23 =	simm.s32 $0x1B8B  }
0xa8: {  	_ =	swait.ge [sflag:s23], $0x1  }
0xa9: {  	[sflag:s23] =	ssyncset.done $0x0  }
0xaa: {  	[sflag:s23] =	ssyncadd.s32 $0xFFFFFFFF  }
0xab: {  	s5 =	sld [smem:$0x0]  }
0xac: {  	s6 =	sand.u32 $0xFFFFFFFE, s1  }
0xad: {  	p0 =	sne.s32 s1, s6  }
0xae: {  	s6 =	sshll.u32 @p0 s6, $0xE  }
0xaf: {  	s6 =	sadd.s32 @p0 $0x11B8D, s6;
	s7 =	sshll.u32 @p0 s5, $0x11  }
0xb0: {  	s6 =	sor.u32 @p0 s7, s6  }
0xb1: {  	[sflag:s6] =	ssyncadd.remote.s32 @p0 $0x1;
	_ =	sdelay $0x1  }
0xb2: {  	s6 =	simm.s32 @p0 $0x1B8D  }
0xb3: {  	_ =	swait.eq @p0 [sflag:s6], $0x1  }
0xb4: {  	[sflag:s6] =	ssyncadd.s32 @p0 $0xFFFFFFFF  }
0xb5: {  	s7 =	sshll.u32 @!p0 s1, $0xE  }
0xb6: {  	s7 =	sor.u32 @!p0 $0x4000, s7;
	s6 =	simm.s32 @!p0 $0x1B8D  }
0xb7: {  	s5 =	sshll.u32 @!p0 s5, $0x11;
	s7 =	sadd.s32 @!p0 $0x11B8D, s7;
	_ =	swait.eq @!p0 [sflag:s6], $0x1  }
0xb8: {  	s5 =	sor.u32 @!p0 s5, s7;
	[sflag:s6] =	ssyncadd.s32 @!p0 $0xFFFFFFFF  }
0xb9: {  	s25 =	simm.s32 $0x1B8E;
	s24 =	sld [smem:$0x3FFE];
	[sflag:s5] =	ssyncadd.remote.s32 @!p0 $0x1  }
0xba: {  	s26 =	simm.s32 $execute0_lowered;
	[smem:$0x3FD2] =	sst s25  }
0xbb: {  	s6 =	sshll.u32 s26, $0x1;
	_ =	strace $0x8000004C;
	[dreg:$0x1] =	wrdreg $0xFFFFFFFF  }
0xbc: {  	s28 =	simm.s32 $_size_execute0_lowered;
	s4 =	sadd.s32 s4, s6;
	[dreg:$0x0] =	wrdreg $0x0  }
0xbd: {  	s6 =	sshll.u32 s28, $0x1;
	[dreg:$0x2] =	wrdreg s4  }
0xbe: {  	[dreg:$0x3] =	wrdreg s6  }
0xbf: {  	[dreg:$0x4] =	wrdreg $0xC0  }
0xc0: {  	_ =	task [dreg:s22], $0x5FFFF  }
0xc1: {  	[dreg:$0x1] =	wrdreg $0xFFFFFFFF  }
0xc2: {  	[dreg:$0x0] =	wrdreg $0x60  }
0xc3: {  	[dreg:$0x2] =	wrdreg s17  }
0xc4: {  	[dreg:$0x3] =	wrdreg s24  }
0xc5: {  	[dreg:$0x4] =	wrdreg $0x81000  }
0xc6: {  	[dreg:$0x5] =	wrdreg $0x9  }
0xc7: {  	_ =	task.clear_ibuf [dreg:s22], $0x6FFFF;
	_ =	strace $0x9000004C  }
0xc8: {  	s29 =	simm.s32 $0x9;
	_ =	strace $0x8000004E  }
0xc9: {  	_ =	swait.ge [sflag:s29], $0x1  }
0xca: {  	[sflag:s29] =	ssyncadd.s32 $0xFFFFFFFF  }
0xcb: {  	_ =	strace $0x9000004E  }
0xcc: {  	_ =	sfence  }
0xcd: {  	s30 =	sld [smem:$0x0];
	_ =	sdelay $0x2  }
0xce: {  	s31 =	sshll.u32 s1, $0xD;
	s1 =	sshrl.u32 s1, $0x2  }
0xcf: {  	s4 =	sand.u32 $0x4000, s31;
	s1 =	sadd.s32 s1, s30  }
0xd0: {  	s0 =	sor.u32 s4, s0;
	s1 =	sshll.u32 s1, $0x11  }
0xd1: {  	s0 =	sor.u32 s1, s0  }
0xd2: {  	s0 =	sadd.s32 $0x8F2B, s0  }
0xd3: {  	[sflag:s0] =	ssyncadd.remote.s32 $0x1  }
0xd4: {  	_ =	sfence.sel $0xFFFF  }
0xd5: {  	[dreg:$0x0] =	wrdreg $0xFFFFFFFF;
	(pc) =	sbr.abs _section_cstart, $3  }
0xd6: {  	[dreg:$0x1] =	wrdreg $0xFFFFFFFF  }
0xd7: {  	_ =	task.clear_ibuf [dreg:s22], $0x2FFFF;
	_ =	strace $0x9FFFFFFF  }
0xd8: {  	(tm) =	ssettm $0x7FFFFFFF  }
0xd9: {  	_ =	shalt  }
tec
execute0_lowered:
.L_overlay_start_1:
0x0: {  	(tag) =	ssettag $0x1  }
0x1: {  	s0 =	rddreg [dreg:$0x0]  }
0x2: {  	s6 =	rddreg [dreg:$0x1];
	s1 =	srdreg.scid  }
0x3: {  	s3 =	rddreg [dreg:$0x2];
	s22 =	stileid.u32;
	s4 =	simm.s32 $0x0  }
0x4: {  	s18 =	simm.s32 $0x8000;
	s19 =	simm.s32 $0x8080;
	s20 =	simm.s32 $0x4000  }
0x5: {  	s21 =	simm.s32 $0x1;
	s12 =	sand.u32 $0x1, s1;
	s7 =	smul.u32 $0x2800, s22  }
0x6: {  	[smem:$0x7FF] =	sst s4;
	s24 =	sshll.u32 s22, $0x1;
	s25 =	ssub.s32 $0x7C, s22  }
0x7: {  	s14 =	smul.u32 $0xA000, s22;
	s30 =	sshll.u32 s22, $0x5;
	s15 =	sshll.u32 s22, $0xC  }
0x8: {  	s22 =	simm.s32 $0x80;
	s5 =	smul.u32 $0x138800, s12;
	_ =	strace $0x8000004D  }
0x9: {  	s8 =	ssub.s32 $0x2, s12;
	s13 =	sor.u32 s12, s24;
	s10 =	sshrl.u32 s25, $0x4  }
0xa: {  	s15 =	sadd.s32 s15, s0;
	s17 =	sshll.u32 s12, $0xB;
	s12 =	sshll.u32 s12, $0x4  }
0xb: {  	s24 =	simm.s32 $0x2;
	s25 =	simm.s32 $0x4;
	s23 =	sshrl.u32 s8, $0x1  }
0xc: {  	s26 =	sshll.u32 s13, $0x4;
	s28 =	sshll.u32 s13, $0xB;
	s10 =	sadd.s32 $0x1, s10  }
0xd: {  	s29 =	sshrl.u32 s14, $0x2;
	s15 =	sadd.s32 s17, s15;
	s31 =	sor.u32 $0x9A0, s13  }
0xe: {  	s17 =	simm.s32 $0x5;
	s7 =	sadd.s32 s7, s5;
	s5 =	sadd.s32 $0x9EFE00, s6  }
0xf: {  	s9 =	ssub.s32 s8, s23;
	s23 =	simm.s32 $0x3;
	s7 =	sshrl.u32 s7, $0x3  }
0x10: {  	s9 =	smax.u32 s9, $0x1;
	s14 =	sadd.s32 s30, s5;
	s16 =	sadd.s32 s7, s6  }
0x11: {  	s7 =	ssub.s32 $0x9C3, s13;
	s6 =	sadd.s32 s5, s26;
	s12 =	sadd.s32 s12, s14  }
0x12: {  	s13 =	sadd.s32 $0x10000, s15;
	s14 =	sshll.u32 s31, $0x4;
	s15 =	sshll.u32 s31, $0xB  }
0x13: {  	s26 =	simm.s32 $0x0;
	s11 =	sshrl.u32 s7, $0x5;
	s7 =	sadd.s32 s0, s28  }
0x14: {  	v0 =	vimm.f32 $0.0e+00;
	s16 =	sadd.s32 $0x9F9C00, s16;
	s8 =	sadd.s32 $0xFFFFFFB4, s11;
	s11 =	sadd.s32 s29, s3  }
.LBB2_1:
0x15: {  	s28 =	simm.s32 $0x0;
	s29 =	simm.s32 $0x200  }
.LBB2_2:
0x16: {  	p0 =	sne.s32 s29, $0xFE00;
	[tilespmem:s28+$0x70] =	vst v0  }
0x17: {  	[tilespmem:s28+$0x0] =	vst v0  }
0x18: {  	[tilespmem:s28+$0x10] =	vst v0  }
.Ltmp0:
0x19: {  	[tilespmem:s28+$0x20] =	vst v0;
	(pc) =	sbr.rel @p0 .LBB2_2-.Ltmp0, $4  }
0x1a: {  	[tilespmem:s28+$0x30] =	vst v0  }
0x1b: {  	[tilespmem:s28+$0x40] =	vst v0  }
0x1c: {  	[tilespmem:s28+$0x50] =	vst v0  }
0x1d: {  	[tilespmem:s28+$0x60] =	vst v0;
	s28 =	sshra.s32 s29, $0x2;
	s29 =	sadd.s32 $0x200, s29  }
0x1e: {  	[tilespmem:s28+$0x70] =	vst v0  }
0x1f: {  	[tilespmem:s28+$0x0] =	vst v0  }
0x20: {  	[tilespmem:s28+$0x10] =	vst v0  }
0x21: {  	[tilespmem:s28+$0x20] =	vst v0  }
0x22: {  	[tilespmem:s28+$0x30] =	vst v0  }
0x23: {  	[tilespmem:s28+$0x40] =	vst v0;
	p0 =	sne.s32 s10, $0x1  }
.Ltmp1:
0x24: {  	[tilespmem:s28+$0x50] =	vst v0;
	(pc) =	sbr.rel @!p0 .LBB2_5-.Ltmp1, $4  }
0x25: {  	[tilespmem:s28+$0x60] =	vst v0  }
0x26: {  	[spmem:s11] =	stream.linear.scatter [tilespmem:s4], [sflag:$0x5], $0x2800, $0x38;
	[tilespmem:$0x1B980] =	vst v63  }
0x27: {  	_ =	swait.ge [sflag:s17], $0x2800  }
0x28: {  	s28 =	sadd.s32 $0xFFFFFFFF, s10;
	s29 =	smov.u32 s11;
	[sflag:s17] =	ssyncset.done $0x0  }
.LBB2_4:
0x29: {  	p1 =	sne.s32 s28, $0x1;
	[sflag:s17] =	ssyncadd.s32 $0xFFFFD800;
	s29 =	sadd.s32 $0x28000, s29  }
.Ltmp2:
0x2a: {  	s28 =	sadd.s32 $0xFFFFFFFF, s28;
	(pc) =	sbr.rel @p1 .LBB2_4-.Ltmp2, $4  }
0x2b: {  	_ = 	snop  }
0x2c: {  	[spmem:s29] =	stream.linear.scatter [tilespmem:s4], [sflag:$0x5], $0x2800, $0x38;
	[tilespmem:$0x1B980] =	vst v63  }
0x2d: {  	_ =	swait.ge [sflag:s17], $0x2800  }
0x2e: {  	[sflag:s17] =	ssyncset.done $0x0  }
.LBB2_5:
0x2f: {  	[sflag:s17] =	ssyncadd.s32 $0xFFFFD800  }
0x30: {  	s28 =	simm.s32 $0x0;
	[bflag:$0x0] =	sbarrier.arrive $0xFFFF  }
0x31: {  	[tilespmem:s18], [sflag:$0x5] =	stream.linear.gather [hbm4b:s6+s28], $0x80, $0x38;
	[tilespmem:$0x1B980] =	vst v63  }
0x32: {  	_ =	swait.ge [sflag:s17], $0x80  }
0x33: {  	[sflag:s17] =	ssyncset.done $0x0  }
0x34: {  	[sflag:s17] =	ssyncadd.s32 $0xFFFFFF80  }
0x35: {  	[tilespmem:s28], [sflag:$0x1] =	stream.linear.gather [hbm4b:s7+s28], $0x4000, $0x38;
	[tilespmem:$0x1B980] =	vst v63  }
0x36: {  	s28 =	sadd.s32 $0x0, s12  }
0x37: {  	s29 =	sadd.s32 $0x200, s28  }
0x38: {  	[tilespmem:s19], [sflag:$0x5] =	stream.linear.gather [hbm4b:s29+s4], $0x80, $0x38;
	[tilespmem:$0x1B980] =	vst v63  }
0x39: {  	_ =	swait.ge [sflag:s17], $0x80  }
0x3a: {  	[sflag:s17] =	ssyncset.done $0x0  }
0x3b: {  	[sflag:s17] =	ssyncadd.s32 $0xFFFFFF80  }
0x3c: {  	[tilespmem:s20], [sflag:$0x2] =	stream.linear.gather [hbm4b:s13+s4], $0x4000, $0x38;
	[tilespmem:$0x1B980] =	vst v63  }
0x3d: {  	_ =	swait.ge [sflag:s21], $0x4000  }
0x3e: {  	[sflag:s21] =	ssyncset.done $0x0  }
0x3f: {  	[sflag:s21] =	ssyncadd.s32 $0xFFFFC000  }
0x40: {  	[spmem:s3] =	stream.indirect.scatter.add.f32 [tilespmem:s4], [sflag:$0x3], $0x80, s18, s22, $0xb8;
	[tilespmem:$0x1B980] =	vst v63  }
0x41: {  	_ =	swait.ge [sflag:s23], $0x4000  }
0x42: {  	[sflag:s23] =	ssyncset.done $0x0  }
0x43: {  	s28 =	sadd.s32 $0x400, s28;
	[sflag:s23] =	ssyncadd.s32 $0xFFFFC000  }
0x44: {  	[tilespmem:s18], [sflag:$0x5] =	stream.linear.gather [hbm4b:s28+s4], $0x80, $0x38;
	[tilespmem:$0x1B980] =	vst v63  }
0x45: {  	_ =	swait.ge [sflag:s17], $0x80  }
0x46: {  	[sflag:s17] =	ssyncset.done $0x0  }
0x47: {  	s28 =	sadd.s32 $0x10000, s13;
	[sflag:s17] =	ssyncadd.s32 $0xFFFFFF80  }
0x48: {  	[tilespmem:s4], [sflag:$0x1] =	stream.linear.gather [hbm4b:s28+s4], $0x4000, $0x38;
	[tilespmem:$0x1B980] =	vst v63  }
0x49: {  	_ =	swait.ge [sflag:s24], $0x4000  }
0x4a: {  	[sflag:s24] =	ssyncset.done $0x0  }
0x4b: {  	[sflag:s24] =	ssyncadd.s32 $0xFFFFC000  }
0x4c: {  	[spmem:s3] =	stream.indirect.scatter.add.f32 [tilespmem:s20], [sflag:$0x4], $0x80, s19, s22, $0xb8;
	[tilespmem:$0x1B980] =	vst v63  }
0x4d: {  	s30 =	simm.s32 $0x800;
	_ =	swait.ge [sflag:s25], $0x4000  }
0x4e: {  	s29 =	sadd.s32 $0x400, s12;
	s28 =	sadd.s32 $0x20000, s13;
	[sflag:s25] =	ssyncset.done $0x0  }
.LBB2_6:
0x4f: {  	s31 =	sadd.s32 $0x200, s29  }
0x50: {  	[sflag:s25] =	ssyncadd.s32 $0xFFFFC000;
	s1 =	smov.u32 s30;
	s2 =	sadd.s32 $0x400, s30  }
0x51: {  	[tilespmem:s19], [sflag:$0x5] =	stream.linear.gather [hbm4b:s31+s4], $0x80, $0x38;
	[tilespmem:$0x1B980] =	vst v63  }
0x52: {  	p1 =	sne.s32 s30, $0x9400;
	_ =	swait.ge [sflag:s17], $0x80  }
0x53: {  	[sflag:s17] =	ssyncset.done $0x0  }
0x54: {  	[sflag:s17] =	ssyncadd.s32 $0xFFFFFF80  }
0x55: {  	[tilespmem:s20], [sflag:$0x2] =	stream.linear.gather [hbm4b:s28+s4], $0x4000, $0x38;
	[tilespmem:$0x1B980] =	vst v63  }
0x56: {  	_ =	swait.ge [sflag:s21], $0x4000  }
0x57: {  	[sflag:s21] =	ssyncset.done $0x0  }
0x58: {  	[sflag:s21] =	ssyncadd.s32 $0xFFFFC000  }
0x59: {  	[spmem:s3] =	stream.indirect.scatter.add.f32 [tilespmem:s4], [sflag:$0x3], $0x80, s18, s22, $0xb8;
	[tilespmem:$0x1B980] =	vst v63  }
0x5a: {  	_ =	swait.ge [sflag:s23], $0x4000  }
0x5b: {  	[sflag:s23] =	ssyncset.done $0x0  }
0x5c: {  	s29 =	sadd.s32 $0x400, s29;
	[sflag:s23] =	ssyncadd.s32 $0xFFFFC000  }
0x5d: {  	[tilespmem:s18], [sflag:$0x5] =	stream.linear.gather [hbm4b:s29+s4], $0x80, $0x38;
	[tilespmem:$0x1B980] =	vst v63  }
0x5e: {  	_ =	swait.ge [sflag:s17], $0x80  }
0x5f: {  	[sflag:s17] =	ssyncset.done $0x0  }
0x60: {  	s29 =	sadd.s32 $0x10000, s28;
	[sflag:s17] =	ssyncadd.s32 $0xFFFFFF80  }
0x61: {  	[tilespmem:s4], [sflag:$0x1] =	stream.linear.gather [hbm4b:s29+s4], $0x4000, $0x38;
	[tilespmem:$0x1B980] =	vst v63  }
0x62: {  	_ =	swait.ge [sflag:s24], $0x4000  }
.Ltmp3:
0x63: {  	[sflag:s24] =	ssyncset.done $0x0;
	(pc) =	sbr.rel @p1 .LBB2_6-.Ltmp3, $4  }
0x64: {  	[sflag:s24] =	ssyncadd.s32 $0xFFFFC000  }
0x65: {  	[spmem:s3] =	stream.indirect.scatter.add.f32 [tilespmem:s20], [sflag:$0x4], $0x80, s19, s22, $0xb8;
	[tilespmem:$0x1B980] =	vst v63  }
0x66: {  	s30 =	smov.u32 s2;
	_ =	swait.ge [sflag:s25], $0x4000  }
0x67: {  	s28 =	sadd.s32 $0x20000, s28;
	s29 =	sadd.s32 s1, s12;
	[sflag:s25] =	ssyncset.done $0x0  }
0x68: {  	s1 =	sadd.s32 $0x200, s29;
	[sflag:s25] =	ssyncadd.s32 $0xFFFFC000  }
0x69: {  	[tilespmem:s19], [sflag:$0x5] =	stream.linear.gather [hbm4b:s1+s4], $0x80, $0x38;
	[tilespmem:$0x1B980] =	vst v63  }
0x6a: {  	_ =	swait.ge [sflag:s17], $0x80  }
0x6b: {  	[sflag:s17] =	ssyncset.done $0x0  }
0x6c: {  	[sflag:s17] =	ssyncadd.s32 $0xFFFFFF80  }
0x6d: {  	[tilespmem:s20], [sflag:$0x2] =	stream.linear.gather [hbm4b:s28+s4], $0x4000, $0x38;
	[tilespmem:$0x1B980] =	vst v63  }
0x6e: {  	_ =	swait.ge [sflag:s21], $0x4000  }
0x6f: {  	[sflag:s21] =	ssyncset.done $0x0  }
0x70: {  	[sflag:s21] =	ssyncadd.s32 $0xFFFFC000  }
0x71: {  	[spmem:s3] =	stream.indirect.scatter.add.f32 [tilespmem:s4], [sflag:$0x3], $0x80, s18, s22, $0xb8;
	[tilespmem:$0x1B980] =	vst v63  }
0x72: {  	_ =	swait.ge [sflag:s23], $0x4000  }
0x73: {  	[sflag:s23] =	ssyncset.done $0x0  }
0x74: {  	s2 =	sadd.s32 $0x400, s29;
	[sflag:s23] =	ssyncadd.s32 $0xFFFFC000  }
0x75: {  	[tilespmem:s18], [sflag:$0x5] =	stream.linear.gather [hbm4b:s2+s4], $0x80, $0x38;
	[tilespmem:$0x1B980] =	vst v63  }
0x76: {  	_ =	swait.ge [sflag:s17], $0x80  }
0x77: {  	[sflag:s17] =	ssyncset.done $0x0  }
0x78: {  	s29 =	sadd.s32 $0x10000, s28;
	[sflag:s17] =	ssyncadd.s32 $0xFFFFFF80  }
0x79: {  	[tilespmem:s4], [sflag:$0x1] =	stream.linear.gather [hbm4b:s29+s4], $0x4000, $0x38;
	[tilespmem:$0x1B980] =	vst v63  }
0x7a: {  	_ =	swait.ge [sflag:s24], $0x4000  }
0x7b: {  	[sflag:s24] =	ssyncset.done $0x0  }
0x7c: {  	[sflag:s24] =	ssyncadd.s32 $0xFFFFC000  }
0x7d: {  	[spmem:s3] =	stream.indirect.scatter.add.f32 [tilespmem:s20], [sflag:$0x4], $0x80, s19, s22, $0xb8;
	[tilespmem:$0x1B980] =	vst v63  }
0x7e: {  	_ =	swait.ge [sflag:s25], $0x4000  }
0x7f: {  	[sflag:s25] =	ssyncset.done $0x0  }
0x80: {  	[sflag:s25] =	ssyncadd.s32 $0xFFFFC000  }
0x81: {  	_ =	swait.ge [sflag:s21], $0x4000  }
0x82: {  	p2 =	sgt.u32 s8, $0x1;
	[sflag:s21] =	ssyncset.done $0x0  }
.Ltmp4:
0x83: {  	s30 =	simm.s32 $0x0;
	[sflag:s21] =	ssyncadd.s32 $0xFFFFC000;
	(pc) =	sbr.rel @!p2 .LBB2_8-.Ltmp4, $4  }
0x84: {  	[spmem:s3] =	stream.indirect.scatter.add.f32 [tilespmem:s30], [sflag:$0x3], $0x80, s18, s22, $0xb8;
	[tilespmem:$0x1B980] =	vst v63  }
0x85: {  	_ =	swait.ge [sflag:s23], $0x4000  }
0x86: {  	[sflag:s23] =	ssyncset.done $0x0  }
0x87: {  	s31 =	sand.u32 $0x1FFFFFF0, s14;
	p1 =	por $0x0, $0x0;
	[sflag:s23] =	ssyncadd.s32 $0xFFFFC000  }
0x88: {  	s1 =	sadd.s32 s5, s31  }
0x89: {  	[tilespmem:s18], [sflag:$0x5] =	stream.linear.gather [hbm4b:s1+s4], $0x80, $0x38;
	[tilespmem:$0x1B980] =	vst v63  }
0x8a: {  	_ =	swait.ge [sflag:s17], $0x80  }
0x8b: {  	s2 =	sand.u32 $0x1FFFF800, s15;
	[sflag:s17] =	ssyncset.done $0x0  }
0x8c: {  	s1 =	sadd.s32 s0, s2;
	[sflag:s17] =	ssyncadd.s32 $0xFFFFFF80  }
0x8d: {  	[tilespmem:s4], [sflag:$0x1] =	stream.linear.gather [hbm4b:s1+s4], $0x4000, $0x38;
	[tilespmem:$0x1B980] =	vst v63  }
0x8e: {  	p2 =	sgt.u32 s8, $0x2;
	_ =	swait.ge [sflag:s21], $0x4000  }
.Ltmp5:
0x8f: {  	[sflag:s21] =	ssyncset.done $0x0;
	(pc) =	sbr.rel @!p2 .LBB2_11-.Ltmp5, $4  }
0x90: {  	s29 =	simm.s32 $0x2;
	[sflag:s21] =	ssyncadd.s32 $0xFFFFC000  }
0x91: {  	[spmem:s3] =	stream.indirect.scatter.add.f32 [tilespmem:s4], [sflag:$0x3], $0x80, s18, s22, $0xb8;
	[tilespmem:$0x1B980] =	vst v63  }
0x92: {  	s30 =	sadd.s32 $0x200, s14;
	s28 =	sadd.s32 $0x10000, s15;
	_ =	swait.ge [sflag:s23], $0x4000  }
0x93: {  	p1 =	por $0x1, $0x1;
	s31 =	sand.u32 $0x1FFFFFF0, s30;
	[sflag:s23] =	ssyncset.done $0x0  }
.LBB2_10:
0x94: {  	s29 =	sadd.s32 $0x1, s29;
	s1 =	sadd.s32 s5, s31;
	[sflag:s23] =	ssyncadd.s32 $0xFFFFC000  }
0x95: {  	[tilespmem:s18], [sflag:$0x5] =	stream.linear.gather [hbm4b:s1+s4], $0x80, $0x38;
	[tilespmem:$0x1B980] =	vst v63  }
0x96: {  	p2 =	slt.u32 s29, s8;
	_ =	swait.ge [sflag:s17], $0x80  }
0x97: {  	s1 =	sand.u32 $0x1FFFF800, s28;
	[sflag:s17] =	ssyncset.done $0x0  }
0x98: {  	s1 =	sadd.s32 s0, s1;
	[sflag:s17] =	ssyncadd.s32 $0xFFFFFF80  }
0x99: {  	[tilespmem:s4], [sflag:$0x1] =	stream.linear.gather [hbm4b:s1+s4], $0x4000, $0x38;
	[tilespmem:$0x1B980] =	vst v63  }
0x9a: {  	_ =	swait.ge [sflag:s21], $0x4000  }
.Ltmp6:
0x9b: {  	[sflag:s21] =	ssyncset.done $0x0;
	(pc) =	sbr.rel @p2 .LBB2_10-.Ltmp6, $4  }
0x9c: {  	[sflag:s21] =	ssyncadd.s32 $0xFFFFC000  }
0x9d: {  	[spmem:s3] =	stream.indirect.scatter.add.f32 [tilespmem:s4], [sflag:$0x3], $0x80, s18, s22, $0xb8;
	[tilespmem:$0x1B980] =	vst v63  }
0x9e: {  	s30 =	sadd.s32 $0x200, s30;
	_ =	swait.ge [sflag:s23], $0x4000  }
0x9f: {  	s31 =	sand.u32 $0x1FFFFFF0, s30;
	s28 =	sadd.s32 $0x10000, s28;
	[sflag:s23] =	ssyncset.done $0x0  }
.LBB2_11:
0xa0: {  	s1 =	sadd.s32 s5, s31;
	[sflag:s23] =	ssyncadd.s32 @p1 $0xFFFFC000  }
0xa1: {  	[tilespmem:s18], [sflag:$0x5] =	stream.linear.gather [hbm4b:s1+s4], $0x80, $0x38;
	[tilespmem:$0x1B980] =	vst v63  }
0xa2: {  	_ =	swait.ge [sflag:s17], $0x80  }
0xa3: {  	s31 =	sand.u32 $0x1FFFF800, s28;
	[sflag:s17] =	ssyncset.done $0x0  }
0xa4: {  	s1 =	sadd.s32 s0, s31;
	[sflag:s17] =	ssyncadd.s32 $0xFFFFFF80  }
0xa5: {  	[tilespmem:s4], [sflag:$0x1] =	stream.linear.gather [hbm4b:s1+s4], $0x4000, $0x38;
	[tilespmem:$0x1B980] =	vst v63  }
0xa6: {  	_ =	swait.ge [sflag:s21], $0x4000  }
0xa7: {  	[sflag:s21] =	ssyncset.done $0x0  }
0xa8: {  	[sflag:s21] =	ssyncadd.s32 $0xFFFFC000  }
0xa9: {  	[spmem:s3] =	stream.indirect.scatter.add.f32 [tilespmem:s4], [sflag:$0x3], $0x80, s18, s22, $0xb8;
	[tilespmem:$0x1B980] =	vst v63  }
0xaa: {  	_ =	swait.ge [sflag:s23], $0x4000  }
0xab: {  	[sflag:s23] =	ssyncset.done $0x0  }
0xac: {  	[sflag:s23] =	ssyncadd.s32 $0xFFFFC000  }
0xad: {  	[bflag:$0x0] =	sbarrier.arrive $0xFFFF  }
0xae: {  	[tilespmem:s4], [sflag:$0x5] =	stream.linear.gather [spmem:s11], $0x2800, $0x38;
	[tilespmem:$0x1B980] =	vst v63  }
0xaf: {  	_ =	swait.ge [sflag:s17], $0x2800  }
.Ltmp7:
0xb0: {  	[sflag:s17] =	ssyncset.done $0x0;
	(pc) =	sbr.rel @!p0 .LBB2_13-.Ltmp7, $4  }
0xb1: {  	[sflag:s17] =	ssyncadd.s32 $0xFFFFD800  }
0xb2: {  	[hbm4b:s16+s4] =	stream.linear.scatter [tilespmem:s4], [sflag:$0x5], $0x2800, $0x38;
	[tilespmem:$0x1B980] =	vst v63  }
0xb3: {  	s28 =	sadd.s32 $0xFFFFFFFF, s10;
	_ =	swait.ge [sflag:s17], $0x2800  }
0xb4: {  	s29 =	smov.u32 s11;
	s30 =	smov.u32 s16;
	[sflag:s17] =	ssyncset.done $0x0  }
.LBB2_12:
0xb5: {  	[sflag:s17] =	ssyncadd.s32 $0xFFFFD800;
	s29 =	sadd.s32 $0x28000, s29;
	s30 =	sadd.s32 $0x5000, s30  }
0xb6: {  	[tilespmem:s4], [sflag:$0x5] =	stream.linear.gather [spmem:s29], $0x2800, $0x38;
	[tilespmem:$0x1B980] =	vst v63  }
0xb7: {  	p0 =	sne.s32 s28, $0x1;
	s28 =	sadd.s32 $0xFFFFFFFF, s28;
	_ =	swait.ge [sflag:s17], $0x2800  }
.Ltmp8:
0xb8: {  	[sflag:s17] =	ssyncset.done $0x0;
	(pc) =	sbr.rel @p0 .LBB2_12-.Ltmp8, $4  }
0xb9: {  	[sflag:s17] =	ssyncadd.s32 $0xFFFFD800  }
0xba: {  	[hbm4b:s30+s4] =	stream.linear.scatter [tilespmem:s4], [sflag:$0x5], $0x2800, $0x38;
	[tilespmem:$0x1B980] =	vst v63  }
0xbb: {  	_ =	swait.ge [sflag:s17], $0x2800  }
0xbc: {  	[sflag:s17] =	ssyncset.done $0x0  }
.LBB2_13:
0xbd: {  	s26 =	sadd.s32 $0x1, s26  }
0xbe: {  	p0 =	sne.s32 s26, s9  }
.Ltmp9:
0xbf: {  	_ = 	snop;
	(pc) =	sbr.rel @p0 .LBB2_1-.Ltmp9, $4  }
.Ltmp10:
0xc0: {  	_ = 	snop;
	(pc) =	sbr.rel @!p0 .LBB2_14-.Ltmp10, $4  }
0xc1: {  	_ = 	snop  }
0xc2: {  	_ = 	snop  }
0xc3: {  	[sflag:s17] =	ssyncadd.s32 $0xFFFFD800  }
0xc4: {  	_ = 	snop  }
.LBB2_8:
.Ltmp11:
0xc5: {  	(pc) =	sbr.rel .LBB2_11-.Ltmp11, $2  }
0xc6: {  	_ =	sdelay $0x2  }
0xc7: {  	s28 =	smov.u32 s15  }
.LBB2_14:
0xc8: {  	_ =	sfence.sel $0x180000  }
0xc9: {  	[bflag:$0x0] =	sbarrier.arrive $0xFFFF  }
0xca: {  	_ =	strace $0x9000004D  }
0xcb: {  	s0 =	stileid.u32;
	[bflag:$0x2] =	sbarrier.arrive $0xFFFF  }
0xcc: {  	p0 =	sne.s32 s0, $0x0;
	s0 =	rddreg [dreg:$0x3]  }
0xcd: {  	s0 =	sadd.s32 @!p0 $0x100000, s0  }
0xce: {  	[sflag:s0] =	ssyncadd.tile.s32 @!p0 $0x1;
	_ =	shalt  }
.Lfunc_end2:
_tile_overlayer_lowered:
.L_overlay_start_2:
0xcf: {  	(tag) =	ssettag $0x2  }
0xd0: {  	s0 =	rddreg [dreg:$0x0];
	s2 =	stileid.u32  }
0xd1: {  	s1 =	rddreg [dreg:$0x1];
	p0 =	sne.s32 s2, $0x0  }
0xd2: {  	s3 =	rddreg [dreg:$0x2];
	[bflag:$0x3] =	sbarrier.arrive $0xFFFF;
	s2 =	simm.s32 @!p0 $0x1C05  }
0xd3: {  	[timem:s3], [sflag:s2] =	dma.local @!p0 [hbm:s0], s1  }
0xd4: {  	s0 =	simm.s32 @!p0 $0x5  }
0xd5: {  	_ =	swait.ge @!p0 [sflag:s0], s1  }
0xd6: {  	s1 =	ssub.s32 @!p0 $0x0, s1;
	[sflag:s0] =	ssyncset.done @!p0 $0x0  }
0xd7: {  	[sflag:s0] =	ssyncadd.s32 @!p0 s1  }
0xd8: {  	[bflag:$0x3] =	sbarrier.arrive $0xFFFF  }
0xd9: {  	_ =	shalt  }

// kernel: kernel.15.cloned.1.call-start
scs
__scs_entry_jumppad:
0x0: {  	(pc) =	sbr.rel $0x88, $3  }
0x1: {  	(tag) =	ssettag $0x0;
	lr =	simm.s32 $0x1  }
0x2: {  	[smem:$0x3F92] =	sst lr;
	_ =	strace $0xD0000000  }
0x3: {  	_ = 	snop  }
0x4: {  	_ = 	snop  }
0x5: {  	_ = 	snop  }
0x6: {  	_ = 	snop  }
0x7: {  	_ = 	snop  }
__scs_overlays_trampoline_lowered:
0x8: {  	[smem:$0x3FA1] =	sst s0  }
0x9: {  	[smem:$0x3FA2] =	sst s1  }
0xa: {  	[smem:$0x3FA3] =	sst s2  }
0xb: {  	[smem:$0x3FA4] =	sst s3  }
0xc: {  	[smem:$0x3FA5] =	sst s4  }
0xd: {  	[smem:$0x3FA6] =	sst s5  }
0xe: {  	[smem:$0x3FA7] =	sst s6  }
0xf: {  	[smem:$0x3FA8] =	sst s7  }
0x10: {  	[smem:$0x3FA9] =	sst s8  }
0x11: {  	[smem:$0x3FAA] =	sst s9;
	s0 =	simm.s32 @!p0 $0x0  }
0x12: {  	s1 =	sld [smem:$0x3F90];
	s0 =	simm.s32 @p0 $0x1  }
0x13: {  	[smem:$0x3FAB] =	sst s0;
	s0 =	simm.s32 @!p1 $0x0  }
0x14: {  	s2 =	sld [smem:$0x3F8F];
	s0 =	simm.s32 @p1 $0x1  }
0x15: {  	[smem:$0x3FAC] =	sst s0;
	s0 =	simm.s32 @!p2 $0x0  }
0x16: {  	s3 =	sld [smem:$0x3FDB];
	s0 =	simm.s32 @p2 $0x1  }
0x17: {  	s4 =	simm.s32 $0x1BF5;
	[smem:$0x3FAE] =	sst s0  }
0x18: {  	s0 =	sld [smem:$0x3F91];
	_ =	swait.ge [sflag:s4], $0x0  }
0x19: {  	s7 =	sld [smem:$0x3F92]  }
0x1a: {  	s8 =	sadd.s32 $0xFFFFE003, lr  }
0x1b: {  	s9 =	sadd.s32 $0xFFFFFEF7, lr;
	s5 =	simm.s32 $0xFFFFFFFF;
	p2 =	slt.u32 s8, $0xFFFFF086  }
0x1c: {  	p1 =	slt.u32 s9, $0xF7A;
	s5 =	simm.s32 @!p2 $0x0  }
0x1d: {  	s5 =	simm.s32 @p1 $0x1;
	p0 =	seq.s32 s7, s2  }
0x1e: {  	s7 =	smul.u32 @!p0 $0xF7A, s2;
	p2 =	seq.s32 @!p0 s5, $0x0  }
0x1f: {  	s9 =	smul.u32 $0xF7A, s1;
	s8 =	simm.s32 @!p0 $0x1BF5;
	p2 =	por !p2, p0  }
0x20: {  	[sflag:s8] =	ssyncset.s32 @!p0 $0xFFFFF086;
	s6 =	sadd.s32 @!p0 s3, s7;
	s7 =	simm.s32 @!p0 $0x108  }
0x21: {  	s3 =	sadd.s32 s3, s9;
	s6 =	sadd.s32 @!p0 $0x88, s6;
	s7 =	simm.s32 @p2 $0x1082  }
0x22: {  	[simem:s7], [sflag:s8] =	dma.local @!p0 [hbm:s6], $0xF7A  }
0x23: {  	s9 =	sor.u32 $0xD0000000, s2;
	s6 =	simm.s32 $0x108;
	_ =	swait.ge @!p0 [sflag:s8], $0x0  }
0x24: {  	s3 =	sadd.s32 $0x88, s3;
	s6 =	simm.s32 @!p1 $0x1082;
	[sflag:s4] =	ssyncset.s32 $0xFFFFF086  }
0x25: {  	[simem:s6], [sflag:s4] =	dma.local [hbm:s3], $0xF7A  }
0x26: {  	[smem:$0x3F92] =	sst s1;
	(tag) =	ssettag s2;
	_ =	strace s9  }
0x27: {  	s1 =	sld [smem:$0x3FA2]  }
0x28: {  	s2 =	sld [smem:$0x3FA3]  }
0x29: {  	s4 =	sld [smem:$0x3FA5]  }
0x2a: {  	p0 =	seq.s32 s5, $0x0;
	s5 =	sld [smem:$0x3FA6]  }
0x2b: {  	s6 =	sld [smem:$0x3FA7]  }
0x2c: {  	s7 =	sld [smem:$0x3FA8]  }
0x2d: {  	s3 =	simm.s32 $0x108;
	s8 =	sld [smem:$0x3FA9]  }
0x2e: {  	s3 =	simm.s32 @!p0 $0x1082;
	s9 =	sld [smem:$0x3FAA]  }
0x2f: {  	lr =	sadd.s32 s0, s3;
	s0 =	sld [smem:$0x3FA1]  }
0x30: {  	s3 =	sld [smem:$0x3FA4]  }
0x31: {  	[smem:$0x3FAD] =	sst s10  }
0x32: {  	s10 =	sld [smem:$0x3FAB];
	_ =	sdelay $0x3  }
0x33: {  	p0 =	seq.s32 s10, $0x1;
	s10 =	sld [smem:$0x3FAD];
	_ =	sdelay $0x3  }
0x34: {  	[smem:$0x3FAD] =	sst s10  }
0x35: {  	s10 =	sld [smem:$0x3FAC];
	_ =	sdelay $0x3  }
0x36: {  	p1 =	seq.s32 s10, $0x1;
	s10 =	sld [smem:$0x3FAD];
	_ =	sdelay $0x3  }
0x37: {  	[smem:$0x3FAD] =	sst s10  }
0x38: {  	s10 =	sld [smem:$0x3FAE]  }
0x39: {  	_ = 	snop;
	(pc) =	sbr.ind lr, $3  }
0x3a: {  	_ = 	snop  }
0x3b: {  	_ = 	snop  }
0x3c: {  	p2 =	seq.s32 s10, $0x1;
	s10 =	sld [smem:$0x3FAD]  }
0x3d: {  	_ =	shalt  }
0x3e: {  	_ =	shalt  }
0x3f: {  	_ =	shalt  }
0x40: {  	_ =	shalt  }
0x41: {  	_ =	shalt  }
0x42: {  	_ =	shalt  }
0x43: {  	_ =	shalt  }
0x44: {  	_ =	shalt  }
0x45: {  	_ =	shalt  }
0x46: {  	_ =	shalt  }
0x47: {  	_ =	shalt  }
0x48: {  	_ =	shalt  }
0x49: {  	_ =	shalt  }
0x4a: {  	_ =	shalt  }
0x4b: {  	_ =	shalt  }
0x4c: {  	_ =	shalt  }
0x4d: {  	_ =	shalt  }
0x4e: {  	_ =	shalt  }
0x4f: {  	_ =	shalt  }
0x50: {  	_ =	shalt  }
0x51: {  	_ =	shalt  }
0x52: {  	_ =	shalt  }
0x53: {  	_ =	shalt  }
0x54: {  	_ =	shalt  }
0x55: {  	_ =	shalt  }
0x56: {  	_ =	shalt  }
0x57: {  	_ =	shalt  }
0x58: {  	_ =	shalt  }
0x59: {  	_ =	shalt  }
0x5a: {  	_ =	shalt  }
0x5b: {  	_ =	shalt  }
0x5c: {  	_ =	shalt  }
0x5d: {  	_ =	shalt  }
0x5e: {  	_ =	shalt  }
0x5f: {  	_ =	shalt  }
0x60: {  	_ =	shalt  }
0x61: {  	_ =	shalt  }
0x62: {  	_ =	shalt  }
0x63: {  	_ =	shalt  }
0x64: {  	_ =	shalt  }
0x65: {  	_ =	shalt  }
0x66: {  	_ =	shalt  }
0x67: {  	_ =	shalt  }
0x68: {  	_ =	shalt  }
0x69: {  	_ =	shalt  }
0x6a: {  	_ =	shalt  }
0x6b: {  	_ =	shalt  }
0x6c: {  	_ =	shalt  }
0x6d: {  	_ =	shalt  }
0x6e: {  	_ =	shalt  }
0x6f: {  	_ =	shalt  }
0x70: {  	_ =	shalt  }
0x71: {  	_ =	shalt  }
0x72: {  	_ =	shalt  }
0x73: {  	_ =	shalt  }
0x74: {  	_ =	shalt  }
0x75: {  	_ =	shalt  }
0x76: {  	_ =	shalt  }
0x77: {  	_ =	shalt  }
0x78: {  	_ =	shalt  }
0x79: {  	_ =	shalt  }
0x7a: {  	_ =	shalt  }
0x7b: {  	_ =	shalt  }
0x7c: {  	_ =	shalt  }
0x7d: {  	_ =	shalt  }
0x7e: {  	_ =	shalt  }
0x7f: {  	_ =	shalt  }
0x80: {  	_ =	shalt  }
0x81: {  	_ =	shalt  }
0x82: {  	_ =	shalt  }
0x83: {  	_ =	shalt  }
0x84: {  	_ =	shalt  }
0x85: {  	_ =	shalt  }
0x86: {  	_ =	shalt  }
0x87: {  	_ =	shalt  }
.Lfunc_end0:
.L_simem_size_0:
called_computation.2_lowered:
.L_overlay_start_0:
0x88: {  	s2 =	sld [smem:$0x3FD9]  }
0x89: {  	s3 =	sld [smem:$0x3FFE];
	_ =	sdelay $0x1  }
0x8a: {  	s1 =	srdreg.scid  }
0x8b: {  	s0 =	sand.u32 $0x1, s1  }
0x8c: {  	s14 =	sshll.u32 s0, $0xA;
	s2 =	sadd.s32 s3, s2  }
0x8d: {  	s2 =	sadd.s32 s2, s14  }
0x8e: {  	[smem:$0x3FB9] =	sst s2  }
0x8f: {  	_ = 	snop  }
0x90: {  	s2 =	sld [smem:$0x3FD0];
	_ =	sdelay $0x2  }
0x91: {  	s15 =	simm.s32 $0xB;
	s4 =	simm.s32 $0x10  }
0x92: {  	[smem:s4], [sflag:s15] =	dma.local [hbm:s2], $0x1  }
0x93: {  	_ =	swait.eq [sflag:s15], $0x1  }
0x94: {  	[sflag:s15] =	ssyncset.done $0x0  }
0x95: {  	[sflag:s15] =	ssyncadd.s32 $0xFFFFFFFF  }
0x96: {  	s16 =	sld [smem:$0x10];
	(tm) =	ssettm $0x1  }
0x97: {  	s17 =	sld [smem:$0x3FFB];
	_ =	sdelay $0x3  }
0x98: {  	_ =	strace s17  }
0x99: {  	s3 =	sld [smem:$0x3FFC];
	_ =	sdelay $0x3  }
0x9a: {  	_ =	strace s3  }
0x9b: {  	s3 =	sld [smem:$0x3FFD];
	_ =	sdelay $0x3  }
0x9c: {  	_ =	strace s3  }
0x9d: {  	_ =	strace $0x8FFFFFFF  }
0x9e: {  	s18 =	sld [smem:$0x3FDB];
	_ =	sdelay $0x1  }
0x9f: {  	s19 =	simm.s32 $_scs_section_size  }
0xa0: {  	s5 =	simm.s32 $_size__tile_overlayer_lowered;
	s6 =	simm.s32 $_tile_overlayer_lowered  }
0xa1: {  	s22 =	simm.s32 $0x1BFF;
	s21 =	sshll.u32 s6, $0x1;
	s3 =	sadd.s32 s19, s18  }
0xa2: {  	s7 =	simm.s32 $0x0;
	s20 =	sshll.u32 s5, $0x1;
	s5 =	sadd.s32 s21, s3  }
0xa3: {  	[timem:s7], [sflag:s22] =	dma.local [hbm:s5], s20  }
0xa4: {  	_ =	swait.ge [sflag:s22], s20  }
0xa5: {  	s4 =	ssub.s32 $0x0, s20;
	[sflag:s22] =	ssyncset.done $0x0  }
0xa6: {  	[sflag:s22] =	ssyncadd.s32 s4;
	_ =	sdelay $0x1  }
0xa7: {  	s23 =	simm.s32 $0x1B8B  }
0xa8: {  	_ =	swait.ge [sflag:s23], $0x1  }
0xa9: {  	[sflag:s23] =	ssyncset.done $0x0  }
0xaa: {  	s25 =	simm.s32 $0x1B8E;
	s24 =	sld [smem:$0x3FFE];
	[sflag:s23] =	ssyncadd.s32 $0xFFFFFFFF  }
0xab: {  	s26 =	simm.s32 $execute0_lowered;
	[smem:$0x3FD2] =	sst s25  }
0xac: {  	s5 =	sshll.u32 s26, $0x1;
	_ =	strace $0x80000049;
	[dreg:$0x1] =	wrdreg $0xFFFFFFFF  }
0xad: {  	s28 =	simm.s32 $_size_execute0_lowered;
	s3 =	sadd.s32 s3, s5;
	[dreg:$0x0] =	wrdreg $0x0  }
0xae: {  	s5 =	sshll.u32 s28, $0x1;
	[dreg:$0x2] =	wrdreg s3  }
0xaf: {  	[dreg:$0x3] =	wrdreg s5  }
0xb0: {  	[dreg:$0x4] =	wrdreg $0xC0  }
0xb1: {  	_ =	task [dreg:s7], $0x5FFFF  }
0xb2: {  	[dreg:$0x1] =	wrdreg $0xFFFFFFFF  }
0xb3: {  	[dreg:$0x0] =	wrdreg $0x60  }
0xb4: {  	[dreg:$0x2] =	wrdreg s24  }
0xb5: {  	[dreg:$0x3] =	wrdreg s16  }
0xb6: {  	[dreg:$0x4] =	wrdreg $0xA  }
0xb7: {  	_ =	task.clear_ibuf [dreg:s7], $0x5FFFF;
	_ =	strace $0x90000049  }
0xb8: {  	s29 =	simm.s32 $0xA;
	_ =	strace $0x8000004B  }
0xb9: {  	_ =	swait.ge [sflag:s29], $0x1  }
0xba: {  	[sflag:s29] =	ssyncadd.s32 $0xFFFFFFFF  }
0xbb: {  	_ =	strace $0x9000004B  }
0xbc: {  	_ =	sfence  }
0xbd: {  	s30 =	sld [smem:$0x0];
	_ =	sdelay $0x2  }
0xbe: {  	s31 =	sshll.u32 s1, $0xD;
	s1 =	sshrl.u32 s1, $0x2  }
0xbf: {  	s3 =	sand.u32 $0x4000, s31;
	s1 =	sadd.s32 s1, s30  }
0xc0: {  	s0 =	sor.u32 s3, s0;
	s1 =	sshll.u32 s1, $0x11  }
0xc1: {  	s0 =	sor.u32 s1, s0  }
0xc2: {  	s0 =	sadd.s32 $0x8F2B, s0  }
0xc3: {  	[sflag:s0] =	ssyncadd.remote.s32 $0x1  }
0xc4: {  	_ =	sfence.sel $0xFFFF  }
0xc5: {  	[dreg:$0x0] =	wrdreg $0xFFFFFFFF;
	(pc) =	sbr.abs _section_cstart, $3  }
0xc6: {  	[dreg:$0x1] =	wrdreg $0xFFFFFFFF  }
0xc7: {  	_ =	task.clear_ibuf [dreg:s7], $0x2FFFF;
	_ =	strace $0x9FFFFFFF  }
0xc8: {  	(tm) =	ssettm $0x7FFFFFFF  }
0xc9: {  	_ =	shalt  }
tec
execute0_lowered:
.L_overlay_start_1:
0x0: {  	(tag) =	ssettag $0x1  }
0x1: {  	s4 =	rddreg [dreg:$0x0]  }
0x2: {  	s6 =	rddreg [dreg:$0x1]  }
0x3: {  	s0 =	rddreg [dreg:$0x2]  }
0x4: {  	s3 =	srdreg.scid;
	s1 =	stileid.u32  }
0x5: {  	s2 =	simm.s32 $0x0;
	s11 =	simm.s32 $0x10200;
	s3 =	sand.u32 $0x1, s3  }
0x6: {  	s5 =	sshll.u32 s1, $0x1;
	[smem:$0x7FF] =	sst s2;
	s7 =	ssub.s32 $0x2, s3  }
0x7: {  	s8 =	sor.u32 s3, s5;
	_ =	strace $0x8000004A;
	s3 =	sadd.s32 $0x9EFE00, s4  }
0x8: {  	s12 =	simm.s32 $0x0;
	s4 =	sadd.s32 $0x13BDC00, s4;
	s9 =	smul.u32 $0x1388, s8  }
0x9: {  	s30 =	sshrl.u32 s7, $0x1;
	s5 =	sshll.u32 s8, $0x9;
	s31 =	ssub.s32 $0x270, s8  }
0xa: {  	v2 =	vlaneseq.u32;
	s10 =	ssub.s32 s7, s30;
	s7 =	sshrl.u32 s31, $0x5;
	s6 =	sadd.s32 s6, s9  }
0xb: {  	v0 =	vimm.f32 $0.0e+00;
	v1 =	vshrl.u32 v2, $0x2;
	v2 =	vand.u32 $0x3, v2;
	s8 =	smax.u32 s10, $0x1;
	s9 =	simm.s32 $0x1;
	s10 =	simm.s32 $0x200  }
.LBB2_1:
0xc: {  	s13 =	simm.s32 $0x40;
	s14 =	simm.s32 $0x0  }
.LBB2_2:
0xd: {  	p0 =	sne.s32 s13, $0x270C0;
	[tilespmem:s14+$0x10200] =	vst v0;
	s14 =	smov.u32 s13;
	s13 =	sadd.s32 $0x40, s13  }
.Ltmp0:
0xe: {  	(pc) =	sbr.rel @p0 .LBB2_2-.Ltmp0, $2  }
0xf: {  	_ =	sdelay $0x2  }
0x10: {  	s14 =	sshra.s32 s14, $0x2  }
0x11: {  	[tilespmem:s14+$0x10200] =	vst v0;
	s13 =	simm.s32 $0x0;
	s14 =	simm.s32 $0x0  }
.LBB2_4:
0x12: {  	s15 =	sshll.u32 s14, $0xE  }
0x13: {  	s15 =	sor.u32 s5, s15  }
0x14: {  	s16 =	sshrl.u32 s15, $0x3  }
0x15: {  	s16 =	sadd.s32 s3, s16  }
0x16: {  	[tilespmem:s13], [sflag:$0x1] =	stream.linear.gather [hbm4b:s16+s13], $0x200, $0x38;
	[tilespmem:$0x19E80] =	vst v63  }
0x17: {  	_ =	swait.ge [sflag:s9], $0x200  }
0x18: {  	s15 =	sshll.u32 s15, $0x4;
	[sflag:s9] =	ssyncset.done $0x0  }
0x19: {  	v3 =	vor.u32 s13, v1;
	s15 =	sadd.s32 s4, s15;
	[sflag:s9] =	ssyncadd.s32 $0xFFFFFE00  }
0x1a: {  	[tilespmem:s10], [sflag:$0x1] =	stream.linear.gather [hbm4b:s15+s13], $0x10000, $0x38;
	[tilespmem:$0x19E80] =	vst v63  }
0x1b: {  	_ =	swait.ge [sflag:s9], $0x10000  }
0x1c: {  	[sflag:s9] =	ssyncset.done $0x0  }
0x1d: {  	[sflag:s9] =	ssyncadd.s32 $0xFFFF0000  }
0x1e: {  	v4 =	vld.idx.msk [tilespmem:v3+s2+$0x0], $0xffff;
	v3 =	vshll.u32 v3, $0x7  }
0x1f: {  	v3 =	vor.u32 v2, v3;
	_ =	sdelay $0x3  }
0x20: {  	v4 =	vshll.u32 v4, $0x2  }
0x21: {  	s31 =	simm.s32 $0x4;
	v3 =	vld.idx.msk [tilespmem:v3+s10+$0x0], $0xffff;
	v5 =	vor.u32 v2, v4  }
0x22: {  	s15 =	simm.s32 $0x8;
	v4 =	vor.u32 s31, v1  }
.LBB2_5:
0x23: {  	p0 =	sne.s32 s15, $0x1FC;
	_ =	sdelay $0x2  }
0x24: {  	[tilespmem:v5+s11+$0x0] =	vst.idx.add.f32.msk $0xffff, v3  }
0x25: {  	v3 =	vshll.u32 v4, $0x7;
	v5 =	vld.idx.msk [tilespmem:v4+s2+$0x0], $0xffff  }
0x26: {  	v3 =	vor.u32 v2, v3;
	_ =	sdelay $0x2  }
.Ltmp1:
0x27: {  	(pc) =	sbr.rel @p0 .LBB2_5-.Ltmp1, $4  }
0x28: {  	_ = 	snop  }
0x29: {  	v4 =	vshll.u32 v5, $0x2;
	v3 =	vld.idx.msk [tilespmem:v3+s10+$0x0], $0xffff  }
0x2a: {  	v5 =	vor.u32 v2, v4  }
0x2b: {  	v4 =	vor.u32 s15, v1;
	s15 =	sadd.s32 $0x4, s15  }
0x2c: {  	_ =	sdelay $0x3  }
0x2d: {  	[tilespmem:v5+s11+$0x0] =	vst.idx.add.f32.msk $0xffff, v3  }
0x2e: {  	v63 =	vshll.u32 v4, $0x7;
	v3 =	vld.idx.msk [tilespmem:v4+s2+$0x0], $0xffff  }
0x2f: {  	v4 =	vor.u32 v2, v63;
	_ =	sdelay $0x3  }
0x30: {  	v3 =	vshll.u32 v3, $0x2  }
0x31: {  	p0 =	sne.s32 s14, s7;
	v4 =	vld.idx.msk [tilespmem:v4+s10+$0x0], $0xffff;
	v3 =	vor.u32 v2, v3  }
.Ltmp2:
0x32: {  	_ = 	snop;
	(pc) =	sbr.rel @p0 .LBB2_4-.Ltmp2, $3  }
0x33: {  	_ =	sdelay $0x1  }
0x34: {  	s15 =	sadd.s32 $0x1, s14  }
0x35: {  	s14 =	smov.u32 s15;
	[tilespmem:v3+s11+$0x0] =	vst.idx.add.f32.msk $0xffff, v4  }
0x36: {  	s12 =	sadd.s32 $0x1, s12  }
0x37: {  	p0 =	sne.s32 s12, s8  }
.Ltmp3:
0x38: {  	_ = 	snop;
	(pc) =	sbr.rel @p0 .LBB2_1-.Ltmp3, $4  }
0x39: {  	[hbm4b:s6+s2] =	stream.linear.scatter [tilespmem:s11], [sflag:$0x1], $0x9C40, $0x38;
	[tilespmem:$0x19E80] =	vst v63  }
0x3a: {  	_ =	swait.ge [sflag:s9], $0x9C40  }
0x3b: {  	[sflag:s9] =	ssyncset.done $0x0  }
0x3c: {  	[sflag:s9] =	ssyncadd.s32 $0xFFFF63C0  }
0x3d: {  	_ =	sfence.sel $0x180000  }
0x3e: {  	[bflag:$0x0] =	sbarrier.arrive $0xFFFF  }
0x3f: {  	p0 =	sne.s32 s1, $0x0;
	_ =	strace $0x9000004A  }
0x40: {  	s0 =	sadd.s32 @!p0 $0x100000, s0;
	[bflag:$0x2] =	sbarrier.arrive $0xFFFF  }
0x41: {  	[sflag:s0] =	ssyncadd.tile.s32 @!p0 $0x1;
	_ =	shalt  }
.Lfunc_end2:
_tile_overlayer_lowered:
.L_overlay_start_2:
0x42: {  	(tag) =	ssettag $0x2  }
0x43: {  	s0 =	rddreg [dreg:$0x0];
	s2 =	stileid.u32  }
0x44: {  	s1 =	rddreg [dreg:$0x1];
	p0 =	sne.s32 s2, $0x0  }
0x45: {  	s3 =	rddreg [dreg:$0x2];
	[bflag:$0x3] =	sbarrier.arrive $0xFFFF;
	s2 =	simm.s32 @!p0 $0x1C01  }
0x46: {  	[timem:s3], [sflag:s2] =	dma.local @!p0 [hbm:s0], s1  }
0x47: {  	s0 =	simm.s32 @!p0 $0x1  }
0x48: {  	_ =	swait.ge @!p0 [sflag:s0], s1  }
0x49: {  	s1 =	ssub.s32 @!p0 $0x0, s1;
	[sflag:s0] =	ssyncset.done @!p0 $0x0  }
0x4a: {  	[sflag:s0] =	ssyncadd.s32 @!p0 s1  }
0x4b: {  	[bflag:$0x3] =	sbarrier.arrive $0xFFFF  }
0x4c: {  	_ =	shalt  }

// kernel: kernel.9.cloned.1.call-start
scs
__scs_entry_jumppad:
0x0: {  	(pc) =	sbr.rel $0x88, $3  }
0x1: {  	(tag) =	ssettag $0x0;
	lr =	simm.s32 $0x1  }
0x2: {  	[smem:$0x3F92] =	sst lr;
	_ =	strace $0xD0000000  }
0x3: {  	_ = 	snop  }
0x4: {  	_ = 	snop  }
0x5: {  	_ = 	snop  }
0x6: {  	_ = 	snop  }
0x7: {  	_ = 	snop  }
__scs_overlays_trampoline_lowered:
0x8: {  	[smem:$0x3FA1] =	sst s0  }
0x9: {  	[smem:$0x3FA2] =	sst s1  }
0xa: {  	[smem:$0x3FA3] =	sst s2  }
0xb: {  	[smem:$0x3FA4] =	sst s3  }
0xc: {  	[smem:$0x3FA5] =	sst s4  }
0xd: {  	[smem:$0x3FA6] =	sst s5  }
0xe: {  	[smem:$0x3FA7] =	sst s6  }
0xf: {  	[smem:$0x3FA8] =	sst s7  }
0x10: {  	[smem:$0x3FA9] =	sst s8  }
0x11: {  	[smem:$0x3FAA] =	sst s9;
	s0 =	simm.s32 @!p0 $0x0  }
0x12: {  	s1 =	sld [smem:$0x3F90];
	s0 =	simm.s32 @p0 $0x1  }
0x13: {  	[smem:$0x3FAB] =	sst s0;
	s0 =	simm.s32 @!p1 $0x0  }
0x14: {  	s2 =	sld [smem:$0x3F8F];
	s0 =	simm.s32 @p1 $0x1  }
0x15: {  	[smem:$0x3FAC] =	sst s0;
	s0 =	simm.s32 @!p2 $0x0  }
0x16: {  	s3 =	sld [smem:$0x3FDB];
	s0 =	simm.s32 @p2 $0x1  }
0x17: {  	s4 =	simm.s32 $0x1BF5;
	[smem:$0x3FAE] =	sst s0  }
0x18: {  	s0 =	sld [smem:$0x3F91];
	_ =	swait.ge [sflag:s4], $0x0  }
0x19: {  	s7 =	sld [smem:$0x3F92]  }
0x1a: {  	s8 =	sadd.s32 $0xFFFFE003, lr  }
0x1b: {  	s9 =	sadd.s32 $0xFFFFFEF7, lr;
	s5 =	simm.s32 $0xFFFFFFFF;
	p2 =	slt.u32 s8, $0xFFFFF086  }
0x1c: {  	p1 =	slt.u32 s9, $0xF7A;
	s5 =	simm.s32 @!p2 $0x0  }
0x1d: {  	s5 =	simm.s32 @p1 $0x1;
	p0 =	seq.s32 s7, s2  }
0x1e: {  	s7 =	smul.u32 @!p0 $0xF7A, s2;
	p2 =	seq.s32 @!p0 s5, $0x0  }
0x1f: {  	s9 =	smul.u32 $0xF7A, s1;
	s8 =	simm.s32 @!p0 $0x1BF5;
	p2 =	por !p2, p0  }
0x20: {  	[sflag:s8] =	ssyncset.s32 @!p0 $0xFFFFF086;
	s6 =	sadd.s32 @!p0 s3, s7;
	s7 =	simm.s32 @!p0 $0x108  }
0x21: {  	s3 =	sadd.s32 s3, s9;
	s6 =	sadd.s32 @!p0 $0x88, s6;
	s7 =	simm.s32 @p2 $0x1082  }
0x22: {  	[simem:s7], [sflag:s8] =	dma.local @!p0 [hbm:s6], $0xF7A  }
0x23: {  	s9 =	sor.u32 $0xD0000000, s2;
	s6 =	simm.s32 $0x108;
	_ =	swait.ge @!p0 [sflag:s8], $0x0  }
0x24: {  	s3 =	sadd.s32 $0x88, s3;
	s6 =	simm.s32 @!p1 $0x1082;
	[sflag:s4] =	ssyncset.s32 $0xFFFFF086  }
0x25: {  	[simem:s6], [sflag:s4] =	dma.local [hbm:s3], $0xF7A  }
0x26: {  	[smem:$0x3F92] =	sst s1;
	(tag) =	ssettag s2;
	_ =	strace s9  }
0x27: {  	s1 =	sld [smem:$0x3FA2]  }
0x28: {  	s2 =	sld [smem:$0x3FA3]  }
0x29: {  	s4 =	sld [smem:$0x3FA5]  }
0x2a: {  	p0 =	seq.s32 s5, $0x0;
	s5 =	sld [smem:$0x3FA6]  }
0x2b: {  	s6 =	sld [smem:$0x3FA7]  }
0x2c: {  	s7 =	sld [smem:$0x3FA8]  }
0x2d: {  	s3 =	simm.s32 $0x108;
	s8 =	sld [smem:$0x3FA9]  }
0x2e: {  	s3 =	simm.s32 @!p0 $0x1082;
	s9 =	sld [smem:$0x3FAA]  }
0x2f: {  	lr =	sadd.s32 s0, s3;
	s0 =	sld [smem:$0x3FA1]  }
0x30: {  	s3 =	sld [smem:$0x3FA4]  }
0x31: {  	[smem:$0x3FAD] =	sst s10  }
0x32: {  	s10 =	sld [smem:$0x3FAB];
	_ =	sdelay $0x3  }
0x33: {  	p0 =	seq.s32 s10, $0x1;
	s10 =	sld [smem:$0x3FAD];
	_ =	sdelay $0x3  }
0x34: {  	[smem:$0x3FAD] =	sst s10  }
0x35: {  	s10 =	sld [smem:$0x3FAC];
	_ =	sdelay $0x3  }
0x36: {  	p1 =	seq.s32 s10, $0x1;
	s10 =	sld [smem:$0x3FAD];
	_ =	sdelay $0x3  }
0x37: {  	[smem:$0x3FAD] =	sst s10  }
0x38: {  	s10 =	sld [smem:$0x3FAE]  }
0x39: {  	_ = 	snop;
	(pc) =	sbr.ind lr, $3  }
0x3a: {  	_ = 	snop  }
0x3b: {  	_ = 	snop  }
0x3c: {  	p2 =	seq.s32 s10, $0x1;
	s10 =	sld [smem:$0x3FAD]  }
0x3d: {  	_ =	shalt  }
0x3e: {  	_ =	shalt  }
0x3f: {  	_ =	shalt  }
0x40: {  	_ =	shalt  }
0x41: {  	_ =	shalt  }
0x42: {  	_ =	shalt  }
0x43: {  	_ =	shalt  }
0x44: {  	_ =	shalt  }
0x45: {  	_ =	shalt  }
0x46: {  	_ =	shalt  }
0x47: {  	_ =	shalt  }
0x48: {  	_ =	shalt  }
0x49: {  	_ =	shalt  }
0x4a: {  	_ =	shalt  }
0x4b: {  	_ =	shalt  }
0x4c: {  	_ =	shalt  }
0x4d: {  	_ =	shalt  }
0x4e: {  	_ =	shalt  }
0x4f: {  	_ =	shalt  }
0x50: {  	_ =	shalt  }
0x51: {  	_ =	shalt  }
0x52: {  	_ =	shalt  }
0x53: {  	_ =	shalt  }
0x54: {  	_ =	shalt  }
0x55: {  	_ =	shalt  }
0x56: {  	_ =	shalt  }
0x57: {  	_ =	shalt  }
0x58: {  	_ =	shalt  }
0x59: {  	_ =	shalt  }
0x5a: {  	_ =	shalt  }
0x5b: {  	_ =	shalt  }
0x5c: {  	_ =	shalt  }
0x5d: {  	_ =	shalt  }
0x5e: {  	_ =	shalt  }
0x5f: {  	_ =	shalt  }
0x60: {  	_ =	shalt  }
0x61: {  	_ =	shalt  }
0x62: {  	_ =	shalt  }
0x63: {  	_ =	shalt  }
0x64: {  	_ =	shalt  }
0x65: {  	_ =	shalt  }
0x66: {  	_ =	shalt  }
0x67: {  	_ =	shalt  }
0x68: {  	_ =	shalt  }
0x69: {  	_ =	shalt  }
0x6a: {  	_ =	shalt  }
0x6b: {  	_ =	shalt  }
0x6c: {  	_ =	shalt  }
0x6d: {  	_ =	shalt  }
0x6e: {  	_ =	shalt  }
0x6f: {  	_ =	shalt  }
0x70: {  	_ =	shalt  }
0x71: {  	_ =	shalt  }
0x72: {  	_ =	shalt  }
0x73: {  	_ =	shalt  }
0x74: {  	_ =	shalt  }
0x75: {  	_ =	shalt  }
0x76: {  	_ =	shalt  }
0x77: {  	_ =	shalt  }
0x78: {  	_ =	shalt  }
0x79: {  	_ =	shalt  }
0x7a: {  	_ =	shalt  }
0x7b: {  	_ =	shalt  }
0x7c: {  	_ =	shalt  }
0x7d: {  	_ =	shalt  }
0x7e: {  	_ =	shalt  }
0x7f: {  	_ =	shalt  }
0x80: {  	_ =	shalt  }
0x81: {  	_ =	shalt  }
0x82: {  	_ =	shalt  }
0x83: {  	_ =	shalt  }
0x84: {  	_ =	shalt  }
0x85: {  	_ =	shalt  }
0x86: {  	_ =	shalt  }
0x87: {  	_ =	shalt  }
.Lfunc_end0:
.L_simem_size_0:
called_computation_lowered:
.L_overlay_start_0:
0x88: {  	s2 =	sld [smem:$0x3FD9]  }
0x89: {  	s3 =	sld [smem:$0x3FFE];
	_ =	sdelay $0x1  }
0x8a: {  	s1 =	srdreg.scid  }
0x8b: {  	s0 =	sand.u32 $0x1, s1  }
0x8c: {  	s14 =	sshll.u32 s0, $0xA;
	s2 =	sadd.s32 s3, s2  }
0x8d: {  	s2 =	sadd.s32 s2, s14  }
0x8e: {  	[smem:$0x3FB9] =	sst s2  }
0x8f: {  	_ = 	snop  }
0x90: {  	s2 =	sld [smem:$0x3FD0];
	_ =	sdelay $0x2  }
0x91: {  	s4 =	simm.s32 $0xB;
	s5 =	simm.s32 $0x10;
	s15 =	sld [smem:$0x3FC8]  }
0x92: {  	[smem:s5], [sflag:s4] =	dma.local [hbm:s2], $0x1  }
0x93: {  	_ =	swait.eq [sflag:s4], $0x1  }
0x94: {  	s16 =	sld [smem:$0x10];
	[sflag:s4] =	ssyncset.done $0x0  }
0x95: {  	s17 =	sld [smem:$0x11];
	[sflag:s4] =	ssyncadd.s32 $0xFFFFFFFF  }
0x96: {  	s18 =	sld [smem:$0x12];
	(tm) =	ssettm $0x1  }
0x97: {  	s6 =	sld [smem:$0x3FFB];
	_ =	sdelay $0x3  }
0x98: {  	_ =	strace s6  }
0x99: {  	s6 =	sld [smem:$0x3FFC];
	_ =	sdelay $0x3  }
0x9a: {  	_ =	strace s6  }
0x9b: {  	s6 =	sld [smem:$0x3FFD];
	_ =	sdelay $0x3  }
0x9c: {  	_ =	strace s6  }
0x9d: {  	_ =	strace $0x8FFFFFFF  }
0x9e: {  	s19 =	sld [smem:$0x3FDB];
	_ =	sdelay $0x1  }
0x9f: {  	s7 =	simm.s32 $_scs_section_size  }
0xa0: {  	s8 =	simm.s32 $_size__tile_overlayer_lowered;
	s9 =	simm.s32 $_tile_overlayer_lowered  }
0xa1: {  	s22 =	simm.s32 $0x1BFF;
	s21 =	sshll.u32 s9, $0x1;
	s6 =	sadd.s32 s7, s19  }
0xa2: {  	s10 =	simm.s32 $0x0;
	s20 =	sshll.u32 s8, $0x1;
	s8 =	sadd.s32 s21, s6  }
0xa3: {  	[timem:s10], [sflag:s22] =	dma.local [hbm:s8], s20  }
0xa4: {  	_ =	swait.ge [sflag:s22], s20  }
0xa5: {  	s7 =	ssub.s32 $0x0, s20;
	[sflag:s22] =	ssyncset.done $0x0  }
0xa6: {  	[sflag:s22] =	ssyncadd.s32 s7;
	_ =	sdelay $0x1  }
0xa7: {  	s23 =	simm.s32 $0x1B8B  }
0xa8: {  	_ =	swait.ge [sflag:s23], $0x1  }
0xa9: {  	[sflag:s23] =	ssyncset.done $0x0  }
0xaa: {  	s25 =	simm.s32 $0x1B8E;
	s24 =	sld [smem:$0x3FFE];
	[sflag:s23] =	ssyncadd.s32 $0xFFFFFFFF  }
0xab: {  	s26 =	simm.s32 $execute0_lowered;
	[smem:$0x3FD2] =	sst s25  }
0xac: {  	s8 =	sshll.u32 s26, $0x1;
	_ =	strace $0x80000046;
	[dreg:$0x1] =	wrdreg $0xFFFFFFFF  }
0xad: {  	s28 =	simm.s32 $_size_execute0_lowered;
	s6 =	sadd.s32 s6, s8;
	[dreg:$0x0] =	wrdreg $0x0  }
0xae: {  	s8 =	sshll.u32 s28, $0x1;
	[dreg:$0x2] =	wrdreg s6  }
0xaf: {  	[dreg:$0x3] =	wrdreg s8  }
0xb0: {  	[dreg:$0x4] =	wrdreg $0xC0  }
0xb1: {  	_ =	task [dreg:s10], $0x5FFFF  }
0xb2: {  	[dreg:$0x1] =	wrdreg $0xFFFFFFFF  }
0xb3: {  	[dreg:$0x0] =	wrdreg $0x60  }
0xb4: {  	[dreg:$0x2] =	wrdreg s16  }
0xb5: {  	[dreg:$0x3] =	wrdreg s18  }
0xb6: {  	[dreg:$0x4] =	wrdreg s15  }
0xb7: {  	[dreg:$0x5] =	wrdreg s24  }
0xb8: {  	[dreg:$0x6] =	wrdreg s17  }
0xb9: {  	[dreg:$0x7] =	wrdreg $0x9  }
0xba: {  	_ =	task.clear_ibuf [dreg:s10], $0x8FFFF;
	_ =	strace $0x90000046  }
0xbb: {  	s29 =	simm.s32 $0x9;
	_ =	strace $0x80000048  }
0xbc: {  	_ =	swait.ge [sflag:s29], $0x1  }
0xbd: {  	[sflag:s29] =	ssyncadd.s32 $0xFFFFFFFF  }
0xbe: {  	_ =	strace $0x90000048  }
0xbf: {  	_ =	sfence  }
0xc0: {  	s30 =	sld [smem:$0x0];
	_ =	sdelay $0x2  }
0xc1: {  	s31 =	sshll.u32 s1, $0xD;
	s1 =	sshrl.u32 s1, $0x2  }
0xc2: {  	s3 =	sand.u32 $0x4000, s31;
	s1 =	sadd.s32 s1, s30  }
0xc3: {  	s0 =	sor.u32 s3, s0;
	s1 =	sshll.u32 s1, $0x11  }
0xc4: {  	s0 =	sor.u32 s1, s0  }
0xc5: {  	s0 =	sadd.s32 $0x8F2B, s0  }
0xc6: {  	[sflag:s0] =	ssyncadd.remote.s32 $0x1  }
0xc7: {  	_ =	sfence.sel $0xFFFF  }
0xc8: {  	[dreg:$0x0] =	wrdreg $0xFFFFFFFF;
	(pc) =	sbr.abs _section_cstart, $3  }
0xc9: {  	[dreg:$0x1] =	wrdreg $0xFFFFFFFF  }
0xca: {  	_ =	task.clear_ibuf [dreg:s10], $0x2FFFF;
	_ =	strace $0x9FFFFFFF  }
0xcb: {  	(tm) =	ssettm $0x7FFFFFFF  }
tec
execute0_lowered:
.L_overlay_start_1:
0x0: {  	(tag) =	ssettag $0x1  }
0x1: {  	s1 =	rddreg [dreg:$0x0]  }
0x2: {  	s2 =	rddreg [dreg:$0x1]  }
0x3: {  	s3 =	rddreg [dreg:$0x2]  }
0x4: {  	s0 =	rddreg [dreg:$0x3];
	s5 =	simm.s32 $0x0  }
0x5: {  	s4 =	srdreg.scid;
	s7 =	stileid.u32;
	s15 =	simm.s32 $0x10200  }
0x6: {  	s16 =	simm.s32 $0x3;
	s17 =	simm.s32 $0x12980;
	s18 =	simm.s32 $0x15100  }
0x7: {  	s19 =	simm.s32 $0x80;
	s20 =	simm.s32 $0x200;
	s21 =	simm.s32 $0x8200  }
0x8: {  	s22 =	simm.s32 $0x100;
	s23 =	simm.s32 $0x4200;
	s24 =	simm.s32 $0x180  }
0x9: {  	s28 =	simm.s32 $0x17880;
	s29 =	simm.s32 $0x2;
	s30 =	simm.s32 $0x0  }
0xa: {  	[smem:$0x7FF] =	sst s5;
	s6 =	sadd.s32 $0x4600, s0;
	s4 =	sand.u32 $0x1, s4  }
0xb: {  	s25 =	sadd.s32 $0x4000, s0;
	s7 =	sshll.u32 s7, $0x1;
	s9 =	sadd.s32 $0x2BE00, s0  }
0xc: {  	s11 =	sadd.s32 $0x4C00, s0;
	_ =	strace $0x80000047;
	[dreg:$0x6] =	wrdreg s6  }
0xd: {  	[dreg:$0x7] =	wrdreg s25;
	s26 =	ssub.s32 $0x2, s4;
	s10 =	sor.u32 s4, s7  }
0xe: {  	s25 =	simm.s32 $0xC200;
	s8 =	sshrl.u32 s26, $0x1;
	s4 =	sshll.u32 s10, $0x5  }
0xf: {  	s13 =	sor.u32 $0x40, s10;
	s31 =	ssub.s32 s26, s8;
	s4 =	sadd.s32 s3, s4  }
0x10: {  	s26 =	simm.s32 $0x1;
	[dreg:$0x8] =	wrdreg s4;
	s14 =	smax.u32 s31, $0x1  }
.LBB2_1:
0x11: {  	s0 =	rddreg [dreg:$0x6]  }
0x12: {  	[tilespmem:s15], [sflag:$0x3] =	stream.linear.gather [hbm4b:s0+s5], $0x2780, $0x38;
	[tilespmem:$0x17A80] =	vst v63  }
0x13: {  	_ =	swait.ge [sflag:s16], $0x2780  }
0x14: {  	[sflag:s16] =	ssyncset.done $0x0  }
0x15: {  	s7 =	rddreg [dreg:$0x7];
	[sflag:s16] =	ssyncadd.s32 $0xFFFFD880  }
0x16: {  	[tilespmem:s17], [sflag:$0x3] =	stream.linear.gather [hbm4b:s7+s5], $0x2780, $0x38;
	[tilespmem:$0x17A80] =	vst v63  }
0x17: {  	_ =	swait.ge [sflag:s16], $0x2780  }
0x18: {  	[sflag:s16] =	ssyncset.done $0x0  }
0x19: {  	[sflag:s16] =	ssyncadd.s32 $0xFFFFD880  }
0x1a: {  	s8 =	rddreg [dreg:$0x4]  }
0x1b: {  	[tilespmem:s18], [sflag:$0x3] =	stream.linear.gather [hbm4b:s8+s5], $0x2780, $0x38;
	[tilespmem:$0x17A80] =	vst v63  }
0x1c: {  	_ =	swait.ge [sflag:s16], $0x2780  }
0x1d: {  	[sflag:s16] =	ssyncset.done $0x0  }
0x1e: {  	s12 =	rddreg [dreg:$0x8];
	[sflag:s16] =	ssyncadd.s32 $0xFFFFD880  }
0x1f: {  	[tilespmem:s5], [sflag:$0x3] =	stream.linear.gather [hbm4b:s12+s5], $0x100, $0x38;
	[tilespmem:$0x17A80] =	vst v63  }
0x20: {  	_ =	swait.ge [sflag:s16], $0x100  }
0x21: {  	[sflag:s16] =	ssyncset.done $0x0  }
0x22: {  	[sflag:s16] =	ssyncadd.s32 $0xFFFFFF00  }
0x23: {  	[tilespmem:s20], [sflag:$0x1] =	stream.indirect.gather [hbm4b:s1+s19], $0x80, s5, s19, $0xb8;
	[tilespmem:$0x17A80] =	vst v63  }
0x24: {  	s31 =	simm.s32 $0x0  }
0x25: {  	[tilespmem:s21], [sflag:$0x1] =	stream.indirect.gather [hbm4b:s2+s19], $0x80, s19, s19, $0xb8;
	[tilespmem:$0x17A80] =	vst v63  }
.LBB2_2:
0x26: {  	s6 =	sshll.u32 s31, $0x6  }
0x27: {  	s4 =	sor.u32 s6, s10  }
0x28: {  	s0 =	sor.u32 $0x20, s4  }
0x29: {  	s7 =	smulhi.u32 $0x68DB8BAD, s0;
	_ =	sdelay $0x1  }
0x2a: {  	s7 =	sshrl.u32 s7, $0xA  }
0x2b: {  	s7 =	smul.u32 $0x9C4, s7;
	_ =	sdelay $0x1  }
0x2c: {  	s0 =	ssub.s32 s0, s7  }
0x2d: {  	s7 =	sshll.u32 s0, $0x5  }
0x2e: {  	s8 =	simm.s32 $0x0;
	s7 =	sadd.s32 s3, s7  }
0x2f: {  	[tilespmem:s22], [sflag:$0x3] =	stream.linear.gather [hbm4b:s7+s8], $0x100, $0x38;
	[tilespmem:$0x17A80] =	vst v63  }
0x30: {  	_ =	swait.ge [sflag:s16], $0x100  }
0x31: {  	[sflag:s16] =	ssyncset.done $0x0  }
0x32: {  	[sflag:s16] =	ssyncadd.s32 $0xFFFFFF00  }
0x33: {  	[tilespmem:s23], [sflag:$0x2] =	stream.indirect.gather [hbm4b:s1+s19], $0x80, s22, s19, $0xb8;
	[tilespmem:$0x17A80] =	vst v63  }
0x34: {  	_ = 	snop  }
0x35: {  	[tilespmem:s25], [sflag:$0x2] =	stream.indirect.gather [hbm4b:s2+s19], $0x80, s24, s19, $0xb8;
	[tilespmem:$0x17A80] =	vst v63  }
0x36: {  	_ =	swait.ge [sflag:s26], $0x4000  }
0x37: {  	[sflag:s26] =	ssyncset.done $0x0  }
0x38: {  	[sflag:s26] =	ssyncadd.s32 $0xFFFFC000  }
0x39: {  	_ =	swait.ge [sflag:s26], $0x4000  }
0x3a: {  	[sflag:s26] =	ssyncset.done $0x0  }
0x3b: {  	s7 =	simm.s32 $0x0;
	[sflag:s26] =	ssyncadd.s32 $0xFFFFC000  }
0x3c: {  	v7 =	vld [tilespmem:s7+$0x8200]  }
0x3d: {  	v11 =	vld [tilespmem:s7+$0x8210]  }
0x3e: {  	v5 =	vld [tilespmem:s7+$0x8220]  }
0x3f: {  	v4 =	vld [tilespmem:s7+$0x8230]  }
0x40: {  	v3 =	vld [tilespmem:s7+$0x8240]  }
0x41: {  	v2 =	vld [tilespmem:s7+$0x8250]  }
0x42: {  	v1 =	vld [tilespmem:s7+$0x8260]  }
0x43: {  	v0 =	vld [tilespmem:s7+$0x8270]  }
0x44: {  	v12 =	vld [tilespmem:s7+$0x200]  }
0x45: {  	v13 =	vld [tilespmem:s7+$0x210]  }
0x46: {  	v10 =	vld [tilespmem:s7+$0x220]  }
0x47: {  	v9 =	vld [tilespmem:s7+$0x230]  }
0x48: {  	v8 =	vld [tilespmem:s7+$0x240]  }
0x49: {  	v6 =	vld [tilespmem:s7+$0x250];
	v12 =	vadd.f32 v7, v12  }
0x4a: {  	s8 =	simm.s32 $0x200;
	v11 =	vadd.f32 v11, v13;
	v7 =	vld [tilespmem:s7+$0x260]  }
.LBB2_3:
0x4b: {  	s12 =	sshra.s32 s8, $0x2;
	p0 =	sne.s32 s8, $0xFE00;
	[tilespmem:s7+$0x200] =	vst v12;
	v5 =	vadd.f32 v5, v10;
	v10 =	vld [tilespmem:s7+$0x270]  }
0x4c: {  	v12 =	vld [tilespmem:s12+$0x8200];
	[tilespmem:s7+$0x210] =	vst v11;
	v4 =	vadd.f32 v4, v9  }
0x4d: {  	v11 =	vld [tilespmem:s12+$0x8210];
	[tilespmem:s7+$0x220] =	vst v5;
	v3 =	vadd.f32 v3, v8  }
0x4e: {  	v5 =	vld [tilespmem:s12+$0x8220];
	[tilespmem:s7+$0x230] =	vst v4;
	v2 =	vadd.f32 v2, v6  }
0x4f: {  	v4 =	vld [tilespmem:s12+$0x8230];
	[tilespmem:s7+$0x240] =	vst v3;
	v1 =	vadd.f32 v1, v7  }
0x50: {  	v3 =	vld [tilespmem:s12+$0x8240];
	[tilespmem:s7+$0x250] =	vst v2;
	v0 =	vadd.f32 v0, v10  }
0x51: {  	v2 =	vld [tilespmem:s12+$0x8250];
	[tilespmem:s7+$0x260] =	vst v1  }
0x52: {  	v1 =	vld [tilespmem:s12+$0x8260];
	[tilespmem:s7+$0x270] =	vst v0;
	s7 =	smov.u32 s12  }
0x53: {  	v0 =	vld [tilespmem:s7+$0x8270]  }
0x54: {  	v6 =	vld [tilespmem:s7+$0x200]  }
0x55: {  	v7 =	vld [tilespmem:s7+$0x210]  }
.Ltmp0:
0x56: {  	v10 =	vld [tilespmem:s7+$0x220];
	(pc) =	sbr.rel @p0 .LBB2_3-.Ltmp0, $4  }
0x57: {  	v9 =	vld [tilespmem:s7+$0x230]  }
0x58: {  	v8 =	vld [tilespmem:s7+$0x240]  }
0x59: {  	v12 =	vadd.f32 v12, v6;
	v6 =	vld [tilespmem:s7+$0x250]  }
0x5a: {  	s8 =	sadd.s32 $0x200, s8;
	v11 =	vadd.f32 v11, v7;
	v7 =	vld [tilespmem:s7+$0x260]  }
0x5b: {  	[tilespmem:s7+$0x200] =	vst v12;
	v5 =	vadd.f32 v5, v10;
	v10 =	vld [tilespmem:s7+$0x270]  }
0x5c: {  	[tilespmem:s7+$0x210] =	vst v11;
	v4 =	vadd.f32 v4, v9  }
0x5d: {  	[tilespmem:s7+$0x220] =	vst v5;
	v3 =	vadd.f32 v3, v8  }
0x5e: {  	[tilespmem:s7+$0x230] =	vst v4;
	v2 =	vadd.f32 v2, v6  }
0x5f: {  	[tilespmem:s7+$0x240] =	vst v3;
	v1 =	vadd.f32 v1, v7  }
0x60: {  	[tilespmem:s7+$0x250] =	vst v2;
	v0 =	vadd.f32 v0, v10  }
0x61: {  	[tilespmem:s7+$0x260] =	vst v1  }
0x62: {  	[tilespmem:s7+$0x270] =	vst v0  }
0x63: {  	v0 =	vld [tilespmem:$0x0]  }
0x64: {  	v1 =	vld [tilespmem:$0x80];
	_ =	sdelay $0x6  }
0x65: {  	v2 =	vld.idx.msk [tilespmem:v0+s15+$0x0], $0xffff  }
0x66: {  	v3 =	vld.idx.msk [tilespmem:v1+s15+$0x0], $0xffff  }
0x67: {  	v4 =	vld.idx.msk [tilespmem:v0+s17+$0x0], $0xffff  }
0x68: {  	v5 =	vld.idx.msk [tilespmem:v1+s17+$0x0], $0xffff  }
0x69: {  	v0 =	vld.idx.msk [tilespmem:v0+s18+$0x0], $0xffff  }
0x6a: {  	v1 =	vld.idx.msk [tilespmem:v1+s18+$0x0], $0xffff;
	_ =	sdelay $0x2  }
0x6b: {  	v2 =	vsub.f32 v2, v3;
	v3 =	vsub.f32 v4, v5  }
0x6c: {  	v4 =	vld [tilespmem:$0x10]  }
0x6d: {  	v6 =	vld [tilespmem:$0x90];
	v0 =	vsub.f32 v0, v1;
	v1 =	vmul.f32 v2, v2;
	v5 =	vmul.f32 v3, v3;
	_ =	sdelay $0x1  }
0x6e: {  	v1 =	vadd.f32 v5, v1;
	v5 =	vmul.f32 v0, v0  }
0x6f: {  	[tilespmem:$0x17880] =	vst v2  }
0x70: {  	[tilespmem:$0x17900] =	vst v3;
	v1 =	vadd.f32 v5, v1  }
0x71: {  	[tilespmem:$0x17980] =	vst v0  }
0x72: {  	[tilespmem:$0x17A00] =	vst v1  }
0x73: {  	v0 =	vld.idx.msk [tilespmem:v4+s15+$0x0], $0xffff  }
0x74: {  	v1 =	vld.idx.msk [tilespmem:v6+s15+$0x0], $0xffff  }
0x75: {  	v2 =	vld.idx.msk [tilespmem:v4+s17+$0x0], $0xffff  }
0x76: {  	v3 =	vld.idx.msk [tilespmem:v6+s17+$0x0], $0xffff  }
0x77: {  	v4 =	vld.idx.msk [tilespmem:v4+s18+$0x0], $0xffff  }
0x78: {  	v5 =	vld.idx.msk [tilespmem:v6+s18+$0x0], $0xffff;
	_ =	sdelay $0x2  }
0x79: {  	v0 =	vsub.f32 v0, v1;
	v1 =	vsub.f32 v2, v3  }
0x7a: {  	v2 =	vld [tilespmem:$0x20]  }
0x7b: {  	v6 =	vld [tilespmem:$0xA0];
	v3 =	vsub.f32 v4, v5;
	v4 =	vmul.f32 v0, v0;
	v5 =	vmul.f32 v1, v1;
	_ =	sdelay $0x1  }
0x7c: {  	v4 =	vadd.f32 v5, v4;
	v5 =	vmul.f32 v3, v3  }
0x7d: {  	[tilespmem:$0x17890] =	vst v0  }
0x7e: {  	[tilespmem:$0x17910] =	vst v1;
	v0 =	vadd.f32 v5, v4  }
0x7f: {  	[tilespmem:$0x17990] =	vst v3  }
0x80: {  	[tilespmem:$0x17A10] =	vst v0  }
0x81: {  	v0 =	vld.idx.msk [tilespmem:v2+s15+$0x0], $0xffff  }
0x82: {  	v1 =	vld.idx.msk [tilespmem:v6+s15+$0x0], $0xffff  }
0x83: {  	v3 =	vld.idx.msk [tilespmem:v2+s17+$0x0], $0xffff  }
0x84: {  	v4 =	vld.idx.msk [tilespmem:v6+s17+$0x0], $0xffff  }
0x85: {  	v2 =	vld.idx.msk [tilespmem:v2+s18+$0x0], $0xffff  }
0x86: {  	v5 =	vld.idx.msk [tilespmem:v6+s18+$0x0], $0xffff;
	_ =	sdelay $0x2  }
0x87: {  	v0 =	vsub.f32 v0, v1;
	v1 =	vsub.f32 v3, v4  }
0x88: {  	v3 =	vld [tilespmem:$0x30]  }
0x89: {  	v6 =	vld [tilespmem:$0xB0];
	v2 =	vsub.f32 v2, v5;
	v4 =	vmul.f32 v0, v0;
	v5 =	vmul.f32 v1, v1;
	_ =	sdelay $0x1  }
0x8a: {  	v4 =	vadd.f32 v5, v4;
	v5 =	vmul.f32 v2, v2  }
0x8b: {  	[tilespmem:$0x178A0] =	vst v0  }
0x8c: {  	[tilespmem:$0x17920] =	vst v1;
	v0 =	vadd.f32 v5, v4  }
0x8d: {  	[tilespmem:$0x179A0] =	vst v2  }
0x8e: {  	[tilespmem:$0x17A20] =	vst v0  }
0x8f: {  	v0 =	vld.idx.msk [tilespmem:v3+s15+$0x0], $0xffff  }
0x90: {  	v1 =	vld.idx.msk [tilespmem:v6+s15+$0x0], $0xffff  }
0x91: {  	v2 =	vld.idx.msk [tilespmem:v3+s17+$0x0], $0xffff  }
0x92: {  	v4 =	vld.idx.msk [tilespmem:v6+s17+$0x0], $0xffff  }
0x93: {  	v3 =	vld.idx.msk [tilespmem:v3+s18+$0x0], $0xffff  }
0x94: {  	v5 =	vld.idx.msk [tilespmem:v6+s18+$0x0], $0xffff;
	_ =	sdelay $0x2  }
0x95: {  	v0 =	vsub.f32 v0, v1;
	v1 =	vsub.f32 v2, v4  }
0x96: {  	v2 =	vld [tilespmem:$0x40]  }
0x97: {  	v6 =	vld [tilespmem:$0xC0];
	v3 =	vsub.f32 v3, v5;
	v4 =	vmul.f32 v0, v0;
	v5 =	vmul.f32 v1, v1;
	_ =	sdelay $0x1  }
0x98: {  	v4 =	vadd.f32 v5, v4;
	v5 =	vmul.f32 v3, v3  }
0x99: {  	[tilespmem:$0x178B0] =	vst v0  }
0x9a: {  	[tilespmem:$0x17930] =	vst v1;
	v0 =	vadd.f32 v5, v4  }
0x9b: {  	[tilespmem:$0x179B0] =	vst v3  }
0x9c: {  	[tilespmem:$0x17A30] =	vst v0  }
0x9d: {  	v0 =	vld.idx.msk [tilespmem:v2+s15+$0x0], $0xffff  }
0x9e: {  	v1 =	vld.idx.msk [tilespmem:v6+s15+$0x0], $0xffff  }
0x9f: {  	v3 =	vld.idx.msk [tilespmem:v2+s17+$0x0], $0xffff  }
0xa0: {  	v4 =	vld.idx.msk [tilespmem:v6+s17+$0x0], $0xffff  }
0xa1: {  	v2 =	vld.idx.msk [tilespmem:v2+s18+$0x0], $0xffff  }
0xa2: {  	v5 =	vld.idx.msk [tilespmem:v6+s18+$0x0], $0xffff;
	_ =	sdelay $0x2  }
0xa3: {  	v0 =	vsub.f32 v0, v1;
	v1 =	vsub.f32 v3, v4  }
0xa4: {  	v3 =	vld [tilespmem:$0x50]  }
0xa5: {  	v6 =	vld [tilespmem:$0xD0];
	v2 =	vsub.f32 v2, v5;
	v4 =	vmul.f32 v0, v0;
	v5 =	vmul.f32 v1, v1;
	_ =	sdelay $0x1  }
0xa6: {  	v4 =	vadd.f32 v5, v4;
	v5 =	vmul.f32 v2, v2  }
0xa7: {  	[tilespmem:$0x178C0] =	vst v0  }
0xa8: {  	[tilespmem:$0x17940] =	vst v1;
	v0 =	vadd.f32 v5, v4  }
0xa9: {  	[tilespmem:$0x179C0] =	vst v2  }
0xaa: {  	[tilespmem:$0x17A40] =	vst v0  }
0xab: {  	v0 =	vld.idx.msk [tilespmem:v3+s15+$0x0], $0xffff  }
0xac: {  	v1 =	vld.idx.msk [tilespmem:v6+s15+$0x0], $0xffff  }
0xad: {  	v2 =	vld.idx.msk [tilespmem:v3+s17+$0x0], $0xffff  }
0xae: {  	v4 =	vld.idx.msk [tilespmem:v6+s17+$0x0], $0xffff  }
0xaf: {  	v3 =	vld.idx.msk [tilespmem:v3+s18+$0x0], $0xffff  }
0xb0: {  	v5 =	vld.idx.msk [tilespmem:v6+s18+$0x0], $0xffff;
	_ =	sdelay $0x2  }
0xb1: {  	v0 =	vsub.f32 v0, v1;
	v1 =	vsub.f32 v2, v4  }
0xb2: {  	v2 =	vld [tilespmem:$0x60]  }
0xb3: {  	v6 =	vld [tilespmem:$0xE0];
	v3 =	vsub.f32 v3, v5;
	v4 =	vmul.f32 v0, v0;
	v5 =	vmul.f32 v1, v1;
	_ =	sdelay $0x1  }
0xb4: {  	v4 =	vadd.f32 v5, v4;
	v5 =	vmul.f32 v3, v3  }
0xb5: {  	[tilespmem:$0x178D0] =	vst v0  }
0xb6: {  	[tilespmem:$0x17950] =	vst v1;
	v0 =	vadd.f32 v5, v4  }
0xb7: {  	[tilespmem:$0x179D0] =	vst v3  }
0xb8: {  	[tilespmem:$0x17A50] =	vst v0  }
0xb9: {  	v0 =	vld.idx.msk [tilespmem:v2+s15+$0x0], $0xffff  }
0xba: {  	v1 =	vld.idx.msk [tilespmem:v6+s15+$0x0], $0xffff  }
0xbb: {  	v3 =	vld.idx.msk [tilespmem:v2+s17+$0x0], $0xffff  }
0xbc: {  	v4 =	vld.idx.msk [tilespmem:v6+s17+$0x0], $0xffff  }
0xbd: {  	v2 =	vld.idx.msk [tilespmem:v2+s18+$0x0], $0xffff  }
0xbe: {  	v5 =	vld.idx.msk [tilespmem:v6+s18+$0x0], $0xffff;
	_ =	sdelay $0x2  }
0xbf: {  	v0 =	vsub.f32 v0, v1;
	v1 =	vsub.f32 v3, v4  }
0xc0: {  	v3 =	vld [tilespmem:$0x70]  }
0xc1: {  	v6 =	vld [tilespmem:$0xF0];
	v2 =	vsub.f32 v2, v5;
	v4 =	vmul.f32 v0, v0;
	v5 =	vmul.f32 v1, v1;
	_ =	sdelay $0x1  }
0xc2: {  	v4 =	vadd.f32 v5, v4;
	v5 =	vmul.f32 v2, v2  }
0xc3: {  	[tilespmem:$0x178E0] =	vst v0  }
0xc4: {  	[tilespmem:$0x17960] =	vst v1;
	v0 =	vadd.f32 v5, v4  }
0xc5: {  	[tilespmem:$0x179E0] =	vst v2  }
0xc6: {  	[tilespmem:$0x17A60] =	vst v0  }
0xc7: {  	v0 =	vld.idx.msk [tilespmem:v3+s15+$0x0], $0xffff  }
0xc8: {  	v1 =	vld.idx.msk [tilespmem:v6+s15+$0x0], $0xffff  }
0xc9: {  	v2 =	vld.idx.msk [tilespmem:v3+s17+$0x0], $0xffff  }
0xca: {  	v4 =	vld.idx.msk [tilespmem:v6+s17+$0x0], $0xffff  }
0xcb: {  	v3 =	vld.idx.msk [tilespmem:v3+s18+$0x0], $0xffff  }
0xcc: {  	v5 =	vld.idx.msk [tilespmem:v6+s18+$0x0], $0xffff;
	_ =	sdelay $0x2  }
0xcd: {  	v0 =	vsub.f32 v0, v1;
	v1 =	vsub.f32 v2, v4  }
0xce: {  	s8 =	smulhi.u32 $0x68DB8BAD, s4  }
0xcf: {  	v2 =	vsub.f32 v3, v5;
	v3 =	vmul.f32 v0, v0;
	v4 =	vmul.f32 v1, v1  }
0xd0: {  	s7 =	sshrl.u32 s8, $0xA  }
0xd1: {  	s7 =	smul.u32 $0x9C4, s7;
	v3 =	vadd.f32 v4, v3;
	v4 =	vmul.f32 v2, v2  }
0xd2: {  	[tilespmem:$0x178F0] =	vst v0  }
0xd3: {  	s4 =	ssub.s32 s4, s7;
	[tilespmem:$0x17970] =	vst v1;
	v0 =	vadd.f32 v4, v3  }
0xd4: {  	s6 =	sadd.s32 s13, s6;
	s7 =	sshll.u32 s4, $0xB;
	[tilespmem:$0x179F0] =	vst v2  }
0xd5: {  	s12 =	smulhi.u32 $0x68DB8BAD, s6;
	s8 =	simm.s32 $0x0;
	s7 =	sadd.s32 s9, s7;
	[tilespmem:$0x17A70] =	vst v0  }
0xd6: {  	[hbm4b:s7+s8] =	stream.linear.scatter [tilespmem:s20], [sflag:$0x3], $0x4000, $0x38;
	[tilespmem:$0x17A80] =	vst v63  }
0xd7: {  	_ =	swait.ge [sflag:s16], $0x4000  }
0xd8: {  	s4 =	sshll.u32 s4, $0x6;
	s7 =	sshrl.u32 s12, $0xA;
	[sflag:s16] =	ssyncset.done $0x0  }
0xd9: {  	s4 =	sadd.s32 s11, s4;
	s7 =	smul.u32 $0x9C4, s7;
	[sflag:s16] =	ssyncadd.s32 $0xFFFFC000  }
0xda: {  	[hbm4b:s4+s8] =	stream.linear.scatter [tilespmem:s28], [sflag:$0x3], $0x200, $0x38;
	[tilespmem:$0x17A80] =	vst v63  }
0xdb: {  	s12 =	ssub.s32 s6, s7;
	_ =	swait.ge [sflag:s16], $0x200  }
0xdc: {  	s4 =	sshll.u32 s12, $0x5;
	[sflag:s16] =	ssyncset.done $0x0  }
0xdd: {  	s4 =	sadd.s32 s3, s4;
	[sflag:s16] =	ssyncadd.s32 $0xFFFFFE00  }
0xde: {  	[tilespmem:s8], [sflag:$0x3] =	stream.linear.gather [hbm4b:s4+s8], $0x100, $0x38;
	[tilespmem:$0x17A80] =	vst v63  }
0xdf: {  	_ =	swait.ge [sflag:s16], $0x100  }
0xe0: {  	[sflag:s16] =	ssyncset.done $0x0  }
0xe1: {  	[sflag:s16] =	ssyncadd.s32 $0xFFFFFF00  }
0xe2: {  	[tilespmem:s20], [sflag:$0x1] =	stream.indirect.gather [hbm4b:s1+s19], $0x80, s8, s19, $0xb8;
	[tilespmem:$0x17A80] =	vst v63  }
0xe3: {  	_ = 	snop  }
0xe4: {  	[tilespmem:s21], [sflag:$0x1] =	stream.indirect.gather [hbm4b:s2+s19], $0x80, s19, s19, $0xb8;
	[tilespmem:$0x17A80] =	vst v63  }
0xe5: {  	_ =	swait.ge [sflag:s29], $0x4000  }
0xe6: {  	[sflag:s29] =	ssyncset.done $0x0  }
0xe7: {  	[sflag:s29] =	ssyncadd.s32 $0xFFFFC000  }
0xe8: {  	_ =	swait.ge [sflag:s29], $0x4000  }
0xe9: {  	[sflag:s29] =	ssyncset.done $0x0  }
0xea: {  	s4 =	simm.s32 $0x0;
	[sflag:s29] =	ssyncadd.s32 $0xFFFFC000  }
0xeb: {  	v7 =	vld [tilespmem:s4+$0xC200]  }
0xec: {  	v11 =	vld [tilespmem:s4+$0xC210]  }
0xed: {  	v5 =	vld [tilespmem:s4+$0xC220]  }
0xee: {  	v4 =	vld [tilespmem:s4+$0xC230]  }
0xef: {  	v3 =	vld [tilespmem:s4+$0xC240]  }
0xf0: {  	v2 =	vld [tilespmem:s4+$0xC250]  }
0xf1: {  	v1 =	vld [tilespmem:s4+$0xC260]  }
0xf2: {  	v0 =	vld [tilespmem:s4+$0xC270]  }
0xf3: {  	v12 =	vld [tilespmem:s4+$0x4200]  }
0xf4: {  	v13 =	vld [tilespmem:s4+$0x4210]  }
0xf5: {  	v10 =	vld [tilespmem:s4+$0x4220]  }
0xf6: {  	v9 =	vld [tilespmem:s4+$0x4230]  }
0xf7: {  	v8 =	vld [tilespmem:s4+$0x4240]  }
0xf8: {  	v6 =	vld [tilespmem:s4+$0x4250];
	v12 =	vadd.f32 v7, v12  }
0xf9: {  	s6 =	simm.s32 $0x200;
	v11 =	vadd.f32 v11, v13;
	v7 =	vld [tilespmem:s4+$0x4260]  }
.LBB2_5:
0xfa: {  	s7 =	sshra.s32 s6, $0x2;
	p0 =	sne.s32 s6, $0xFE00;
	[tilespmem:s4+$0x4200] =	vst v12;
	v5 =	vadd.f32 v5, v10;
	v10 =	vld [tilespmem:s4+$0x4270]  }
0xfb: {  	v12 =	vld [tilespmem:s7+$0xC200];
	[tilespmem:s4+$0x4210] =	vst v11;
	v4 =	vadd.f32 v4, v9  }
0xfc: {  	v11 =	vld [tilespmem:s7+$0xC210];
	[tilespmem:s4+$0x4220] =	vst v5;
	v3 =	vadd.f32 v3, v8  }
0xfd: {  	v5 =	vld [tilespmem:s7+$0xC220];
	[tilespmem:s4+$0x4230] =	vst v4;
	v2 =	vadd.f32 v2, v6  }
0xfe: {  	v4 =	vld [tilespmem:s7+$0xC230];
	[tilespmem:s4+$0x4240] =	vst v3;
	v1 =	vadd.f32 v1, v7  }
0xff: {  	v3 =	vld [tilespmem:s7+$0xC240];
	[tilespmem:s4+$0x4250] =	vst v2;
	v0 =	vadd.f32 v0, v10  }
0x100: {  	v2 =	vld [tilespmem:s7+$0xC250];
	[tilespmem:s4+$0x4260] =	vst v1  }
0x101: {  	v1 =	vld [tilespmem:s7+$0xC260];
	[tilespmem:s4+$0x4270] =	vst v0;
	s4 =	smov.u32 s7  }
0x102: {  	v0 =	vld [tilespmem:s4+$0xC270]  }
0x103: {  	v6 =	vld [tilespmem:s4+$0x4200]  }
0x104: {  	v7 =	vld [tilespmem:s4+$0x4210]  }
.Ltmp1:
0x105: {  	v10 =	vld [tilespmem:s4+$0x4220];
	(pc) =	sbr.rel @p0 .LBB2_5-.Ltmp1, $4  }
0x106: {  	v9 =	vld [tilespmem:s4+$0x4230]  }
0x107: {  	v8 =	vld [tilespmem:s4+$0x4240]  }
0x108: {  	v12 =	vadd.f32 v12, v6;
	v6 =	vld [tilespmem:s4+$0x4250]  }
0x109: {  	s6 =	sadd.s32 $0x200, s6;
	v11 =	vadd.f32 v11, v7;
	v7 =	vld [tilespmem:s4+$0x4260]  }
0x10a: {  	[tilespmem:s4+$0x4200] =	vst v12;
	v5 =	vadd.f32 v5, v10;
	v52 =	vld [tilespmem:s4+$0x4270]  }
0x10b: {  	[tilespmem:s4+$0x4210] =	vst v11;
	v4 =	vadd.f32 v4, v9  }
0x10c: {  	[tilespmem:s4+$0x4220] =	vst v5;
	v3 =	vadd.f32 v3, v8  }
0x10d: {  	[tilespmem:s4+$0x4230] =	vst v4;
	v2 =	vadd.f32 v2, v6  }
0x10e: {  	[tilespmem:s4+$0x4240] =	vst v3;
	v1 =	vadd.f32 v1, v7  }
0x10f: {  	[tilespmem:s4+$0x4250] =	vst v2;
	v0 =	vadd.f32 v0, v52  }
0x110: {  	[tilespmem:s4+$0x4260] =	vst v1  }
0x111: {  	[tilespmem:s4+$0x4270] =	vst v0  }
0x112: {  	v0 =	vld [tilespmem:$0x100]  }
0x113: {  	v1 =	vld [tilespmem:$0x180];
	_ =	sdelay $0x6  }
0x114: {  	v2 =	vld.idx.msk [tilespmem:v0+s15+$0x0], $0xffff  }
0x115: {  	v3 =	vld.idx.msk [tilespmem:v1+s15+$0x0], $0xffff  }
0x116: {  	v4 =	vld.idx.msk [tilespmem:v0+s17+$0x0], $0xffff  }
0x117: {  	v5 =	vld.idx.msk [tilespmem:v1+s17+$0x0], $0xffff  }
0x118: {  	v0 =	vld.idx.msk [tilespmem:v0+s18+$0x0], $0xffff  }
0x119: {  	v1 =	vld.idx.msk [tilespmem:v1+s18+$0x0], $0xffff;
	_ =	sdelay $0x2  }
0x11a: {  	v2 =	vsub.f32 v2, v3;
	v53 =	vsub.f32 v4, v5  }
0x11b: {  	v54 =	vld [tilespmem:$0x110]  }
0x11c: {  	v56 =	vld [tilespmem:$0x190];
	v0 =	vsub.f32 v0, v1;
	v55 =	vmul.f32 v2, v2;
	v5 =	vmul.f32 v53, v53;
	_ =	sdelay $0x1  }
0x11d: {  	v57 =	vmul.f32 v0, v0;
	v1 =	vadd.f32 v5, v55  }
0x11e: {  	[tilespmem:$0x17880] =	vst v2  }
0x11f: {  	[tilespmem:$0x17900] =	vst v53;
	v1 =	vadd.f32 v57, v1  }
0x120: {  	[tilespmem:$0x17980] =	vst v0  }
0x121: {  	[tilespmem:$0x17A00] =	vst v1  }
0x122: {  	v0 =	vld.idx.msk [tilespmem:v54+s15+$0x0], $0xffff  }
0x123: {  	v1 =	vld.idx.msk [tilespmem:v56+s15+$0x0], $0xffff  }
0x124: {  	v2 =	vld.idx.msk [tilespmem:v54+s17+$0x0], $0xffff  }
0x125: {  	v3 =	vld.idx.msk [tilespmem:v56+s17+$0x0], $0xffff  }
0x126: {  	v4 =	vld.idx.msk [tilespmem:v54+s18+$0x0], $0xffff  }
0x127: {  	v58 =	vld.idx.msk [tilespmem:v56+s18+$0x0], $0xffff;
	_ =	sdelay $0x2  }
0x128: {  	v0 =	vsub.f32 v0, v1;
	v59 =	vsub.f32 v2, v3  }
0x129: {  	v60 =	vld [tilespmem:$0x120]  }
0x12a: {  	v9 =	vld [tilespmem:$0x1A0];
	v61 =	vsub.f32 v4, v58;
	v62 =	vmul.f32 v0, v0;
	v63 =	vmul.f32 v59, v59;
	_ =	sdelay $0x1  }
0x12b: {  	v10 =	vmul.f32 v61, v61;
	v4 =	vadd.f32 v63, v62  }
0x12c: {  	[tilespmem:$0x17890] =	vst v0  }
0x12d: {  	[tilespmem:$0x17910] =	vst v59;
	v11 =	vadd.f32 v10, v4  }
0x12e: {  	[tilespmem:$0x17990] =	vst v61  }
0x12f: {  	[tilespmem:$0x17A10] =	vst v11  }
0x130: {  	v0 =	vld.idx.msk [tilespmem:v60+s15+$0x0], $0xffff  }
0x131: {  	v1 =	vld.idx.msk [tilespmem:v9+s15+$0x0], $0xffff  }
0x132: {  	v3 =	vld.idx.msk [tilespmem:v60+s17+$0x0], $0xffff  }
0x133: {  	v12 =	vld.idx.msk [tilespmem:v9+s17+$0x0], $0xffff  }
0x134: {  	v2 =	vld.idx.msk [tilespmem:v60+s18+$0x0], $0xffff  }
0x135: {  	v13 =	vld.idx.msk [tilespmem:v9+s18+$0x0], $0xffff;
	_ =	sdelay $0x2  }
0x136: {  	v0 =	vsub.f32 v0, v1;
	v14 =	vsub.f32 v3, v12  }
0x137: {  	v15 =	vld [tilespmem:$0x130]  }
0x138: {  	v18 =	vld [tilespmem:$0x1B0];
	v2 =	vsub.f32 v2, v13;
	v16 =	vmul.f32 v0, v0;
	v17 =	vmul.f32 v14, v14;
	_ =	sdelay $0x1  }
0x139: {  	v19 =	vmul.f32 v2, v2;
	v4 =	vadd.f32 v17, v16  }
0x13a: {  	[tilespmem:$0x178A0] =	vst v0  }
0x13b: {  	[tilespmem:$0x17920] =	vst v14;
	v20 =	vadd.f32 v19, v4  }
0x13c: {  	[tilespmem:$0x179A0] =	vst v2  }
0x13d: {  	[tilespmem:$0x17A20] =	vst v20  }
0x13e: {  	v0 =	vld.idx.msk [tilespmem:v15+s15+$0x0], $0xffff  }
0x13f: {  	v1 =	vld.idx.msk [tilespmem:v18+s15+$0x0], $0xffff  }
0x140: {  	v2 =	vld.idx.msk [tilespmem:v15+s17+$0x0], $0xffff  }
0x141: {  	v21 =	vld.idx.msk [tilespmem:v18+s17+$0x0], $0xffff  }
0x142: {  	v3 =	vld.idx.msk [tilespmem:v15+s18+$0x0], $0xffff  }
0x143: {  	v22 =	vld.idx.msk [tilespmem:v18+s18+$0x0], $0xffff;
	_ =	sdelay $0x2  }
0x144: {  	v0 =	vsub.f32 v0, v1;
	v23 =	vsub.f32 v2, v21  }
0x145: {  	v24 =	vld [tilespmem:$0x140]  }
0x146: {  	v27 =	vld [tilespmem:$0x1C0];
	v3 =	vsub.f32 v3, v22;
	v25 =	vmul.f32 v0, v0;
	v26 =	vmul.f32 v23, v23;
	_ =	sdelay $0x1  }
0x147: {  	v28 =	vmul.f32 v3, v3;
	v4 =	vadd.f32 v26, v25  }
0x148: {  	[tilespmem:$0x178B0] =	vst v0  }
0x149: {  	[tilespmem:$0x17930] =	vst v23;
	v29 =	vadd.f32 v28, v4  }
0x14a: {  	[tilespmem:$0x179B0] =	vst v3  }
0x14b: {  	[tilespmem:$0x17A30] =	vst v29  }
0x14c: {  	v0 =	vld.idx.msk [tilespmem:v24+s15+$0x0], $0xffff  }
0x14d: {  	v1 =	vld.idx.msk [tilespmem:v27+s15+$0x0], $0xffff  }
0x14e: {  	v3 =	vld.idx.msk [tilespmem:v24+s17+$0x0], $0xffff  }
0x14f: {  	v30 =	vld.idx.msk [tilespmem:v27+s17+$0x0], $0xffff  }
0x150: {  	v2 =	vld.idx.msk [tilespmem:v24+s18+$0x0], $0xffff  }
0x151: {  	v31 =	vld.idx.msk [tilespmem:v27+s18+$0x0], $0xffff;
	_ =	sdelay $0x2  }
0x152: {  	v0 =	vsub.f32 v0, v1;
	v32 =	vsub.f32 v3, v30  }
0x153: {  	v33 =	vld [tilespmem:$0x150]  }
0x154: {  	v36 =	vld [tilespmem:$0x1D0];
	v2 =	vsub.f32 v2, v31;
	v34 =	vmul.f32 v0, v0;
	v35 =	vmul.f32 v32, v32;
	_ =	sdelay $0x1  }
0x155: {  	v37 =	vmul.f32 v2, v2;
	v4 =	vadd.f32 v35, v34  }
0x156: {  	[tilespmem:$0x178C0] =	vst v0  }
0x157: {  	[tilespmem:$0x17940] =	vst v32;
	v38 =	vadd.f32 v37, v4  }
0x158: {  	[tilespmem:$0x179C0] =	vst v2  }
0x159: {  	[tilespmem:$0x17A40] =	vst v38  }
0x15a: {  	v0 =	vld.idx.msk [tilespmem:v33+s15+$0x0], $0xffff  }
0x15b: {  	v1 =	vld.idx.msk [tilespmem:v36+s15+$0x0], $0xffff  }
0x15c: {  	v2 =	vld.idx.msk [tilespmem:v33+s17+$0x0], $0xffff  }
0x15d: {  	v39 =	vld.idx.msk [tilespmem:v36+s17+$0x0], $0xffff  }
0x15e: {  	v3 =	vld.idx.msk [tilespmem:v33+s18+$0x0], $0xffff  }
0x15f: {  	v40 =	vld.idx.msk [tilespmem:v36+s18+$0x0], $0xffff;
	_ =	sdelay $0x2  }
0x160: {  	v0 =	vsub.f32 v0, v1;
	v41 =	vsub.f32 v2, v39  }
0x161: {  	v42 =	vld [tilespmem:$0x160]  }
0x162: {  	v45 =	vld [tilespmem:$0x1E0];
	v3 =	vsub.f32 v3, v40;
	v43 =	vmul.f32 v0, v0;
	v44 =	vmul.f32 v41, v41;
	_ =	sdelay $0x1  }
0x163: {  	v46 =	vmul.f32 v3, v3;
	v4 =	vadd.f32 v44, v43  }
0x164: {  	[tilespmem:$0x178D0] =	vst v0  }
0x165: {  	[tilespmem:$0x17950] =	vst v41;
	v47 =	vadd.f32 v46, v4  }
0x166: {  	[tilespmem:$0x179D0] =	vst v3  }
0x167: {  	[tilespmem:$0x17A50] =	vst v47  }
0x168: {  	v0 =	vld.idx.msk [tilespmem:v42+s15+$0x0], $0xffff  }
0x169: {  	v1 =	vld.idx.msk [tilespmem:v45+s15+$0x0], $0xffff  }
0x16a: {  	v3 =	vld.idx.msk [tilespmem:v42+s17+$0x0], $0xffff  }
0x16b: {  	v48 =	vld.idx.msk [tilespmem:v45+s17+$0x0], $0xffff  }
0x16c: {  	v2 =	vld.idx.msk [tilespmem:v42+s18+$0x0], $0xffff  }
0x16d: {  	v49 =	vld.idx.msk [tilespmem:v45+s18+$0x0], $0xffff;
	_ =	sdelay $0x2  }
0x16e: {  	v0 =	vsub.f32 v0, v1;
	v50 =	vsub.f32 v3, v48  }
0x16f: {  	v51 =	vld [tilespmem:$0x170]  }
0x170: {  	v54 =	vld [tilespmem:$0x1F0];
	v2 =	vsub.f32 v2, v49;
	v52 =	vmul.f32 v0, v0;
	v53 =	vmul.f32 v50, v50;
	_ =	sdelay $0x1  }
0x171: {  	v55 =	vmul.f32 v2, v2;
	v4 =	vadd.f32 v53, v52  }
0x172: {  	[tilespmem:$0x178E0] =	vst v0  }
0x173: {  	[tilespmem:$0x17960] =	vst v50;
	v56 =	vadd.f32 v55, v4  }
0x174: {  	[tilespmem:$0x179E0] =	vst v2  }
0x175: {  	[tilespmem:$0x17A60] =	vst v56  }
0x176: {  	v0 =	vld.idx.msk [tilespmem:v51+s15+$0x0], $0xffff  }
0x177: {  	v1 =	vld.idx.msk [tilespmem:v54+s15+$0x0], $0xffff  }
0x178: {  	v2 =	vld.idx.msk [tilespmem:v51+s17+$0x0], $0xffff  }
0x179: {  	v57 =	vld.idx.msk [tilespmem:v54+s17+$0x0], $0xffff  }
0x17a: {  	v3 =	vld.idx.msk [tilespmem:v51+s18+$0x0], $0xffff  }
0x17b: {  	v58 =	vld.idx.msk [tilespmem:v54+s18+$0x0], $0xffff;
	_ =	sdelay $0x2  }
0x17c: {  	v0 =	vsub.f32 v0, v1;
	v59 =	vsub.f32 v2, v57;
	_ =	sdelay $0x1  }
0x17d: {  	v60 =	vsub.f32 v3, v58;
	v61 =	vmul.f32 v0, v0;
	v4 =	vmul.f32 v59, v59;
	_ =	sdelay $0x1  }
0x17e: {  	v62 =	vmul.f32 v60, v60;
	v3 =	vadd.f32 v4, v61  }
0x17f: {  	[tilespmem:$0x178F0] =	vst v0  }
0x180: {  	[tilespmem:$0x17970] =	vst v59;
	v63 =	vadd.f32 v62, v3  }
0x181: {  	s8 =	sshll.u32 s0, $0xB;
	[tilespmem:$0x179F0] =	vst v60  }
0x182: {  	s4 =	sadd.s32 s9, s8;
	[tilespmem:$0x17A70] =	vst v63  }
0x183: {  	[hbm4b:s4+s5] =	stream.linear.scatter [tilespmem:s23], [sflag:$0x3], $0x4000, $0x38;
	[tilespmem:$0x17A80] =	vst v63  }
0x184: {  	s31 =	sadd.s32 $0x1, s31;
	_ =	swait.ge [sflag:s16], $0x4000  }
0x185: {  	s12 =	sshll.u32 s0, $0x6;
	p0 =	sne.s32 s31, $0x28;
	[sflag:s16] =	ssyncset.done $0x0  }
.Ltmp2:
0x186: {  	s0 =	sadd.s32 s11, s12;
	[sflag:s16] =	ssyncadd.s32 $0xFFFFC000;
	(pc) =	sbr.rel @p0 .LBB2_2-.Ltmp2, $4  }
0x187: {  	[hbm4b:s0+s5] =	stream.linear.scatter [tilespmem:s28], [sflag:$0x3], $0x200, $0x38;
	[tilespmem:$0x17A80] =	vst v63  }
0x188: {  	_ =	swait.ge [sflag:s16], $0x200  }
0x189: {  	[sflag:s16] =	ssyncset.done $0x0  }
0x18a: {  	[sflag:s16] =	ssyncadd.s32 $0xFFFFFE00  }
0x18b: {  	s30 =	sadd.s32 $0x1, s30  }
0x18c: {  	_ =	swait.ge [sflag:s26], $0x4000;
	p0 =	sne.s32 s30, s14  }
.Ltmp3:
0x18d: {  	[sflag:s26] =	ssyncset.done $0x0;
	(pc) =	sbr.rel @p0 .LBB2_1-.Ltmp3, $4  }
0x18e: {  	[sflag:s26] =	ssyncadd.s32 $0xFFFFC000  }
0x18f: {  	_ =	swait.ge [sflag:s26], $0x4000  }
0x190: {  	[sflag:s26] =	ssyncset.done $0x0  }
0x191: {  	[sflag:s26] =	ssyncadd.s32 $0xFFFFC000  }
0x192: {  	_ =	sfence.sel $0x180000  }
0x193: {  	[bflag:$0x0] =	sbarrier.arrive $0xFFFF  }
0x194: {  	_ =	strace $0x90000047  }
0x195: {  	s0 =	stileid.u32;
	[bflag:$0x2] =	sbarrier.arrive $0xFFFF  }
0x196: {  	p0 =	sne.s32 s0, $0x0;
	s0 =	rddreg [dreg:$0x5]  }
0x197: {  	s0 =	sadd.s32 @!p0 $0x100000, s0  }
0x198: {  	[sflag:s0] =	ssyncadd.tile.s32 @!p0 $0x1;
	_ =	shalt  }
.Lfunc_end2:
_tile_overlayer_lowered:
.L_overlay_start_2:
0x199: {  	(tag) =	ssettag $0x2  }
0x19a: {  	s0 =	rddreg [dreg:$0x0];
	s2 =	stileid.u32  }
0x19b: {  	s1 =	rddreg [dreg:$0x1];
	p0 =	sne.s32 s2, $0x0  }
0x19c: {  	s3 =	rddreg [dreg:$0x2];
	[bflag:$0x3] =	sbarrier.arrive $0xFFFF;
	s2 =	simm.s32 @!p0 $0x1C03  }
0x19d: {  	[timem:s3], [sflag:s2] =	dma.local @!p0 [hbm:s0], s1  }
0x19e: {  	s0 =	simm.s32 @!p0 $0x3  }
0x19f: {  	_ =	swait.ge @!p0 [sflag:s0], s1  }
0x1a0: {  	s1 =	ssub.s32 @!p0 $0x0, s1;
	[sflag:s0] =	ssyncset.done @!p0 $0x0  }
0x1a1: {  	[sflag:s0] =	ssyncadd.s32 @!p0 s1  }
0x1a2: {  	[bflag:$0x3] =	sbarrier.arrive $0xFFFF  }
0x1a3: {  	_ =	shalt  }

</sc_bundles>
